<compile_context>
chip_gen: v7x
topology: tpu7x:2x2x1
jax: 0.10.2.dev20260603
libtpu: 0.0.44.dev20260713+nightly
codegen_flags: <defaults>
</compile_context>

<pallas_src>
import functools

import jax
import jax.numpy as jnp
from jax import lax
from jax.experimental import pallas as pl
from jax.experimental.pallas import tpu as pltpu
from jax.experimental.pallas import tpu_sc as plsc

N_NODES = 10000
N_EDGES = 160000
X_IN = 128
E_IN = 16
E_OUT = 16
X_OUT = 128

NC = 2
NS = 16
NW = NC * NS

CHUNK = 640
N_CHUNKS = N_EDGES // CHUNK
ITERS = -(-N_CHUNKS // NW)
N_PAD = 10240
SUM_BUF = N_PAD
OUT_BYTES = CHUNK * E_OUT * 4


def _tables_body(x_ref, ws_ref, wd_ref, ps_ref, pd_ref):
    xb = x_ref[...]
    ps_ref[...] = jnp.dot(xb, ws_ref[...], preferred_element_type=jnp.float32)
    pd_ref[...] = jnp.dot(xb, wd_ref[...], preferred_element_type=jnp.float32)


def _node_tables(x2d, w1s, w1d):
    blk = 1000
    grid = N_NODES // blk
    return pl.pallas_call(
        _tables_body,
        grid=(grid,),
        in_specs=[
            pl.BlockSpec((blk, X_IN), lambda i: (i, 0)),
            pl.BlockSpec((X_IN, E_OUT), lambda i: (0, 0)),
            pl.BlockSpec((X_IN, E_OUT), lambda i: (0, 0)),
        ],
        out_specs=[
            pl.BlockSpec((blk, E_OUT), lambda i: (i, 0)),
            pl.BlockSpec((blk, E_OUT), lambda i: (i, 0)),
        ],
        out_shape=[
            jax.ShapeDtypeStruct((N_NODES, E_OUT), jnp.float32),
            jax.ShapeDtypeStruct((N_NODES, E_OUT), jnp.float32),
        ],
    )(x2d, w1s, w1d)


def _pe_body(e_ref, we_ref, b1_ref, pe_ref):
    wrow = jnp.concatenate([we_ref[...]] * 8, axis=1)
    wrep = jnp.concatenate([wrow] * 8, axis=0)
    ri = lax.broadcasted_iota(jnp.int32, (128, 128), 0)
    ci = lax.broadcasted_iota(jnp.int32, (128, 128), 1)
    w8 = jnp.where((ri // E_IN) == (ci // E_OUT), wrep, 0.0)
    b18 = jnp.concatenate([b1_ref[...]] * 8, axis=1)
    pe_ref[...] = (
        jnp.dot(e_ref[...], w8, preferred_element_type=jnp.float32)
        + b18
    )


def _edge_table(e8, w1e, b1):
    blk = 2000
    grid = N_EDGES // 8 // blk
    return pl.pallas_call(
        _pe_body,
        grid=(grid,),
        in_specs=[
            pl.BlockSpec((blk, 128), lambda i: (i, 0)),
            pl.BlockSpec((E_IN, E_OUT), lambda i: (0, 0)),
            pl.BlockSpec((1, E_OUT), lambda i: (0, 0)),
        ],
        out_specs=pl.BlockSpec((blk, 128), lambda i: (i, 0)),
        out_shape=jax.ShapeDtypeStruct((N_EDGES // 8, 128), jnp.float32),
    )(e8, w1e, b1)


def _sc_body(ps_hbm, pd_hbm, pe_hbm, src_hbm, dst_hbm,
             oute_hbm, psum_hbm, pcnt_hbm,
             srcv, dstv, psgv, pdgv, pev, outv, sums_v, cnt_v,
             semi0, semi1, semg0, semg1, semo0, semo1):
    wid = lax.axis_index("s") * NC + lax.axis_index("c")
    semi = (semi0, semi1)
    semg = (semg0, semg1)
    semo = (semo0, semo1)
    zero16 = jnp.zeros((16,), jnp.float32)
    lanes = lax.iota(jnp.int32, 16)
    ones16 = jnp.full((16,), 1.0, jnp.float32)

    def zbody(i, carry):
        sums_v[pl.ds(i * 16, 16)] = zero16
        cnt_v[pl.ds(i * 16, 16)] = zero16
        return carry

    lax.fori_loop(0, SUM_BUF // 16, zbody, 0)

    def gchunk(ci):
        g = ci * NW + wid
        return jnp.minimum(g, N_CHUNKS - 1)

    def gbase(ci):
        return gchunk(ci) * CHUNK

    def load_idx(ci, b):
        base = gbase(ci)
        pltpu.async_copy(src_hbm.at[pl.ds(base, CHUNK)], srcv.at[b], semi[b])
        pltpu.async_copy(dst_hbm.at[pl.ds(base, CHUNK)], dstv.at[b], semi[b])

    def wait_idx(b):
        pltpu.make_async_copy(
            src_hbm.at[pl.ds(0, CHUNK)], srcv.at[b], semi[b]).wait()
        pltpu.make_async_copy(
            dst_hbm.at[pl.ds(0, CHUNK)], dstv.at[b], semi[b]).wait()

    def start_gathers(ci, b):
        for j in range(CHUNK // 128):
            pltpu.async_copy(
                ps_hbm.at[srcv.at[b].at[pl.ds(j * 128, 128)]],
                psgv.at[b].at[pl.ds(j * 128, 128)], semg[b])
            pltpu.async_copy(
                pd_hbm.at[dstv.at[b].at[pl.ds(j * 128, 128)]],
                pdgv.at[b].at[pl.ds(j * 128, 128)], semg[b])
        pltpu.async_copy(
            pe_hbm.at[pl.ds(gchunk(ci) * (CHUNK // 8), CHUNK // 8)],
            pev.at[b], semg[b])

    def wait_gathers(b):
        pltpu.make_async_copy(
            ps_hbm.at[pl.ds(0, CHUNK)], psgv.at[b], semg[b]).wait()
        pltpu.make_async_copy(
            ps_hbm.at[pl.ds(0, CHUNK)], pdgv.at[b], semg[b]).wait()
        pltpu.make_async_copy(
            pe_hbm.at[pl.ds(0, CHUNK // 8)], pev.at[b], semg[b]).wait()

    def wait_out(b):
        pltpu.make_async_copy(
            oute_hbm.at[pl.ds(0, CHUNK * E_OUT)], outv.at[b], semo[b]).wait()

    load_idx(0, 0)
    wait_idx(0)
    load_idx(1, 1)
    start_gathers(0, 0)

    def it_body(it, carry):
        for b in (0, 1):
            ci = 2 * it + b
            b1 = 1 - b
            wait_idx(b1)
            start_gathers(ci + 1, b1)
            wait_gathers(b)
            @pl.when(ci >= 2)
            def _():
                wait_out(b)

            def row8(q, rcarry):
                r0 = q * 8
                for k in range(8):
                    pe_row = pev.at[b][q, pl.ds(k * E_OUT, 16)]
                    v = pe_row + psgv.at[b][r0 + k] + pdgv.at[b][r0 + k]
                    outv.at[b][pl.ds((r0 + k) * E_OUT, 16)] = (
                        jnp.maximum(v, 0.0))
                return rcarry

            lax.fori_loop(0, CHUNK // 8, row8, 0, unroll=2)

            valid = ((ci * NW + wid) < N_CHUNKS).astype(jnp.float32)
            vf = jnp.broadcast_to(valid, (16,))

            def grp(g, gcarry):
                flat = (lanes + g * 16) * E_OUT
                cols = [plsc.load_gather(outv.at[b], [flat + c] if c else [flat])
                        for c in range(E_OUT)]
                while len(cols) > 1:
                    cols = [cols[i] + cols[i + 1]
                            for i in range(0, len(cols), 2)]
                dv = dstv.at[b][pl.ds(g * 16, 16)]
                plsc.addupdate_scatter(sums_v, [dv], cols[0] * vf)
                plsc.addupdate_scatter(cnt_v, [dv], vf)
                return gcarry

            lax.fori_loop(0, CHUNK // 16, grp, 0, unroll=2)
            pltpu.async_copy(
                outv.at[b],
                oute_hbm.at[pl.ds(gbase(ci) * E_OUT, CHUNK * E_OUT)],
                semo[b])
            load_idx(ci + 2, b)
        return carry

    lax.fori_loop(0, ITERS // 2, it_body, 0)

    wait_gathers(0)
    wait_idx(1)
    wait_out(0)
    wait_out(1)

    pltpu.sync_copy(sums_v, psum_hbm.at[wid])
    pltpu.sync_copy(cnt_v, pcnt_hbm.at[wid])


_sc_edges = functools.partial(
    pl.kernel,
    out_type=[
        jax.ShapeDtypeStruct((N_EDGES * E_OUT,), jnp.float32),
        jax.ShapeDtypeStruct((NW, N_PAD), jnp.float32),
        jax.ShapeDtypeStruct((NW, N_PAD), jnp.float32),
    ],
    mesh=plsc.VectorSubcoreMesh(core_axis_name="c", subcore_axis_name="s"),
    compiler_params=pltpu.CompilerParams(
        use_tc_tiling_on_sc=False, needs_layout_passes=False),
    scratch_types=[
        pltpu.VMEM((2, CHUNK), jnp.int32),
        pltpu.VMEM((2, CHUNK), jnp.int32),
        pltpu.VMEM((2, CHUNK, E_OUT), jnp.float32),
        pltpu.VMEM((2, CHUNK, E_OUT), jnp.float32),
        pltpu.VMEM((2, CHUNK // 8, 128), jnp.float32),
        pltpu.VMEM((2, CHUNK * E_OUT), jnp.float32),
        pltpu.VMEM((SUM_BUF,), jnp.float32),
        pltpu.VMEM((SUM_BUF,), jnp.float32),
        pltpu.SemaphoreType.DMA,
        pltpu.SemaphoreType.DMA,
        pltpu.SemaphoreType.DMA,
        pltpu.SemaphoreType.DMA,
        pltpu.SemaphoreType.DMA,
        pltpu.SemaphoreType.DMA,
    ],
)(_sc_body)


def _newx_body(x_ref, psum_ref, pcnt_ref, w2a_ref, w2b_ref, b2_ref, out_ref):
    s = jnp.sum(psum_ref[...], axis=0) * (1.0 / E_OUT)
    c = jnp.sum(pcnt_ref[...], axis=0)
    attr = s / jnp.maximum(c, 1.0)
    acc = jnp.dot(x_ref[...], w2a_ref[...], preferred_element_type=jnp.float32)
    acc = acc + attr[:, None] * w2b_ref[...] + b2_ref[...]
    out_ref[...] = jnp.maximum(acc, 0.0)


def _node_update(x2d, psum, pcnt, w2a, w2b, b2):
    blk = 1024
    grid = N_PAD // blk
    return pl.pallas_call(
        _newx_body,
        grid=(grid,),
        in_specs=[
            pl.BlockSpec((blk, X_IN), lambda i: (i, 0)),
            pl.BlockSpec((NW, blk), lambda i: (0, i)),
            pl.BlockSpec((NW, blk), lambda i: (0, i)),
            pl.BlockSpec((X_IN, X_OUT), lambda i: (0, 0)),
            pl.BlockSpec((1, X_OUT), lambda i: (0, 0)),
            pl.BlockSpec((1, X_OUT), lambda i: (0, 0)),
        ],
        out_specs=pl.BlockSpec((blk, X_OUT), lambda i: (i, 0)),
        out_shape=jax.ShapeDtypeStruct((N_NODES, X_OUT), jnp.float32),
    )(x2d, psum, pcnt, w2a, w2b, b2)


def kernel(x, e, w1, b1, w2, b2, edge_index):
    x2d = x[0]
    e2d = e[0]
    src = edge_index[0]
    dst = edge_index[1]

    w1e = w1[:E_IN]
    w1s = w1[E_IN:E_IN + X_IN]
    w1d = w1[E_IN + X_IN:]
    b1r = b1.reshape(1, E_OUT)
    w2a = w2[:X_IN]
    w2b = w2[X_IN:].reshape(1, X_OUT)
    b2r = b2.reshape(1, X_OUT)

    e8 = e.reshape(N_EDGES // 8, 8 * E_IN)

    ps, pd = _node_tables(x2d, w1s, w1d)
    pe = _edge_table(e8, w1e, b1r)
    new_e_flat, psum, pcnt = _sc_edges(ps, pd, pe, src, dst)
    new_x = _node_update(x2d, psum, pcnt, w2a, w2b, b2r)

    return new_x[None], new_e_flat.reshape(N_EDGES, E_OUT)[None]

# --- scband reference (transcript-rebuilt; emitter-appended) ---
"""Pipeline reference for scband-guan-59811714564807 (READ-ONLY COPY).

The authoritative reference and input builder live on the scoring server;
editing this copy changes nothing except your own understanding.
"""

import jax, jax.numpy as jnp
import numpy as np

N_NODES = 10000
N_EDGES = 160000
X_IN = 128
X_OUT = 128
E_IN = 16
E_OUT = 16
B = 1


def setup_inputs(seed: int = 0) -> dict:
    key = jax.random.key(seed)
    ks = jax.random.split(key, 6)
    x = jax.random.normal(ks[0], (B, N_NODES, X_IN), dtype=jnp.float32)
    e = jax.random.normal(ks[1], (B, N_EDGES, E_IN), dtype=jnp.float32)
    # edge_index[0] = src node per edge, edge_index[1] = dst node per edge
    # (equivalent to the torch module's `edges` list + `edges_dict` mapping edge->row index)
    edge_index = jax.random.randint(ks[2], (2, N_EDGES), 0, N_NODES, dtype=jnp.int32)
    fan1 = E_IN + 2 * X_IN
    w1 = (jax.random.normal(ks[3], (fan1, E_OUT), dtype=jnp.float32) / np.sqrt(fan1)).astype(jnp.float32)
    b1 = jnp.zeros((E_OUT,), dtype=jnp.float32)
    fan2 = 1 + X_IN
    w2 = (jax.random.normal(ks[4], (fan2, X_OUT), dtype=jnp.float32) / np.sqrt(fan2)).astype(jnp.float32)
    b2 = jnp.zeros((X_OUT,), dtype=jnp.float32)
    return {"x": x, "e": e, "w1": w1, "b1": b1, "w2": w2, "b2": b2, "edge_index": edge_index}


def reference(x, e, w1, b1, w2, b2, edge_index):
    # x: (B, N, X_IN), e: (B, E, E_IN), edge_index: (2, E)
    src = edge_index[0]
    dst = edge_index[1]
    n = x.shape[1]
    # edge update: new_e[i] = ReLU(Linear([e[i], x[src_i], x[dst_i]]))
    xs = jnp.take(x, src, axis=1)          # (B, E, X_IN) gather
    xd = jnp.take(x, dst, axis=1)          # (B, E, X_IN) gather
    cat = jnp.concatenate([e, xs, xd], axis=-1)  # (B, E, E_IN + 2*X_IN)
    new_e = jax.nn.relu(jnp.einsum('bef,fo->beo', cat, w1) + b1)  # (B, E, E_OUT)
    # node aggregation: for each dst node, mean over (incident edges x channels)
    per_edge_mean = jnp.mean(new_e, axis=-1)  # (B, E)
    sums = jax.ops.segment_sum(per_edge_mean.T, dst, num_segments=n)          # (N, B) scatter-add
    counts = jax.ops.segment_sum(jnp.ones((dst.shape[0],), jnp.float32), dst, num_segments=n)  # (N,)
    node_attr = (sums / jnp.maximum(counts, 1.0)[:, None]).T[..., None]       # (B, N, 1); zero for isolated nodes
    new_x = jax.nn.relu(jnp.einsum('bnf,fo->bno', jnp.concatenate([x, node_attr], axis=-1), w2) + b2)
    return (new_x, new_e)

if __name__ == "__main__":
    import jax
    _d = setup_inputs()
    print(jax.jit(kernel)(*tuple(_d.values())))

</pallas_src>

<mosaic_0001>
#map = affine_map<(d0, d1) -> (0, 0)>
#map1 = affine_map<(d0, d1) -> (0)>
module attributes {stable_mosaic.version = 14 : i64} {
  func.func @_sc_body(%arg0: i32, %arg1: i32, %arg2: memref<10000x16xf32, #tpu.memory_space<hbm>>, %arg3: memref<10000x16xf32, #tpu.memory_space<hbm>>, %arg4: memref<20000x128xf32, #tpu.memory_space<hbm>>, %arg5: memref<160000xi32, #tpu.memory_space<hbm>>, %arg6: memref<160000xi32, #tpu.memory_space<hbm>>, %arg7: memref<2560000xf32, #tpu.memory_space<hbm>>, %arg8: memref<32x10240xf32, #tpu.memory_space<hbm>>, %arg9: memref<32x10240xf32, #tpu.memory_space<hbm>>, %arg10: memref<2x640xi32, #tpu.memory_space<vmem>>, %arg11: memref<2x640xi32, #tpu.memory_space<vmem>>, %arg12: memref<2x640x16xf32, #tpu.memory_space<vmem>>, %arg13: memref<2x640x16xf32, #tpu.memory_space<vmem>>, %arg14: memref<2x80x128xf32, #tpu.memory_space<vmem>>, %arg15: memref<2x10240xf32, #tpu.memory_space<vmem>>, %arg16: memref<10240xf32, #tpu.memory_space<vmem>>, %arg17: memref<10240xf32, #tpu.memory_space<vmem>>, %arg18: memref<!tpu.dma_semaphore, #tpu.memory_space<semaphore_mem>>, %arg19: memref<!tpu.dma_semaphore, #tpu.memory_space<semaphore_mem>>, %arg20: memref<!tpu.dma_semaphore, #tpu.memory_space<semaphore_mem>>, %arg21: memref<!tpu.dma_semaphore, #tpu.memory_space<semaphore_mem>>, %arg22: memref<!tpu.dma_semaphore, #tpu.memory_space<semaphore_mem>>, %arg23: memref<!tpu.dma_semaphore, #tpu.memory_space<semaphore_mem>>) attributes {dimension_semantics = [#tpu.dimension_semantics<core_parallel>, #tpu.dimension_semantics<subcore_parallel>], iteration_bounds = array<i64: 2, 16>, scalar_prefetch = 0 : i64, scratch_operands = 14 : i64, tpu.core_type = #tpu.core_type<sc_vector_subcore>, window_params = [{transform_indices = #map}, {transform_indices = #map}, {transform_indices = #map}, {transform_indices = #map1}, {transform_indices = #map1}, {transform_indices = #map1}, {transform_indices = #map}, {transform_indices = #map}]} {
    %mul3A = arith.constant 2 : i32
    %mul3A_0 = arith.muli %arg1, %mul3A : i32
    %add3A = arith.addi %mul3A_0, %arg0 : i32
    %broadcast_in_dim3A = arith.constant 0.000000e+00 : f32
    %broadcast_in_dim3A_1 = vector.broadcast %broadcast_in_dim3A : f32 to vector<16xf32>
    %iota3A = tpu.iota {dimensions = array<i32: 0>} : vector<16xi32>
    %broadcast_in_dim3A_2 = arith.constant 1.000000e+00 : f32
    %broadcast_in_dim3A_3 = vector.broadcast %broadcast_in_dim3A_2 : f32 to vector<16xf32>
    %scan3A = arith.constant 0 : i32
    %scan3A_4 = arith.constant 0 : i32
    %scan3A_5 = arith.constant 640 : i32
    %scan3A_6 = arith.addi %scan3A_4, %scan3A_5 : i32
    %scan3A_7 = arith.constant 1 : i32
    scf.for %scan3A_360 = %scan3A_4 to %scan3A_6 step %scan3A_7  : i32 {
      %mul3A_361 = arith.constant 16 : i32
      %mul3A_362 = arith.muli %scan3A_360, %mul3A_361 : i32
      %swap3A = arith.index_cast %mul3A_362 : i32 to index
      %swap3A_363 = tpu.vector_load %arg16[%swap3A] {strides = array<i32>} : memref<10240xf32, #tpu.memory_space<vmem>>, vector<16xf32>,
      tpu.vector_store %arg16[%swap3A], %broadcast_in_dim3A_1 {strides = array<i32>} : memref<10240xf32, #tpu.memory_space<vmem>>, vector<16xf32>,
      %mul3A_364 = arith.constant 16 : i32
      %mul3A_365 = arith.muli %scan3A_360, %mul3A_364 : i32
      %swap3A_366 = arith.index_cast %mul3A_365 : i32 to index
      %swap3A_367 = tpu.vector_load %arg17[%swap3A_366] {strides = array<i32>} : memref<10240xf32, #tpu.memory_space<vmem>>, vector<16xf32>,
      tpu.vector_store %arg17[%swap3A_366], %broadcast_in_dim3A_1 {strides = array<i32>} : memref<10240xf32, #tpu.memory_space<vmem>>, vector<16xf32>,
    }
    %scan3A_8 = arith.constant 640 : i32
    %add3A_9 = arith.constant 0 : i32
    %add3A_10 = arith.addi %add3A_9, %add3A : i32
    %min3A = arith.constant 249 : i32
    %min3A_11 = arith.minsi %add3A_10, %min3A : i32
    %mul3A_12 = arith.constant 640 : i32
    %mul3A_13 = arith.muli %min3A_11, %mul3A_12 : i32
    %dma_start3A = arith.constant 0 : i32
    %dma_start3A_14 = arith.constant 0 : i32
    %dma_start3A_15 = tpu.memref_slice %arg10[%dma_start3A, %dma_start3A_14] : memref<2x640xi32, #tpu.memory_space<vmem>> -> memref<1x640xi32, #tpu.memory_space<vmem>>
    %dma_start3A_16 = tpu.memref_squeeze %dma_start3A_15 : memref<1x640xi32, #tpu.memory_space<vmem>> -> memref<640xi32, #tpu.memory_space<vmem>>
    %dma_start3A_17 = tpu.memref_slice %arg5[%mul3A_13] : memref<160000xi32, #tpu.memory_space<hbm>> -> memref<640xi32, #tpu.memory_space<hbm>>
    %dma_start3A_18 = arith.constant 0 : i32
    %dma_start3A_19 = tpu.memref_slice %arg10[%dma_start3A, %dma_start3A_18] : memref<2x640xi32, #tpu.memory_space<vmem>> -> memref<1x640xi32, #tpu.memory_space<vmem>>
    %dma_start3A_20 = tpu.memref_squeeze %dma_start3A_19 : memref<1x640xi32, #tpu.memory_space<vmem>> -> memref<640xi32, #tpu.memory_space<vmem>>
    %dma_start3A_21 = tpu.memref_slice %arg5[%mul3A_13] : memref<160000xi32, #tpu.memory_space<hbm>> -> memref<640xi32, #tpu.memory_space<hbm>>
    tpu.enqueue_dma source(%dma_start3A_21 : memref<640xi32, #tpu.memory_space<hbm>>) target(%dma_start3A_20 : memref<640xi32, #tpu.memory_space<vmem>>) target_semaphore(%arg18 : memref<!tpu.dma_semaphore, #tpu.memory_space<semaphore_mem>>)
    %dma_start3A_22 = arith.constant 0 : i32
    %dma_start3A_23 = arith.constant 0 : i32
    %dma_start3A_24 = tpu.memref_slice %arg11[%dma_start3A_22, %dma_start3A_23] : memref<2x640xi32, #tpu.memory_space<vmem>> -> memref<1x640xi32, #tpu.memory_space<vmem>>
    %dma_start3A_25 = tpu.memref_squeeze %dma_start3A_24 : memref<1x640xi32, #tpu.memory_space<vmem>> -> memref<640xi32, #tpu.memory_space<vmem>>
    %dma_start3A_26 = tpu.memref_slice %arg6[%mul3A_13] : memref<160000xi32, #tpu.memory_space<hbm>> -> memref<640xi32, #tpu.memory_space<hbm>>
    %dma_start3A_27 = arith.constant 0 : i32
    %dma_start3A_28 = tpu.memref_slice %arg11[%dma_start3A_22, %dma_start3A_27] : memref<2x640xi32, #tpu.memory_space<vmem>> -> memref<1x640xi32, #tpu.memory_space<vmem>>
    %dma_start3A_29 = tpu.memref_squeeze %dma_start3A_28 : memref<1x640xi32, #tpu.memory_space<vmem>> -> memref<640xi32, #tpu.memory_space<vmem>>
    %dma_start3A_30 = tpu.memref_slice %arg6[%mul3A_13] : memref<160000xi32, #tpu.memory_space<hbm>> -> memref<640xi32, #tpu.memory_space<hbm>>
    tpu.enqueue_dma source(%dma_start3A_30 : memref<640xi32, #tpu.memory_space<hbm>>) target(%dma_start3A_29 : memref<640xi32, #tpu.memory_space<vmem>>) target_semaphore(%arg18 : memref<!tpu.dma_semaphore, #tpu.memory_space<semaphore_mem>>)
    %dma_wait3A = arith.constant 0 : i32
    %dma_wait3A_31 = arith.constant 0 : i32
    %dma_wait3A_32 = tpu.memref_slice %arg10[%dma_wait3A, %dma_wait3A_31] : memref<2x640xi32, #tpu.memory_space<vmem>> -> memref<1x640xi32, #tpu.memory_space<vmem>>
    %dma_wait3A_33 = tpu.memref_squeeze %dma_wait3A_32 : memref<1x640xi32, #tpu.memory_space<vmem>> -> memref<640xi32, #tpu.memory_space<vmem>>
    %dma_wait3A_34 = arith.constant 0 : i32
    %dma_wait3A_35 = tpu.memref_slice %arg5[%dma_wait3A_34] : memref<160000xi32, #tpu.memory_space<hbm>> -> memref<640xi32, #tpu.memory_space<hbm>>
    %dma_wait3A_36 = arith.constant 0 : i32
    %dma_wait3A_37 = tpu.memref_slice %arg10[%dma_wait3A, %dma_wait3A_36] : memref<2x640xi32, #tpu.memory_space<vmem>> -> memref<1x640xi32, #tpu.memory_space<vmem>>
    %dma_wait3A_38 = tpu.memref_squeeze %dma_wait3A_37 : memref<1x640xi32, #tpu.memory_space<vmem>> -> memref<640xi32, #tpu.memory_space<vmem>>
    %dma_wait3A_39 = arith.constant 0 : i32
    %dma_wait3A_40 = tpu.memref_slice %arg5[%dma_wait3A_39] : memref<160000xi32, #tpu.memory_space<hbm>> -> memref<640xi32, #tpu.memory_space<hbm>>
    tpu.wait_dma2 semaphore(%arg18 : memref<!tpu.dma_semaphore, #tpu.memory_space<semaphore_mem>>) src(%dma_wait3A_40 : memref<640xi32, #tpu.memory_space<hbm>>) dst(%dma_wait3A_38 : memref<640xi32, #tpu.memory_space<vmem>>)
    %dma_wait3A_41 = arith.constant 0 : i32
    %dma_wait3A_42 = arith.constant 0 : i32
    %dma_wait3A_43 = tpu.memref_slice %arg11[%dma_wait3A_41, %dma_wait3A_42] : memref<2x640xi32, #tpu.memory_space<vmem>> -> memref<1x640xi32, #tpu.memory_space<vmem>>
    %dma_wait3A_44 = tpu.memref_squeeze %dma_wait3A_43 : memref<1x640xi32, #tpu.memory_space<vmem>> -> memref<640xi32, #tpu.memory_space<vmem>>
    %dma_wait3A_45 = arith.constant 0 : i32
    %dma_wait3A_46 = tpu.memref_slice %arg6[%dma_wait3A_45] : memref<160000xi32, #tpu.memory_space<hbm>> -> memref<640xi32, #tpu.memory_space<hbm>>
    %dma_wait3A_47 = arith.constant 0 : i32
    %dma_wait3A_48 = tpu.memref_slice %arg11[%dma_wait3A_41, %dma_wait3A_47] : memref<2x640xi32, #tpu.memory_space<vmem>> -> memref<1x640xi32, #tpu.memory_space<vmem>>
    %dma_wait3A_49 = tpu.memref_squeeze %dma_wait3A_48 : memref<1x640xi32, #tpu.memory_space<vmem>> -> memref<640xi32, #tpu.memory_space<vmem>>
    %dma_wait3A_50 = arith.constant 0 : i32
    %dma_wait3A_51 = tpu.memref_slice %arg6[%dma_wait3A_50] : memref<160000xi32, #tpu.memory_space<hbm>> -> memref<640xi32, #tpu.memory_space<hbm>>
    tpu.wait_dma2 semaphore(%arg18 : memref<!tpu.dma_semaphore, #tpu.memory_space<semaphore_mem>>) src(%dma_wait3A_51 : memref<640xi32, #tpu.memory_space<hbm>>) dst(%dma_wait3A_49 : memref<640xi32, #tpu.memory_space<vmem>>)
    %add3A_52 = arith.constant 32 : i32
    %add3A_53 = arith.addi %add3A_52, %add3A : i32
    %min3A_54 = arith.constant 249 : i32
    %min3A_55 = arith.minsi %add3A_53, %min3A_54 : i32
    %mul3A_56 = arith.constant 640 : i32
    %mul3A_57 = arith.muli %min3A_55, %mul3A_56 : i32
    %dma_start3A_58 = arith.constant 1 : i32
    %dma_start3A_59 = arith.constant 0 : i32
    %dma_start3A_60 = tpu.memref_slice %arg10[%dma_start3A_58, %dma_start3A_59] : memref<2x640xi32, #tpu.memory_space<vmem>> -> memref<1x640xi32, #tpu.memory_space<vmem>>
    %dma_start3A_61 = tpu.memref_squeeze %dma_start3A_60 : memref<1x640xi32, #tpu.memory_space<vmem>> -> memref<640xi32, #tpu.memory_space<vmem>>
    %dma_start3A_62 = tpu.memref_slice %arg5[%mul3A_57] : memref<160000xi32, #tpu.memory_space<hbm>> -> memref<640xi32, #tpu.memory_space<hbm>>
    %dma_start3A_63 = arith.constant 0 : i32
    %dma_start3A_64 = tpu.memref_slice %arg10[%dma_start3A_58, %dma_start3A_63] : memref<2x640xi32, #tpu.memory_space<vmem>> -> memref<1x640xi32, #tpu.memory_space<vmem>>
    %dma_start3A_65 = tpu.memref_squeeze %dma_start3A_64 : memref<1x640xi32, #tpu.memory_space<vmem>> -> memref<640xi32, #tpu.memory_space<vmem>>
    %dma_start3A_66 = tpu.memref_slice %arg5[%mul3A_57] : memref<160000xi32, #tpu.memory_space<hbm>> -> memref<640xi32, #tpu.memory_space<hbm>>
    tpu.enqueue_dma source(%dma_start3A_66 : memref<640xi32, #tpu.memory_space<hbm>>) target(%dma_start3A_65 : memref<640xi32, #tpu.memory_space<vmem>>) target_semaphore(%arg19 : memref<!tpu.dma_semaphore, #tpu.memory_space<semaphore_mem>>)
    %dma_start3A_67 = arith.constant 1 : i32
    %dma_start3A_68 = arith.constant 0 : i32
    %dma_start3A_69 = tpu.memref_slice %arg11[%dma_start3A_67, %dma_start3A_68] : memref<2x640xi32, #tpu.memory_space<vmem>> -> memref<1x640xi32, #tpu.memory_space<vmem>>
    %dma_start3A_70 = tpu.memref_squeeze %dma_start3A_69 : memref<1x640xi32, #tpu.memory_space<vmem>> -> memref<640xi32, #tpu.memory_space<vmem>>
    %dma_start3A_71 = tpu.memref_slice %arg6[%mul3A_57] : memref<160000xi32, #tpu.memory_space<hbm>> -> memref<640xi32, #tpu.memory_space<hbm>>
    %dma_start3A_72 = arith.constant 0 : i32
    %dma_start3A_73 = tpu.memref_slice %arg11[%dma_start3A_67, %dma_start3A_72] : memref<2x640xi32, #tpu.memory_space<vmem>> -> memref<1x640xi32, #tpu.memory_space<vmem>>
    %dma_start3A_74 = tpu.memref_squeeze %dma_start3A_73 : memref<1x640xi32, #tpu.memory_space<vmem>> -> memref<640xi32, #tpu.memory_space<vmem>>
    %dma_start3A_75 = tpu.memref_slice %arg6[%mul3A_57] : memref<160000xi32, #tpu.memory_space<hbm>> -> memref<640xi32, #tpu.memory_space<hbm>>
    tpu.enqueue_dma source(%dma_start3A_75 : memref<640xi32, #tpu.memory_space<hbm>>) target(%dma_start3A_74 : memref<640xi32, #tpu.memory_space<vmem>>) target_semaphore(%arg19 : memref<!tpu.dma_semaphore, #tpu.memory_space<semaphore_mem>>)
    %dma_start3A_76 = arith.constant 0 : i32
    %dma_start3A_77 = arith.constant 0 : i32
    %dma_start3A_78 = arith.constant 0 : i32
    %dma_start3A_79 = arith.constant 0 : i32
    %dma_start3A_80 = tpu.memref_slice %arg12[%dma_start3A_77, %dma_start3A_78, %dma_start3A_79] : memref<2x640x16xf32, #tpu.memory_space<vmem>> -> memref<1x640x16xf32, #tpu.memory_space<vmem>>
    %dma_start3A_81 = tpu.memref_squeeze %dma_start3A_80 : memref<1x640x16xf32, #tpu.memory_space<vmem>> -> memref<640x16xf32, #tpu.memory_space<vmem>>
    %dma_start3A_82 = arith.constant 0 : i32
    %dma_start3A_83 = arith.constant 0 : i32
    %dma_start3A_84 = tpu.memref_slice %dma_start3A_81[%dma_start3A_82, %dma_start3A_83] : memref<640x16xf32, #tpu.memory_space<vmem>> -> memref<128x16xf32, #tpu.memory_space<vmem>>
    %dma_start3A_85 = arith.constant 0 : i32
    %dma_start3A_86 = tpu.memref_slice %arg10[%dma_start3A_76, %dma_start3A_85] : memref<2x640xi32, #tpu.memory_space<vmem>> -> memref<1x640xi32, #tpu.memory_space<vmem>>
    %dma_start3A_87 = tpu.memref_squeeze %dma_start3A_86 : memref<1x640xi32, #tpu.memory_space<vmem>> -> memref<640xi32, #tpu.memory_space<vmem>>
    %dma_start3A_88 = arith.constant 0 : i32
    %dma_start3A_89 = tpu.memref_slice %dma_start3A_87[%dma_start3A_88] : memref<640xi32, #tpu.memory_space<vmem>> -> memref<128xi32, #tpu.memory_space<vmem>>
    %dma_start3A_90 = arith.constant 0 : i32
    %dma_start3A_91 = arith.constant 0 : i32
    %dma_start3A_92 = tpu.memref_slice %arg2[%dma_start3A_90, %dma_start3A_91] : memref<10000x16xf32, #tpu.memory_space<hbm>> -> memref<10000x16xf32, #tpu.memory_space<hbm>>
    tpu.enqueue_indirect_dma source(%dma_start3A_92 : memref<10000x16xf32, #tpu.memory_space<hbm>>) target(%dma_start3A_84 : memref<128x16xf32, #tpu.memory_space<vmem>>) offsets(%dma_start3A_89 : memref<128xi32, #tpu.memory_space<vmem>>) semaphore(%arg20 : memref<!tpu.dma_semaphore, #tpu.memory_space<semaphore_mem>>)
    %dma_start3A_93 = arith.constant 0 : i32
    %dma_start3A_94 = arith.constant 0 : i32
    %dma_start3A_95 = arith.constant 0 : i32
    %dma_start3A_96 = arith.constant 0 : i32
    %dma_start3A_97 = tpu.memref_slice %arg13[%dma_start3A_94, %dma_start3A_95, %dma_start3A_96] : memref<2x640x16xf32, #tpu.memory_space<vmem>> -> memref<1x640x16xf32, #tpu.memory_space<vmem>>
    %dma_start3A_98 = tpu.memref_squeeze %dma_start3A_97 : memref<1x640x16xf32, #tpu.memory_space<vmem>> -> memref<640x16xf32, #tpu.memory_space<vmem>>
    %dma_start3A_99 = arith.constant 0 : i32
    %dma_start3A_100 = arith.constant 0 : i32
    %dma_start3A_101 = tpu.memref_slice %dma_start3A_98[%dma_start3A_99, %dma_start3A_100] : memref<640x16xf32, #tpu.memory_space<vmem>> -> memref<128x16xf32, #tpu.memory_space<vmem>>
    %dma_start3A_102 = arith.constant 0 : i32
    %dma_start3A_103 = tpu.memref_slice %arg11[%dma_start3A_93, %dma_start3A_102] : memref<2x640xi32, #tpu.memory_space<vmem>> -> memref<1x640xi32, #tpu.memory_space<vmem>>
    %dma_start3A_104 = tpu.memref_squeeze %dma_start3A_103 : memref<1x640xi32, #tpu.memory_space<vmem>> -> memref<640xi32, #tpu.memory_space<vmem>>
    %dma_start3A_105 = arith.constant 0 : i32
    %dma_start3A_106 = tpu.memref_slice %dma_start3A_104[%dma_start3A_105] : memref<640xi32, #tpu.memory_space<vmem>> -> memref<128xi32, #tpu.memory_space<vmem>>
    %dma_start3A_107 = arith.constant 0 : i32
    %dma_start3A_108 = arith.constant 0 : i32
    %dma_start3A_109 = tpu.memref_slice %arg3[%dma_start3A_107, %dma_start3A_108] : memref<10000x16xf32, #tpu.memory_space<hbm>> -> memref<10000x16xf32, #tpu.memory_space<hbm>>
    tpu.enqueue_indirect_dma source(%dma_start3A_109 : memref<10000x16xf32, #tpu.memory_space<hbm>>) target(%dma_start3A_101 : memref<128x16xf32, #tpu.memory_space<vmem>>) offsets(%dma_start3A_106 : memref<128xi32, #tpu.memory_space<vmem>>) semaphore(%arg20 : memref<!tpu.dma_semaphore, #tpu.memory_space<semaphore_mem>>)
    %dma_start3A_110 = arith.constant 0 : i32
    %dma_start3A_111 = arith.constant 0 : i32
    %dma_start3A_112 = arith.constant 0 : i32
    %dma_start3A_113 = arith.constant 0 : i32
    %dma_start3A_114 = tpu.memref_slice %arg12[%dma_start3A_111, %dma_start3A_112, %dma_start3A_113] : memref<2x640x16xf32, #tpu.memory_space<vmem>> -> memref<1x640x16xf32, #tpu.memory_space<vmem>>
    %dma_start3A_115 = tpu.memref_squeeze %dma_start3A_114 : memref<1x640x16xf32, #tpu.memory_space<vmem>> -> memref<640x16xf32, #tpu.memory_space<vmem>>
    %dma_start3A_116 = arith.constant 128 : i32
    %dma_start3A_117 = arith.constant 0 : i32
    %dma_start3A_118 = tpu.memref_slice %dma_start3A_115[%dma_start3A_116, %dma_start3A_117] : memref<640x16xf32, #tpu.memory_space<vmem>> -> memref<128x16xf32, #tpu.memory_space<vmem>>
    %dma_start3A_119 = arith.constant 0 : i32
    %dma_start3A_120 = tpu.memref_slice %arg10[%dma_start3A_110, %dma_start3A_119] : memref<2x640xi32, #tpu.memory_space<vmem>> -> memref<1x640xi32, #tpu.memory_space<vmem>>
    %dma_start3A_121 = tpu.memref_squeeze %dma_start3A_120 : memref<1x640xi32, #tpu.memory_space<vmem>> -> memref<640xi32, #tpu.memory_space<vmem>>
    %dma_start3A_122 = arith.constant 128 : i32
    %dma_start3A_123 = tpu.memref_slice %dma_start3A_121[%dma_start3A_122] : memref<640xi32, #tpu.memory_space<vmem>> -> memref<128xi32, #tpu.memory_space<vmem>>
    %dma_start3A_124 = arith.constant 0 : i32
    %dma_start3A_125 = arith.constant 0 : i32
    %dma_start3A_126 = tpu.memref_slice %arg2[%dma_start3A_124, %dma_start3A_125] : memref<10000x16xf32, #tpu.memory_space<hbm>> -> memref<10000x16xf32, #tpu.memory_space<hbm>>
    tpu.enqueue_indirect_dma source(%dma_start3A_126 : memref<10000x16xf32, #tpu.memory_space<hbm>>) target(%dma_start3A_118 : memref<128x16xf32, #tpu.memory_space<vmem>>) offsets(%dma_start3A_123 : memref<128xi32, #tpu.memory_space<vmem>>) semaphore(%arg20 : memref<!tpu.dma_semaphore, #tpu.memory_space<semaphore_mem>>)
    %dma_start3A_127 = arith.constant 0 : i32
    %dma_start3A_128 = arith.constant 0 : i32
    %dma_start3A_129 = arith.constant 0 : i32
    %dma_start3A_130 = arith.constant 0 : i32
    %dma_start3A_131 = tpu.memref_slice %arg13[%dma_start3A_128, %dma_start3A_129, %dma_start3A_130] : memref<2x640x16xf32, #tpu.memory_space<vmem>> -> memref<1x640x16xf32, #tpu.memory_space<vmem>>
    %dma_start3A_132 = tpu.memref_squeeze %dma_start3A_131 : memref<1x640x16xf32, #tpu.memory_space<vmem>> -> memref<640x16xf32, #tpu.memory_space<vmem>>
    %dma_start3A_133 = arith.constant 128 : i32
    %dma_start3A_134 = arith.constant 0 : i32
    %dma_start3A_135 = tpu.memref_slice %dma_start3A_132[%dma_start3A_133, %dma_start3A_134] : memref<640x16xf32, #tpu.memory_space<vmem>> -> memref<128x16xf32, #tpu.memory_space<vmem>>
    %dma_start3A_136 = arith.constant 0 : i32
    %dma_start3A_137 = tpu.memref_slice %arg11[%dma_start3A_127, %dma_start3A_136] : memref<2x640xi32, #tpu.memory_space<vmem>> -> memref<1x640xi32, #tpu.memory_space<vmem>>
    %dma_start3A_138 = tpu.memref_squeeze %dma_start3A_137 : memref<1x640xi32, #tpu.memory_space<vmem>> -> memref<640xi32, #tpu.memory_space<vmem>>
    %dma_start3A_139 = arith.constant 128 : i32
    %dma_start3A_140 = tpu.memref_slice %dma_start3A_138[%dma_start3A_139] : memref<640xi32, #tpu.memory_space<vmem>> -> memref<128xi32, #tpu.memory_space<vmem>>
    %dma_start3A_141 = arith.constant 0 : i32
    %dma_start3A_142 = arith.constant 0 : i32
    %dma_start3A_143 = tpu.memref_slice %arg3[%dma_start3A_141, %dma_start3A_142] : memref<10000x16xf32, #tpu.memory_space<hbm>> -> memref<10000x16xf32, #tpu.memory_space<hbm>>
    tpu.enqueue_indirect_dma source(%dma_start3A_143 : memref<10000x16xf32, #tpu.memory_space<hbm>>) target(%dma_start3A_135 : memref<128x16xf32, #tpu.memory_space<vmem>>) offsets(%dma_start3A_140 : memref<128xi32, #tpu.memory_space<vmem>>) semaphore(%arg20 : memref<!tpu.dma_semaphore, #tpu.memory_space<semaphore_mem>>)
    %dma_start3A_144 = arith.constant 0 : i32
    %dma_start3A_145 = arith.constant 0 : i32
    %dma_start3A_146 = arith.constant 0 : i32
    %dma_start3A_147 = arith.constant 0 : i32
    %dma_start3A_148 = tpu.memref_slice %arg12[%dma_start3A_145, %dma_start3A_146, %dma_start3A_147] : memref<2x640x16xf32, #tpu.memory_space<vmem>> -> memref<1x640x16xf32, #tpu.memory_space<vmem>>
    %dma_start3A_149 = tpu.memref_squeeze %dma_start3A_148 : memref<1x640x16xf32, #tpu.memory_space<vmem>> -> memref<640x16xf32, #tpu.memory_space<vmem>>
    %dma_start3A_150 = arith.constant 256 : i32
    %dma_start3A_151 = arith.constant 0 : i32
    %dma_start3A_152 = tpu.memref_slice %dma_start3A_149[%dma_start3A_150, %dma_start3A_151] : memref<640x16xf32, #tpu.memory_space<vmem>> -> memref<128x16xf32, #tpu.memory_space<vmem>>
    %dma_start3A_153 = arith.constant 0 : i32
    %dma_start3A_154 = tpu.memref_slice %arg10[%dma_start3A_144, %dma_start3A_153] : memref<2x640xi32, #tpu.memory_space<vmem>> -> memref<1x640xi32, #tpu.memory_space<vmem>>
    %dma_start3A_155 = tpu.memref_squeeze %dma_start3A_154 : memref<1x640xi32, #tpu.memory_space<vmem>> -> memref<640xi32, #tpu.memory_space<vmem>>
    %dma_start3A_156 = arith.constant 256 : i32
    %dma_start3A_157 = tpu.memref_slice %dma_start3A_155[%dma_start3A_156] : memref<640xi32, #tpu.memory_space<vmem>> -> memref<128xi32, #tpu.memory_space<vmem>>
    %dma_start3A_158 = arith.constant 0 : i32
    %dma_start3A_159 = arith.constant 0 : i32
    %dma_start3A_160 = tpu.memref_slice %arg2[%dma_start3A_158, %dma_start3A_159] : memref<10000x16xf32, #tpu.memory_space<hbm>> -> memref<10000x16xf32, #tpu.memory_space<hbm>>
    tpu.enqueue_indirect_dma source(%dma_start3A_160 : memref<10000x16xf32, #tpu.memory_space<hbm>>) target(%dma_start3A_152 : memref<128x16xf32, #tpu.memory_space<vmem>>) offsets(%dma_start3A_157 : memref<128xi32, #tpu.memory_space<vmem>>) semaphore(%arg20 : memref<!tpu.dma_semaphore, #tpu.memory_space<semaphore_mem>>)
    %dma_start3A_161 = arith.constant 0 : i32
    %dma_start3A_162 = arith.constant 0 : i32
    %dma_start3A_163 = arith.constant 0 : i32
    %dma_start3A_164 = arith.constant 0 : i32
    %dma_start3A_165 = tpu.memref_slice %arg13[%dma_start3A_162, %dma_start3A_163, %dma_start3A_164] : memref<2x640x16xf32, #tpu.memory_space<vmem>> -> memref<1x640x16xf32, #tpu.memory_space<vmem>>
    %dma_start3A_166 = tpu.memref_squeeze %dma_start3A_165 : memref<1x640x16xf32, #tpu.memory_space<vmem>> -> memref<640x16xf32, #tpu.memory_space<vmem>>
    %dma_start3A_167 = arith.constant 256 : i32
    %dma_start3A_168 = arith.constant 0 : i32
    %dma_start3A_169 = tpu.memref_slice %dma_start3A_166[%dma_start3A_167, %dma_start3A_168] : memref<640x16xf32, #tpu.memory_space<vmem>> -> memref<128x16xf32, #tpu.memory_space<vmem>>
    %dma_start3A_170 = arith.constant 0 : i32
    %dma_start3A_171 = tpu.memref_slice %arg11[%dma_start3A_161, %dma_start3A_170] : memref<2x640xi32, #tpu.memory_space<vmem>> -> memref<1x640xi32, #tpu.memory_space<vmem>>
    %dma_start3A_172 = tpu.memref_squeeze %dma_start3A_171 : memref<1x640xi32, #tpu.memory_space<vmem>> -> memref<640xi32, #tpu.memory_space<vmem>>
    %dma_start3A_173 = arith.constant 256 : i32
    %dma_start3A_174 = tpu.memref_slice %dma_start3A_172[%dma_start3A_173] : memref<640xi32, #tpu.memory_space<vmem>> -> memref<128xi32, #tpu.memory_space<vmem>>
    %dma_start3A_175 = arith.constant 0 : i32
    %dma_start3A_176 = arith.constant 0 : i32
    %dma_start3A_177 = tpu.memref_slice %arg3[%dma_start3A_175, %dma_start3A_176] : memref<10000x16xf32, #tpu.memory_space<hbm>> -> memref<10000x16xf32, #tpu.memory_space<hbm>>
    tpu.enqueue_indirect_dma source(%dma_start3A_177 : memref<10000x16xf32, #tpu.memory_space<hbm>>) target(%dma_start3A_169 : memref<128x16xf32, #tpu.memory_space<vmem>>) offsets(%dma_start3A_174 : memref<128xi32, #tpu.memory_space<vmem>>) semaphore(%arg20 : memref<!tpu.dma_semaphore, #tpu.memory_space<semaphore_mem>>)
    %dma_start3A_178 = arith.constant 0 : i32
    %dma_start3A_179 = arith.constant 0 : i32
    %dma_start3A_180 = arith.constant 0 : i32
    %dma_start3A_181 = arith.constant 0 : i32
    %dma_start3A_182 = tpu.memref_slice %arg12[%dma_start3A_179, %dma_start3A_180, %dma_start3A_181] : memref<2x640x16xf32, #tpu.memory_space<vmem>> -> memref<1x640x16xf32, #tpu.memory_space<vmem>>
    %dma_start3A_183 = tpu.memref_squeeze %dma_start3A_182 : memref<1x640x16xf32, #tpu.memory_space<vmem>> -> memref<640x16xf32, #tpu.memory_space<vmem>>
    %dma_start3A_184 = arith.constant 384 : i32
    %dma_start3A_185 = arith.constant 0 : i32
    %dma_start3A_186 = tpu.memref_slice %dma_start3A_183[%dma_start3A_184, %dma_start3A_185] : memref<640x16xf32, #tpu.memory_space<vmem>> -> memref<128x16xf32, #tpu.memory_space<vmem>>
    %dma_start3A_187 = arith.constant 0 : i32
    %dma_start3A_188 = tpu.memref_slice %arg10[%dma_start3A_178, %dma_start3A_187] : memref<2x640xi32, #tpu.memory_space<vmem>> -> memref<1x640xi32, #tpu.memory_space<vmem>>
    %dma_start3A_189 = tpu.memref_squeeze %dma_start3A_188 : memref<1x640xi32, #tpu.memory_space<vmem>> -> memref<640xi32, #tpu.memory_space<vmem>>
    %dma_start3A_190 = arith.constant 384 : i32
    %dma_start3A_191 = tpu.memref_slice %dma_start3A_189[%dma_start3A_190] : memref<640xi32, #tpu.memory_space<vmem>> -> memref<128xi32, #tpu.memory_space<vmem>>
    %dma_start3A_192 = arith.constant 0 : i32
    %dma_start3A_193 = arith.constant 0 : i32
    %dma_start3A_194 = tpu.memref_slice %arg2[%dma_start3A_192, %dma_start3A_193] : memref<10000x16xf32, #tpu.memory_space<hbm>> -> memref<10000x16xf32, #tpu.memory_space<hbm>>
    tpu.enqueue_indirect_dma source(%dma_start3A_194 : memref<10000x16xf32, #tpu.memory_space<hbm>>) target(%dma_start3A_186 : memref<128x16xf32, #tpu.memory_space<vmem>>) offsets(%dma_start3A_191 : memref<128xi32, #tpu.memory_space<vmem>>) semaphore(%arg20 : memref<!tpu.dma_semaphore, #tpu.memory_space<semaphore_mem>>)
    %dma_start3A_195 = arith.constant 0 : i32
    %dma_start3A_196 = arith.constant 0 : i32
    %dma_start3A_197 = arith.constant 0 : i32
    %dma_start3A_198 = arith.constant 0 : i32
    %dma_start3A_199 = tpu.memref_slice %arg13[%dma_start3A_196, %dma_start3A_197, %dma_start3A_198] : memref<2x640x16xf32, #tpu.memory_space<vmem>> -> memref<1x640x16xf32, #tpu.memory_space<vmem>>
    %dma_start3A_200 = tpu.memref_squeeze %dma_start3A_199 : memref<1x640x16xf32, #tpu.memory_space<vmem>> -> memref<640x16xf32, #tpu.memory_space<vmem>>
    %dma_start3A_201 = arith.constant 384 : i32
    %dma_start3A_202 = arith.constant 0 : i32
    %dma_start3A_203 = tpu.memref_slice %dma_start3A_200[%dma_start3A_201, %dma_start3A_202] : memref<640x16xf32, #tpu.memory_space<vmem>> -> memref<128x16xf32, #tpu.memory_space<vmem>>
    %dma_start3A_204 = arith.constant 0 : i32
    %dma_start3A_205 = tpu.memref_slice %arg11[%dma_start3A_195, %dma_start3A_204] : memref<2x640xi32, #tpu.memory_space<vmem>> -> memref<1x640xi32, #tpu.memory_space<vmem>>
    %dma_start3A_206 = tpu.memref_squeeze %dma_start3A_205 : memref<1x640xi32, #tpu.memory_space<vmem>> -> memref<640xi32, #tpu.memory_space<vmem>>
    %dma_start3A_207 = arith.constant 384 : i32
    %dma_start3A_208 = tpu.memref_slice %dma_start3A_206[%dma_start3A_207] : memref<640xi32, #tpu.memory_space<vmem>> -> memref<128xi32, #tpu.memory_space<vmem>>
    %dma_start3A_209 = arith.constant 0 : i32
    %dma_start3A_210 = arith.constant 0 : i32
    %dma_start3A_211 = tpu.memref_slice %arg3[%dma_start3A_209, %dma_start3A_210] : memref<10000x16xf32, #tpu.memory_space<hbm>> -> memref<10000x16xf32, #tpu.memory_space<hbm>>
    tpu.enqueue_indirect_dma source(%dma_start3A_211 : memref<10000x16xf32, #tpu.memory_space<hbm>>) target(%dma_start3A_203 : memref<128x16xf32, #tpu.memory_space<vmem>>) offsets(%dma_start3A_208 : memref<128xi32, #tpu.memory_space<vmem>>) semaphore(%arg20 : memref<!tpu.dma_semaphore, #tpu.memory_space<semaphore_mem>>)
    %dma_start3A_212 = arith.constant 0 : i32
    %dma_start3A_213 = arith.constant 0 : i32
    %dma_start3A_214 = arith.constant 0 : i32
    %dma_start3A_215 = arith.constant 0 : i32
    %dma_start3A_216 = tpu.memref_slice %arg12[%dma_start3A_213, %dma_start3A_214, %dma_start3A_215] : memref<2x640x16xf32, #tpu.memory_space<vmem>> -> memref<1x640x16xf32, #tpu.memory_space<vmem>>
    %dma_start3A_217 = tpu.memref_squeeze %dma_start3A_216 : memref<1x640x16xf32, #tpu.memory_space<vmem>> -> memref<640x16xf32, #tpu.memory_space<vmem>>
    %dma_start3A_218 = arith.constant 512 : i32
    %dma_start3A_219 = arith.constant 0 : i32
    %dma_start3A_220 = tpu.memref_slice %dma_start3A_217[%dma_start3A_218, %dma_start3A_219] : memref<640x16xf32, #tpu.memory_space<vmem>> -> memref<128x16xf32, #tpu.memory_space<vmem>>
    %dma_start3A_221 = arith.constant 0 : i32
    %dma_start3A_222 = tpu.memref_slice %arg10[%dma_start3A_212, %dma_start3A_221] : memref<2x640xi32, #tpu.memory_space<vmem>> -> memref<1x640xi32, #tpu.memory_space<vmem>>
    %dma_start3A_223 = tpu.memref_squeeze %dma_start3A_222 : memref<1x640xi32, #tpu.memory_space<vmem>> -> memref<640xi32, #tpu.memory_space<vmem>>
    %dma_start3A_224 = arith.constant 512 : i32
    %dma_start3A_225 = tpu.memref_slice %dma_start3A_223[%dma_start3A_224] : memref<640xi32, #tpu.memory_space<vmem>> -> memref<128xi32, #tpu.memory_space<vmem>>
    %dma_start3A_226 = arith.constant 0 : i32
    %dma_start3A_227 = arith.constant 0 : i32
    %dma_start3A_228 = tpu.memref_slice %arg2[%dma_start3A_226, %dma_start3A_227] : memref<10000x16xf32, #tpu.memory_space<hbm>> -> memref<10000x16xf32, #tpu.memory_space<hbm>>
    tpu.enqueue_indirect_dma source(%dma_start3A_228 : memref<10000x16xf32, #tpu.memory_space<hbm>>) target(%dma_start3A_220 : memref<128x16xf32, #tpu.memory_space<vmem>>) offsets(%dma_start3A_225 : memref<128xi32, #tpu.memory_space<vmem>>) semaphore(%arg20 : memref<!tpu.dma_semaphore, #tpu.memory_space<semaphore_mem>>)
    %dma_start3A_229 = arith.constant 0 : i32
    %dma_start3A_230 = arith.constant 0 : i32
    %dma_start3A_231 = arith.constant 0 : i32
    %dma_start3A_232 = arith.constant 0 : i32
    %dma_start3A_233 = tpu.memref_slice %arg13[%dma_start3A_230, %dma_start3A_231, %dma_start3A_232] : memref<2x640x16xf32, #tpu.memory_space<vmem>> -> memref<1x640x16xf32, #tpu.memory_space<vmem>>
    %dma_start3A_234 = tpu.memref_squeeze %dma_start3A_233 : memref<1x640x16xf32, #tpu.memory_space<vmem>> -> memref<640x16xf32, #tpu.memory_space<vmem>>
    %dma_start3A_235 = arith.constant 512 : i32
    %dma_start3A_236 = arith.constant 0 : i32
    %dma_start3A_237 = tpu.memref_slice %dma_start3A_234[%dma_start3A_235, %dma_start3A_236] : memref<640x16xf32, #tpu.memory_space<vmem>> -> memref<128x16xf32, #tpu.memory_space<vmem>>
    %dma_start3A_238 = arith.constant 0 : i32
    %dma_start3A_239 = tpu.memref_slice %arg11[%dma_start3A_229, %dma_start3A_238] : memref<2x640xi32, #tpu.memory_space<vmem>> -> memref<1x640xi32, #tpu.memory_space<vmem>>
    %dma_start3A_240 = tpu.memref_squeeze %dma_start3A_239 : memref<1x640xi32, #tpu.memory_space<vmem>> -> memref<640xi32, #tpu.memory_space<vmem>>
    %dma_start3A_241 = arith.constant 512 : i32
    %dma_start3A_242 = tpu.memref_slice %dma_start3A_240[%dma_start3A_241] : memref<640xi32, #tpu.memory_space<vmem>> -> memref<128xi32, #tpu.memory_space<vmem>>
    %dma_start3A_243 = arith.constant 0 : i32
    %dma_start3A_244 = arith.constant 0 : i32
    %dma_start3A_245 = tpu.memref_slice %arg3[%dma_start3A_243, %dma_start3A_244] : memref<10000x16xf32, #tpu.memory_space<hbm>> -> memref<10000x16xf32, #tpu.memory_space<hbm>>
    tpu.enqueue_indirect_dma source(%dma_start3A_245 : memref<10000x16xf32, #tpu.memory_space<hbm>>) target(%dma_start3A_237 : memref<128x16xf32, #tpu.memory_space<vmem>>) offsets(%dma_start3A_242 : memref<128xi32, #tpu.memory_space<vmem>>) semaphore(%arg20 : memref<!tpu.dma_semaphore, #tpu.memory_space<semaphore_mem>>)
    %add3A_246 = arith.constant 0 : i32
    %add3A_247 = arith.addi %add3A_246, %add3A : i32
    %min3A_248 = arith.constant 249 : i32
    %min3A_249 = arith.minsi %add3A_247, %min3A_248 : i32
    %mul3A_250 = arith.constant 80 : i32
    %mul3A_251 = arith.muli %min3A_249, %mul3A_250 : i32
    %dma_start3A_252 = arith.constant 0 : i32
    %dma_start3A_253 = arith.constant 0 : i32
    %dma_start3A_254 = arith.constant 0 : i32
    %dma_start3A_255 = tpu.memref_slice %arg14[%dma_start3A_252, %dma_start3A_253, %dma_start3A_254] : memref<2x80x128xf32, #tpu.memory_space<vmem>> -> memref<1x80x128xf32, #tpu.memory_space<vmem>>
    %dma_start3A_256 = tpu.memref_squeeze %dma_start3A_255 : memref<1x80x128xf32, #tpu.memory_space<vmem>> -> memref<80x128xf32, #tpu.memory_space<vmem>>
    %dma_start3A_257 = arith.constant 0 : i32
    %dma_start3A_258 = tpu.memref_slice %arg4[%mul3A_251, %dma_start3A_257] : memref<20000x128xf32, #tpu.memory_space<hbm>> -> memref<80x128xf32, #tpu.memory_space<hbm>>
    %dma_start3A_259 = arith.constant 0 : i32
    %dma_start3A_260 = arith.constant 0 : i32
    %dma_start3A_261 = tpu.memref_slice %arg14[%dma_start3A_252, %dma_start3A_259, %dma_start3A_260] : memref<2x80x128xf32, #tpu.memory_space<vmem>> -> memref<1x80x128xf32, #tpu.memory_space<vmem>>
    %dma_start3A_262 = tpu.memref_squeeze %dma_start3A_261 : memref<1x80x128xf32, #tpu.memory_space<vmem>> -> memref<80x128xf32, #tpu.memory_space<vmem>>
    %dma_start3A_263 = arith.constant 0 : i32
    %dma_start3A_264 = tpu.memref_slice %arg4[%mul3A_251, %dma_start3A_263] : memref<20000x128xf32, #tpu.memory_space<hbm>> -> memref<80x128xf32, #tpu.memory_space<hbm>>
    tpu.enqueue_dma source(%dma_start3A_264 : memref<80x128xf32, #tpu.memory_space<hbm>>) target(%dma_start3A_262 : memref<80x128xf32, #tpu.memory_space<vmem>>) target_semaphore(%arg20 : memref<!tpu.dma_semaphore, #tpu.memory_space<semaphore_mem>>)
    %scan3A_265 = arith.constant 0 : i32
    %scan3A_266 = arith.constant 0 : i32
    %scan3A_267 = arith.constant 4 : i32
    %scan3A_268 = arith.addi %scan3A_266, %scan3A_267 : i32
    %scan3A_269 = arith.constant 1 : i32
    scf.for %scan3A_360 = %scan3A_266 to %scan3A_268 step %scan3A_269  : i32 {
      %mul3A_361 = arith.constant 2 : i32
      %mul3A_362 = arith.muli %mul3A_361, %scan3A_360 : i32
      %add3A_363 = arith.constant 0 : i32
      %add3A_364 = arith.addi %mul3A_362, %add3A_363 : i32
      %dma_wait3A_365 = arith.constant 1 : i32
      %dma_wait3A_366 = arith.constant 0 : i32
      %dma_wait3A_367 = tpu.memref_slice %arg10[%dma_wait3A_365, %dma_wait3A_366] : memref<2x640xi32, #tpu.memory_space<vmem>> -> memref<1x640xi32, #tpu.memory_space<vmem>>
      %dma_wait3A_368 = tpu.memref_squeeze %dma_wait3A_367 : memref<1x640xi32, #tpu.memory_space<vmem>> -> memref<640xi32, #tpu.memory_space<vmem>>
      %dma_wait3A_369 = arith.constant 0 : i32
      %dma_wait3A_370 = tpu.memref_slice %arg5[%dma_wait3A_369] : memref<160000xi32, #tpu.memory_space<hbm>> -> memref<640xi32, #tpu.memory_space<hbm>>
      %dma_wait3A_371 = arith.constant 0 : i32
      %dma_wait3A_372 = tpu.memref_slice %arg10[%dma_wait3A_365, %dma_wait3A_371] : memref<2x640xi32, #tpu.memory_space<vmem>> -> memref<1x640xi32, #tpu.memory_space<vmem>>
      %dma_wait3A_373 = tpu.memref_squeeze %dma_wait3A_372 : memref<1x640xi32, #tpu.memory_space<vmem>> -> memref<640xi32, #tpu.memory_space<vmem>>
      %dma_wait3A_374 = arith.constant 0 : i32
      %dma_wait3A_375 = tpu.memref_slice %arg5[%dma_wait3A_374] : memref<160000xi32, #tpu.memory_space<hbm>> -> memref<640xi32, #tpu.memory_space<hbm>>
      tpu.wait_dma2 semaphore(%arg19 : memref<!tpu.dma_semaphore, #tpu.memory_space<semaphore_mem>>) src(%dma_wait3A_375 : memref<640xi32, #tpu.memory_space<hbm>>) dst(%dma_wait3A_373 : memref<640xi32, #tpu.memory_space<vmem>>)
      %dma_wait3A_376 = arith.constant 1 : i32
      %dma_wait3A_377 = arith.constant 0 : i32
      %dma_wait3A_378 = tpu.memref_slice %arg11[%dma_wait3A_376, %dma_wait3A_377] : memref<2x640xi32, #tpu.memory_space<vmem>> -> memref<1x640xi32, #tpu.memory_space<vmem>>
      %dma_wait3A_379 = tpu.memref_squeeze %dma_wait3A_378 : memref<1x640xi32, #tpu.memory_space<vmem>> -> memref<640xi32, #tpu.memory_space<vmem>>
      %dma_wait3A_380 = arith.constant 0 : i32
      %dma_wait3A_381 = tpu.memref_slice %arg6[%dma_wait3A_380] : memref<160000xi32, #tpu.memory_space<hbm>> -> memref<640xi32, #tpu.memory_space<hbm>>
      %dma_wait3A_382 = arith.constant 0 : i32
      %dma_wait3A_383 = tpu.memref_slice %arg11[%dma_wait3A_376, %dma_wait3A_382] : memref<2x640xi32, #tpu.memory_space<vmem>> -> memref<1x640xi32, #tpu.memory_space<vmem>>
      %dma_wait3A_384 = tpu.memref_squeeze %dma_wait3A_383 : memref<1x640xi32, #tpu.memory_space<vmem>> -> memref<640xi32, #tpu.memory_space<vmem>>
      %dma_wait3A_385 = arith.constant 0 : i32
      %dma_wait3A_386 = tpu.memref_slice %arg6[%dma_wait3A_385] : memref<160000xi32, #tpu.memory_space<hbm>> -> memref<640xi32, #tpu.memory_space<hbm>>
      tpu.wait_dma2 semaphore(%arg19 : memref<!tpu.dma_semaphore, #tpu.memory_space<semaphore_mem>>) src(%dma_wait3A_386 : memref<640xi32, #tpu.memory_space<hbm>>) dst(%dma_wait3A_384 : memref<640xi32, #tpu.memory_space<vmem>>)
      %add3A_387 = arith.constant 1 : i32
      %add3A_388 = arith.addi %add3A_364, %add3A_387 : i32
      %dma_start3A_389 = arith.constant 1 : i32
      %dma_start3A_390 = arith.constant 1 : i32
      %dma_start3A_391 = arith.constant 0 : i32
      %dma_start3A_392 = arith.constant 0 : i32
      %dma_start3A_393 = tpu.memref_slice %arg12[%dma_start3A_390, %dma_start3A_391, %dma_start3A_392] : memref<2x640x16xf32, #tpu.memory_space<vmem>> -> memref<1x640x16xf32, #tpu.memory_space<vmem>>
      %dma_start3A_394 = tpu.memref_squeeze %dma_start3A_393 : memref<1x640x16xf32, #tpu.memory_space<vmem>> -> memref<640x16xf32, #tpu.memory_space<vmem>>
      %dma_start3A_395 = arith.constant 0 : i32
      %dma_start3A_396 = arith.constant 0 : i32
      %dma_start3A_397 = tpu.memref_slice %dma_start3A_394[%dma_start3A_395, %dma_start3A_396] : memref<640x16xf32, #tpu.memory_space<vmem>> -> memref<128x16xf32, #tpu.memory_space<vmem>>
      %dma_start3A_398 = arith.constant 0 : i32
      %dma_start3A_399 = tpu.memref_slice %arg10[%dma_start3A_389, %dma_start3A_398] : memref<2x640xi32, #tpu.memory_space<vmem>> -> memref<1x640xi32, #tpu.memory_space<vmem>>
      %dma_start3A_400 = tpu.memref_squeeze %dma_start3A_399 : memref<1x640xi32, #tpu.memory_space<vmem>> -> memref<640xi32, #tpu.memory_space<vmem>>
      %dma_start3A_401 = arith.constant 0 : i32
      %dma_start3A_402 = tpu.memref_slice %dma_start3A_400[%dma_start3A_401] : memref<640xi32, #tpu.memory_space<vmem>> -> memref<128xi32, #tpu.memory_space<vmem>>
      %dma_start3A_403 = arith.constant 0 : i32
      %dma_start3A_404 = arith.constant 0 : i32
      %dma_start3A_405 = tpu.memref_slice %arg2[%dma_start3A_403, %dma_start3A_404] : memref<10000x16xf32, #tpu.memory_space<hbm>> -> memref<10000x16xf32, #tpu.memory_space<hbm>>
      tpu.enqueue_indirect_dma source(%dma_start3A_405 : memref<10000x16xf32, #tpu.memory_space<hbm>>) target(%dma_start3A_397 : memref<128x16xf32, #tpu.memory_space<vmem>>) offsets(%dma_start3A_402 : memref<128xi32, #tpu.memory_space<vmem>>) semaphore(%arg21 : memref<!tpu.dma_semaphore, #tpu.memory_space<semaphore_mem>>)
      %dma_start3A_406 = arith.constant 1 : i32
      %dma_start3A_407 = arith.constant 1 : i32
      %dma_start3A_408 = arith.constant 0 : i32
      %dma_start3A_409 = arith.constant 0 : i32
      %dma_start3A_410 = tpu.memref_slice %arg13[%dma_start3A_407, %dma_start3A_408, %dma_start3A_409] : memref<2x640x16xf32, #tpu.memory_space<vmem>> -> memref<1x640x16xf32, #tpu.memory_space<vmem>>
      %dma_start3A_411 = tpu.memref_squeeze %dma_start3A_410 : memref<1x640x16xf32, #tpu.memory_space<vmem>> -> memref<640x16xf32, #tpu.memory_space<vmem>>
      %dma_start3A_412 = arith.constant 0 : i32
      %dma_start3A_413 = arith.constant 0 : i32
      %dma_start3A_414 = tpu.memref_slice %dma_start3A_411[%dma_start3A_412, %dma_start3A_413] : memref<640x16xf32, #tpu.memory_space<vmem>> -> memref<128x16xf32, #tpu.memory_space<vmem>>
      %dma_start3A_415 = arith.constant 0 : i32
      %dma_start3A_416 = tpu.memref_slice %arg11[%dma_start3A_406, %dma_start3A_415] : memref<2x640xi32, #tpu.memory_space<vmem>> -> memref<1x640xi32, #tpu.memory_space<vmem>>
      %dma_start3A_417 = tpu.memref_squeeze %dma_start3A_416 : memref<1x640xi32, #tpu.memory_space<vmem>> -> memref<640xi32, #tpu.memory_space<vmem>>
      %dma_start3A_418 = arith.constant 0 : i32
      %dma_start3A_419 = tpu.memref_slice %dma_start3A_417[%dma_start3A_418] : memref<640xi32, #tpu.memory_space<vmem>> -> memref<128xi32, #tpu.memory_space<vmem>>
      %dma_start3A_420 = arith.constant 0 : i32
      %dma_start3A_421 = arith.constant 0 : i32
      %dma_start3A_422 = tpu.memref_slice %arg3[%dma_start3A_420, %dma_start3A_421] : memref<10000x16xf32, #tpu.memory_space<hbm>> -> memref<10000x16xf32, #tpu.memory_space<hbm>>
      tpu.enqueue_indirect_dma source(%dma_start3A_422 : memref<10000x16xf32, #tpu.memory_space<hbm>>) target(%dma_start3A_414 : memref<128x16xf32, #tpu.memory_space<vmem>>) offsets(%dma_start3A_419 : memref<128xi32, #tpu.memory_space<vmem>>) semaphore(%arg21 : memref<!tpu.dma_semaphore, #tpu.memory_space<semaphore_mem>>)
      %dma_start3A_423 = arith.constant 1 : i32
      %dma_start3A_424 = arith.constant 1 : i32
      %dma_start3A_425 = arith.constant 0 : i32
      %dma_start3A_426 = arith.constant 0 : i32
      %dma_start3A_427 = tpu.memref_slice %arg12[%dma_start3A_424, %dma_start3A_425, %dma_start3A_426] : memref<2x640x16xf32, #tpu.memory_space<vmem>> -> memref<1x640x16xf32, #tpu.memory_space<vmem>>
      %dma_start3A_428 = tpu.memref_squeeze %dma_start3A_427 : memref<1x640x16xf32, #tpu.memory_space<vmem>> -> memref<640x16xf32, #tpu.memory_space<vmem>>
      %dma_start3A_429 = arith.constant 128 : i32
      %dma_start3A_430 = arith.constant 0 : i32
      %dma_start3A_431 = tpu.memref_slice %dma_start3A_428[%dma_start3A_429, %dma_start3A_430] : memref<640x16xf32, #tpu.memory_space<vmem>> -> memref<128x16xf32, #tpu.memory_space<vmem>>
      %dma_start3A_432 = arith.constant 0 : i32
      %dma_start3A_433 = tpu.memref_slice %arg10[%dma_start3A_423, %dma_start3A_432] : memref<2x640xi32, #tpu.memory_space<vmem>> -> memref<1x640xi32, #tpu.memory_space<vmem>>
      %dma_start3A_434 = tpu.memref_squeeze %dma_start3A_433 : memref<1x640xi32, #tpu.memory_space<vmem>> -> memref<640xi32, #tpu.memory_space<vmem>>
      %dma_start3A_435 = arith.constant 128 : i32
      %dma_start3A_436 = tpu.memref_slice %dma_start3A_434[%dma_start3A_435] : memref<640xi32, #tpu.memory_space<vmem>> -> memref<128xi32, #tpu.memory_space<vmem>>
      %dma_start3A_437 = arith.constant 0 : i32
      %dma_start3A_438 = arith.constant 0 : i32
      %dma_start3A_439 = tpu.memref_slice %arg2[%dma_start3A_437, %dma_start3A_438] : memref<10000x16xf32, #tpu.memory_space<hbm>> -> memref<10000x16xf32, #tpu.memory_space<hbm>>
      tpu.enqueue_indirect_dma source(%dma_start3A_439 : memref<10000x16xf32, #tpu.memory_space<hbm>>) target(%dma_start3A_431 : memref<128x16xf32, #tpu.memory_space<vmem>>) offsets(%dma_start3A_436 : memref<128xi32, #tpu.memory_space<vmem>>) semaphore(%arg21 : memref<!tpu.dma_semaphore, #tpu.memory_space<semaphore_mem>>)
      %dma_start3A_440 = arith.constant 1 : i32
      %dma_start3A_441 = arith.constant 1 : i32
      %dma_start3A_442 = arith.constant 0 : i32
      %dma_start3A_443 = arith.constant 0 : i32
      %dma_start3A_444 = tpu.memref_slice %arg13[%dma_start3A_441, %dma_start3A_442, %dma_start3A_443] : memref<2x640x16xf32, #tpu.memory_space<vmem>> -> memref<1x640x16xf32, #tpu.memory_space<vmem>>
      %dma_start3A_445 = tpu.memref_squeeze %dma_start3A_444 : memref<1x640x16xf32, #tpu.memory_space<vmem>> -> memref<640x16xf32, #tpu.memory_space<vmem>>
      %dma_start3A_446 = arith.constant 128 : i32
      %dma_start3A_447 = arith.constant 0 : i32
      %dma_start3A_448 = tpu.memref_slice %dma_start3A_445[%dma_start3A_446, %dma_start3A_447] : memref<640x16xf32, #tpu.memory_space<vmem>> -> memref<128x16xf32, #tpu.memory_space<vmem>>
      %dma_start3A_449 = arith.constant 0 : i32
      %dma_start3A_450 = tpu.memref_slice %arg11[%dma_start3A_440, %dma_start3A_449] : memref<2x640xi32, #tpu.memory_space<vmem>> -> memref<1x640xi32, #tpu.memory_space<vmem>>
      %dma_start3A_451 = tpu.memref_squeeze %dma_start3A_450 : memref<1x640xi32, #tpu.memory_space<vmem>> -> memref<640xi32, #tpu.memory_space<vmem>>
      %dma_start3A_452 = arith.constant 128 : i32
      %dma_start3A_453 = tpu.memref_slice %dma_start3A_451[%dma_start3A_452] : memref<640xi32, #tpu.memory_space<vmem>> -> memref<128xi32, #tpu.memory_space<vmem>>
      %dma_start3A_454 = arith.constant 0 : i32
      %dma_start3A_455 = arith.constant 0 : i32
      %dma_start3A_456 = tpu.memref_slice %arg3[%dma_start3A_454, %dma_start3A_455] : memref<10000x16xf32, #tpu.memory_space<hbm>> -> memref<10000x16xf32, #tpu.memory_space<hbm>>
      tpu.enqueue_indirect_dma source(%dma_start3A_456 : memref<10000x16xf32, #tpu.memory_space<hbm>>) target(%dma_start3A_448 : memref<128x16xf32, #tpu.memory_space<vmem>>) offsets(%dma_start3A_453 : memref<128xi32, #tpu.memory_space<vmem>>) semaphore(%arg21 : memref<!tpu.dma_semaphore, #tpu.memory_space<semaphore_mem>>)
      %dma_start3A_457 = arith.constant 1 : i32
      %dma_start3A_458 = arith.constant 1 : i32
      %dma_start3A_459 = arith.constant 0 : i32
      %dma_start3A_460 = arith.constant 0 : i32
      %dma_start3A_461 = tpu.memref_slice %arg12[%dma_start3A_458, %dma_start3A_459, %dma_start3A_460] : memref<2x640x16xf32, #tpu.memory_space<vmem>> -> memref<1x640x16xf32, #tpu.memory_space<vmem>>
      %dma_start3A_462 = tpu.memref_squeeze %dma_start3A_461 : memref<1x640x16xf32, #tpu.memory_space<vmem>> -> memref<640x16xf32, #tpu.memory_space<vmem>>
      %dma_start3A_463 = arith.constant 256 : i32
      %dma_start3A_464 = arith.constant 0 : i32
      %dma_start3A_465 = tpu.memref_slice %dma_start3A_462[%dma_start3A_463, %dma_start3A_464] : memref<640x16xf32, #tpu.memory_space<vmem>> -> memref<128x16xf32, #tpu.memory_space<vmem>>
      %dma_start3A_466 = arith.constant 0 : i32
      %dma_start3A_467 = tpu.memref_slice %arg10[%dma_start3A_457, %dma_start3A_466] : memref<2x640xi32, #tpu.memory_space<vmem>> -> memref<1x640xi32, #tpu.memory_space<vmem>>
      %dma_start3A_468 = tpu.memref_squeeze %dma_start3A_467 : memref<1x640xi32, #tpu.memory_space<vmem>> -> memref<640xi32, #tpu.memory_space<vmem>>
      %dma_start3A_469 = arith.constant 256 : i32
      %dma_start3A_470 = tpu.memref_slice %dma_start3A_468[%dma_start3A_469] : memref<640xi32, #tpu.memory_space<vmem>> -> memref<128xi32, #tpu.memory_space<vmem>>
      %dma_start3A_471 = arith.constant 0 : i32
      %dma_start3A_472 = arith.constant 0 : i32
      %dma_start3A_473 = tpu.memref_slice %arg2[%dma_start3A_471, %dma_start3A_472] : memref<10000x16xf32, #tpu.memory_space<hbm>> -> memref<10000x16xf32, #tpu.memory_space<hbm>>
      tpu.enqueue_indirect_dma source(%dma_start3A_473 : memref<10000x16xf32, #tpu.memory_space<hbm>>) target(%dma_start3A_465 : memref<128x16xf32, #tpu.memory_space<vmem>>) offsets(%dma_start3A_470 : memref<128xi32, #tpu.memory_space<vmem>>) semaphore(%arg21 : memref<!tpu.dma_semaphore, #tpu.memory_space<semaphore_mem>>)
      %dma_start3A_474 = arith.constant 1 : i32
      %dma_start3A_475 = arith.constant 1 : i32
      %dma_start3A_476 = arith.constant 0 : i32
      %dma_start3A_477 = arith.constant 0 : i32
      %dma_start3A_478 = tpu.memref_slice %arg13[%dma_start3A_475, %dma_start3A_476, %dma_start3A_477] : memref<2x640x16xf32, #tpu.memory_space<vmem>> -> memref<1x640x16xf32, #tpu.memory_space<vmem>>
      %dma_start3A_479 = tpu.memref_squeeze %dma_start3A_478 : memref<1x640x16xf32, #tpu.memory_space<vmem>> -> memref<640x16xf32, #tpu.memory_space<vmem>>
      %dma_start3A_480 = arith.constant 256 : i32
      %dma_start3A_481 = arith.constant 0 : i32
      %dma_start3A_482 = tpu.memref_slice %dma_start3A_479[%dma_start3A_480, %dma_start3A_481] : memref<640x16xf32, #tpu.memory_space<vmem>> -> memref<128x16xf32, #tpu.memory_space<vmem>>
      %dma_start3A_483 = arith.constant 0 : i32
      %dma_start3A_484 = tpu.memref_slice %arg11[%dma_start3A_474, %dma_start3A_483] : memref<2x640xi32, #tpu.memory_space<vmem>> -> memref<1x640xi32, #tpu.memory_space<vmem>>
      %dma_start3A_485 = tpu.memref_squeeze %dma_start3A_484 : memref<1x640xi32, #tpu.memory_space<vmem>> -> memref<640xi32, #tpu.memory_space<vmem>>
      %dma_start3A_486 = arith.constant 256 : i32
      %dma_start3A_487 = tpu.memref_slice %dma_start3A_485[%dma_start3A_486] : memref<640xi32, #tpu.memory_space<vmem>> -> memref<128xi32, #tpu.memory_space<vmem>>
      %dma_start3A_488 = arith.constant 0 : i32
      %dma_start3A_489 = arith.constant 0 : i32
      %dma_start3A_490 = tpu.memref_slice %arg3[%dma_start3A_488, %dma_start3A_489] : memref<10000x16xf32, #tpu.memory_space<hbm>> -> memref<10000x16xf32, #tpu.memory_space<hbm>>
      tpu.enqueue_indirect_dma source(%dma_start3A_490 : memref<10000x16xf32, #tpu.memory_space<hbm>>) target(%dma_start3A_482 : memref<128x16xf32, #tpu.memory_space<vmem>>) offsets(%dma_start3A_487 : memref<128xi32, #tpu.memory_space<vmem>>) semaphore(%arg21 : memref<!tpu.dma_semaphore, #tpu.memory_space<semaphore_mem>>)
      %dma_start3A_491 = arith.constant 1 : i32
      %dma_start3A_492 = arith.constant 1 : i32
      %dma_start3A_493 = arith.constant 0 : i32
      %dma_start3A_494 = arith.constant 0 : i32
      %dma_start3A_495 = tpu.memref_slice %arg12[%dma_start3A_492, %dma_start3A_493, %dma_start3A_494] : memref<2x640x16xf32, #tpu.memory_space<vmem>> -> memref<1x640x16xf32, #tpu.memory_space<vmem>>
      %dma_start3A_496 = tpu.memref_squeeze %dma_start3A_495 : memref<1x640x16xf32, #tpu.memory_space<vmem>> -> memref<640x16xf32, #tpu.memory_space<vmem>>
      %dma_start3A_497 = arith.constant 384 : i32
      %dma_start3A_498 = arith.constant 0 : i32
      %dma_start3A_499 = tpu.memref_slice %dma_start3A_496[%dma_start3A_497, %dma_start3A_498] : memref<640x16xf32, #tpu.memory_space<vmem>> -> memref<128x16xf32, #tpu.memory_space<vmem>>
      %dma_start3A_500 = arith.constant 0 : i32
      %dma_start3A_501 = tpu.memref_slice %arg10[%dma_start3A_491, %dma_start3A_500] : memref<2x640xi32, #tpu.memory_space<vmem>> -> memref<1x640xi32, #tpu.memory_space<vmem>>
      %dma_start3A_502 = tpu.memref_squeeze %dma_start3A_501 : memref<1x640xi32, #tpu.memory_space<vmem>> -> memref<640xi32, #tpu.memory_space<vmem>>
      %dma_start3A_503 = arith.constant 384 : i32
      %dma_start3A_504 = tpu.memref_slice %dma_start3A_502[%dma_start3A_503] : memref<640xi32, #tpu.memory_space<vmem>> -> memref<128xi32, #tpu.memory_space<vmem>>
      %dma_start3A_505 = arith.constant 0 : i32
      %dma_start3A_506 = arith.constant 0 : i32
      %dma_start3A_507 = tpu.memref_slice %arg2[%dma_start3A_505, %dma_start3A_506] : memref<10000x16xf32, #tpu.memory_space<hbm>> -> memref<10000x16xf32, #tpu.memory_space<hbm>>
      tpu.enqueue_indirect_dma source(%dma_start3A_507 : memref<10000x16xf32, #tpu.memory_space<hbm>>) target(%dma_start3A_499 : memref<128x16xf32, #tpu.memory_space<vmem>>) offsets(%dma_start3A_504 : memref<128xi32, #tpu.memory_space<vmem>>) semaphore(%arg21 : memref<!tpu.dma_semaphore, #tpu.memory_space<semaphore_mem>>)
      %dma_start3A_508 = arith.constant 1 : i32
      %dma_start3A_509 = arith.constant 1 : i32
      %dma_start3A_510 = arith.constant 0 : i32
      %dma_start3A_511 = arith.constant 0 : i32
      %dma_start3A_512 = tpu.memref_slice %arg13[%dma_start3A_509, %dma_start3A_510, %dma_start3A_511] : memref<2x640x16xf32, #tpu.memory_space<vmem>> -> memref<1x640x16xf32, #tpu.memory_space<vmem>>
      %dma_start3A_513 = tpu.memref_squeeze %dma_start3A_512 : memref<1x640x16xf32, #tpu.memory_space<vmem>> -> memref<640x16xf32, #tpu.memory_space<vmem>>
      %dma_start3A_514 = arith.constant 384 : i32
      %dma_start3A_515 = arith.constant 0 : i32
      %dma_start3A_516 = tpu.memref_slice %dma_start3A_513[%dma_start3A_514, %dma_start3A_515] : memref<640x16xf32, #tpu.memory_space<vmem>> -> memref<128x16xf32, #tpu.memory_space<vmem>>
      %dma_start3A_517 = arith.constant 0 : i32
      %dma_start3A_518 = tpu.memref_slice %arg11[%dma_start3A_508, %dma_start3A_517] : memref<2x640xi32, #tpu.memory_space<vmem>> -> memref<1x640xi32, #tpu.memory_space<vmem>>
      %dma_start3A_519 = tpu.memref_squeeze %dma_start3A_518 : memref<1x640xi32, #tpu.memory_space<vmem>> -> memref<640xi32, #tpu.memory_space<vmem>>
      %dma_start3A_520 = arith.constant 384 : i32
      %dma_start3A_521 = tpu.memref_slice %dma_start3A_519[%dma_start3A_520] : memref<640xi32, #tpu.memory_space<vmem>> -> memref<128xi32, #tpu.memory_space<vmem>>
      %dma_start3A_522 = arith.constant 0 : i32
      %dma_start3A_523 = arith.constant 0 : i32
      %dma_start3A_524 = tpu.memref_slice %arg3[%dma_start3A_522, %dma_start3A_523] : memref<10000x16xf32, #tpu.memory_space<hbm>> -> memref<10000x16xf32, #tpu.memory_space<hbm>>
      tpu.enqueue_indirect_dma source(%dma_start3A_524 : memref<10000x16xf32, #tpu.memory_space<hbm>>) target(%dma_start3A_516 : memref<128x16xf32, #tpu.memory_space<vmem>>) offsets(%dma_start3A_521 : memref<128xi32, #tpu.memory_space<vmem>>) semaphore(%arg21 : memref<!tpu.dma_semaphore, #tpu.memory_space<semaphore_mem>>)
      %dma_start3A_525 = arith.constant 1 : i32
      %dma_start3A_526 = arith.constant 1 : i32
      %dma_start3A_527 = arith.constant 0 : i32
      %dma_start3A_528 = arith.constant 0 : i32
      %dma_start3A_529 = tpu.memref_slice %arg12[%dma_start3A_526, %dma_start3A_527, %dma_start3A_528] : memref<2x640x16xf32, #tpu.memory_space<vmem>> -> memref<1x640x16xf32, #tpu.memory_space<vmem>>
      %dma_start3A_530 = tpu.memref_squeeze %dma_start3A_529 : memref<1x640x16xf32, #tpu.memory_space<vmem>> -> memref<640x16xf32, #tpu.memory_space<vmem>>
      %dma_start3A_531 = arith.constant 512 : i32
      %dma_start3A_532 = arith.constant 0 : i32
      %dma_start3A_533 = tpu.memref_slice %dma_start3A_530[%dma_start3A_531, %dma_start3A_532] : memref<640x16xf32, #tpu.memory_space<vmem>> -> memref<128x16xf32, #tpu.memory_space<vmem>>
      %dma_start3A_534 = arith.constant 0 : i32
      %dma_start3A_535 = tpu.memref_slice %arg10[%dma_start3A_525, %dma_start3A_534] : memref<2x640xi32, #tpu.memory_space<vmem>> -> memref<1x640xi32, #tpu.memory_space<vmem>>
      %dma_start3A_536 = tpu.memref_squeeze %dma_start3A_535 : memref<1x640xi32, #tpu.memory_space<vmem>> -> memref<640xi32, #tpu.memory_space<vmem>>
      %dma_start3A_537 = arith.constant 512 : i32
      %dma_start3A_538 = tpu.memref_slice %dma_start3A_536[%dma_start3A_537] : memref<640xi32, #tpu.memory_space<vmem>> -> memref<128xi32, #tpu.memory_space<vmem>>
      %dma_start3A_539 = arith.constant 0 : i32
      %dma_start3A_540 = arith.constant 0 : i32
      %dma_start3A_541 = tpu.memref_slice %arg2[%dma_start3A_539, %dma_start3A_540] : memref<10000x16xf32, #tpu.memory_space<hbm>> -> memref<10000x16xf32, #tpu.memory_space<hbm>>
      tpu.enqueue_indirect_dma source(%dma_start3A_541 : memref<10000x16xf32, #tpu.memory_space<hbm>>) target(%dma_start3A_533 : memref<128x16xf32, #tpu.memory_space<vmem>>) offsets(%dma_start3A_538 : memref<128xi32, #tpu.memory_space<vmem>>) semaphore(%arg21 : memref<!tpu.dma_semaphore, #tpu.memory_space<semaphore_mem>>)
      %dma_start3A_542 = arith.constant 1 : i32
      %dma_start3A_543 = arith.constant 1 : i32
      %dma_start3A_544 = arith.constant 0 : i32
      %dma_start3A_545 = arith.constant 0 : i32
      %dma_start3A_546 = tpu.memref_slice %arg13[%dma_start3A_543, %dma_start3A_544, %dma_start3A_545] : memref<2x640x16xf32, #tpu.memory_space<vmem>> -> memref<1x640x16xf32, #tpu.memory_space<vmem>>
      %dma_start3A_547 = tpu.memref_squeeze %dma_start3A_546 : memref<1x640x16xf32, #tpu.memory_space<vmem>> -> memref<640x16xf32, #tpu.memory_space<vmem>>
      %dma_start3A_548 = arith.constant 512 : i32
      %dma_start3A_549 = arith.constant 0 : i32
      %dma_start3A_550 = tpu.memref_slice %dma_start3A_547[%dma_start3A_548, %dma_start3A_549] : memref<640x16xf32, #tpu.memory_space<vmem>> -> memref<128x16xf32, #tpu.memory_space<vmem>>
      %dma_start3A_551 = arith.constant 0 : i32
      %dma_start3A_552 = tpu.memref_slice %arg11[%dma_start3A_542, %dma_start3A_551] : memref<2x640xi32, #tpu.memory_space<vmem>> -> memref<1x640xi32, #tpu.memory_space<vmem>>
      %dma_start3A_553 = tpu.memref_squeeze %dma_start3A_552 : memref<1x640xi32, #tpu.memory_space<vmem>> -> memref<640xi32, #tpu.memory_space<vmem>>
      %dma_start3A_554 = arith.constant 512 : i32
      %dma_start3A_555 = tpu.memref_slice %dma_start3A_553[%dma_start3A_554] : memref<640xi32, #tpu.memory_space<vmem>> -> memref<128xi32, #tpu.memory_space<vmem>>
      %dma_start3A_556 = arith.constant 0 : i32
      %dma_start3A_557 = arith.constant 0 : i32
      %dma_start3A_558 = tpu.memref_slice %arg3[%dma_start3A_556, %dma_start3A_557] : memref<10000x16xf32, #tpu.memory_space<hbm>> -> memref<10000x16xf32, #tpu.memory_space<hbm>>
      tpu.enqueue_indirect_dma source(%dma_start3A_558 : memref<10000x16xf32, #tpu.memory_space<hbm>>) target(%dma_start3A_550 : memref<128x16xf32, #tpu.memory_space<vmem>>) offsets(%dma_start3A_555 : memref<128xi32, #tpu.memory_space<vmem>>) semaphore(%arg21 : memref<!tpu.dma_semaphore, #tpu.memory_space<semaphore_mem>>)
      %mul3A_559 = arith.constant 32 : i32
      %mul3A_560 = arith.muli %add3A_388, %mul3A_559 : i32
      %add3A_561 = arith.addi %mul3A_560, %add3A : i32
      %min3A_562 = arith.constant 249 : i32
      %min3A_563 = arith.minsi %add3A_561, %min3A_562 : i32
      %mul3A_564 = arith.constant 80 : i32
      %mul3A_565 = arith.muli %min3A_563, %mul3A_564 : i32
      %dma_start3A_566 = arith.constant 1 : i32
      %dma_start3A_567 = arith.constant 0 : i32
      %dma_start3A_568 = arith.constant 0 : i32
      %dma_start3A_569 = tpu.memref_slice %arg14[%dma_start3A_566, %dma_start3A_567, %dma_start3A_568] : memref<2x80x128xf32, #tpu.memory_space<vmem>> -> memref<1x80x128xf32, #tpu.memory_space<vmem>>
      %dma_start3A_570 = tpu.memref_squeeze %dma_start3A_569 : memref<1x80x128xf32, #tpu.memory_space<vmem>> -> memref<80x128xf32, #tpu.memory_space<vmem>>
      %dma_start3A_571 = arith.constant 0 : i32
      %dma_start3A_572 = tpu.memref_slice %arg4[%mul3A_565, %dma_start3A_571] : memref<20000x128xf32, #tpu.memory_space<hbm>> -> memref<80x128xf32, #tpu.memory_space<hbm>>
      %dma_start3A_573 = arith.constant 0 : i32
      %dma_start3A_574 = arith.constant 0 : i32
      %dma_start3A_575 = tpu.memref_slice %arg14[%dma_start3A_566, %dma_start3A_573, %dma_start3A_574] : memref<2x80x128xf32, #tpu.memory_space<vmem>> -> memref<1x80x128xf32, #tpu.memory_space<vmem>>
      %dma_start3A_576 = tpu.memref_squeeze %dma_start3A_575 : memref<1x80x128xf32, #tpu.memory_space<vmem>> -> memref<80x128xf32, #tpu.memory_space<vmem>>
      %dma_start3A_577 = arith.constant 0 : i32
      %dma_start3A_578 = tpu.memref_slice %arg4[%mul3A_565, %dma_start3A_577] : memref<20000x128xf32, #tpu.memory_space<hbm>> -> memref<80x128xf32, #tpu.memory_space<hbm>>
      tpu.enqueue_dma source(%dma_start3A_578 : memref<80x128xf32, #tpu.memory_space<hbm>>) target(%dma_start3A_576 : memref<80x128xf32, #tpu.memory_space<vmem>>) target_semaphore(%arg21 : memref<!tpu.dma_semaphore, #tpu.memory_space<semaphore_mem>>)
      %dma_wait3A_579 = arith.constant 0 : i32
      %dma_wait3A_580 = arith.constant 0 : i32
      %dma_wait3A_581 = arith.constant 0 : i32
      %dma_wait3A_582 = tpu.memref_slice %arg12[%dma_wait3A_579, %dma_wait3A_580, %dma_wait3A_581] : memref<2x640x16xf32, #tpu.memory_space<vmem>> -> memref<1x640x16xf32, #tpu.memory_space<vmem>>
      %dma_wait3A_583 = tpu.memref_squeeze %dma_wait3A_582 : memref<1x640x16xf32, #tpu.memory_space<vmem>> -> memref<640x16xf32, #tpu.memory_space<vmem>>
      %dma_wait3A_584 = arith.constant 0 : i32
      %dma_wait3A_585 = arith.constant 0 : i32
      %dma_wait3A_586 = tpu.memref_slice %arg2[%dma_wait3A_584, %dma_wait3A_585] : memref<10000x16xf32, #tpu.memory_space<hbm>> -> memref<640x16xf32, #tpu.memory_space<hbm>>
      %dma_wait3A_587 = arith.constant 0 : i32
      %dma_wait3A_588 = arith.constant 0 : i32
      %dma_wait3A_589 = tpu.memref_slice %arg12[%dma_wait3A_579, %dma_wait3A_587, %dma_wait3A_588] : memref<2x640x16xf32, #tpu.memory_space<vmem>> -> memref<1x640x16xf32, #tpu.memory_space<vmem>>
      %dma_wait3A_590 = tpu.memref_squeeze %dma_wait3A_589 : memref<1x640x16xf32, #tpu.memory_space<vmem>> -> memref<640x16xf32, #tpu.memory_space<vmem>>
      %dma_wait3A_591 = arith.constant 0 : i32
      %dma_wait3A_592 = arith.constant 0 : i32
      %dma_wait3A_593 = tpu.memref_slice %arg2[%dma_wait3A_591, %dma_wait3A_592] : memref<10000x16xf32, #tpu.memory_space<hbm>> -> memref<640x16xf32, #tpu.memory_space<hbm>>
      tpu.wait_dma2 semaphore(%arg20 : memref<!tpu.dma_semaphore, #tpu.memory_space<semaphore_mem>>) src(%dma_wait3A_593 : memref<640x16xf32, #tpu.memory_space<hbm>>) dst(%dma_wait3A_590 : memref<640x16xf32, #tpu.memory_space<vmem>>)
      %dma_wait3A_594 = arith.constant 0 : i32
      %dma_wait3A_595 = arith.constant 0 : i32
      %dma_wait3A_596 = arith.constant 0 : i32
      %dma_wait3A_597 = tpu.memref_slice %arg13[%dma_wait3A_594, %dma_wait3A_595, %dma_wait3A_596] : memref<2x640x16xf32, #tpu.memory_space<vmem>> -> memref<1x640x16xf32, #tpu.memory_space<vmem>>
      %dma_wait3A_598 = tpu.memref_squeeze %dma_wait3A_597 : memref<1x640x16xf32, #tpu.memory_space<vmem>> -> memref<640x16xf32, #tpu.memory_space<vmem>>
      %dma_wait3A_599 = arith.constant 0 : i32
      %dma_wait3A_600 = arith.constant 0 : i32
      %dma_wait3A_601 = tpu.memref_slice %arg2[%dma_wait3A_599, %dma_wait3A_600] : memref<10000x16xf32, #tpu.memory_space<hbm>> -> memref<640x16xf32, #tpu.memory_space<hbm>>
      %dma_wait3A_602 = arith.constant 0 : i32
      %dma_wait3A_603 = arith.constant 0 : i32
      %dma_wait3A_604 = tpu.memref_slice %arg13[%dma_wait3A_594, %dma_wait3A_602, %dma_wait3A_603] : memref<2x640x16xf32, #tpu.memory_space<vmem>> -> memref<1x640x16xf32, #tpu.memory_space<vmem>>
      %dma_wait3A_605 = tpu.memref_squeeze %dma_wait3A_604 : memref<1x640x16xf32, #tpu.memory_space<vmem>> -> memref<640x16xf32, #tpu.memory_space<vmem>>
      %dma_wait3A_606 = arith.constant 0 : i32
      %dma_wait3A_607 = arith.constant 0 : i32
      %dma_wait3A_608 = tpu.memref_slice %arg2[%dma_wait3A_606, %dma_wait3A_607] : memref<10000x16xf32, #tpu.memory_space<hbm>> -> memref<640x16xf32, #tpu.memory_space<hbm>>
      tpu.wait_dma2 semaphore(%arg20 : memref<!tpu.dma_semaphore, #tpu.memory_space<semaphore_mem>>) src(%dma_wait3A_608 : memref<640x16xf32, #tpu.memory_space<hbm>>) dst(%dma_wait3A_605 : memref<640x16xf32, #tpu.memory_space<vmem>>)
      %dma_wait3A_609 = arith.constant 0 : i32
      %dma_wait3A_610 = arith.constant 0 : i32
      %dma_wait3A_611 = arith.constant 0 : i32
      %dma_wait3A_612 = tpu.memref_slice %arg14[%dma_wait3A_609, %dma_wait3A_610, %dma_wait3A_611] : memref<2x80x128xf32, #tpu.memory_space<vmem>> -> memref<1x80x128xf32, #tpu.memory_space<vmem>>
      %dma_wait3A_613 = tpu.memref_squeeze %dma_wait3A_612 : memref<1x80x128xf32, #tpu.memory_space<vmem>> -> memref<80x128xf32, #tpu.memory_space<vmem>>
      %dma_wait3A_614 = arith.constant 0 : i32
      %dma_wait3A_615 = arith.constant 0 : i32
      %dma_wait3A_616 = tpu.memref_slice %arg4[%dma_wait3A_614, %dma_wait3A_615] : memref<20000x128xf32, #tpu.memory_space<hbm>> -> memref<80x128xf32, #tpu.memory_space<hbm>>
      %dma_wait3A_617 = arith.constant 0 : i32
      %dma_wait3A_618 = arith.constant 0 : i32
      %dma_wait3A_619 = tpu.memref_slice %arg14[%dma_wait3A_609, %dma_wait3A_617, %dma_wait3A_618] : memref<2x80x128xf32, #tpu.memory_space<vmem>> -> memref<1x80x128xf32, #tpu.memory_space<vmem>>
      %dma_wait3A_620 = tpu.memref_squeeze %dma_wait3A_619 : memref<1x80x128xf32, #tpu.memory_space<vmem>> -> memref<80x128xf32, #tpu.memory_space<vmem>>
      %dma_wait3A_621 = arith.constant 0 : i32
      %dma_wait3A_622 = arith.constant 0 : i32
      %dma_wait3A_623 = tpu.memref_slice %arg4[%dma_wait3A_621, %dma_wait3A_622] : memref<20000x128xf32, #tpu.memory_space<hbm>> -> memref<80x128xf32, #tpu.memory_space<hbm>>
      tpu.wait_dma2 semaphore(%arg20 : memref<!tpu.dma_semaphore, #tpu.memory_space<semaphore_mem>>) src(%dma_wait3A_623 : memref<80x128xf32, #tpu.memory_space<hbm>>) dst(%dma_wait3A_620 : memref<80x128xf32, #tpu.memory_space<vmem>>)
      %ge3A = arith.constant 2 : i32
      %ge3A_624 = arith.cmpi sge, %add3A_364, %ge3A : i32
      %convert_element_type3A = arith.extui %ge3A_624 : i1 to i32
      %cond3A = arith.constant 0 : i32
      %cond3A_625 = arith.cmpi ne, %convert_element_type3A, %cond3A : i32
      scf.if %cond3A_625 {
        %dma_wait3A_1023 = arith.constant 0 : i32
        %dma_wait3A_1024 = arith.constant 0 : i32
        %dma_wait3A_1025 = tpu.memref_slice %arg15[%dma_wait3A_1023, %dma_wait3A_1024] : memref<2x10240xf32, #tpu.memory_space<vmem>> -> memref<1x10240xf32, #tpu.memory_space<vmem>>
        %dma_wait3A_1026 = tpu.memref_squeeze %dma_wait3A_1025 : memref<1x10240xf32, #tpu.memory_space<vmem>> -> memref<10240xf32, #tpu.memory_space<vmem>>
        %dma_wait3A_1027 = arith.constant 0 : i32
        %dma_wait3A_1028 = tpu.memref_slice %arg7[%dma_wait3A_1027] : memref<2560000xf32, #tpu.memory_space<hbm>> -> memref<10240xf32, #tpu.memory_space<hbm>>
        %dma_wait3A_1029 = arith.constant 0 : i32
        %dma_wait3A_1030 = tpu.memref_slice %arg15[%dma_wait3A_1023, %dma_wait3A_1029] : memref<2x10240xf32, #tpu.memory_space<vmem>> -> memref<1x10240xf32, #tpu.memory_space<vmem>>
        %dma_wait3A_1031 = tpu.memref_squeeze %dma_wait3A_1030 : memref<1x10240xf32, #tpu.memory_space<vmem>> -> memref<10240xf32, #tpu.memory_space<vmem>>
        %dma_wait3A_1032 = arith.constant 0 : i32
        %dma_wait3A_1033 = tpu.memref_slice %arg7[%dma_wait3A_1032] : memref<2560000xf32, #tpu.memory_space<hbm>> -> memref<10240xf32, #tpu.memory_space<hbm>>
        tpu.wait_dma2 semaphore(%arg22 : memref<!tpu.dma_semaphore, #tpu.memory_space<semaphore_mem>>) src(%dma_wait3A_1033 : memref<10240xf32, #tpu.memory_space<hbm>>) dst(%dma_wait3A_1031 : memref<10240xf32, #tpu.memory_space<vmem>>)
      } else {
      }
      %scan3A_626 = arith.constant 0 : i32
      %scan3A_627 = arith.constant 0 : i32
      %scan3A_628 = arith.constant 80 : i32
      %scan3A_629 = arith.addi %scan3A_627, %scan3A_628 : i32
      %scan3A_630 = arith.constant 2 : i32
      scf.for %scan3A_1023 = %scan3A_627 to %scan3A_629 step %scan3A_630  : i32 {
        %mul3A_1024 = arith.constant 8 : i32
        %mul3A_1025 = arith.muli %scan3A_1023, %mul3A_1024 : i32
        %get3A = arith.constant 0 : i32
        %get3A_1026 = arith.constant 0 : i32
        %get3A_1027 = arith.constant 0 : i32
        %get3A_1028 = tpu.memref_slice %arg14[%get3A, %get3A_1026, %get3A_1027] : memref<2x80x128xf32, #tpu.memory_space<vmem>> -> memref<1x80x128xf32, #tpu.memory_space<vmem>>
        %get3A_1029 = tpu.memref_squeeze %get3A_1028 : memref<1x80x128xf32, #tpu.memory_space<vmem>> -> memref<80x128xf32, #tpu.memory_space<vmem>>
        %get3A_1030 = arith.index_cast %scan3A_1023 : i32 to index
        %get3A_1031 = arith.constant 0 : index
        %get3A_1032 = tpu.vector_load %get3A_1029[%get3A_1030, %get3A_1031] {strides = array<i32>} : memref<80x128xf32, #tpu.memory_space<vmem>>, vector<16xf32>,
        %add3A_1033 = arith.constant 0 : i32
        %add3A_1034 = arith.addi %mul3A_1025, %add3A_1033 : i32
        %get3A_1035 = arith.constant 0 : i32
        %get3A_1036 = arith.constant 0 : i32
        %get3A_1037 = arith.constant 0 : i32
        %get3A_1038 = tpu.memref_slice %arg12[%get3A_1035, %get3A_1036, %get3A_1037] : memref<2x640x16xf32, #tpu.memory_space<vmem>> -> memref<1x640x16xf32, #tpu.memory_space<vmem>>
        %get3A_1039 = tpu.memref_squeeze %get3A_1038 : memref<1x640x16xf32, #tpu.memory_space<vmem>> -> memref<640x16xf32, #tpu.memory_space<vmem>>
        %get3A_1040 = arith.index_cast %add3A_1034 : i32 to index
        %get3A_1041 = arith.constant 0 : index
        %get3A_1042 = tpu.vector_load %get3A_1039[%get3A_1040, %get3A_1041] {strides = array<i32>} : memref<640x16xf32, #tpu.memory_space<vmem>>, vector<16xf32>,
        %add3A_1043 = arith.addf %get3A_1032, %get3A_1042 : vector<16xf32>
        %add3A_1044 = arith.constant 0 : i32
        %add3A_1045 = arith.addi %mul3A_1025, %add3A_1044 : i32
        %get3A_1046 = arith.constant 0 : i32
        %get3A_1047 = arith.constant 0 : i32
        %get3A_1048 = arith.constant 0 : i32
        %get3A_1049 = tpu.memref_slice %arg13[%get3A_1046, %get3A_1047, %get3A_1048] : memref<2x640x16xf32, #tpu.memory_space<vmem>> -> memref<1x640x16xf32, #tpu.memory_space<vmem>>
        %get3A_1050 = tpu.memref_squeeze %get3A_1049 : memref<1x640x16xf32, #tpu.memory_space<vmem>> -> memref<640x16xf32, #tpu.memory_space<vmem>>
        %get3A_1051 = arith.index_cast %add3A_1045 : i32 to index
        %get3A_1052 = arith.constant 0 : index
        %get3A_1053 = tpu.vector_load %get3A_1050[%get3A_1051, %get3A_1052] {strides = array<i32>} : memref<640x16xf32, #tpu.memory_space<vmem>>, vector<16xf32>,
        %add3A_1054 = arith.addf %add3A_1043, %get3A_1053 : vector<16xf32>
        %max3A = arith.constant 0.000000e+00 : f32
        %max3A_1055 = vector.broadcast %max3A : f32 to vector<16xf32>
        %max3A_1056 = arith.maximumf %add3A_1054, %max3A_1055 : vector<16xf32>
        %add3A_1057 = arith.constant 0 : i32
        %add3A_1058 = arith.addi %mul3A_1025, %add3A_1057 : i32
        %mul3A_1059 = arith.constant 16 : i32
        %mul3A_1060 = arith.muli %add3A_1058, %mul3A_1059 : i32
        %swap3A = arith.constant 0 : i32
        %swap3A_1061 = arith.constant 0 : i32
        %swap3A_1062 = tpu.memref_slice %arg15[%swap3A, %swap3A_1061] : memref<2x10240xf32, #tpu.memory_space<vmem>> -> memref<1x10240xf32, #tpu.memory_space<vmem>>
        %swap3A_1063 = tpu.memref_squeeze %swap3A_1062 : memref<1x10240xf32, #tpu.memory_space<vmem>> -> memref<10240xf32, #tpu.memory_space<vmem>>
        %swap3A_1064 = arith.index_cast %mul3A_1060 : i32 to index
        %swap3A_1065 = tpu.vector_load %swap3A_1063[%swap3A_1064] {strides = array<i32>} : memref<10240xf32, #tpu.memory_space<vmem>>, vector<16xf32>,
        tpu.vector_store %swap3A_1063[%swap3A_1064], %max3A_1056 {strides = array<i32>} : memref<10240xf32, #tpu.memory_space<vmem>>, vector<16xf32>,
        %get3A_1066 = arith.constant 0 : i32
        %get3A_1067 = arith.constant 0 : i32
        %get3A_1068 = arith.constant 0 : i32
        %get3A_1069 = tpu.memref_slice %arg14[%get3A_1066, %get3A_1067, %get3A_1068] : memref<2x80x128xf32, #tpu.memory_space<vmem>> -> memref<1x80x128xf32, #tpu.memory_space<vmem>>
        %get3A_1070 = tpu.memref_squeeze %get3A_1069 : memref<1x80x128xf32, #tpu.memory_space<vmem>> -> memref<80x128xf32, #tpu.memory_space<vmem>>
        %get3A_1071 = arith.index_cast %scan3A_1023 : i32 to index
        %get3A_1072 = arith.constant 16 : index
        %get3A_1073 = tpu.vector_load %get3A_1070[%get3A_1071, %get3A_1072] {strides = array<i32>} : memref<80x128xf32, #tpu.memory_space<vmem>>, vector<16xf32>,
        %add3A_1074 = arith.constant 1 : i32
        %add3A_1075 = arith.addi %mul3A_1025, %add3A_1074 : i32
        %get3A_1076 = arith.constant 0 : i32
        %get3A_1077 = arith.constant 0 : i32
        %get3A_1078 = arith.constant 0 : i32
        %get3A_1079 = tpu.memref_slice %arg12[%get3A_1076, %get3A_1077, %get3A_1078] : memref<2x640x16xf32, #tpu.memory_space<vmem>> -> memref<1x640x16xf32, #tpu.memory_space<vmem>>
        %get3A_1080 = tpu.memref_squeeze %get3A_1079 : memref<1x640x16xf32, #tpu.memory_space<vmem>> -> memref<640x16xf32, #tpu.memory_space<vmem>>
        %get3A_1081 = arith.index_cast %add3A_1075 : i32 to index
        %get3A_1082 = arith.constant 0 : index
        %get3A_1083 = tpu.vector_load %get3A_1080[%get3A_1081, %get3A_1082] {strides = array<i32>} : memref<640x16xf32, #tpu.memory_space<vmem>>, vector<16xf32>,
        %add3A_1084 = arith.addf %get3A_1073, %get3A_1083 : vector<16xf32>
        %add3A_1085 = arith.constant 1 : i32
        %add3A_1086 = arith.addi %mul3A_1025, %add3A_1085 : i32
        %get3A_1087 = arith.constant 0 : i32
        %get3A_1088 = arith.constant 0 : i32
        %get3A_1089 = arith.constant 0 : i32
        %get3A_1090 = tpu.memref_slice %arg13[%get3A_1087, %get3A_1088, %get3A_1089] : memref<2x640x16xf32, #tpu.memory_space<vmem>> -> memref<1x640x16xf32, #tpu.memory_space<vmem>>
        %get3A_1091 = tpu.memref_squeeze %get3A_1090 : memref<1x640x16xf32, #tpu.memory_space<vmem>> -> memref<640x16xf32, #tpu.memory_space<vmem>>
        %get3A_1092 = arith.index_cast %add3A_1086 : i32 to index
        %get3A_1093 = arith.constant 0 : index
        %get3A_1094 = tpu.vector_load %get3A_1091[%get3A_1092, %get3A_1093] {strides = array<i32>} : memref<640x16xf32, #tpu.memory_space<vmem>>, vector<16xf32>,
        %add3A_1095 = arith.addf %add3A_1084, %get3A_1094 : vector<16xf32>
        %max3A_1096 = arith.constant 0.000000e+00 : f32
        %max3A_1097 = vector.broadcast %max3A_1096 : f32 to vector<16xf32>
        %max3A_1098 = arith.maximumf %add3A_1095, %max3A_1097 : vector<16xf32>
        %add3A_1099 = arith.constant 1 : i32
        %add3A_1100 = arith.addi %mul3A_1025, %add3A_1099 : i32
        %mul3A_1101 = arith.constant 16 : i32
        %mul3A_1102 = arith.muli %add3A_1100, %mul3A_1101 : i32
        %swap3A_1103 = arith.constant 0 : i32
        %swap3A_1104 = arith.constant 0 : i32
        %swap3A_1105 = tpu.memref_slice %arg15[%swap3A_1103, %swap3A_1104] : memref<2x10240xf32, #tpu.memory_space<vmem>> -> memref<1x10240xf32, #tpu.memory_space<vmem>>
        %swap3A_1106 = tpu.memref_squeeze %swap3A_1105 : memref<1x10240xf32, #tpu.memory_space<vmem>> -> memref<10240xf32, #tpu.memory_space<vmem>>
        %swap3A_1107 = arith.index_cast %mul3A_1102 : i32 to index
        %swap3A_1108 = tpu.vector_load %swap3A_1106[%swap3A_1107] {strides = array<i32>} : memref<10240xf32, #tpu.memory_space<vmem>>, vector<16xf32>,
        tpu.vector_store %swap3A_1106[%swap3A_1107], %max3A_1098 {strides = array<i32>} : memref<10240xf32, #tpu.memory_space<vmem>>, vector<16xf32>,
        %get3A_1109 = arith.constant 0 : i32
        %get3A_1110 = arith.constant 0 : i32
        %get3A_1111 = arith.constant 0 : i32
        %get3A_1112 = tpu.memref_slice %arg14[%get3A_1109, %get3A_1110, %get3A_1111] : memref<2x80x128xf32, #tpu.memory_space<vmem>> -> memref<1x80x128xf32, #tpu.memory_space<vmem>>
        %get3A_1113 = tpu.memref_squeeze %get3A_1112 : memref<1x80x128xf32, #tpu.memory_space<vmem>> -> memref<80x128xf32, #tpu.memory_space<vmem>>
        %get3A_1114 = arith.index_cast %scan3A_1023 : i32 to index
        %get3A_1115 = arith.constant 32 : index
        %get3A_1116 = tpu.vector_load %get3A_1113[%get3A_1114, %get3A_1115] {strides = array<i32>} : memref<80x128xf32, #tpu.memory_space<vmem>>, vector<16xf32>,
        %add3A_1117 = arith.constant 2 : i32
        %add3A_1118 = arith.addi %mul3A_1025, %add3A_1117 : i32
        %get3A_1119 = arith.constant 0 : i32
        %get3A_1120 = arith.constant 0 : i32
        %get3A_1121 = arith.constant 0 : i32
        %get3A_1122 = tpu.memref_slice %arg12[%get3A_1119, %get3A_1120, %get3A_1121] : memref<2x640x16xf32, #tpu.memory_space<vmem>> -> memref<1x640x16xf32, #tpu.memory_space<vmem>>
        %get3A_1123 = tpu.memref_squeeze %get3A_1122 : memref<1x640x16xf32, #tpu.memory_space<vmem>> -> memref<640x16xf32, #tpu.memory_space<vmem>>
        %get3A_1124 = arith.index_cast %add3A_1118 : i32 to index
        %get3A_1125 = arith.constant 0 : index
        %get3A_1126 = tpu.vector_load %get3A_1123[%get3A_1124, %get3A_1125] {strides = array<i32>} : memref<640x16xf32, #tpu.memory_space<vmem>>, vector<16xf32>,
        %add3A_1127 = arith.addf %get3A_1116, %get3A_1126 : vector<16xf32>
        %add3A_1128 = arith.constant 2 : i32
        %add3A_1129 = arith.addi %mul3A_1025, %add3A_1128 : i32
        %get3A_1130 = arith.constant 0 : i32
        %get3A_1131 = arith.constant 0 : i32
        %get3A_1132 = arith.constant 0 : i32
        %get3A_1133 = tpu.memref_slice %arg13[%get3A_1130, %get3A_1131, %get3A_1132] : memref<2x640x16xf32, #tpu.memory_space<vmem>> -> memref<1x640x16xf32, #tpu.memory_space<vmem>>
        %get3A_1134 = tpu.memref_squeeze %get3A_1133 : memref<1x640x16xf32, #tpu.memory_space<vmem>> -> memref<640x16xf32, #tpu.memory_space<vmem>>
        %get3A_1135 = arith.index_cast %add3A_1129 : i32 to index
        %get3A_1136 = arith.constant 0 : index
        %get3A_1137 = tpu.vector_load %get3A_1134[%get3A_1135, %get3A_1136] {strides = array<i32>} : memref<640x16xf32, #tpu.memory_space<vmem>>, vector<16xf32>,
        %add3A_1138 = arith.addf %add3A_1127, %get3A_1137 : vector<16xf32>
        %max3A_1139 = arith.constant 0.000000e+00 : f32
        %max3A_1140 = vector.broadcast %max3A_1139 : f32 to vector<16xf32>
        %max3A_1141 = arith.maximumf %add3A_1138, %max3A_1140 : vector<16xf32>
        %add3A_1142 = arith.constant 2 : i32
        %add3A_1143 = arith.addi %mul3A_1025, %add3A_1142 : i32
        %mul3A_1144 = arith.constant 16 : i32
        %mul3A_1145 = arith.muli %add3A_1143, %mul3A_1144 : i32
        %swap3A_1146 = arith.constant 0 : i32
        %swap3A_1147 = arith.constant 0 : i32
        %swap3A_1148 = tpu.memref_slice %arg15[%swap3A_1146, %swap3A_1147] : memref<2x10240xf32, #tpu.memory_space<vmem>> -> memref<1x10240xf32, #tpu.memory_space<vmem>>
        %swap3A_1149 = tpu.memref_squeeze %swap3A_1148 : memref<1x10240xf32, #tpu.memory_space<vmem>> -> memref<10240xf32, #tpu.memory_space<vmem>>
        %swap3A_1150 = arith.index_cast %mul3A_1145 : i32 to index
        %swap3A_1151 = tpu.vector_load %swap3A_1149[%swap3A_1150] {strides = array<i32>} : memref<10240xf32, #tpu.memory_space<vmem>>, vector<16xf32>,
        tpu.vector_store %swap3A_1149[%swap3A_1150], %max3A_1141 {strides = array<i32>} : memref<10240xf32, #tpu.memory_space<vmem>>, vector<16xf32>,
        %get3A_1152 = arith.constant 0 : i32
        %get3A_1153 = arith.constant 0 : i32
        %get3A_1154 = arith.constant 0 : i32
        %get3A_1155 = tpu.memref_slice %arg14[%get3A_1152, %get3A_1153, %get3A_1154] : memref<2x80x128xf32, #tpu.memory_space<vmem>> -> memref<1x80x128xf32, #tpu.memory_space<vmem>>
        %get3A_1156 = tpu.memref_squeeze %get3A_1155 : memref<1x80x128xf32, #tpu.memory_space<vmem>> -> memref<80x128xf32, #tpu.memory_space<vmem>>
        %get3A_1157 = arith.index_cast %scan3A_1023 : i32 to index
        %get3A_1158 = arith.constant 48 : index
        %get3A_1159 = tpu.vector_load %get3A_1156[%get3A_1157, %get3A_1158] {strides = array<i32>} : memref<80x128xf32, #tpu.memory_space<vmem>>, vector<16xf32>,
        %add3A_1160 = arith.constant 3 : i32
        %add3A_1161 = arith.addi %mul3A_1025, %add3A_1160 : i32
        %get3A_1162 = arith.constant 0 : i32
        %get3A_1163 = arith.constant 0 : i32
        %get3A_1164 = arith.constant 0 : i32
        %get3A_1165 = tpu.memref_slice %arg12[%get3A_1162, %get3A_1163, %get3A_1164] : memref<2x640x16xf32, #tpu.memory_space<vmem>> -> memref<1x640x16xf32, #tpu.memory_space<vmem>>
        %get3A_1166 = tpu.memref_squeeze %get3A_1165 : memref<1x640x16xf32, #tpu.memory_space<vmem>> -> memref<640x16xf32, #tpu.memory_space<vmem>>
        %get3A_1167 = arith.index_cast %add3A_1161 : i32 to index
        %get3A_1168 = arith.constant 0 : index
        %get3A_1169 = tpu.vector_load %get3A_1166[%get3A_1167, %get3A_1168] {strides = array<i32>} : memref<640x16xf32, #tpu.memory_space<vmem>>, vector<16xf32>,
        %add3A_1170 = arith.addf %get3A_1159, %get3A_1169 : vector<16xf32>
        %add3A_1171 = arith.constant 3 : i32
        %add3A_1172 = arith.addi %mul3A_1025, %add3A_1171 : i32
        %get3A_1173 = arith.constant 0 : i32
        %get3A_1174 = arith.constant 0 : i32
        %get3A_1175 = arith.constant 0 : i32
        %get3A_1176 = tpu.memref_slice %arg13[%get3A_1173, %get3A_1174, %get3A_1175] : memref<2x640x16xf32, #tpu.memory_space<vmem>> -> memref<1x640x16xf32, #tpu.memory_space<vmem>>
        %get3A_1177 = tpu.memref_squeeze %get3A_1176 : memref<1x640x16xf32, #tpu.memory_space<vmem>> -> memref<640x16xf32, #tpu.memory_space<vmem>>
        %get3A_1178 = arith.index_cast %add3A_1172 : i32 to index
        %get3A_1179 = arith.constant 0 : index
        %get3A_1180 = tpu.vector_load %get3A_1177[%get3A_1178, %get3A_1179] {strides = array<i32>} : memref<640x16xf32, #tpu.memory_space<vmem>>, vector<16xf32>,
        %add3A_1181 = arith.addf %add3A_1170, %get3A_1180 : vector<16xf32>
        %max3A_1182 = arith.constant 0.000000e+00 : f32
        %max3A_1183 = vector.broadcast %max3A_1182 : f32 to vector<16xf32>
        %max3A_1184 = arith.maximumf %add3A_1181, %max3A_1183 : vector<16xf32>
        %add3A_1185 = arith.constant 3 : i32
        %add3A_1186 = arith.addi %mul3A_1025, %add3A_1185 : i32
        %mul3A_1187 = arith.constant 16 : i32
        %mul3A_1188 = arith.muli %add3A_1186, %mul3A_1187 : i32
        %swap3A_1189 = arith.constant 0 : i32
        %swap3A_1190 = arith.constant 0 : i32
        %swap3A_1191 = tpu.memref_slice %arg15[%swap3A_1189, %swap3A_1190] : memref<2x10240xf32, #tpu.memory_space<vmem>> -> memref<1x10240xf32, #tpu.memory_space<vmem>>
        %swap3A_1192 = tpu.memref_squeeze %swap3A_1191 : memref<1x10240xf32, #tpu.memory_space<vmem>> -> memref<10240xf32, #tpu.memory_space<vmem>>
        %swap3A_1193 = arith.index_cast %mul3A_1188 : i32 to index
        %swap3A_1194 = tpu.vector_load %swap3A_1192[%swap3A_1193] {strides = array<i32>} : memref<10240xf32, #tpu.memory_space<vmem>>, vector<16xf32>,
        tpu.vector_store %swap3A_1192[%swap3A_1193], %max3A_1184 {strides = array<i32>} : memref<10240xf32, #tpu.memory_space<vmem>>, vector<16xf32>,
        %get3A_1195 = arith.constant 0 : i32
        %get3A_1196 = arith.constant 0 : i32
        %get3A_1197 = arith.constant 0 : i32
        %get3A_1198 = tpu.memref_slice %arg14[%get3A_1195, %get3A_1196, %get3A_1197] : memref<2x80x128xf32, #tpu.memory_space<vmem>> -> memref<1x80x128xf32, #tpu.memory_space<vmem>>
        %get3A_1199 = tpu.memref_squeeze %get3A_1198 : memref<1x80x128xf32, #tpu.memory_space<vmem>> -> memref<80x128xf32, #tpu.memory_space<vmem>>
        %get3A_1200 = arith.index_cast %scan3A_1023 : i32 to index
        %get3A_1201 = arith.constant 64 : index
        %get3A_1202 = tpu.vector_load %get3A_1199[%get3A_1200, %get3A_1201] {strides = array<i32>} : memref<80x128xf32, #tpu.memory_space<vmem>>, vector<16xf32>,
        %add3A_1203 = arith.constant 4 : i32
        %add3A_1204 = arith.addi %mul3A_1025, %add3A_1203 : i32
        %get3A_1205 = arith.constant 0 : i32
        %get3A_1206 = arith.constant 0 : i32
        %get3A_1207 = arith.constant 0 : i32
        %get3A_1208 = tpu.memref_slice %arg12[%get3A_1205, %get3A_1206, %get3A_1207] : memref<2x640x16xf32, #tpu.memory_space<vmem>> -> memref<1x640x16xf32, #tpu.memory_space<vmem>>
        %get3A_1209 = tpu.memref_squeeze %get3A_1208 : memref<1x640x16xf32, #tpu.memory_space<vmem>> -> memref<640x16xf32, #tpu.memory_space<vmem>>
        %get3A_1210 = arith.index_cast %add3A_1204 : i32 to index
        %get3A_1211 = arith.constant 0 : index
        %get3A_1212 = tpu.vector_load %get3A_1209[%get3A_1210, %get3A_1211] {strides = array<i32>} : memref<640x16xf32, #tpu.memory_space<vmem>>, vector<16xf32>,
        %add3A_1213 = arith.addf %get3A_1202, %get3A_1212 : vector<16xf32>
        %add3A_1214 = arith.constant 4 : i32
        %add3A_1215 = arith.addi %mul3A_1025, %add3A_1214 : i32
        %get3A_1216 = arith.constant 0 : i32
        %get3A_1217 = arith.constant 0 : i32
        %get3A_1218 = arith.constant 0 : i32
        %get3A_1219 = tpu.memref_slice %arg13[%get3A_1216, %get3A_1217, %get3A_1218] : memref<2x640x16xf32, #tpu.memory_space<vmem>> -> memref<1x640x16xf32, #tpu.memory_space<vmem>>
        %get3A_1220 = tpu.memref_squeeze %get3A_1219 : memref<1x640x16xf32, #tpu.memory_space<vmem>> -> memref<640x16xf32, #tpu.memory_space<vmem>>
        %get3A_1221 = arith.index_cast %add3A_1215 : i32 to index
        %get3A_1222 = arith.constant 0 : index
        %get3A_1223 = tpu.vector_load %get3A_1220[%get3A_1221, %get3A_1222] {strides = array<i32>} : memref<640x16xf32, #tpu.memory_space<vmem>>, vector<16xf32>,
        %add3A_1224 = arith.addf %add3A_1213, %get3A_1223 : vector<16xf32>
        %max3A_1225 = arith.constant 0.000000e+00 : f32
        %max3A_1226 = vector.broadcast %max3A_1225 : f32 to vector<16xf32>
        %max3A_1227 = arith.maximumf %add3A_1224, %max3A_1226 : vector<16xf32>
        %add3A_1228 = arith.constant 4 : i32
        %add3A_1229 = arith.addi %mul3A_1025, %add3A_1228 : i32
        %mul3A_1230 = arith.constant 16 : i32
        %mul3A_1231 = arith.muli %add3A_1229, %mul3A_1230 : i32
        %swap3A_1232 = arith.constant 0 : i32
        %swap3A_1233 = arith.constant 0 : i32
        %swap3A_1234 = tpu.memref_slice %arg15[%swap3A_1232, %swap3A_1233] : memref<2x10240xf32, #tpu.memory_space<vmem>> -> memref<1x10240xf32, #tpu.memory_space<vmem>>
        %swap3A_1235 = tpu.memref_squeeze %swap3A_1234 : memref<1x10240xf32, #tpu.memory_space<vmem>> -> memref<10240xf32, #tpu.memory_space<vmem>>
        %swap3A_1236 = arith.index_cast %mul3A_1231 : i32 to index
        %swap3A_1237 = tpu.vector_load %swap3A_1235[%swap3A_1236] {strides = array<i32>} : memref<10240xf32, #tpu.memory_space<vmem>>, vector<16xf32>,
        tpu.vector_store %swap3A_1235[%swap3A_1236], %max3A_1227 {strides = array<i32>} : memref<10240xf32, #tpu.memory_space<vmem>>, vector<16xf32>,
        %get3A_1238 = arith.constant 0 : i32
        %get3A_1239 = arith.constant 0 : i32
        %get3A_1240 = arith.constant 0 : i32
        %get3A_1241 = tpu.memref_slice %arg14[%get3A_1238, %get3A_1239, %get3A_1240] : memref<2x80x128xf32, #tpu.memory_space<vmem>> -> memref<1x80x128xf32, #tpu.memory_space<vmem>>
        %get3A_1242 = tpu.memref_squeeze %get3A_1241 : memref<1x80x128xf32, #tpu.memory_space<vmem>> -> memref<80x128xf32, #tpu.memory_space<vmem>>
        %get3A_1243 = arith.index_cast %scan3A_1023 : i32 to index
        %get3A_1244 = arith.constant 80 : index
        %get3A_1245 = tpu.vector_load %get3A_1242[%get3A_1243, %get3A_1244] {strides = array<i32>} : memref<80x128xf32, #tpu.memory_space<vmem>>, vector<16xf32>,
        %add3A_1246 = arith.constant 5 : i32
        %add3A_1247 = arith.addi %mul3A_1025, %add3A_1246 : i32
        %get3A_1248 = arith.constant 0 : i32
        %get3A_1249 = arith.constant 0 : i32
        %get3A_1250 = arith.constant 0 : i32
        %get3A_1251 = tpu.memref_slice %arg12[%get3A_1248, %get3A_1249, %get3A_1250] : memref<2x640x16xf32, #tpu.memory_space<vmem>> -> memref<1x640x16xf32, #tpu.memory_space<vmem>>
        %get3A_1252 = tpu.memref_squeeze %get3A_1251 : memref<1x640x16xf32, #tpu.memory_space<vmem>> -> memref<640x16xf32, #tpu.memory_space<vmem>>
        %get3A_1253 = arith.index_cast %add3A_1247 : i32 to index
        %get3A_1254 = arith.constant 0 : index
        %get3A_1255 = tpu.vector_load %get3A_1252[%get3A_1253, %get3A_1254] {strides = array<i32>} : memref<640x16xf32, #tpu.memory_space<vmem>>, vector<16xf32>,
        %add3A_1256 = arith.addf %get3A_1245, %get3A_1255 : vector<16xf32>
        %add3A_1257 = arith.constant 5 : i32
        %add3A_1258 = arith.addi %mul3A_1025, %add3A_1257 : i32
        %get3A_1259 = arith.constant 0 : i32
        %get3A_1260 = arith.constant 0 : i32
        %get3A_1261 = arith.constant 0 : i32
        %get3A_1262 = tpu.memref_slice %arg13[%get3A_1259, %get3A_1260, %get3A_1261] : memref<2x640x16xf32, #tpu.memory_space<vmem>> -> memref<1x640x16xf32, #tpu.memory_space<vmem>>
        %get3A_1263 = tpu.memref_squeeze %get3A_1262 : memref<1x640x16xf32, #tpu.memory_space<vmem>> -> memref<640x16xf32, #tpu.memory_space<vmem>>
        %get3A_1264 = arith.index_cast %add3A_1258 : i32 to index
        %get3A_1265 = arith.constant 0 : index
        %get3A_1266 = tpu.vector_load %get3A_1263[%get3A_1264, %get3A_1265] {strides = array<i32>} : memref<640x16xf32, #tpu.memory_space<vmem>>, vector<16xf32>,
        %add3A_1267 = arith.addf %add3A_1256, %get3A_1266 : vector<16xf32>
        %max3A_1268 = arith.constant 0.000000e+00 : f32
        %max3A_1269 = vector.broadcast %max3A_1268 : f32 to vector<16xf32>
        %max3A_1270 = arith.maximumf %add3A_1267, %max3A_1269 : vector<16xf32>
        %add3A_1271 = arith.constant 5 : i32
        %add3A_1272 = arith.addi %mul3A_1025, %add3A_1271 : i32
        %mul3A_1273 = arith.constant 16 : i32
        %mul3A_1274 = arith.muli %add3A_1272, %mul3A_1273 : i32
        %swap3A_1275 = arith.constant 0 : i32
        %swap3A_1276 = arith.constant 0 : i32
        %swap3A_1277 = tpu.memref_slice %arg15[%swap3A_1275, %swap3A_1276] : memref<2x10240xf32, #tpu.memory_space<vmem>> -> memref<1x10240xf32, #tpu.memory_space<vmem>>
        %swap3A_1278 = tpu.memref_squeeze %swap3A_1277 : memref<1x10240xf32, #tpu.memory_space<vmem>> -> memref<10240xf32, #tpu.memory_space<vmem>>
        %swap3A_1279 = arith.index_cast %mul3A_1274 : i32 to index
        %swap3A_1280 = tpu.vector_load %swap3A_1278[%swap3A_1279] {strides = array<i32>} : memref<10240xf32, #tpu.memory_space<vmem>>, vector<16xf32>,
        tpu.vector_store %swap3A_1278[%swap3A_1279], %max3A_1270 {strides = array<i32>} : memref<10240xf32, #tpu.memory_space<vmem>>, vector<16xf32>,
        %get3A_1281 = arith.constant 0 : i32
        %get3A_1282 = arith.constant 0 : i32
        %get3A_1283 = arith.constant 0 : i32
        %get3A_1284 = tpu.memref_slice %arg14[%get3A_1281, %get3A_1282, %get3A_1283] : memref<2x80x128xf32, #tpu.memory_space<vmem>> -> memref<1x80x128xf32, #tpu.memory_space<vmem>>
        %get3A_1285 = tpu.memref_squeeze %get3A_1284 : memref<1x80x128xf32, #tpu.memory_space<vmem>> -> memref<80x128xf32, #tpu.memory_space<vmem>>
        %get3A_1286 = arith.index_cast %scan3A_1023 : i32 to index
        %get3A_1287 = arith.constant 96 : index
        %get3A_1288 = tpu.vector_load %get3A_1285[%get3A_1286, %get3A_1287] {strides = array<i32>} : memref<80x128xf32, #tpu.memory_space<vmem>>, vector<16xf32>,
        %add3A_1289 = arith.constant 6 : i32
        %add3A_1290 = arith.addi %mul3A_1025, %add3A_1289 : i32
        %get3A_1291 = arith.constant 0 : i32
        %get3A_1292 = arith.constant 0 : i32
        %get3A_1293 = arith.constant 0 : i32
        %get3A_1294 = tpu.memref_slice %arg12[%get3A_1291, %get3A_1292, %get3A_1293] : memref<2x640x16xf32, #tpu.memory_space<vmem>> -> memref<1x640x16xf32, #tpu.memory_space<vmem>>
        %get3A_1295 = tpu.memref_squeeze %get3A_1294 : memref<1x640x16xf32, #tpu.memory_space<vmem>> -> memref<640x16xf32, #tpu.memory_space<vmem>>
        %get3A_1296 = arith.index_cast %add3A_1290 : i32 to index
        %get3A_1297 = arith.constant 0 : index
        %get3A_1298 = tpu.vector_load %get3A_1295[%get3A_1296, %get3A_1297] {strides = array<i32>} : memref<640x16xf32, #tpu.memory_space<vmem>>, vector<16xf32>,
        %add3A_1299 = arith.addf %get3A_1288, %get3A_1298 : vector<16xf32>
        %add3A_1300 = arith.constant 6 : i32
        %add3A_1301 = arith.addi %mul3A_1025, %add3A_1300 : i32
        %get3A_1302 = arith.constant 0 : i32
        %get3A_1303 = arith.constant 0 : i32
        %get3A_1304 = arith.constant 0 : i32
        %get3A_1305 = tpu.memref_slice %arg13[%get3A_1302, %get3A_1303, %get3A_1304] : memref<2x640x16xf32, #tpu.memory_space<vmem>> -> memref<1x640x16xf32, #tpu.memory_space<vmem>>
        %get3A_1306 = tpu.memref_squeeze %get3A_1305 : memref<1x640x16xf32, #tpu.memory_space<vmem>> -> memref<640x16xf32, #tpu.memory_space<vmem>>
        %get3A_1307 = arith.index_cast %add3A_1301 : i32 to index
        %get3A_1308 = arith.constant 0 : index
        %get3A_1309 = tpu.vector_load %get3A_1306[%get3A_1307, %get3A_1308] {strides = array<i32>} : memref<640x16xf32, #tpu.memory_space<vmem>>, vector<16xf32>,
        %add3A_1310 = arith.addf %add3A_1299, %get3A_1309 : vector<16xf32>
        %max3A_1311 = arith.constant 0.000000e+00 : f32
        %max3A_1312 = vector.broadcast %max3A_1311 : f32 to vector<16xf32>
        %max3A_1313 = arith.maximumf %add3A_1310, %max3A_1312 : vector<16xf32>
        %add3A_1314 = arith.constant 6 : i32
        %add3A_1315 = arith.addi %mul3A_1025, %add3A_1314 : i32
        %mul3A_1316 = arith.constant 16 : i32
        %mul3A_1317 = arith.muli %add3A_1315, %mul3A_1316 : i32
        %swap3A_1318 = arith.constant 0 : i32
        %swap3A_1319 = arith.constant 0 : i32
        %swap3A_1320 = tpu.memref_slice %arg15[%swap3A_1318, %swap3A_1319] : memref<2x10240xf32, #tpu.memory_space<vmem>> -> memref<1x10240xf32, #tpu.memory_space<vmem>>
        %swap3A_1321 = tpu.memref_squeeze %swap3A_1320 : memref<1x10240xf32, #tpu.memory_space<vmem>> -> memref<10240xf32, #tpu.memory_space<vmem>>
        %swap3A_1322 = arith.index_cast %mul3A_1317 : i32 to index
        %swap3A_1323 = tpu.vector_load %swap3A_1321[%swap3A_1322] {strides = array<i32>} : memref<10240xf32, #tpu.memory_space<vmem>>, vector<16xf32>,
        tpu.vector_store %swap3A_1321[%swap3A_1322], %max3A_1313 {strides = array<i32>} : memref<10240xf32, #tpu.memory_space<vmem>>, vector<16xf32>,
        %get3A_1324 = arith.constant 0 : i32
        %get3A_1325 = arith.constant 0 : i32
        %get3A_1326 = arith.constant 0 : i32
        %get3A_1327 = tpu.memref_slice %arg14[%get3A_1324, %get3A_1325, %get3A_1326] : memref<2x80x128xf32, #tpu.memory_space<vmem>> -> memref<1x80x128xf32, #tpu.memory_space<vmem>>
        %get3A_1328 = tpu.memref_squeeze %get3A_1327 : memref<1x80x128xf32, #tpu.memory_space<vmem>> -> memref<80x128xf32, #tpu.memory_space<vmem>>
        %get3A_1329 = arith.index_cast %scan3A_1023 : i32 to index
        %get3A_1330 = arith.constant 112 : index
        %get3A_1331 = tpu.vector_load %get3A_1328[%get3A_1329, %get3A_1330] {strides = array<i32>} : memref<80x128xf32, #tpu.memory_space<vmem>>, vector<16xf32>,
        %add3A_1332 = arith.constant 7 : i32
        %add3A_1333 = arith.addi %mul3A_1025, %add3A_1332 : i32
        %get3A_1334 = arith.constant 0 : i32
        %get3A_1335 = arith.constant 0 : i32
        %get3A_1336 = arith.constant 0 : i32
        %get3A_1337 = tpu.memref_slice %arg12[%get3A_1334, %get3A_1335, %get3A_1336] : memref<2x640x16xf32, #tpu.memory_space<vmem>> -> memref<1x640x16xf32, #tpu.memory_space<vmem>>
        %get3A_1338 = tpu.memref_squeeze %get3A_1337 : memref<1x640x16xf32, #tpu.memory_space<vmem>> -> memref<640x16xf32, #tpu.memory_space<vmem>>
        %get3A_1339 = arith.index_cast %add3A_1333 : i32 to index
        %get3A_1340 = arith.constant 0 : index
        %get3A_1341 = tpu.vector_load %get3A_1338[%get3A_1339, %get3A_1340] {strides = array<i32>} : memref<640x16xf32, #tpu.memory_space<vmem>>, vector<16xf32>,
        %add3A_1342 = arith.addf %get3A_1331, %get3A_1341 : vector<16xf32>
        %add3A_1343 = arith.constant 7 : i32
        %add3A_1344 = arith.addi %mul3A_1025, %add3A_1343 : i32
        %get3A_1345 = arith.constant 0 : i32
        %get3A_1346 = arith.constant 0 : i32
        %get3A_1347 = arith.constant 0 : i32
        %get3A_1348 = tpu.memref_slice %arg13[%get3A_1345, %get3A_1346, %get3A_1347] : memref<2x640x16xf32, #tpu.memory_space<vmem>> -> memref<1x640x16xf32, #tpu.memory_space<vmem>>
        %get3A_1349 = tpu.memref_squeeze %get3A_1348 : memref<1x640x16xf32, #tpu.memory_space<vmem>> -> memref<640x16xf32, #tpu.memory_space<vmem>>
        %get3A_1350 = arith.index_cast %add3A_1344 : i32 to index
        %get3A_1351 = arith.constant 0 : index
        %get3A_1352 = tpu.vector_load %get3A_1349[%get3A_1350, %get3A_1351] {strides = array<i32>} : memref<640x16xf32, #tpu.memory_space<vmem>>, vector<16xf32>,
        %add3A_1353 = arith.addf %add3A_1342, %get3A_1352 : vector<16xf32>
        %max3A_1354 = arith.constant 0.000000e+00 : f32
        %max3A_1355 = vector.broadcast %max3A_1354 : f32 to vector<16xf32>
        %max3A_1356 = arith.maximumf %add3A_1353, %max3A_1355 : vector<16xf32>
        %add3A_1357 = arith.constant 7 : i32
        %add3A_1358 = arith.addi %mul3A_1025, %add3A_1357 : i32
        %mul3A_1359 = arith.constant 16 : i32
        %mul3A_1360 = arith.muli %add3A_1358, %mul3A_1359 : i32
        %swap3A_1361 = arith.constant 0 : i32
        %swap3A_1362 = arith.constant 0 : i32
        %swap3A_1363 = tpu.memref_slice %arg15[%swap3A_1361, %swap3A_1362] : memref<2x10240xf32, #tpu.memory_space<vmem>> -> memref<1x10240xf32, #tpu.memory_space<vmem>>
        %swap3A_1364 = tpu.memref_squeeze %swap3A_1363 : memref<1x10240xf32, #tpu.memory_space<vmem>> -> memref<10240xf32, #tpu.memory_space<vmem>>
        %swap3A_1365 = arith.index_cast %mul3A_1360 : i32 to index
        %swap3A_1366 = tpu.vector_load %swap3A_1364[%swap3A_1365] {strides = array<i32>} : memref<10240xf32, #tpu.memory_space<vmem>>, vector<16xf32>,
        tpu.vector_store %swap3A_1364[%swap3A_1365], %max3A_1356 {strides = array<i32>} : memref<10240xf32, #tpu.memory_space<vmem>>, vector<16xf32>,
        %scan3A_1367 = arith.constant 1 : i32
        %scan3A_1368 = arith.addi %scan3A_1023, %scan3A_1367 : i32
        %mul3A_1369 = arith.constant 8 : i32
        %mul3A_1370 = arith.muli %scan3A_1368, %mul3A_1369 : i32
        %get3A_1371 = arith.constant 0 : i32
        %get3A_1372 = arith.constant 0 : i32
        %get3A_1373 = arith.constant 0 : i32
        %get3A_1374 = tpu.memref_slice %arg14[%get3A_1371, %get3A_1372, %get3A_1373] : memref<2x80x128xf32, #tpu.memory_space<vmem>> -> memref<1x80x128xf32, #tpu.memory_space<vmem>>
        %get3A_1375 = tpu.memref_squeeze %get3A_1374 : memref<1x80x128xf32, #tpu.memory_space<vmem>> -> memref<80x128xf32, #tpu.memory_space<vmem>>
        %get3A_1376 = arith.index_cast %scan3A_1368 : i32 to index
        %get3A_1377 = arith.constant 0 : index
        %get3A_1378 = tpu.vector_load %get3A_1375[%get3A_1376, %get3A_1377] {strides = array<i32>} : memref<80x128xf32, #tpu.memory_space<vmem>>, vector<16xf32>,
        %add3A_1379 = arith.constant 0 : i32
        %add3A_1380 = arith.addi %mul3A_1370, %add3A_1379 : i32
        %get3A_1381 = arith.constant 0 : i32
        %get3A_1382 = arith.constant 0 : i32
        %get3A_1383 = arith.constant 0 : i32
        %get3A_1384 = tpu.memref_slice %arg12[%get3A_1381, %get3A_1382, %get3A_1383] : memref<2x640x16xf32, #tpu.memory_space<vmem>> -> memref<1x640x16xf32, #tpu.memory_space<vmem>>
        %get3A_1385 = tpu.memref_squeeze %get3A_1384 : memref<1x640x16xf32, #tpu.memory_space<vmem>> -> memref<640x16xf32, #tpu.memory_space<vmem>>
        %get3A_1386 = arith.index_cast %add3A_1380 : i32 to index
        %get3A_1387 = arith.constant 0 : index
        %get3A_1388 = tpu.vector_load %get3A_1385[%get3A_1386, %get3A_1387] {strides = array<i32>} : memref<640x16xf32, #tpu.memory_space<vmem>>, vector<16xf32>,
        %add3A_1389 = arith.addf %get3A_1378, %get3A_1388 : vector<16xf32>
        %add3A_1390 = arith.constant 0 : i32
        %add3A_1391 = arith.addi %mul3A_1370, %add3A_1390 : i32
        %get3A_1392 = arith.constant 0 : i32
        %get3A_1393 = arith.constant 0 : i32
        %get3A_1394 = arith.constant 0 : i32
        %get3A_1395 = tpu.memref_slice %arg13[%get3A_1392, %get3A_1393, %get3A_1394] : memref<2x640x16xf32, #tpu.memory_space<vmem>> -> memref<1x640x16xf32, #tpu.memory_space<vmem>>
        %get3A_1396 = tpu.memref_squeeze %get3A_1395 : memref<1x640x16xf32, #tpu.memory_space<vmem>> -> memref<640x16xf32, #tpu.memory_space<vmem>>
        %get3A_1397 = arith.index_cast %add3A_1391 : i32 to index
        %get3A_1398 = arith.constant 0 : index
        %get3A_1399 = tpu.vector_load %get3A_1396[%get3A_1397, %get3A_1398] {strides = array<i32>} : memref<640x16xf32, #tpu.memory_space<vmem>>, vector<16xf32>,
        %add3A_1400 = arith.addf %add3A_1389, %get3A_1399 : vector<16xf32>
        %max3A_1401 = arith.constant 0.000000e+00 : f32
        %max3A_1402 = vector.broadcast %max3A_1401 : f32 to vector<16xf32>
        %max3A_1403 = arith.maximumf %add3A_1400, %max3A_1402 : vector<16xf32>
        %add3A_1404 = arith.constant 0 : i32
        %add3A_1405 = arith.addi %mul3A_1370, %add3A_1404 : i32
        %mul3A_1406 = arith.constant 16 : i32
        %mul3A_1407 = arith.muli %add3A_1405, %mul3A_1406 : i32
        %swap3A_1408 = arith.constant 0 : i32
        %swap3A_1409 = arith.constant 0 : i32
        %swap3A_1410 = tpu.memref_slice %arg15[%swap3A_1408, %swap3A_1409] : memref<2x10240xf32, #tpu.memory_space<vmem>> -> memref<1x10240xf32, #tpu.memory_space<vmem>>
        %swap3A_1411 = tpu.memref_squeeze %swap3A_1410 : memref<1x10240xf32, #tpu.memory_space<vmem>> -> memref<10240xf32, #tpu.memory_space<vmem>>
        %swap3A_1412 = arith.index_cast %mul3A_1407 : i32 to index
        %swap3A_1413 = tpu.vector_load %swap3A_1411[%swap3A_1412] {strides = array<i32>} : memref<10240xf32, #tpu.memory_space<vmem>>, vector<16xf32>,
        tpu.vector_store %swap3A_1411[%swap3A_1412], %max3A_1403 {strides = array<i32>} : memref<10240xf32, #tpu.memory_space<vmem>>, vector<16xf32>,
        %get3A_1414 = arith.constant 0 : i32
        %get3A_1415 = arith.constant 0 : i32
        %get3A_1416 = arith.constant 0 : i32
        %get3A_1417 = tpu.memref_slice %arg14[%get3A_1414, %get3A_1415, %get3A_1416] : memref<2x80x128xf32, #tpu.memory_space<vmem>> -> memref<1x80x128xf32, #tpu.memory_space<vmem>>
        %get3A_1418 = tpu.memref_squeeze %get3A_1417 : memref<1x80x128xf32, #tpu.memory_space<vmem>> -> memref<80x128xf32, #tpu.memory_space<vmem>>
        %get3A_1419 = arith.index_cast %scan3A_1368 : i32 to index
        %get3A_1420 = arith.constant 16 : index
        %get3A_1421 = tpu.vector_load %get3A_1418[%get3A_1419, %get3A_1420] {strides = array<i32>} : memref<80x128xf32, #tpu.memory_space<vmem>>, vector<16xf32>,
        %add3A_1422 = arith.constant 1 : i32
        %add3A_1423 = arith.addi %mul3A_1370, %add3A_1422 : i32
        %get3A_1424 = arith.constant 0 : i32
        %get3A_1425 = arith.constant 0 : i32
        %get3A_1426 = arith.constant 0 : i32
        %get3A_1427 = tpu.memref_slice %arg12[%get3A_1424, %get3A_1425, %get3A_1426] : memref<2x640x16xf32, #tpu.memory_space<vmem>> -> memref<1x640x16xf32, #tpu.memory_space<vmem>>
        %get3A_1428 = tpu.memref_squeeze %get3A_1427 : memref<1x640x16xf32, #tpu.memory_space<vmem>> -> memref<640x16xf32, #tpu.memory_space<vmem>>
        %get3A_1429 = arith.index_cast %add3A_1423 : i32 to index
        %get3A_1430 = arith.constant 0 : index
        %get3A_1431 = tpu.vector_load %get3A_1428[%get3A_1429, %get3A_1430] {strides = array<i32>} : memref<640x16xf32, #tpu.memory_space<vmem>>, vector<16xf32>,
        %add3A_1432 = arith.addf %get3A_1421, %get3A_1431 : vector<16xf32>
        %add3A_1433 = arith.constant 1 : i32
        %add3A_1434 = arith.addi %mul3A_1370, %add3A_1433 : i32
        %get3A_1435 = arith.constant 0 : i32
        %get3A_1436 = arith.constant 0 : i32
        %get3A_1437 = arith.constant 0 : i32
        %get3A_1438 = tpu.memref_slice %arg13[%get3A_1435, %get3A_1436, %get3A_1437] : memref<2x640x16xf32, #tpu.memory_space<vmem>> -> memref<1x640x16xf32, #tpu.memory_space<vmem>>
        %get3A_1439 = tpu.memref_squeeze %get3A_1438 : memref<1x640x16xf32, #tpu.memory_space<vmem>> -> memref<640x16xf32, #tpu.memory_space<vmem>>
        %get3A_1440 = arith.index_cast %add3A_1434 : i32 to index
        %get3A_1441 = arith.constant 0 : index
        %get3A_1442 = tpu.vector_load %get3A_1439[%get3A_1440, %get3A_1441] {strides = array<i32>} : memref<640x16xf32, #tpu.memory_space<vmem>>, vector<16xf32>,
        %add3A_1443 = arith.addf %add3A_1432, %get3A_1442 : vector<16xf32>
        %max3A_1444 = arith.constant 0.000000e+00 : f32
        %max3A_1445 = vector.broadcast %max3A_1444 : f32 to vector<16xf32>
        %max3A_1446 = arith.maximumf %add3A_1443, %max3A_1445 : vector<16xf32>
        %add3A_1447 = arith.constant 1 : i32
        %add3A_1448 = arith.addi %mul3A_1370, %add3A_1447 : i32
        %mul3A_1449 = arith.constant 16 : i32
        %mul3A_1450 = arith.muli %add3A_1448, %mul3A_1449 : i32
        %swap3A_1451 = arith.constant 0 : i32
        %swap3A_1452 = arith.constant 0 : i32
        %swap3A_1453 = tpu.memref_slice %arg15[%swap3A_1451, %swap3A_1452] : memref<2x10240xf32, #tpu.memory_space<vmem>> -> memref<1x10240xf32, #tpu.memory_space<vmem>>
        %swap3A_1454 = tpu.memref_squeeze %swap3A_1453 : memref<1x10240xf32, #tpu.memory_space<vmem>> -> memref<10240xf32, #tpu.memory_space<vmem>>
        %swap3A_1455 = arith.index_cast %mul3A_1450 : i32 to index
        %swap3A_1456 = tpu.vector_load %swap3A_1454[%swap3A_1455] {strides = array<i32>} : memref<10240xf32, #tpu.memory_space<vmem>>, vector<16xf32>,
        tpu.vector_store %swap3A_1454[%swap3A_1455], %max3A_1446 {strides = array<i32>} : memref<10240xf32, #tpu.memory_space<vmem>>, vector<16xf32>,
        %get3A_1457 = arith.constant 0 : i32
        %get3A_1458 = arith.constant 0 : i32
        %get3A_1459 = arith.constant 0 : i32
        %get3A_1460 = tpu.memref_slice %arg14[%get3A_1457, %get3A_1458, %get3A_1459] : memref<2x80x128xf32, #tpu.memory_space<vmem>> -> memref<1x80x128xf32, #tpu.memory_space<vmem>>
        %get3A_1461 = tpu.memref_squeeze %get3A_1460 : memref<1x80x128xf32, #tpu.memory_space<vmem>> -> memref<80x128xf32, #tpu.memory_space<vmem>>
        %get3A_1462 = arith.index_cast %scan3A_1368 : i32 to index
        %get3A_1463 = arith.constant 32 : index
        %get3A_1464 = tpu.vector_load %get3A_1461[%get3A_1462, %get3A_1463] {strides = array<i32>} : memref<80x128xf32, #tpu.memory_space<vmem>>, vector<16xf32>,
        %add3A_1465 = arith.constant 2 : i32
        %add3A_1466 = arith.addi %mul3A_1370, %add3A_1465 : i32
        %get3A_1467 = arith.constant 0 : i32
        %get3A_1468 = arith.constant 0 : i32
        %get3A_1469 = arith.constant 0 : i32
        %get3A_1470 = tpu.memref_slice %arg12[%get3A_1467, %get3A_1468, %get3A_1469] : memref<2x640x16xf32, #tpu.memory_space<vmem>> -> memref<1x640x16xf32, #tpu.memory_space<vmem>>
        %get3A_1471 = tpu.memref_squeeze %get3A_1470 : memref<1x640x16xf32, #tpu.memory_space<vmem>> -> memref<640x16xf32, #tpu.memory_space<vmem>>
        %get3A_1472 = arith.index_cast %add3A_1466 : i32 to index
        %get3A_1473 = arith.constant 0 : index
        %get3A_1474 = tpu.vector_load %get3A_1471[%get3A_1472, %get3A_1473] {strides = array<i32>} : memref<640x16xf32, #tpu.memory_space<vmem>>, vector<16xf32>,
        %add3A_1475 = arith.addf %get3A_1464, %get3A_1474 : vector<16xf32>
        %add3A_1476 = arith.constant 2 : i32
        %add3A_1477 = arith.addi %mul3A_1370, %add3A_1476 : i32
        %get3A_1478 = arith.constant 0 : i32
        %get3A_1479 = arith.constant 0 : i32
        %get3A_1480 = arith.constant 0 : i32
        %get3A_1481 = tpu.memref_slice %arg13[%get3A_1478, %get3A_1479, %get3A_1480] : memref<2x640x16xf32, #tpu.memory_space<vmem>> -> memref<1x640x16xf32, #tpu.memory_space<vmem>>
        %get3A_1482 = tpu.memref_squeeze %get3A_1481 : memref<1x640x16xf32, #tpu.memory_space<vmem>> -> memref<640x16xf32, #tpu.memory_space<vmem>>
        %get3A_1483 = arith.index_cast %add3A_1477 : i32 to index
        %get3A_1484 = arith.constant 0 : index
        %get3A_1485 = tpu.vector_load %get3A_1482[%get3A_1483, %get3A_1484] {strides = array<i32>} : memref<640x16xf32, #tpu.memory_space<vmem>>, vector<16xf32>,
        %add3A_1486 = arith.addf %add3A_1475, %get3A_1485 : vector<16xf32>
        %max3A_1487 = arith.constant 0.000000e+00 : f32
        %max3A_1488 = vector.broadcast %max3A_1487 : f32 to vector<16xf32>
        %max3A_1489 = arith.maximumf %add3A_1486, %max3A_1488 : vector<16xf32>
        %add3A_1490 = arith.constant 2 : i32
        %add3A_1491 = arith.addi %mul3A_1370, %add3A_1490 : i32
        %mul3A_1492 = arith.constant 16 : i32
        %mul3A_1493 = arith.muli %add3A_1491, %mul3A_1492 : i32
        %swap3A_1494 = arith.constant 0 : i32
        %swap3A_1495 = arith.constant 0 : i32
        %swap3A_1496 = tpu.memref_slice %arg15[%swap3A_1494, %swap3A_1495] : memref<2x10240xf32, #tpu.memory_space<vmem>> -> memref<1x10240xf32, #tpu.memory_space<vmem>>
        %swap3A_1497 = tpu.memref_squeeze %swap3A_1496 : memref<1x10240xf32, #tpu.memory_space<vmem>> -> memref<10240xf32, #tpu.memory_space<vmem>>
        %swap3A_1498 = arith.index_cast %mul3A_1493 : i32 to index
        %swap3A_1499 = tpu.vector_load %swap3A_1497[%swap3A_1498] {strides = array<i32>} : memref<10240xf32, #tpu.memory_space<vmem>>, vector<16xf32>,
        tpu.vector_store %swap3A_1497[%swap3A_1498], %max3A_1489 {strides = array<i32>} : memref<10240xf32, #tpu.memory_space<vmem>>, vector<16xf32>,
        %get3A_1500 = arith.constant 0 : i32
        %get3A_1501 = arith.constant 0 : i32
        %get3A_1502 = arith.constant 0 : i32
        %get3A_1503 = tpu.memref_slice %arg14[%get3A_1500, %get3A_1501, %get3A_1502] : memref<2x80x128xf32, #tpu.memory_space<vmem>> -> memref<1x80x128xf32, #tpu.memory_space<vmem>>
        %get3A_1504 = tpu.memref_squeeze %get3A_1503 : memref<1x80x128xf32, #tpu.memory_space<vmem>> -> memref<80x128xf32, #tpu.memory_space<vmem>>
        %get3A_1505 = arith.index_cast %scan3A_1368 : i32 to index
        %get3A_1506 = arith.constant 48 : index
        %get3A_1507 = tpu.vector_load %get3A_1504[%get3A_1505, %get3A_1506] {strides = array<i32>} : memref<80x128xf32, #tpu.memory_space<vmem>>, vector<16xf32>,
        %add3A_1508 = arith.constant 3 : i32
        %add3A_1509 = arith.addi %mul3A_1370, %add3A_1508 : i32
        %get3A_1510 = arith.constant 0 : i32
        %get3A_1511 = arith.constant 0 : i32
        %get3A_1512 = arith.constant 0 : i32
        %get3A_1513 = tpu.memref_slice %arg12[%get3A_1510, %get3A_1511, %get3A_1512] : memref<2x640x16xf32, #tpu.memory_space<vmem>> -> memref<1x640x16xf32, #tpu.memory_space<vmem>>
        %get3A_1514 = tpu.memref_squeeze %get3A_1513 : memref<1x640x16xf32, #tpu.memory_space<vmem>> -> memref<640x16xf32, #tpu.memory_space<vmem>>
        %get3A_1515 = arith.index_cast %add3A_1509 : i32 to index
        %get3A_1516 = arith.constant 0 : index
        %get3A_1517 = tpu.vector_load %get3A_1514[%get3A_1515, %get3A_1516] {strides = array<i32>} : memref<640x16xf32, #tpu.memory_space<vmem>>, vector<16xf32>,
        %add3A_1518 = arith.addf %get3A_1507, %get3A_1517 : vector<16xf32>
        %add3A_1519 = arith.constant 3 : i32
        %add3A_1520 = arith.addi %mul3A_1370, %add3A_1519 : i32
        %get3A_1521 = arith.constant 0 : i32
        %get3A_1522 = arith.constant 0 : i32
        %get3A_1523 = arith.constant 0 : i32
        %get3A_1524 = tpu.memref_slice %arg13[%get3A_1521, %get3A_1522, %get3A_1523] : memref<2x640x16xf32, #tpu.memory_space<vmem>> -> memref<1x640x16xf32, #tpu.memory_space<vmem>>
        %get3A_1525 = tpu.memref_squeeze %get3A_1524 : memref<1x640x16xf32, #tpu.memory_space<vmem>> -> memref<640x16xf32, #tpu.memory_space<vmem>>
        %get3A_1526 = arith.index_cast %add3A_1520 : i32 to index
        %get3A_1527 = arith.constant 0 : index
        %get3A_1528 = tpu.vector_load %get3A_1525[%get3A_1526, %get3A_1527] {strides = array<i32>} : memref<640x16xf32, #tpu.memory_space<vmem>>, vector<16xf32>,
        %add3A_1529 = arith.addf %add3A_1518, %get3A_1528 : vector<16xf32>
        %max3A_1530 = arith.constant 0.000000e+00 : f32
        %max3A_1531 = vector.broadcast %max3A_1530 : f32 to vector<16xf32>
        %max3A_1532 = arith.maximumf %add3A_1529, %max3A_1531 : vector<16xf32>
        %add3A_1533 = arith.constant 3 : i32
        %add3A_1534 = arith.addi %mul3A_1370, %add3A_1533 : i32
        %mul3A_1535 = arith.constant 16 : i32
        %mul3A_1536 = arith.muli %add3A_1534, %mul3A_1535 : i32
        %swap3A_1537 = arith.constant 0 : i32
        %swap3A_1538 = arith.constant 0 : i32
        %swap3A_1539 = tpu.memref_slice %arg15[%swap3A_1537, %swap3A_1538] : memref<2x10240xf32, #tpu.memory_space<vmem>> -> memref<1x10240xf32, #tpu.memory_space<vmem>>
        %swap3A_1540 = tpu.memref_squeeze %swap3A_1539 : memref<1x10240xf32, #tpu.memory_space<vmem>> -> memref<10240xf32, #tpu.memory_space<vmem>>
        %swap3A_1541 = arith.index_cast %mul3A_1536 : i32 to index
        %swap3A_1542 = tpu.vector_load %swap3A_1540[%swap3A_1541] {strides = array<i32>} : memref<10240xf32, #tpu.memory_space<vmem>>, vector<16xf32>,
        tpu.vector_store %swap3A_1540[%swap3A_1541], %max3A_1532 {strides = array<i32>} : memref<10240xf32, #tpu.memory_space<vmem>>, vector<16xf32>,
        %get3A_1543 = arith.constant 0 : i32
        %get3A_1544 = arith.constant 0 : i32
        %get3A_1545 = arith.constant 0 : i32
        %get3A_1546 = tpu.memref_slice %arg14[%get3A_1543, %get3A_1544, %get3A_1545] : memref<2x80x128xf32, #tpu.memory_space<vmem>> -> memref<1x80x128xf32, #tpu.memory_space<vmem>>
        %get3A_1547 = tpu.memref_squeeze %get3A_1546 : memref<1x80x128xf32, #tpu.memory_space<vmem>> -> memref<80x128xf32, #tpu.memory_space<vmem>>
        %get3A_1548 = arith.index_cast %scan3A_1368 : i32 to index
        %get3A_1549 = arith.constant 64 : index
        %get3A_1550 = tpu.vector_load %get3A_1547[%get3A_1548, %get3A_1549] {strides = array<i32>} : memref<80x128xf32, #tpu.memory_space<vmem>>, vector<16xf32>,
        %add3A_1551 = arith.constant 4 : i32
        %add3A_1552 = arith.addi %mul3A_1370, %add3A_1551 : i32
        %get3A_1553 = arith.constant 0 : i32
        %get3A_1554 = arith.constant 0 : i32
        %get3A_1555 = arith.constant 0 : i32
        %get3A_1556 = tpu.memref_slice %arg12[%get3A_1553, %get3A_1554, %get3A_1555] : memref<2x640x16xf32, #tpu.memory_space<vmem>> -> memref<1x640x16xf32, #tpu.memory_space<vmem>>
        %get3A_1557 = tpu.memref_squeeze %get3A_1556 : memref<1x640x16xf32, #tpu.memory_space<vmem>> -> memref<640x16xf32, #tpu.memory_space<vmem>>
        %get3A_1558 = arith.index_cast %add3A_1552 : i32 to index
        %get3A_1559 = arith.constant 0 : index
        %get3A_1560 = tpu.vector_load %get3A_1557[%get3A_1558, %get3A_1559] {strides = array<i32>} : memref<640x16xf32, #tpu.memory_space<vmem>>, vector<16xf32>,
        %add3A_1561 = arith.addf %get3A_1550, %get3A_1560 : vector<16xf32>
        %add3A_1562 = arith.constant 4 : i32
        %add3A_1563 = arith.addi %mul3A_1370, %add3A_1562 : i32
        %get3A_1564 = arith.constant 0 : i32
        %get3A_1565 = arith.constant 0 : i32
        %get3A_1566 = arith.constant 0 : i32
        %get3A_1567 = tpu.memref_slice %arg13[%get3A_1564, %get3A_1565, %get3A_1566] : memref<2x640x16xf32, #tpu.memory_space<vmem>> -> memref<1x640x16xf32, #tpu.memory_space<vmem>>
        %get3A_1568 = tpu.memref_squeeze %get3A_1567 : memref<1x640x16xf32, #tpu.memory_space<vmem>> -> memref<640x16xf32, #tpu.memory_space<vmem>>
        %get3A_1569 = arith.index_cast %add3A_1563 : i32 to index
        %get3A_1570 = arith.constant 0 : index
        %get3A_1571 = tpu.vector_load %get3A_1568[%get3A_1569, %get3A_1570] {strides = array<i32>} : memref<640x16xf32, #tpu.memory_space<vmem>>, vector<16xf32>,
        %add3A_1572 = arith.addf %add3A_1561, %get3A_1571 : vector<16xf32>
        %max3A_1573 = arith.constant 0.000000e+00 : f32
        %max3A_1574 = vector.broadcast %max3A_1573 : f32 to vector<16xf32>
        %max3A_1575 = arith.maximumf %add3A_1572, %max3A_1574 : vector<16xf32>
        %add3A_1576 = arith.constant 4 : i32
        %add3A_1577 = arith.addi %mul3A_1370, %add3A_1576 : i32
        %mul3A_1578 = arith.constant 16 : i32
        %mul3A_1579 = arith.muli %add3A_1577, %mul3A_1578 : i32
        %swap3A_1580 = arith.constant 0 : i32
        %swap3A_1581 = arith.constant 0 : i32
        %swap3A_1582 = tpu.memref_slice %arg15[%swap3A_1580, %swap3A_1581] : memref<2x10240xf32, #tpu.memory_space<vmem>> -> memref<1x10240xf32, #tpu.memory_space<vmem>>
        %swap3A_1583 = tpu.memref_squeeze %swap3A_1582 : memref<1x10240xf32, #tpu.memory_space<vmem>> -> memref<10240xf32, #tpu.memory_space<vmem>>
        %swap3A_1584 = arith.index_cast %mul3A_1579 : i32 to index
        %swap3A_1585 = tpu.vector_load %swap3A_1583[%swap3A_1584] {strides = array<i32>} : memref<10240xf32, #tpu.memory_space<vmem>>, vector<16xf32>,
        tpu.vector_store %swap3A_1583[%swap3A_1584], %max3A_1575 {strides = array<i32>} : memref<10240xf32, #tpu.memory_space<vmem>>, vector<16xf32>,
        %get3A_1586 = arith.constant 0 : i32
        %get3A_1587 = arith.constant 0 : i32
        %get3A_1588 = arith.constant 0 : i32
        %get3A_1589 = tpu.memref_slice %arg14[%get3A_1586, %get3A_1587, %get3A_1588] : memref<2x80x128xf32, #tpu.memory_space<vmem>> -> memref<1x80x128xf32, #tpu.memory_space<vmem>>
        %get3A_1590 = tpu.memref_squeeze %get3A_1589 : memref<1x80x128xf32, #tpu.memory_space<vmem>> -> memref<80x128xf32, #tpu.memory_space<vmem>>
        %get3A_1591 = arith.index_cast %scan3A_1368 : i32 to index
        %get3A_1592 = arith.constant 80 : index
        %get3A_1593 = tpu.vector_load %get3A_1590[%get3A_1591, %get3A_1592] {strides = array<i32>} : memref<80x128xf32, #tpu.memory_space<vmem>>, vector<16xf32>,
        %add3A_1594 = arith.constant 5 : i32
        %add3A_1595 = arith.addi %mul3A_1370, %add3A_1594 : i32
        %get3A_1596 = arith.constant 0 : i32
        %get3A_1597 = arith.constant 0 : i32
        %get3A_1598 = arith.constant 0 : i32
        %get3A_1599 = tpu.memref_slice %arg12[%get3A_1596, %get3A_1597, %get3A_1598] : memref<2x640x16xf32, #tpu.memory_space<vmem>> -> memref<1x640x16xf32, #tpu.memory_space<vmem>>
        %get3A_1600 = tpu.memref_squeeze %get3A_1599 : memref<1x640x16xf32, #tpu.memory_space<vmem>> -> memref<640x16xf32, #tpu.memory_space<vmem>>
        %get3A_1601 = arith.index_cast %add3A_1595 : i32 to index
        %get3A_1602 = arith.constant 0 : index
        %get3A_1603 = tpu.vector_load %get3A_1600[%get3A_1601, %get3A_1602] {strides = array<i32>} : memref<640x16xf32, #tpu.memory_space<vmem>>, vector<16xf32>,
        %add3A_1604 = arith.addf %get3A_1593, %get3A_1603 : vector<16xf32>
        %add3A_1605 = arith.constant 5 : i32
        %add3A_1606 = arith.addi %mul3A_1370, %add3A_1605 : i32
        %get3A_1607 = arith.constant 0 : i32
        %get3A_1608 = arith.constant 0 : i32
        %get3A_1609 = arith.constant 0 : i32
        %get3A_1610 = tpu.memref_slice %arg13[%get3A_1607, %get3A_1608, %get3A_1609] : memref<2x640x16xf32, #tpu.memory_space<vmem>> -> memref<1x640x16xf32, #tpu.memory_space<vmem>>
        %get3A_1611 = tpu.memref_squeeze %get3A_1610 : memref<1x640x16xf32, #tpu.memory_space<vmem>> -> memref<640x16xf32, #tpu.memory_space<vmem>>
        %get3A_1612 = arith.index_cast %add3A_1606 : i32 to index
        %get3A_1613 = arith.constant 0 : index
        %get3A_1614 = tpu.vector_load %get3A_1611[%get3A_1612, %get3A_1613] {strides = array<i32>} : memref<640x16xf32, #tpu.memory_space<vmem>>, vector<16xf32>,
        %add3A_1615 = arith.addf %add3A_1604, %get3A_1614 : vector<16xf32>
        %max3A_1616 = arith.constant 0.000000e+00 : f32
        %max3A_1617 = vector.broadcast %max3A_1616 : f32 to vector<16xf32>
        %max3A_1618 = arith.maximumf %add3A_1615, %max3A_1617 : vector<16xf32>
        %add3A_1619 = arith.constant 5 : i32
        %add3A_1620 = arith.addi %mul3A_1370, %add3A_1619 : i32
        %mul3A_1621 = arith.constant 16 : i32
        %mul3A_1622 = arith.muli %add3A_1620, %mul3A_1621 : i32
        %swap3A_1623 = arith.constant 0 : i32
        %swap3A_1624 = arith.constant 0 : i32
        %swap3A_1625 = tpu.memref_slice %arg15[%swap3A_1623, %swap3A_1624] : memref<2x10240xf32, #tpu.memory_space<vmem>> -> memref<1x10240xf32, #tpu.memory_space<vmem>>
        %swap3A_1626 = tpu.memref_squeeze %swap3A_1625 : memref<1x10240xf32, #tpu.memory_space<vmem>> -> memref<10240xf32, #tpu.memory_space<vmem>>
        %swap3A_1627 = arith.index_cast %mul3A_1622 : i32 to index
        %swap3A_1628 = tpu.vector_load %swap3A_1626[%swap3A_1627] {strides = array<i32>} : memref<10240xf32, #tpu.memory_space<vmem>>, vector<16xf32>,
        tpu.vector_store %swap3A_1626[%swap3A_1627], %max3A_1618 {strides = array<i32>} : memref<10240xf32, #tpu.memory_space<vmem>>, vector<16xf32>,
        %get3A_1629 = arith.constant 0 : i32
        %get3A_1630 = arith.constant 0 : i32
        %get3A_1631 = arith.constant 0 : i32
        %get3A_1632 = tpu.memref_slice %arg14[%get3A_1629, %get3A_1630, %get3A_1631] : memref<2x80x128xf32, #tpu.memory_space<vmem>> -> memref<1x80x128xf32, #tpu.memory_space<vmem>>
        %get3A_1633 = tpu.memref_squeeze %get3A_1632 : memref<1x80x128xf32, #tpu.memory_space<vmem>> -> memref<80x128xf32, #tpu.memory_space<vmem>>
        %get3A_1634 = arith.index_cast %scan3A_1368 : i32 to index
        %get3A_1635 = arith.constant 96 : index
        %get3A_1636 = tpu.vector_load %get3A_1633[%get3A_1634, %get3A_1635] {strides = array<i32>} : memref<80x128xf32, #tpu.memory_space<vmem>>, vector<16xf32>,
        %add3A_1637 = arith.constant 6 : i32
        %add3A_1638 = arith.addi %mul3A_1370, %add3A_1637 : i32
        %get3A_1639 = arith.constant 0 : i32
        %get3A_1640 = arith.constant 0 : i32
        %get3A_1641 = arith.constant 0 : i32
        %get3A_1642 = tpu.memref_slice %arg12[%get3A_1639, %get3A_1640, %get3A_1641] : memref<2x640x16xf32, #tpu.memory_space<vmem>> -> memref<1x640x16xf32, #tpu.memory_space<vmem>>
        %get3A_1643 = tpu.memref_squeeze %get3A_1642 : memref<1x640x16xf32, #tpu.memory_space<vmem>> -> memref<640x16xf32, #tpu.memory_space<vmem>>
        %get3A_1644 = arith.index_cast %add3A_1638 : i32 to index
        %get3A_1645 = arith.constant 0 : index
        %get3A_1646 = tpu.vector_load %get3A_1643[%get3A_1644, %get3A_1645] {strides = array<i32>} : memref<640x16xf32, #tpu.memory_space<vmem>>, vector<16xf32>,
        %add3A_1647 = arith.addf %get3A_1636, %get3A_1646 : vector<16xf32>
        %add3A_1648 = arith.constant 6 : i32
        %add3A_1649 = arith.addi %mul3A_1370, %add3A_1648 : i32
        %get3A_1650 = arith.constant 0 : i32
        %get3A_1651 = arith.constant 0 : i32
        %get3A_1652 = arith.constant 0 : i32
        %get3A_1653 = tpu.memref_slice %arg13[%get3A_1650, %get3A_1651, %get3A_1652] : memref<2x640x16xf32, #tpu.memory_space<vmem>> -> memref<1x640x16xf32, #tpu.memory_space<vmem>>
        %get3A_1654 = tpu.memref_squeeze %get3A_1653 : memref<1x640x16xf32, #tpu.memory_space<vmem>> -> memref<640x16xf32, #tpu.memory_space<vmem>>
        %get3A_1655 = arith.index_cast %add3A_1649 : i32 to index
        %get3A_1656 = arith.constant 0 : index
        %get3A_1657 = tpu.vector_load %get3A_1654[%get3A_1655, %get3A_1656] {strides = array<i32>} : memref<640x16xf32, #tpu.memory_space<vmem>>, vector<16xf32>,
        %add3A_1658 = arith.addf %add3A_1647, %get3A_1657 : vector<16xf32>
        %max3A_1659 = arith.constant 0.000000e+00 : f32
        %max3A_1660 = vector.broadcast %max3A_1659 : f32 to vector<16xf32>
        %max3A_1661 = arith.maximumf %add3A_1658, %max3A_1660 : vector<16xf32>
        %add3A_1662 = arith.constant 6 : i32
        %add3A_1663 = arith.addi %mul3A_1370, %add3A_1662 : i32
        %mul3A_1664 = arith.constant 16 : i32
        %mul3A_1665 = arith.muli %add3A_1663, %mul3A_1664 : i32
        %swap3A_1666 = arith.constant 0 : i32
        %swap3A_1667 = arith.constant 0 : i32
        %swap3A_1668 = tpu.memref_slice %arg15[%swap3A_1666, %swap3A_1667] : memref<2x10240xf32, #tpu.memory_space<vmem>> -> memref<1x10240xf32, #tpu.memory_space<vmem>>
        %swap3A_1669 = tpu.memref_squeeze %swap3A_1668 : memref<1x10240xf32, #tpu.memory_space<vmem>> -> memref<10240xf32, #tpu.memory_space<vmem>>
        %swap3A_1670 = arith.index_cast %mul3A_1665 : i32 to index
        %swap3A_1671 = tpu.vector_load %swap3A_1669[%swap3A_1670] {strides = array<i32>} : memref<10240xf32, #tpu.memory_space<vmem>>, vector<16xf32>,
        tpu.vector_store %swap3A_1669[%swap3A_1670], %max3A_1661 {strides = array<i32>} : memref<10240xf32, #tpu.memory_space<vmem>>, vector<16xf32>,
        %get3A_1672 = arith.constant 0 : i32
        %get3A_1673 = arith.constant 0 : i32
        %get3A_1674 = arith.constant 0 : i32
        %get3A_1675 = tpu.memref_slice %arg14[%get3A_1672, %get3A_1673, %get3A_1674] : memref<2x80x128xf32, #tpu.memory_space<vmem>> -> memref<1x80x128xf32, #tpu.memory_space<vmem>>
        %get3A_1676 = tpu.memref_squeeze %get3A_1675 : memref<1x80x128xf32, #tpu.memory_space<vmem>> -> memref<80x128xf32, #tpu.memory_space<vmem>>
        %get3A_1677 = arith.index_cast %scan3A_1368 : i32 to index
        %get3A_1678 = arith.constant 112 : index
        %get3A_1679 = tpu.vector_load %get3A_1676[%get3A_1677, %get3A_1678] {strides = array<i32>} : memref<80x128xf32, #tpu.memory_space<vmem>>, vector<16xf32>,
        %add3A_1680 = arith.constant 7 : i32
        %add3A_1681 = arith.addi %mul3A_1370, %add3A_1680 : i32
        %get3A_1682 = arith.constant 0 : i32
        %get3A_1683 = arith.constant 0 : i32
        %get3A_1684 = arith.constant 0 : i32
        %get3A_1685 = tpu.memref_slice %arg12[%get3A_1682, %get3A_1683, %get3A_1684] : memref<2x640x16xf32, #tpu.memory_space<vmem>> -> memref<1x640x16xf32, #tpu.memory_space<vmem>>
        %get3A_1686 = tpu.memref_squeeze %get3A_1685 : memref<1x640x16xf32, #tpu.memory_space<vmem>> -> memref<640x16xf32, #tpu.memory_space<vmem>>
        %get3A_1687 = arith.index_cast %add3A_1681 : i32 to index
        %get3A_1688 = arith.constant 0 : index
        %get3A_1689 = tpu.vector_load %get3A_1686[%get3A_1687, %get3A_1688] {strides = array<i32>} : memref<640x16xf32, #tpu.memory_space<vmem>>, vector<16xf32>,
        %add3A_1690 = arith.addf %get3A_1679, %get3A_1689 : vector<16xf32>
        %add3A_1691 = arith.constant 7 : i32
        %add3A_1692 = arith.addi %mul3A_1370, %add3A_1691 : i32
        %get3A_1693 = arith.constant 0 : i32
        %get3A_1694 = arith.constant 0 : i32
        %get3A_1695 = arith.constant 0 : i32
        %get3A_1696 = tpu.memref_slice %arg13[%get3A_1693, %get3A_1694, %get3A_1695] : memref<2x640x16xf32, #tpu.memory_space<vmem>> -> memref<1x640x16xf32, #tpu.memory_space<vmem>>
        %get3A_1697 = tpu.memref_squeeze %get3A_1696 : memref<1x640x16xf32, #tpu.memory_space<vmem>> -> memref<640x16xf32, #tpu.memory_space<vmem>>
        %get3A_1698 = arith.index_cast %add3A_1692 : i32 to index
        %get3A_1699 = arith.constant 0 : index
        %get3A_1700 = tpu.vector_load %get3A_1697[%get3A_1698, %get3A_1699] {strides = array<i32>} : memref<640x16xf32, #tpu.memory_space<vmem>>, vector<16xf32>,
        %add3A_1701 = arith.addf %add3A_1690, %get3A_1700 : vector<16xf32>
        %max3A_1702 = arith.constant 0.000000e+00 : f32
        %max3A_1703 = vector.broadcast %max3A_1702 : f32 to vector<16xf32>
        %max3A_1704 = arith.maximumf %add3A_1701, %max3A_1703 : vector<16xf32>
        %add3A_1705 = arith.constant 7 : i32
        %add3A_1706 = arith.addi %mul3A_1370, %add3A_1705 : i32
        %mul3A_1707 = arith.constant 16 : i32
        %mul3A_1708 = arith.muli %add3A_1706, %mul3A_1707 : i32
        %swap3A_1709 = arith.constant 0 : i32
        %swap3A_1710 = arith.constant 0 : i32
        %swap3A_1711 = tpu.memref_slice %arg15[%swap3A_1709, %swap3A_1710] : memref<2x10240xf32, #tpu.memory_space<vmem>> -> memref<1x10240xf32, #tpu.memory_space<vmem>>
        %swap3A_1712 = tpu.memref_squeeze %swap3A_1711 : memref<1x10240xf32, #tpu.memory_space<vmem>> -> memref<10240xf32, #tpu.memory_space<vmem>>
        %swap3A_1713 = arith.index_cast %mul3A_1708 : i32 to index
        %swap3A_1714 = tpu.vector_load %swap3A_1712[%swap3A_1713] {strides = array<i32>} : memref<10240xf32, #tpu.memory_space<vmem>>, vector<16xf32>,
        tpu.vector_store %swap3A_1712[%swap3A_1713], %max3A_1704 {strides = array<i32>} : memref<10240xf32, #tpu.memory_space<vmem>>, vector<16xf32>,
      }
      %scan3A_631 = arith.constant 80 : i32
      %mul3A_632 = arith.constant 32 : i32
      %mul3A_633 = arith.muli %add3A_364, %mul3A_632 : i32
      %add3A_634 = arith.addi %mul3A_633, %add3A : i32
      %lt3A = arith.constant 250 : i32
      %lt3A_635 = arith.cmpi slt, %add3A_634, %lt3A : i32
      %convert_element_type3A_636 = arith.extui %lt3A_635 : i1 to i32
      %convert_element_type3A_637 = arith.sitofp %convert_element_type3A_636 : i32 to f32
      %broadcast_in_dim3A_638 = vector.broadcast %convert_element_type3A_637 : f32 to vector<16xf32>
      %scan3A_639 = arith.constant 0 : i32
      %scan3A_640 = arith.constant 0 : i32
      %scan3A_641 = arith.constant 40 : i32
      %scan3A_642 = arith.addi %scan3A_640, %scan3A_641 : i32
      %scan3A_643 = arith.constant 2 : i32
      scf.for %scan3A_1023 = %scan3A_640 to %scan3A_642 step %scan3A_643  : i32 {
        %mul3A_1024 = arith.constant 16 : i32
        %mul3A_1025 = arith.muli %scan3A_1023, %mul3A_1024 : i32
        %add3A_1026 = vector.broadcast %mul3A_1025 : i32 to vector<16xi32>
        %add3A_1027 = arith.addi %iota3A, %add3A_1026 : vector<16xi32>
        %mul3A_1028 = arith.constant 16 : i32
        %mul3A_1029 = vector.broadcast %mul3A_1028 : i32 to vector<16xi32>
        %mul3A_1030 = arith.muli %add3A_1027, %mul3A_1029 : vector<16xi32>
        %gather3A = arith.constant 0 : i32
        %gather3A_1031 = arith.constant 0 : i32
        %gather3A_1032 = tpu.memref_slice %arg15[%gather3A, %gather3A_1031] : memref<2x10240xf32, #tpu.memory_space<vmem>> -> memref<1x10240xf32, #tpu.memory_space<vmem>>
        %gather3A_1033 = tpu.memref_squeeze %gather3A_1032 : memref<1x10240xf32, #tpu.memory_space<vmem>> -> memref<10240xf32, #tpu.memory_space<vmem>>
        %gather3A_1034 = tpu.vector_load_idx %gather3A_1033[%mul3A_1030] : memref<10240xf32, #tpu.memory_space<vmem>>[vector<16xi32>], vector<16xf32>,
        %add3A_1035 = arith.constant 1 : i32
        %add3A_1036 = vector.broadcast %add3A_1035 : i32 to vector<16xi32>
        %add3A_1037 = arith.addi %mul3A_1030, %add3A_1036 : vector<16xi32>
        %gather3A_1038 = arith.constant 0 : i32
        %gather3A_1039 = arith.constant 0 : i32
        %gather3A_1040 = tpu.memref_slice %arg15[%gather3A_1038, %gather3A_1039] : memref<2x10240xf32, #tpu.memory_space<vmem>> -> memref<1x10240xf32, #tpu.memory_space<vmem>>
        %gather3A_1041 = tpu.memref_squeeze %gather3A_1040 : memref<1x10240xf32, #tpu.memory_space<vmem>> -> memref<10240xf32, #tpu.memory_space<vmem>>
        %gather3A_1042 = tpu.vector_load_idx %gather3A_1041[%add3A_1037] : memref<10240xf32, #tpu.memory_space<vmem>>[vector<16xi32>], vector<16xf32>,
        %add3A_1043 = arith.constant 2 : i32
        %add3A_1044 = vector.broadcast %add3A_1043 : i32 to vector<16xi32>
        %add3A_1045 = arith.addi %mul3A_1030, %add3A_1044 : vector<16xi32>
        %gather3A_1046 = arith.constant 0 : i32
        %gather3A_1047 = arith.constant 0 : i32
        %gather3A_1048 = tpu.memref_slice %arg15[%gather3A_1046, %gather3A_1047] : memref<2x10240xf32, #tpu.memory_space<vmem>> -> memref<1x10240xf32, #tpu.memory_space<vmem>>
        %gather3A_1049 = tpu.memref_squeeze %gather3A_1048 : memref<1x10240xf32, #tpu.memory_space<vmem>> -> memref<10240xf32, #tpu.memory_space<vmem>>
        %gather3A_1050 = tpu.vector_load_idx %gather3A_1049[%add3A_1045] : memref<10240xf32, #tpu.memory_space<vmem>>[vector<16xi32>], vector<16xf32>,
        %add3A_1051 = arith.constant 3 : i32
        %add3A_1052 = vector.broadcast %add3A_1051 : i32 to vector<16xi32>
        %add3A_1053 = arith.addi %mul3A_1030, %add3A_1052 : vector<16xi32>
        %gather3A_1054 = arith.constant 0 : i32
        %gather3A_1055 = arith.constant 0 : i32
        %gather3A_1056 = tpu.memref_slice %arg15[%gather3A_1054, %gather3A_1055] : memref<2x10240xf32, #tpu.memory_space<vmem>> -> memref<1x10240xf32, #tpu.memory_space<vmem>>
        %gather3A_1057 = tpu.memref_squeeze %gather3A_1056 : memref<1x10240xf32, #tpu.memory_space<vmem>> -> memref<10240xf32, #tpu.memory_space<vmem>>
        %gather3A_1058 = tpu.vector_load_idx %gather3A_1057[%add3A_1053] : memref<10240xf32, #tpu.memory_space<vmem>>[vector<16xi32>], vector<16xf32>,
        %add3A_1059 = arith.constant 4 : i32
        %add3A_1060 = vector.broadcast %add3A_1059 : i32 to vector<16xi32>
        %add3A_1061 = arith.addi %mul3A_1030, %add3A_1060 : vector<16xi32>
        %gather3A_1062 = arith.constant 0 : i32
        %gather3A_1063 = arith.constant 0 : i32
        %gather3A_1064 = tpu.memref_slice %arg15[%gather3A_1062, %gather3A_1063] : memref<2x10240xf32, #tpu.memory_space<vmem>> -> memref<1x10240xf32, #tpu.memory_space<vmem>>
        %gather3A_1065 = tpu.memref_squeeze %gather3A_1064 : memref<1x10240xf32, #tpu.memory_space<vmem>> -> memref<10240xf32, #tpu.memory_space<vmem>>
        %gather3A_1066 = tpu.vector_load_idx %gather3A_1065[%add3A_1061] : memref<10240xf32, #tpu.memory_space<vmem>>[vector<16xi32>], vector<16xf32>,
        %add3A_1067 = arith.constant 5 : i32
        %add3A_1068 = vector.broadcast %add3A_1067 : i32 to vector<16xi32>
        %add3A_1069 = arith.addi %mul3A_1030, %add3A_1068 : vector<16xi32>
        %gather3A_1070 = arith.constant 0 : i32
        %gather3A_1071 = arith.constant 0 : i32
        %gather3A_1072 = tpu.memref_slice %arg15[%gather3A_1070, %gather3A_1071] : memref<2x10240xf32, #tpu.memory_space<vmem>> -> memref<1x10240xf32, #tpu.memory_space<vmem>>
        %gather3A_1073 = tpu.memref_squeeze %gather3A_1072 : memref<1x10240xf32, #tpu.memory_space<vmem>> -> memref<10240xf32, #tpu.memory_space<vmem>>
        %gather3A_1074 = tpu.vector_load_idx %gather3A_1073[%add3A_1069] : memref<10240xf32, #tpu.memory_space<vmem>>[vector<16xi32>], vector<16xf32>,
        %add3A_1075 = arith.constant 6 : i32
        %add3A_1076 = vector.broadcast %add3A_1075 : i32 to vector<16xi32>
        %add3A_1077 = arith.addi %mul3A_1030, %add3A_1076 : vector<16xi32>
        %gather3A_1078 = arith.constant 0 : i32
        %gather3A_1079 = arith.constant 0 : i32
        %gather3A_1080 = tpu.memref_slice %arg15[%gather3A_1078, %gather3A_1079] : memref<2x10240xf32, #tpu.memory_space<vmem>> -> memref<1x10240xf32, #tpu.memory_space<vmem>>
        %gather3A_1081 = tpu.memref_squeeze %gather3A_1080 : memref<1x10240xf32, #tpu.memory_space<vmem>> -> memref<10240xf32, #tpu.memory_space<vmem>>
        %gather3A_1082 = tpu.vector_load_idx %gather3A_1081[%add3A_1077] : memref<10240xf32, #tpu.memory_space<vmem>>[vector<16xi32>], vector<16xf32>,
        %add3A_1083 = arith.constant 7 : i32
        %add3A_1084 = vector.broadcast %add3A_1083 : i32 to vector<16xi32>
        %add3A_1085 = arith.addi %mul3A_1030, %add3A_1084 : vector<16xi32>
        %gather3A_1086 = arith.constant 0 : i32
        %gather3A_1087 = arith.constant 0 : i32
        %gather3A_1088 = tpu.memref_slice %arg15[%gather3A_1086, %gather3A_1087] : memref<2x10240xf32, #tpu.memory_space<vmem>> -> memref<1x10240xf32, #tpu.memory_space<vmem>>
        %gather3A_1089 = tpu.memref_squeeze %gather3A_1088 : memref<1x10240xf32, #tpu.memory_space<vmem>> -> memref<10240xf32, #tpu.memory_space<vmem>>
        %gather3A_1090 = tpu.vector_load_idx %gather3A_1089[%add3A_1085] : memref<10240xf32, #tpu.memory_space<vmem>>[vector<16xi32>], vector<16xf32>,
        %add3A_1091 = arith.constant 8 : i32
        %add3A_1092 = vector.broadcast %add3A_1091 : i32 to vector<16xi32>
        %add3A_1093 = arith.addi %mul3A_1030, %add3A_1092 : vector<16xi32>
        %gather3A_1094 = arith.constant 0 : i32
        %gather3A_1095 = arith.constant 0 : i32
        %gather3A_1096 = tpu.memref_slice %arg15[%gather3A_1094, %gather3A_1095] : memref<2x10240xf32, #tpu.memory_space<vmem>> -> memref<1x10240xf32, #tpu.memory_space<vmem>>
        %gather3A_1097 = tpu.memref_squeeze %gather3A_1096 : memref<1x10240xf32, #tpu.memory_space<vmem>> -> memref<10240xf32, #tpu.memory_space<vmem>>
        %gather3A_1098 = tpu.vector_load_idx %gather3A_1097[%add3A_1093] : memref<10240xf32, #tpu.memory_space<vmem>>[vector<16xi32>], vector<16xf32>,
        %add3A_1099 = arith.constant 9 : i32
        %add3A_1100 = vector.broadcast %add3A_1099 : i32 to vector<16xi32>
        %add3A_1101 = arith.addi %mul3A_1030, %add3A_1100 : vector<16xi32>
        %gather3A_1102 = arith.constant 0 : i32
        %gather3A_1103 = arith.constant 0 : i32
        %gather3A_1104 = tpu.memref_slice %arg15[%gather3A_1102, %gather3A_1103] : memref<2x10240xf32, #tpu.memory_space<vmem>> -> memref<1x10240xf32, #tpu.memory_space<vmem>>
        %gather3A_1105 = tpu.memref_squeeze %gather3A_1104 : memref<1x10240xf32, #tpu.memory_space<vmem>> -> memref<10240xf32, #tpu.memory_space<vmem>>
        %gather3A_1106 = tpu.vector_load_idx %gather3A_1105[%add3A_1101] : memref<10240xf32, #tpu.memory_space<vmem>>[vector<16xi32>], vector<16xf32>,
        %add3A_1107 = arith.constant 10 : i32
        %add3A_1108 = vector.broadcast %add3A_1107 : i32 to vector<16xi32>
        %add3A_1109 = arith.addi %mul3A_1030, %add3A_1108 : vector<16xi32>
        %gather3A_1110 = arith.constant 0 : i32
        %gather3A_1111 = arith.constant 0 : i32
        %gather3A_1112 = tpu.memref_slice %arg15[%gather3A_1110, %gather3A_1111] : memref<2x10240xf32, #tpu.memory_space<vmem>> -> memref<1x10240xf32, #tpu.memory_space<vmem>>
        %gather3A_1113 = tpu.memref_squeeze %gather3A_1112 : memref<1x10240xf32, #tpu.memory_space<vmem>> -> memref<10240xf32, #tpu.memory_space<vmem>>
        %gather3A_1114 = tpu.vector_load_idx %gather3A_1113[%add3A_1109] : memref<10240xf32, #tpu.memory_space<vmem>>[vector<16xi32>], vector<16xf32>,
        %add3A_1115 = arith.constant 11 : i32
        %add3A_1116 = vector.broadcast %add3A_1115 : i32 to vector<16xi32>
        %add3A_1117 = arith.addi %mul3A_1030, %add3A_1116 : vector<16xi32>
        %gather3A_1118 = arith.constant 0 : i32
        %gather3A_1119 = arith.constant 0 : i32
        %gather3A_1120 = tpu.memref_slice %arg15[%gather3A_1118, %gather3A_1119] : memref<2x10240xf32, #tpu.memory_space<vmem>> -> memref<1x10240xf32, #tpu.memory_space<vmem>>
        %gather3A_1121 = tpu.memref_squeeze %gather3A_1120 : memref<1x10240xf32, #tpu.memory_space<vmem>> -> memref<10240xf32, #tpu.memory_space<vmem>>
        %gather3A_1122 = tpu.vector_load_idx %gather3A_1121[%add3A_1117] : memref<10240xf32, #tpu.memory_space<vmem>>[vector<16xi32>], vector<16xf32>,
        %add3A_1123 = arith.constant 12 : i32
        %add3A_1124 = vector.broadcast %add3A_1123 : i32 to vector<16xi32>
        %add3A_1125 = arith.addi %mul3A_1030, %add3A_1124 : vector<16xi32>
        %gather3A_1126 = arith.constant 0 : i32
        %gather3A_1127 = arith.constant 0 : i32
        %gather3A_1128 = tpu.memref_slice %arg15[%gather3A_1126, %gather3A_1127] : memref<2x10240xf32, #tpu.memory_space<vmem>> -> memref<1x10240xf32, #tpu.memory_space<vmem>>
        %gather3A_1129 = tpu.memref_squeeze %gather3A_1128 : memref<1x10240xf32, #tpu.memory_space<vmem>> -> memref<10240xf32, #tpu.memory_space<vmem>>
        %gather3A_1130 = tpu.vector_load_idx %gather3A_1129[%add3A_1125] : memref<10240xf32, #tpu.memory_space<vmem>>[vector<16xi32>], vector<16xf32>,
        %add3A_1131 = arith.constant 13 : i32
        %add3A_1132 = vector.broadcast %add3A_1131 : i32 to vector<16xi32>
        %add3A_1133 = arith.addi %mul3A_1030, %add3A_1132 : vector<16xi32>
        %gather3A_1134 = arith.constant 0 : i32
        %gather3A_1135 = arith.constant 0 : i32
        %gather3A_1136 = tpu.memref_slice %arg15[%gather3A_1134, %gather3A_1135] : memref<2x10240xf32, #tpu.memory_space<vmem>> -> memref<1x10240xf32, #tpu.memory_space<vmem>>
        %gather3A_1137 = tpu.memref_squeeze %gather3A_1136 : memref<1x10240xf32, #tpu.memory_space<vmem>> -> memref<10240xf32, #tpu.memory_space<vmem>>
        %gather3A_1138 = tpu.vector_load_idx %gather3A_1137[%add3A_1133] : memref<10240xf32, #tpu.memory_space<vmem>>[vector<16xi32>], vector<16xf32>,
        %add3A_1139 = arith.constant 14 : i32
        %add3A_1140 = vector.broadcast %add3A_1139 : i32 to vector<16xi32>
        %add3A_1141 = arith.addi %mul3A_1030, %add3A_1140 : vector<16xi32>
        %gather3A_1142 = arith.constant 0 : i32
        %gather3A_1143 = arith.constant 0 : i32
        %gather3A_1144 = tpu.memref_slice %arg15[%gather3A_1142, %gather3A_1143] : memref<2x10240xf32, #tpu.memory_space<vmem>> -> memref<1x10240xf32, #tpu.memory_space<vmem>>
        %gather3A_1145 = tpu.memref_squeeze %gather3A_1144 : memref<1x10240xf32, #tpu.memory_space<vmem>> -> memref<10240xf32, #tpu.memory_space<vmem>>
        %gather3A_1146 = tpu.vector_load_idx %gather3A_1145[%add3A_1141] : memref<10240xf32, #tpu.memory_space<vmem>>[vector<16xi32>], vector<16xf32>,
        %add3A_1147 = arith.constant 15 : i32
        %add3A_1148 = vector.broadcast %add3A_1147 : i32 to vector<16xi32>
        %add3A_1149 = arith.addi %mul3A_1030, %add3A_1148 : vector<16xi32>
        %gather3A_1150 = arith.constant 0 : i32
        %gather3A_1151 = arith.constant 0 : i32
        %gather3A_1152 = tpu.memref_slice %arg15[%gather3A_1150, %gather3A_1151] : memref<2x10240xf32, #tpu.memory_space<vmem>> -> memref<1x10240xf32, #tpu.memory_space<vmem>>
        %gather3A_1153 = tpu.memref_squeeze %gather3A_1152 : memref<1x10240xf32, #tpu.memory_space<vmem>> -> memref<10240xf32, #tpu.memory_space<vmem>>
        %gather3A_1154 = tpu.vector_load_idx %gather3A_1153[%add3A_1149] : memref<10240xf32, #tpu.memory_space<vmem>>[vector<16xi32>], vector<16xf32>,
        %add3A_1155 = arith.addf %gather3A_1034, %gather3A_1042 : vector<16xf32>
        %add3A_1156 = arith.addf %gather3A_1050, %gather3A_1058 : vector<16xf32>
        %add3A_1157 = arith.addf %gather3A_1066, %gather3A_1074 : vector<16xf32>
        %add3A_1158 = arith.addf %gather3A_1082, %gather3A_1090 : vector<16xf32>
        %add3A_1159 = arith.addf %gather3A_1098, %gather3A_1106 : vector<16xf32>
        %add3A_1160 = arith.addf %gather3A_1114, %gather3A_1122 : vector<16xf32>
        %add3A_1161 = arith.addf %gather3A_1130, %gather3A_1138 : vector<16xf32>
        %add3A_1162 = arith.addf %gather3A_1146, %gather3A_1154 : vector<16xf32>
        %add3A_1163 = arith.addf %add3A_1155, %add3A_1156 : vector<16xf32>
        %add3A_1164 = arith.addf %add3A_1157, %add3A_1158 : vector<16xf32>
        %add3A_1165 = arith.addf %add3A_1159, %add3A_1160 : vector<16xf32>
        %add3A_1166 = arith.addf %add3A_1161, %add3A_1162 : vector<16xf32>
        %add3A_1167 = arith.addf %add3A_1163, %add3A_1164 : vector<16xf32>
        %add3A_1168 = arith.addf %add3A_1165, %add3A_1166 : vector<16xf32>
        %add3A_1169 = arith.addf %add3A_1167, %add3A_1168 : vector<16xf32>
        %mul3A_1170 = arith.constant 16 : i32
        %mul3A_1171 = arith.muli %scan3A_1023, %mul3A_1170 : i32
        %get3A = arith.constant 0 : i32
        %get3A_1172 = arith.constant 0 : i32
        %get3A_1173 = tpu.memref_slice %arg11[%get3A, %get3A_1172] : memref<2x640xi32, #tpu.memory_space<vmem>> -> memref<1x640xi32, #tpu.memory_space<vmem>>
        %get3A_1174 = tpu.memref_squeeze %get3A_1173 : memref<1x640xi32, #tpu.memory_space<vmem>> -> memref<640xi32, #tpu.memory_space<vmem>>
        %get3A_1175 = arith.index_cast %mul3A_1171 : i32 to index
        %get3A_1176 = tpu.vector_load %get3A_1174[%get3A_1175] {strides = array<i32>} : memref<640xi32, #tpu.memory_space<vmem>>, vector<16xi32>,
        %mul3A_1177 = arith.mulf %add3A_1169, %broadcast_in_dim3A_638 : vector<16xf32>
        tpu.vector_store_idx %arg16[%get3A_1176], %mul3A_1177 {add = true} : memref<10240xf32, #tpu.memory_space<vmem>>[vector<16xi32>], vector<16xf32>,
        tpu.vector_store_idx %arg17[%get3A_1176], %broadcast_in_dim3A_638 {add = true} : memref<10240xf32, #tpu.memory_space<vmem>>[vector<16xi32>], vector<16xf32>,
        %scan3A_1178 = arith.constant 1 : i32
        %scan3A_1179 = arith.addi %scan3A_1023, %scan3A_1178 : i32
        %mul3A_1180 = arith.constant 16 : i32
        %mul3A_1181 = arith.muli %scan3A_1179, %mul3A_1180 : i32
        %add3A_1182 = vector.broadcast %mul3A_1181 : i32 to vector<16xi32>
        %add3A_1183 = arith.addi %iota3A, %add3A_1182 : vector<16xi32>
        %mul3A_1184 = arith.constant 16 : i32
        %mul3A_1185 = vector.broadcast %mul3A_1184 : i32 to vector<16xi32>
        %mul3A_1186 = arith.muli %add3A_1183, %mul3A_1185 : vector<16xi32>
        %gather3A_1187 = arith.constant 0 : i32
        %gather3A_1188 = arith.constant 0 : i32
        %gather3A_1189 = tpu.memref_slice %arg15[%gather3A_1187, %gather3A_1188] : memref<2x10240xf32, #tpu.memory_space<vmem>> -> memref<1x10240xf32, #tpu.memory_space<vmem>>
        %gather3A_1190 = tpu.memref_squeeze %gather3A_1189 : memref<1x10240xf32, #tpu.memory_space<vmem>> -> memref<10240xf32, #tpu.memory_space<vmem>>
        %gather3A_1191 = tpu.vector_load_idx %gather3A_1190[%mul3A_1186] : memref<10240xf32, #tpu.memory_space<vmem>>[vector<16xi32>], vector<16xf32>,
        %add3A_1192 = arith.constant 1 : i32
        %add3A_1193 = vector.broadcast %add3A_1192 : i32 to vector<16xi32>
        %add3A_1194 = arith.addi %mul3A_1186, %add3A_1193 : vector<16xi32>
        %gather3A_1195 = arith.constant 0 : i32
        %gather3A_1196 = arith.constant 0 : i32
        %gather3A_1197 = tpu.memref_slice %arg15[%gather3A_1195, %gather3A_1196] : memref<2x10240xf32, #tpu.memory_space<vmem>> -> memref<1x10240xf32, #tpu.memory_space<vmem>>
        %gather3A_1198 = tpu.memref_squeeze %gather3A_1197 : memref<1x10240xf32, #tpu.memory_space<vmem>> -> memref<10240xf32, #tpu.memory_space<vmem>>
        %gather3A_1199 = tpu.vector_load_idx %gather3A_1198[%add3A_1194] : memref<10240xf32, #tpu.memory_space<vmem>>[vector<16xi32>], vector<16xf32>,
        %add3A_1200 = arith.constant 2 : i32
        %add3A_1201 = vector.broadcast %add3A_1200 : i32 to vector<16xi32>
        %add3A_1202 = arith.addi %mul3A_1186, %add3A_1201 : vector<16xi32>
        %gather3A_1203 = arith.constant 0 : i32
        %gather3A_1204 = arith.constant 0 : i32
        %gather3A_1205 = tpu.memref_slice %arg15[%gather3A_1203, %gather3A_1204] : memref<2x10240xf32, #tpu.memory_space<vmem>> -> memref<1x10240xf32, #tpu.memory_space<vmem>>
        %gather3A_1206 = tpu.memref_squeeze %gather3A_1205 : memref<1x10240xf32, #tpu.memory_space<vmem>> -> memref<10240xf32, #tpu.memory_space<vmem>>
        %gather3A_1207 = tpu.vector_load_idx %gather3A_1206[%add3A_1202] : memref<10240xf32, #tpu.memory_space<vmem>>[vector<16xi32>], vector<16xf32>,
        %add3A_1208 = arith.constant 3 : i32
        %add3A_1209 = vector.broadcast %add3A_1208 : i32 to vector<16xi32>
        %add3A_1210 = arith.addi %mul3A_1186, %add3A_1209 : vector<16xi32>
        %gather3A_1211 = arith.constant 0 : i32
        %gather3A_1212 = arith.constant 0 : i32
        %gather3A_1213 = tpu.memref_slice %arg15[%gather3A_1211, %gather3A_1212] : memref<2x10240xf32, #tpu.memory_space<vmem>> -> memref<1x10240xf32, #tpu.memory_space<vmem>>
        %gather3A_1214 = tpu.memref_squeeze %gather3A_1213 : memref<1x10240xf32, #tpu.memory_space<vmem>> -> memref<10240xf32, #tpu.memory_space<vmem>>
        %gather3A_1215 = tpu.vector_load_idx %gather3A_1214[%add3A_1210] : memref<10240xf32, #tpu.memory_space<vmem>>[vector<16xi32>], vector<16xf32>,
        %add3A_1216 = arith.constant 4 : i32
        %add3A_1217 = vector.broadcast %add3A_1216 : i32 to vector<16xi32>
        %add3A_1218 = arith.addi %mul3A_1186, %add3A_1217 : vector<16xi32>
        %gather3A_1219 = arith.constant 0 : i32
        %gather3A_1220 = arith.constant 0 : i32
        %gather3A_1221 = tpu.memref_slice %arg15[%gather3A_1219, %gather3A_1220] : memref<2x10240xf32, #tpu.memory_space<vmem>> -> memref<1x10240xf32, #tpu.memory_space<vmem>>
        %gather3A_1222 = tpu.memref_squeeze %gather3A_1221 : memref<1x10240xf32, #tpu.memory_space<vmem>> -> memref<10240xf32, #tpu.memory_space<vmem>>
        %gather3A_1223 = tpu.vector_load_idx %gather3A_1222[%add3A_1218] : memref<10240xf32, #tpu.memory_space<vmem>>[vector<16xi32>], vector<16xf32>,
        %add3A_1224 = arith.constant 5 : i32
        %add3A_1225 = vector.broadcast %add3A_1224 : i32 to vector<16xi32>
        %add3A_1226 = arith.addi %mul3A_1186, %add3A_1225 : vector<16xi32>
        %gather3A_1227 = arith.constant 0 : i32
        %gather3A_1228 = arith.constant 0 : i32
        %gather3A_1229 = tpu.memref_slice %arg15[%gather3A_1227, %gather3A_1228] : memref<2x10240xf32, #tpu.memory_space<vmem>> -> memref<1x10240xf32, #tpu.memory_space<vmem>>
        %gather3A_1230 = tpu.memref_squeeze %gather3A_1229 : memref<1x10240xf32, #tpu.memory_space<vmem>> -> memref<10240xf32, #tpu.memory_space<vmem>>
        %gather3A_1231 = tpu.vector_load_idx %gather3A_1230[%add3A_1226] : memref<10240xf32, #tpu.memory_space<vmem>>[vector<16xi32>], vector<16xf32>,
        %add3A_1232 = arith.constant 6 : i32
        %add3A_1233 = vector.broadcast %add3A_1232 : i32 to vector<16xi32>
        %add3A_1234 = arith.addi %mul3A_1186, %add3A_1233 : vector<16xi32>
        %gather3A_1235 = arith.constant 0 : i32
        %gather3A_1236 = arith.constant 0 : i32
        %gather3A_1237 = tpu.memref_slice %arg15[%gather3A_1235, %gather3A_1236] : memref<2x10240xf32, #tpu.memory_space<vmem>> -> memref<1x10240xf32, #tpu.memory_space<vmem>>
        %gather3A_1238 = tpu.memref_squeeze %gather3A_1237 : memref<1x10240xf32, #tpu.memory_space<vmem>> -> memref<10240xf32, #tpu.memory_space<vmem>>
        %gather3A_1239 = tpu.vector_load_idx %gather3A_1238[%add3A_1234] : memref<10240xf32, #tpu.memory_space<vmem>>[vector<16xi32>], vector<16xf32>,
        %add3A_1240 = arith.constant 7 : i32
        %add3A_1241 = vector.broadcast %add3A_1240 : i32 to vector<16xi32>
        %add3A_1242 = arith.addi %mul3A_1186, %add3A_1241 : vector<16xi32>
        %gather3A_1243 = arith.constant 0 : i32
        %gather3A_1244 = arith.constant 0 : i32
        %gather3A_1245 = tpu.memref_slice %arg15[%gather3A_1243, %gather3A_1244] : memref<2x10240xf32, #tpu.memory_space<vmem>> -> memref<1x10240xf32, #tpu.memory_space<vmem>>
        %gather3A_1246 = tpu.memref_squeeze %gather3A_1245 : memref<1x10240xf32, #tpu.memory_space<vmem>> -> memref<10240xf32, #tpu.memory_space<vmem>>
        %gather3A_1247 = tpu.vector_load_idx %gather3A_1246[%add3A_1242] : memref<10240xf32, #tpu.memory_space<vmem>>[vector<16xi32>], vector<16xf32>,
        %add3A_1248 = arith.constant 8 : i32
        %add3A_1249 = vector.broadcast %add3A_1248 : i32 to vector<16xi32>
        %add3A_1250 = arith.addi %mul3A_1186, %add3A_1249 : vector<16xi32>
        %gather3A_1251 = arith.constant 0 : i32
        %gather3A_1252 = arith.constant 0 : i32
        %gather3A_1253 = tpu.memref_slice %arg15[%gather3A_1251, %gather3A_1252] : memref<2x10240xf32, #tpu.memory_space<vmem>> -> memref<1x10240xf32, #tpu.memory_space<vmem>>
        %gather3A_1254 = tpu.memref_squeeze %gather3A_1253 : memref<1x10240xf32, #tpu.memory_space<vmem>> -> memref<10240xf32, #tpu.memory_space<vmem>>
        %gather3A_1255 = tpu.vector_load_idx %gather3A_1254[%add3A_1250] : memref<10240xf32, #tpu.memory_space<vmem>>[vector<16xi32>], vector<16xf32>,
        %add3A_1256 = arith.constant 9 : i32
        %add3A_1257 = vector.broadcast %add3A_1256 : i32 to vector<16xi32>
        %add3A_1258 = arith.addi %mul3A_1186, %add3A_1257 : vector<16xi32>
        %gather3A_1259 = arith.constant 0 : i32
        %gather3A_1260 = arith.constant 0 : i32
        %gather3A_1261 = tpu.memref_slice %arg15[%gather3A_1259, %gather3A_1260] : memref<2x10240xf32, #tpu.memory_space<vmem>> -> memref<1x10240xf32, #tpu.memory_space<vmem>>
        %gather3A_1262 = tpu.memref_squeeze %gather3A_1261 : memref<1x10240xf32, #tpu.memory_space<vmem>> -> memref<10240xf32, #tpu.memory_space<vmem>>
        %gather3A_1263 = tpu.vector_load_idx %gather3A_1262[%add3A_1258] : memref<10240xf32, #tpu.memory_space<vmem>>[vector<16xi32>], vector<16xf32>,
        %add3A_1264 = arith.constant 10 : i32
        %add3A_1265 = vector.broadcast %add3A_1264 : i32 to vector<16xi32>
        %add3A_1266 = arith.addi %mul3A_1186, %add3A_1265 : vector<16xi32>
        %gather3A_1267 = arith.constant 0 : i32
        %gather3A_1268 = arith.constant 0 : i32
        %gather3A_1269 = tpu.memref_slice %arg15[%gather3A_1267, %gather3A_1268] : memref<2x10240xf32, #tpu.memory_space<vmem>> -> memref<1x10240xf32, #tpu.memory_space<vmem>>
        %gather3A_1270 = tpu.memref_squeeze %gather3A_1269 : memref<1x10240xf32, #tpu.memory_space<vmem>> -> memref<10240xf32, #tpu.memory_space<vmem>>
        %gather3A_1271 = tpu.vector_load_idx %gather3A_1270[%add3A_1266] : memref<10240xf32, #tpu.memory_space<vmem>>[vector<16xi32>], vector<16xf32>,
        %add3A_1272 = arith.constant 11 : i32
        %add3A_1273 = vector.broadcast %add3A_1272 : i32 to vector<16xi32>
        %add3A_1274 = arith.addi %mul3A_1186, %add3A_1273 : vector<16xi32>
        %gather3A_1275 = arith.constant 0 : i32
        %gather3A_1276 = arith.constant 0 : i32
        %gather3A_1277 = tpu.memref_slice %arg15[%gather3A_1275, %gather3A_1276] : memref<2x10240xf32, #tpu.memory_space<vmem>> -> memref<1x10240xf32, #tpu.memory_space<vmem>>
        %gather3A_1278 = tpu.memref_squeeze %gather3A_1277 : memref<1x10240xf32, #tpu.memory_space<vmem>> -> memref<10240xf32, #tpu.memory_space<vmem>>
        %gather3A_1279 = tpu.vector_load_idx %gather3A_1278[%add3A_1274] : memref<10240xf32, #tpu.memory_space<vmem>>[vector<16xi32>], vector<16xf32>,
        %add3A_1280 = arith.constant 12 : i32
        %add3A_1281 = vector.broadcast %add3A_1280 : i32 to vector<16xi32>
        %add3A_1282 = arith.addi %mul3A_1186, %add3A_1281 : vector<16xi32>
        %gather3A_1283 = arith.constant 0 : i32
        %gather3A_1284 = arith.constant 0 : i32
        %gather3A_1285 = tpu.memref_slice %arg15[%gather3A_1283, %gather3A_1284] : memref<2x10240xf32, #tpu.memory_space<vmem>> -> memref<1x10240xf32, #tpu.memory_space<vmem>>
        %gather3A_1286 = tpu.memref_squeeze %gather3A_1285 : memref<1x10240xf32, #tpu.memory_space<vmem>> -> memref<10240xf32, #tpu.memory_space<vmem>>
        %gather3A_1287 = tpu.vector_load_idx %gather3A_1286[%add3A_1282] : memref<10240xf32, #tpu.memory_space<vmem>>[vector<16xi32>], vector<16xf32>,
        %add3A_1288 = arith.constant 13 : i32
        %add3A_1289 = vector.broadcast %add3A_1288 : i32 to vector<16xi32>
        %add3A_1290 = arith.addi %mul3A_1186, %add3A_1289 : vector<16xi32>
        %gather3A_1291 = arith.constant 0 : i32
        %gather3A_1292 = arith.constant 0 : i32
        %gather3A_1293 = tpu.memref_slice %arg15[%gather3A_1291, %gather3A_1292] : memref<2x10240xf32, #tpu.memory_space<vmem>> -> memref<1x10240xf32, #tpu.memory_space<vmem>>
        %gather3A_1294 = tpu.memref_squeeze %gather3A_1293 : memref<1x10240xf32, #tpu.memory_space<vmem>> -> memref<10240xf32, #tpu.memory_space<vmem>>
        %gather3A_1295 = tpu.vector_load_idx %gather3A_1294[%add3A_1290] : memref<10240xf32, #tpu.memory_space<vmem>>[vector<16xi32>], vector<16xf32>,
        %add3A_1296 = arith.constant 14 : i32
        %add3A_1297 = vector.broadcast %add3A_1296 : i32 to vector<16xi32>
        %add3A_1298 = arith.addi %mul3A_1186, %add3A_1297 : vector<16xi32>
        %gather3A_1299 = arith.constant 0 : i32
        %gather3A_1300 = arith.constant 0 : i32
        %gather3A_1301 = tpu.memref_slice %arg15[%gather3A_1299, %gather3A_1300] : memref<2x10240xf32, #tpu.memory_space<vmem>> -> memref<1x10240xf32, #tpu.memory_space<vmem>>
        %gather3A_1302 = tpu.memref_squeeze %gather3A_1301 : memref<1x10240xf32, #tpu.memory_space<vmem>> -> memref<10240xf32, #tpu.memory_space<vmem>>
        %gather3A_1303 = tpu.vector_load_idx %gather3A_1302[%add3A_1298] : memref<10240xf32, #tpu.memory_space<vmem>>[vector<16xi32>], vector<16xf32>,
        %add3A_1304 = arith.constant 15 : i32
        %add3A_1305 = vector.broadcast %add3A_1304 : i32 to vector<16xi32>
        %add3A_1306 = arith.addi %mul3A_1186, %add3A_1305 : vector<16xi32>
        %gather3A_1307 = arith.constant 0 : i32
        %gather3A_1308 = arith.constant 0 : i32
        %gather3A_1309 = tpu.memref_slice %arg15[%gather3A_1307, %gather3A_1308] : memref<2x10240xf32, #tpu.memory_space<vmem>> -> memref<1x10240xf32, #tpu.memory_space<vmem>>
        %gather3A_1310 = tpu.memref_squeeze %gather3A_1309 : memref<1x10240xf32, #tpu.memory_space<vmem>> -> memref<10240xf32, #tpu.memory_space<vmem>>
        %gather3A_1311 = tpu.vector_load_idx %gather3A_1310[%add3A_1306] : memref<10240xf32, #tpu.memory_space<vmem>>[vector<16xi32>], vector<16xf32>,
        %add3A_1312 = arith.addf %gather3A_1191, %gather3A_1199 : vector<16xf32>
        %add3A_1313 = arith.addf %gather3A_1207, %gather3A_1215 : vector<16xf32>
        %add3A_1314 = arith.addf %gather3A_1223, %gather3A_1231 : vector<16xf32>
        %add3A_1315 = arith.addf %gather3A_1239, %gather3A_1247 : vector<16xf32>
        %add3A_1316 = arith.addf %gather3A_1255, %gather3A_1263 : vector<16xf32>
        %add3A_1317 = arith.addf %gather3A_1271, %gather3A_1279 : vector<16xf32>
        %add3A_1318 = arith.addf %gather3A_1287, %gather3A_1295 : vector<16xf32>
        %add3A_1319 = arith.addf %gather3A_1303, %gather3A_1311 : vector<16xf32>
        %add3A_1320 = arith.addf %add3A_1312, %add3A_1313 : vector<16xf32>
        %add3A_1321 = arith.addf %add3A_1314, %add3A_1315 : vector<16xf32>
        %add3A_1322 = arith.addf %add3A_1316, %add3A_1317 : vector<16xf32>
        %add3A_1323 = arith.addf %add3A_1318, %add3A_1319 : vector<16xf32>
        %add3A_1324 = arith.addf %add3A_1320, %add3A_1321 : vector<16xf32>
        %add3A_1325 = arith.addf %add3A_1322, %add3A_1323 : vector<16xf32>
        %add3A_1326 = arith.addf %add3A_1324, %add3A_1325 : vector<16xf32>
        %mul3A_1327 = arith.constant 16 : i32
        %mul3A_1328 = arith.muli %scan3A_1179, %mul3A_1327 : i32
        %get3A_1329 = arith.constant 0 : i32
        %get3A_1330 = arith.constant 0 : i32
        %get3A_1331 = tpu.memref_slice %arg11[%get3A_1329, %get3A_1330] : memref<2x640xi32, #tpu.memory_space<vmem>> -> memref<1x640xi32, #tpu.memory_space<vmem>>
        %get3A_1332 = tpu.memref_squeeze %get3A_1331 : memref<1x640xi32, #tpu.memory_space<vmem>> -> memref<640xi32, #tpu.memory_space<vmem>>
        %get3A_1333 = arith.index_cast %mul3A_1328 : i32 to index
        %get3A_1334 = tpu.vector_load %get3A_1332[%get3A_1333] {strides = array<i32>} : memref<640xi32, #tpu.memory_space<vmem>>, vector<16xi32>,
        %mul3A_1335 = arith.mulf %add3A_1326, %broadcast_in_dim3A_638 : vector<16xf32>
        tpu.vector_store_idx %arg16[%get3A_1334], %mul3A_1335 {add = true} : memref<10240xf32, #tpu.memory_space<vmem>>[vector<16xi32>], vector<16xf32>,
        tpu.vector_store_idx %arg17[%get3A_1334], %broadcast_in_dim3A_638 {add = true} : memref<10240xf32, #tpu.memory_space<vmem>>[vector<16xi32>], vector<16xf32>,
      }
      %scan3A_644 = arith.constant 40 : i32
      %mul3A_645 = arith.constant 32 : i32
      %mul3A_646 = arith.muli %add3A_364, %mul3A_645 : i32
      %add3A_647 = arith.addi %mul3A_646, %add3A : i32
      %min3A_648 = arith.constant 249 : i32
      %min3A_649 = arith.minsi %add3A_647, %min3A_648 : i32
      %mul3A_650 = arith.constant 640 : i32
      %mul3A_651 = arith.muli %min3A_649, %mul3A_650 : i32
      %mul3A_652 = arith.constant 16 : i32
      %mul3A_653 = arith.muli %mul3A_651, %mul3A_652 : i32
      %dma_start3A_654 = arith.constant 0 : i32
      %dma_start3A_655 = arith.constant 0 : i32
      %dma_start3A_656 = tpu.memref_slice %arg15[%dma_start3A_654, %dma_start3A_655] : memref<2x10240xf32, #tpu.memory_space<vmem>> -> memref<1x10240xf32, #tpu.memory_space<vmem>>
      %dma_start3A_657 = tpu.memref_squeeze %dma_start3A_656 : memref<1x10240xf32, #tpu.memory_space<vmem>> -> memref<10240xf32, #tpu.memory_space<vmem>>
      %dma_start3A_658 = tpu.memref_slice %arg7[%mul3A_653] : memref<2560000xf32, #tpu.memory_space<hbm>> -> memref<10240xf32, #tpu.memory_space<hbm>>
      %dma_start3A_659 = tpu.memref_slice %arg7[%mul3A_653] : memref<2560000xf32, #tpu.memory_space<hbm>> -> memref<10240xf32, #tpu.memory_space<hbm>>
      %dma_start3A_660 = arith.constant 0 : i32
      %dma_start3A_661 = tpu.memref_slice %arg15[%dma_start3A_654, %dma_start3A_660] : memref<2x10240xf32, #tpu.memory_space<vmem>> -> memref<1x10240xf32, #tpu.memory_space<vmem>>
      %dma_start3A_662 = tpu.memref_squeeze %dma_start3A_661 : memref<1x10240xf32, #tpu.memory_space<vmem>> -> memref<10240xf32, #tpu.memory_space<vmem>>
      tpu.enqueue_dma source(%dma_start3A_662 : memref<10240xf32, #tpu.memory_space<vmem>>) target(%dma_start3A_659 : memref<10240xf32, #tpu.memory_space<hbm>>) target_semaphore(%arg22 : memref<!tpu.dma_semaphore, #tpu.memory_space<semaphore_mem>>)
      %add3A_663 = arith.constant 2 : i32
      %add3A_664 = arith.addi %add3A_364, %add3A_663 : i32
      %mul3A_665 = arith.constant 32 : i32
      %mul3A_666 = arith.muli %add3A_664, %mul3A_665 : i32
      %add3A_667 = arith.addi %mul3A_666, %add3A : i32
      %min3A_668 = arith.constant 249 : i32
      %min3A_669 = arith.minsi %add3A_667, %min3A_668 : i32
      %mul3A_670 = arith.constant 640 : i32
      %mul3A_671 = arith.muli %min3A_669, %mul3A_670 : i32
      %dma_start3A_672 = arith.constant 0 : i32
      %dma_start3A_673 = arith.constant 0 : i32
      %dma_start3A_674 = tpu.memref_slice %arg10[%dma_start3A_672, %dma_start3A_673] : memref<2x640xi32, #tpu.memory_space<vmem>> -> memref<1x640xi32, #tpu.memory_space<vmem>>
      %dma_start3A_675 = tpu.memref_squeeze %dma_start3A_674 : memref<1x640xi32, #tpu.memory_space<vmem>> -> memref<640xi32, #tpu.memory_space<vmem>>
      %dma_start3A_676 = tpu.memref_slice %arg5[%mul3A_671] : memref<160000xi32, #tpu.memory_space<hbm>> -> memref<640xi32, #tpu.memory_space<hbm>>
      %dma_start3A_677 = arith.constant 0 : i32
      %dma_start3A_678 = tpu.memref_slice %arg10[%dma_start3A_672, %dma_start3A_677] : memref<2x640xi32, #tpu.memory_space<vmem>> -> memref<1x640xi32, #tpu.memory_space<vmem>>
      %dma_start3A_679 = tpu.memref_squeeze %dma_start3A_678 : memref<1x640xi32, #tpu.memory_space<vmem>> -> memref<640xi32, #tpu.memory_space<vmem>>
      %dma_start3A_680 = tpu.memref_slice %arg5[%mul3A_671] : memref<160000xi32, #tpu.memory_space<hbm>> -> memref<640xi32, #tpu.memory_space<hbm>>
      tpu.enqueue_dma source(%dma_start3A_680 : memref<640xi32, #tpu.memory_space<hbm>>) target(%dma_start3A_679 : memref<640xi32, #tpu.memory_space<vmem>>) target_semaphore(%arg18 : memref<!tpu.dma_semaphore, #tpu.memory_space<semaphore_mem>>)
      %dma_start3A_681 = arith.constant 0 : i32
      %dma_start3A_682 = arith.constant 0 : i32
      %dma_start3A_683 = tpu.memref_slice %arg11[%dma_start3A_681, %dma_start3A_682] : memref<2x640xi32, #tpu.memory_space<vmem>> -> memref<1x640xi32, #tpu.memory_space<vmem>>
      %dma_start3A_684 = tpu.memref_squeeze %dma_start3A_683 : memref<1x640xi32, #tpu.memory_space<vmem>> -> memref<640xi32, #tpu.memory_space<vmem>>
      %dma_start3A_685 = tpu.memref_slice %arg6[%mul3A_671] : memref<160000xi32, #tpu.memory_space<hbm>> -> memref<640xi32, #tpu.memory_space<hbm>>
      %dma_start3A_686 = arith.constant 0 : i32
      %dma_start3A_687 = tpu.memref_slice %arg11[%dma_start3A_681, %dma_start3A_686] : memref<2x640xi32, #tpu.memory_space<vmem>> -> memref<1x640xi32, #tpu.memory_space<vmem>>
      %dma_start3A_688 = tpu.memref_squeeze %dma_start3A_687 : memref<1x640xi32, #tpu.memory_space<vmem>> -> memref<640xi32, #tpu.memory_space<vmem>>
      %dma_start3A_689 = tpu.memref_slice %arg6[%mul3A_671] : memref<160000xi32, #tpu.memory_space<hbm>> -> memref<640xi32, #tpu.memory_space<hbm>>
      tpu.enqueue_dma source(%dma_start3A_689 : memref<640xi32, #tpu.memory_space<hbm>>) target(%dma_start3A_688 : memref<640xi32, #tpu.memory_space<vmem>>) target_semaphore(%arg18 : memref<!tpu.dma_semaphore, #tpu.memory_space<semaphore_mem>>)
      %mul3A_690 = arith.constant 2 : i32
      %mul3A_691 = arith.muli %mul3A_690, %scan3A_360 : i32
      %add3A_692 = arith.constant 1 : i32
      %add3A_693 = arith.addi %mul3A_691, %add3A_692 : i32
      %dma_wait3A_694 = arith.constant 0 : i32
      %dma_wait3A_695 = arith.constant 0 : i32
      %dma_wait3A_696 = tpu.memref_slice %arg10[%dma_wait3A_694, %dma_wait3A_695] : memref<2x640xi32, #tpu.memory_space<vmem>> -> memref<1x640xi32, #tpu.memory_space<vmem>>
      %dma_wait3A_697 = tpu.memref_squeeze %dma_wait3A_696 : memref<1x640xi32, #tpu.memory_space<vmem>> -> memref<640xi32, #tpu.memory_space<vmem>>
      %dma_wait3A_698 = arith.constant 0 : i32
      %dma_wait3A_699 = tpu.memref_slice %arg5[%dma_wait3A_698] : memref<160000xi32, #tpu.memory_space<hbm>> -> memref<640xi32, #tpu.memory_space<hbm>>
      %dma_wait3A_700 = arith.constant 0 : i32
      %dma_wait3A_701 = tpu.memref_slice %arg10[%dma_wait3A_694, %dma_wait3A_700] : memref<2x640xi32, #tpu.memory_space<vmem>> -> memref<1x640xi32, #tpu.memory_space<vmem>>
      %dma_wait3A_702 = tpu.memref_squeeze %dma_wait3A_701 : memref<1x640xi32, #tpu.memory_space<vmem>> -> memref<640xi32, #tpu.memory_space<vmem>>
      %dma_wait3A_703 = arith.constant 0 : i32
      %dma_wait3A_704 = tpu.memref_slice %arg5[%dma_wait3A_703] : memref<160000xi32, #tpu.memory_space<hbm>> -> memref<640xi32, #tpu.memory_space<hbm>>
      tpu.wait_dma2 semaphore(%arg18 : memref<!tpu.dma_semaphore, #tpu.memory_space<semaphore_mem>>) src(%dma_wait3A_704 : memref<640xi32, #tpu.memory_space<hbm>>) dst(%dma_wait3A_702 : memref<640xi32, #tpu.memory_space<vmem>>)
      %dma_wait3A_705 = arith.constant 0 : i32
      %dma_wait3A_706 = arith.constant 0 : i32
      %dma_wait3A_707 = tpu.memref_slice %arg11[%dma_wait3A_705, %dma_wait3A_706] : memref<2x640xi32, #tpu.memory_space<vmem>> -> memref<1x640xi32, #tpu.memory_space<vmem>>
      %dma_wait3A_708 = tpu.memref_squeeze %dma_wait3A_707 : memref<1x640xi32, #tpu.memory_space<vmem>> -> memref<640xi32, #tpu.memory_space<vmem>>
      %dma_wait3A_709 = arith.constant 0 : i32
      %dma_wait3A_710 = tpu.memref_slice %arg6[%dma_wait3A_709] : memref<160000xi32, #tpu.memory_space<hbm>> -> memref<640xi32, #tpu.memory_space<hbm>>
      %dma_wait3A_711 = arith.constant 0 : i32
      %dma_wait3A_712 = tpu.memref_slice %arg11[%dma_wait3A_705, %dma_wait3A_711] : memref<2x640xi32, #tpu.memory_space<vmem>> -> memref<1x640xi32, #tpu.memory_space<vmem>>
      %dma_wait3A_713 = tpu.memref_squeeze %dma_wait3A_712 : memref<1x640xi32, #tpu.memory_space<vmem>> -> memref<640xi32, #tpu.memory_space<vmem>>
      %dma_wait3A_714 = arith.constant 0 : i32
      %dma_wait3A_715 = tpu.memref_slice %arg6[%dma_wait3A_714] : memref<160000xi32, #tpu.memory_space<hbm>> -> memref<640xi32, #tpu.memory_space<hbm>>
      tpu.wait_dma2 semaphore(%arg18 : memref<!tpu.dma_semaphore, #tpu.memory_space<semaphore_mem>>) src(%dma_wait3A_715 : memref<640xi32, #tpu.memory_space<hbm>>) dst(%dma_wait3A_713 : memref<640xi32, #tpu.memory_space<vmem>>)
      %add3A_716 = arith.constant 1 : i32
      %add3A_717 = arith.addi %add3A_693, %add3A_716 : i32
      %dma_start3A_718 = arith.constant 0 : i32
      %dma_start3A_719 = arith.constant 0 : i32
      %dma_start3A_720 = arith.constant 0 : i32
      %dma_start3A_721 = arith.constant 0 : i32
      %dma_start3A_722 = tpu.memref_slice %arg12[%dma_start3A_719, %dma_start3A_720, %dma_start3A_721] : memref<2x640x16xf32, #tpu.memory_space<vmem>> -> memref<1x640x16xf32, #tpu.memory_space<vmem>>
      %dma_start3A_723 = tpu.memref_squeeze %dma_start3A_722 : memref<1x640x16xf32, #tpu.memory_space<vmem>> -> memref<640x16xf32, #tpu.memory_space<vmem>>
      %dma_start3A_724 = arith.constant 0 : i32
      %dma_start3A_725 = arith.constant 0 : i32
      %dma_start3A_726 = tpu.memref_slice %dma_start3A_723[%dma_start3A_724, %dma_start3A_725] : memref<640x16xf32, #tpu.memory_space<vmem>> -> memref<128x16xf32, #tpu.memory_space<vmem>>
      %dma_start3A_727 = arith.constant 0 : i32
      %dma_start3A_728 = tpu.memref_slice %arg10[%dma_start3A_718, %dma_start3A_727] : memref<2x640xi32, #tpu.memory_space<vmem>> -> memref<1x640xi32, #tpu.memory_space<vmem>>
      %dma_start3A_729 = tpu.memref_squeeze %dma_start3A_728 : memref<1x640xi32, #tpu.memory_space<vmem>> -> memref<640xi32, #tpu.memory_space<vmem>>
      %dma_start3A_730 = arith.constant 0 : i32
      %dma_start3A_731 = tpu.memref_slice %dma_start3A_729[%dma_start3A_730] : memref<640xi32, #tpu.memory_space<vmem>> -> memref<128xi32, #tpu.memory_space<vmem>>
      %dma_start3A_732 = arith.constant 0 : i32
      %dma_start3A_733 = arith.constant 0 : i32
      %dma_start3A_734 = tpu.memref_slice %arg2[%dma_start3A_732, %dma_start3A_733] : memref<10000x16xf32, #tpu.memory_space<hbm>> -> memref<10000x16xf32, #tpu.memory_space<hbm>>
      tpu.enqueue_indirect_dma source(%dma_start3A_734 : memref<10000x16xf32, #tpu.memory_space<hbm>>) target(%dma_start3A_726 : memref<128x16xf32, #tpu.memory_space<vmem>>) offsets(%dma_start3A_731 : memref<128xi32, #tpu.memory_space<vmem>>) semaphore(%arg20 : memref<!tpu.dma_semaphore, #tpu.memory_space<semaphore_mem>>)
      %dma_start3A_735 = arith.constant 0 : i32
      %dma_start3A_736 = arith.constant 0 : i32
      %dma_start3A_737 = arith.constant 0 : i32
      %dma_start3A_738 = arith.constant 0 : i32
      %dma_start3A_739 = tpu.memref_slice %arg13[%dma_start3A_736, %dma_start3A_737, %dma_start3A_738] : memref<2x640x16xf32, #tpu.memory_space<vmem>> -> memref<1x640x16xf32, #tpu.memory_space<vmem>>
      %dma_start3A_740 = tpu.memref_squeeze %dma_start3A_739 : memref<1x640x16xf32, #tpu.memory_space<vmem>> -> memref<640x16xf32, #tpu.memory_space<vmem>>
      %dma_start3A_741 = arith.constant 0 : i32
      %dma_start3A_742 = arith.constant 0 : i32
      %dma_start3A_743 = tpu.memref_slice %dma_start3A_740[%dma_start3A_741, %dma_start3A_742] : memref<640x16xf32, #tpu.memory_space<vmem>> -> memref<128x16xf32, #tpu.memory_space<vmem>>
      %dma_start3A_744 = arith.constant 0 : i32
      %dma_start3A_745 = tpu.memref_slice %arg11[%dma_start3A_735, %dma_start3A_744] : memref<2x640xi32, #tpu.memory_space<vmem>> -> memref<1x640xi32, #tpu.memory_space<vmem>>
      %dma_start3A_746 = tpu.memref_squeeze %dma_start3A_745 : memref<1x640xi32, #tpu.memory_space<vmem>> -> memref<640xi32, #tpu.memory_space<vmem>>
      %dma_start3A_747 = arith.constant 0 : i32
      %dma_start3A_748 = tpu.memref_slice %dma_start3A_746[%dma_start3A_747] : memref<640xi32, #tpu.memory_space<vmem>> -> memref<128xi32, #tpu.memory_space<vmem>>
      %dma_start3A_749 = arith.constant 0 : i32
      %dma_start3A_750 = arith.constant 0 : i32
      %dma_start3A_751 = tpu.memref_slice %arg3[%dma_start3A_749, %dma_start3A_750] : memref<10000x16xf32, #tpu.memory_space<hbm>> -> memref<10000x16xf32, #tpu.memory_space<hbm>>
      tpu.enqueue_indirect_dma source(%dma_start3A_751 : memref<10000x16xf32, #tpu.memory_space<hbm>>) target(%dma_start3A_743 : memref<128x16xf32, #tpu.memory_space<vmem>>) offsets(%dma_start3A_748 : memref<128xi32, #tpu.memory_space<vmem>>) semaphore(%arg20 : memref<!tpu.dma_semaphore, #tpu.memory_space<semaphore_mem>>)
      %dma_start3A_752 = arith.constant 0 : i32
      %dma_start3A_753 = arith.constant 0 : i32
      %dma_start3A_754 = arith.constant 0 : i32
      %dma_start3A_755 = arith.constant 0 : i32
      %dma_start3A_756 = tpu.memref_slice %arg12[%dma_start3A_753, %dma_start3A_754, %dma_start3A_755] : memref<2x640x16xf32, #tpu.memory_space<vmem>> -> memref<1x640x16xf32, #tpu.memory_space<vmem>>
      %dma_start3A_757 = tpu.memref_squeeze %dma_start3A_756 : memref<1x640x16xf32, #tpu.memory_space<vmem>> -> memref<640x16xf32, #tpu.memory_space<vmem>>
      %dma_start3A_758 = arith.constant 128 : i32
      %dma_start3A_759 = arith.constant 0 : i32
      %dma_start3A_760 = tpu.memref_slice %dma_start3A_757[%dma_start3A_758, %dma_start3A_759] : memref<640x16xf32, #tpu.memory_space<vmem>> -> memref<128x16xf32, #tpu.memory_space<vmem>>
      %dma_start3A_761 = arith.constant 0 : i32
      %dma_start3A_762 = tpu.memref_slice %arg10[%dma_start3A_752, %dma_start3A_761] : memref<2x640xi32, #tpu.memory_space<vmem>> -> memref<1x640xi32, #tpu.memory_space<vmem>>
      %dma_start3A_763 = tpu.memref_squeeze %dma_start3A_762 : memref<1x640xi32, #tpu.memory_space<vmem>> -> memref<640xi32, #tpu.memory_space<vmem>>
      %dma_start3A_764 = arith.constant 128 : i32
      %dma_start3A_765 = tpu.memref_slice %dma_start3A_763[%dma_start3A_764] : memref<640xi32, #tpu.memory_space<vmem>> -> memref<128xi32, #tpu.memory_space<vmem>>
      %dma_start3A_766 = arith.constant 0 : i32
      %dma_start3A_767 = arith.constant 0 : i32
      %dma_start3A_768 = tpu.memref_slice %arg2[%dma_start3A_766, %dma_start3A_767] : memref<10000x16xf32, #tpu.memory_space<hbm>> -> memref<10000x16xf32, #tpu.memory_space<hbm>>
      tpu.enqueue_indirect_dma source(%dma_start3A_768 : memref<10000x16xf32, #tpu.memory_space<hbm>>) target(%dma_start3A_760 : memref<128x16xf32, #tpu.memory_space<vmem>>) offsets(%dma_start3A_765 : memref<128xi32, #tpu.memory_space<vmem>>) semaphore(%arg20 : memref<!tpu.dma_semaphore, #tpu.memory_space<semaphore_mem>>)
      %dma_start3A_769 = arith.constant 0 : i32
      %dma_start3A_770 = arith.constant 0 : i32
      %dma_start3A_771 = arith.constant 0 : i32
      %dma_start3A_772 = arith.constant 0 : i32
      %dma_start3A_773 = tpu.memref_slice %arg13[%dma_start3A_770, %dma_start3A_771, %dma_start3A_772] : memref<2x640x16xf32, #tpu.memory_space<vmem>> -> memref<1x640x16xf32, #tpu.memory_space<vmem>>
      %dma_start3A_774 = tpu.memref_squeeze %dma_start3A_773 : memref<1x640x16xf32, #tpu.memory_space<vmem>> -> memref<640x16xf32, #tpu.memory_space<vmem>>
      %dma_start3A_775 = arith.constant 128 : i32
      %dma_start3A_776 = arith.constant 0 : i32
      %dma_start3A_777 = tpu.memref_slice %dma_start3A_774[%dma_start3A_775, %dma_start3A_776] : memref<640x16xf32, #tpu.memory_space<vmem>> -> memref<128x16xf32, #tpu.memory_space<vmem>>
      %dma_start3A_778 = arith.constant 0 : i32
      %dma_start3A_779 = tpu.memref_slice %arg11[%dma_start3A_769, %dma_start3A_778] : memref<2x640xi32, #tpu.memory_space<vmem>> -> memref<1x640xi32, #tpu.memory_space<vmem>>
      %dma_start3A_780 = tpu.memref_squeeze %dma_start3A_779 : memref<1x640xi32, #tpu.memory_space<vmem>> -> memref<640xi32, #tpu.memory_space<vmem>>
      %dma_start3A_781 = arith.constant 128 : i32
      %dma_start3A_782 = tpu.memref_slice %dma_start3A_780[%dma_start3A_781] : memref<640xi32, #tpu.memory_space<vmem>> -> memref<128xi32, #tpu.memory_space<vmem>>
      %dma_start3A_783 = arith.constant 0 : i32
      %dma_start3A_784 = arith.constant 0 : i32
      %dma_start3A_785 = tpu.memref_slice %arg3[%dma_start3A_783, %dma_start3A_784] : memref<10000x16xf32, #tpu.memory_space<hbm>> -> memref<10000x16xf32, #tpu.memory_space<hbm>>
      tpu.enqueue_indirect_dma source(%dma_start3A_785 : memref<10000x16xf32, #tpu.memory_space<hbm>>) target(%dma_start3A_777 : memref<128x16xf32, #tpu.memory_space<vmem>>) offsets(%dma_start3A_782 : memref<128xi32, #tpu.memory_space<vmem>>) semaphore(%arg20 : memref<!tpu.dma_semaphore, #tpu.memory_space<semaphore_mem>>)
      %dma_start3A_786 = arith.constant 0 : i32
      %dma_start3A_787 = arith.constant 0 : i32
      %dma_start3A_788 = arith.constant 0 : i32
      %dma_start3A_789 = arith.constant 0 : i32
      %dma_start3A_790 = tpu.memref_slice %arg12[%dma_start3A_787, %dma_start3A_788, %dma_start3A_789] : memref<2x640x16xf32, #tpu.memory_space<vmem>> -> memref<1x640x16xf32, #tpu.memory_space<vmem>>
      %dma_start3A_791 = tpu.memref_squeeze %dma_start3A_790 : memref<1x640x16xf32, #tpu.memory_space<vmem>> -> memref<640x16xf32, #tpu.memory_space<vmem>>
      %dma_start3A_792 = arith.constant 256 : i32
      %dma_start3A_793 = arith.constant 0 : i32
      %dma_start3A_794 = tpu.memref_slice %dma_start3A_791[%dma_start3A_792, %dma_start3A_793] : memref<640x16xf32, #tpu.memory_space<vmem>> -> memref<128x16xf32, #tpu.memory_space<vmem>>
      %dma_start3A_795 = arith.constant 0 : i32
      %dma_start3A_796 = tpu.memref_slice %arg10[%dma_start3A_786, %dma_start3A_795] : memref<2x640xi32, #tpu.memory_space<vmem>> -> memref<1x640xi32, #tpu.memory_space<vmem>>
      %dma_start3A_797 = tpu.memref_squeeze %dma_start3A_796 : memref<1x640xi32, #tpu.memory_space<vmem>> -> memref<640xi32, #tpu.memory_space<vmem>>
      %dma_start3A_798 = arith.constant 256 : i32
      %dma_start3A_799 = tpu.memref_slice %dma_start3A_797[%dma_start3A_798] : memref<640xi32, #tpu.memory_space<vmem>> -> memref<128xi32, #tpu.memory_space<vmem>>
      %dma_start3A_800 = arith.constant 0 : i32
      %dma_start3A_801 = arith.constant 0 : i32
      %dma_start3A_802 = tpu.memref_slice %arg2[%dma_start3A_800, %dma_start3A_801] : memref<10000x16xf32, #tpu.memory_space<hbm>> -> memref<10000x16xf32, #tpu.memory_space<hbm>>
      tpu.enqueue_indirect_dma source(%dma_start3A_802 : memref<10000x16xf32, #tpu.memory_space<hbm>>) target(%dma_start3A_794 : memref<128x16xf32, #tpu.memory_space<vmem>>) offsets(%dma_start3A_799 : memref<128xi32, #tpu.memory_space<vmem>>) semaphore(%arg20 : memref<!tpu.dma_semaphore, #tpu.memory_space<semaphore_mem>>)
      %dma_start3A_803 = arith.constant 0 : i32
      %dma_start3A_804 = arith.constant 0 : i32
      %dma_start3A_805 = arith.constant 0 : i32
      %dma_start3A_806 = arith.constant 0 : i32
      %dma_start3A_807 = tpu.memref_slice %arg13[%dma_start3A_804, %dma_start3A_805, %dma_start3A_806] : memref<2x640x16xf32, #tpu.memory_space<vmem>> -> memref<1x640x16xf32, #tpu.memory_space<vmem>>
      %dma_start3A_808 = tpu.memref_squeeze %dma_start3A_807 : memref<1x640x16xf32, #tpu.memory_space<vmem>> -> memref<640x16xf32, #tpu.memory_space<vmem>>
      %dma_start3A_809 = arith.constant 256 : i32
      %dma_start3A_810 = arith.constant 0 : i32
      %dma_start3A_811 = tpu.memref_slice %dma_start3A_808[%dma_start3A_809, %dma_start3A_810] : memref<640x16xf32, #tpu.memory_space<vmem>> -> memref<128x16xf32, #tpu.memory_space<vmem>>
      %dma_start3A_812 = arith.constant 0 : i32
      %dma_start3A_813 = tpu.memref_slice %arg11[%dma_start3A_803, %dma_start3A_812] : memref<2x640xi32, #tpu.memory_space<vmem>> -> memref<1x640xi32, #tpu.memory_space<vmem>>
      %dma_start3A_814 = tpu.memref_squeeze %dma_start3A_813 : memref<1x640xi32, #tpu.memory_space<vmem>> -> memref<640xi32, #tpu.memory_space<vmem>>
      %dma_start3A_815 = arith.constant 256 : i32
      %dma_start3A_816 = tpu.memref_slice %dma_start3A_814[%dma_start3A_815] : memref<640xi32, #tpu.memory_space<vmem>> -> memref<128xi32, #tpu.memory_space<vmem>>
      %dma_start3A_817 = arith.constant 0 : i32
      %dma_start3A_818 = arith.constant 0 : i32
      %dma_start3A_819 = tpu.memref_slice %arg3[%dma_start3A_817, %dma_start3A_818] : memref<10000x16xf32, #tpu.memory_space<hbm>> -> memref<10000x16xf32, #tpu.memory_space<hbm>>
      tpu.enqueue_indirect_dma source(%dma_start3A_819 : memref<10000x16xf32, #tpu.memory_space<hbm>>) target(%dma_start3A_811 : memref<128x16xf32, #tpu.memory_space<vmem>>) offsets(%dma_start3A_816 : memref<128xi32, #tpu.memory_space<vmem>>) semaphore(%arg20 : memref<!tpu.dma_semaphore, #tpu.memory_space<semaphore_mem>>)
      %dma_start3A_820 = arith.constant 0 : i32
      %dma_start3A_821 = arith.constant 0 : i32
      %dma_start3A_822 = arith.constant 0 : i32
      %dma_start3A_823 = arith.constant 0 : i32
      %dma_start3A_824 = tpu.memref_slice %arg12[%dma_start3A_821, %dma_start3A_822, %dma_start3A_823] : memref<2x640x16xf32, #tpu.memory_space<vmem>> -> memref<1x640x16xf32, #tpu.memory_space<vmem>>
      %dma_start3A_825 = tpu.memref_squeeze %dma_start3A_824 : memref<1x640x16xf32, #tpu.memory_space<vmem>> -> memref<640x16xf32, #tpu.memory_space<vmem>>
      %dma_start3A_826 = arith.constant 384 : i32
      %dma_start3A_827 = arith.constant 0 : i32
      %dma_start3A_828 = tpu.memref_slice %dma_start3A_825[%dma_start3A_826, %dma_start3A_827] : memref<640x16xf32, #tpu.memory_space<vmem>> -> memref<128x16xf32, #tpu.memory_space<vmem>>
      %dma_start3A_829 = arith.constant 0 : i32
      %dma_start3A_830 = tpu.memref_slice %arg10[%dma_start3A_820, %dma_start3A_829] : memref<2x640xi32, #tpu.memory_space<vmem>> -> memref<1x640xi32, #tpu.memory_space<vmem>>
      %dma_start3A_831 = tpu.memref_squeeze %dma_start3A_830 : memref<1x640xi32, #tpu.memory_space<vmem>> -> memref<640xi32, #tpu.memory_space<vmem>>
      %dma_start3A_832 = arith.constant 384 : i32
      %dma_start3A_833 = tpu.memref_slice %dma_start3A_831[%dma_start3A_832] : memref<640xi32, #tpu.memory_space<vmem>> -> memref<128xi32, #tpu.memory_space<vmem>>
      %dma_start3A_834 = arith.constant 0 : i32
      %dma_start3A_835 = arith.constant 0 : i32
      %dma_start3A_836 = tpu.memref_slice %arg2[%dma_start3A_834, %dma_start3A_835] : memref<10000x16xf32, #tpu.memory_space<hbm>> -> memref<10000x16xf32, #tpu.memory_space<hbm>>
      tpu.enqueue_indirect_dma source(%dma_start3A_836 : memref<10000x16xf32, #tpu.memory_space<hbm>>) target(%dma_start3A_828 : memref<128x16xf32, #tpu.memory_space<vmem>>) offsets(%dma_start3A_833 : memref<128xi32, #tpu.memory_space<vmem>>) semaphore(%arg20 : memref<!tpu.dma_semaphore, #tpu.memory_space<semaphore_mem>>)
      %dma_start3A_837 = arith.constant 0 : i32
      %dma_start3A_838 = arith.constant 0 : i32
      %dma_start3A_839 = arith.constant 0 : i32
      %dma_start3A_840 = arith.constant 0 : i32
      %dma_start3A_841 = tpu.memref_slice %arg13[%dma_start3A_838, %dma_start3A_839, %dma_start3A_840] : memref<2x640x16xf32, #tpu.memory_space<vmem>> -> memref<1x640x16xf32, #tpu.memory_space<vmem>>
      %dma_start3A_842 = tpu.memref_squeeze %dma_start3A_841 : memref<1x640x16xf32, #tpu.memory_space<vmem>> -> memref<640x16xf32, #tpu.memory_space<vmem>>
      %dma_start3A_843 = arith.constant 384 : i32
      %dma_start3A_844 = arith.constant 0 : i32
      %dma_start3A_845 = tpu.memref_slice %dma_start3A_842[%dma_start3A_843, %dma_start3A_844] : memref<640x16xf32, #tpu.memory_space<vmem>> -> memref<128x16xf32, #tpu.memory_space<vmem>>
      %dma_start3A_846 = arith.constant 0 : i32
      %dma_start3A_847 = tpu.memref_slice %arg11[%dma_start3A_837, %dma_start3A_846] : memref<2x640xi32, #tpu.memory_space<vmem>> -> memref<1x640xi32, #tpu.memory_space<vmem>>
      %dma_start3A_848 = tpu.memref_squeeze %dma_start3A_847 : memref<1x640xi32, #tpu.memory_space<vmem>> -> memref<640xi32, #tpu.memory_space<vmem>>
      %dma_start3A_849 = arith.constant 384 : i32
      %dma_start3A_850 = tpu.memref_slice %dma_start3A_848[%dma_start3A_849] : memref<640xi32, #tpu.memory_space<vmem>> -> memref<128xi32, #tpu.memory_space<vmem>>
      %dma_start3A_851 = arith.constant 0 : i32
      %dma_start3A_852 = arith.constant 0 : i32
      %dma_start3A_853 = tpu.memref_slice %arg3[%dma_start3A_851, %dma_start3A_852] : memref<10000x16xf32, #tpu.memory_space<hbm>> -> memref<10000x16xf32, #tpu.memory_space<hbm>>
      tpu.enqueue_indirect_dma source(%dma_start3A_853 : memref<10000x16xf32, #tpu.memory_space<hbm>>) target(%dma_start3A_845 : memref<128x16xf32, #tpu.memory_space<vmem>>) offsets(%dma_start3A_850 : memref<128xi32, #tpu.memory_space<vmem>>) semaphore(%arg20 : memref<!tpu.dma_semaphore, #tpu.memory_space<semaphore_mem>>)
      %dma_start3A_854 = arith.constant 0 : i32
      %dma_start3A_855 = arith.constant 0 : i32
      %dma_start3A_856 = arith.constant 0 : i32
      %dma_start3A_857 = arith.constant 0 : i32
      %dma_start3A_858 = tpu.memref_slice %arg12[%dma_start3A_855, %dma_start3A_856, %dma_start3A_857] : memref<2x640x16xf32, #tpu.memory_space<vmem>> -> memref<1x640x16xf32, #tpu.memory_space<vmem>>
      %dma_start3A_859 = tpu.memref_squeeze %dma_start3A_858 : memref<1x640x16xf32, #tpu.memory_space<vmem>> -> memref<640x16xf32, #tpu.memory_space<vmem>>
      %dma_start3A_860 = arith.constant 512 : i32
      %dma_start3A_861 = arith.constant 0 : i32
      %dma_start3A_862 = tpu.memref_slice %dma_start3A_859[%dma_start3A_860, %dma_start3A_861] : memref<640x16xf32, #tpu.memory_space<vmem>> -> memref<128x16xf32, #tpu.memory_space<vmem>>
      %dma_start3A_863 = arith.constant 0 : i32
      %dma_start3A_864 = tpu.memref_slice %arg10[%dma_start3A_854, %dma_start3A_863] : memref<2x640xi32, #tpu.memory_space<vmem>> -> memref<1x640xi32, #tpu.memory_space<vmem>>
      %dma_start3A_865 = tpu.memref_squeeze %dma_start3A_864 : memref<1x640xi32, #tpu.memory_space<vmem>> -> memref<640xi32, #tpu.memory_space<vmem>>
      %dma_start3A_866 = arith.constant 512 : i32
      %dma_start3A_867 = tpu.memref_slice %dma_start3A_865[%dma_start3A_866] : memref<640xi32, #tpu.memory_space<vmem>> -> memref<128xi32, #tpu.memory_space<vmem>>
      %dma_start3A_868 = arith.constant 0 : i32
      %dma_start3A_869 = arith.constant 0 : i32
      %dma_start3A_870 = tpu.memref_slice %arg2[%dma_start3A_868, %dma_start3A_869] : memref<10000x16xf32, #tpu.memory_space<hbm>> -> memref<10000x16xf32, #tpu.memory_space<hbm>>
      tpu.enqueue_indirect_dma source(%dma_start3A_870 : memref<10000x16xf32, #tpu.memory_space<hbm>>) target(%dma_start3A_862 : memref<128x16xf32, #tpu.memory_space<vmem>>) offsets(%dma_start3A_867 : memref<128xi32, #tpu.memory_space<vmem>>) semaphore(%arg20 : memref<!tpu.dma_semaphore, #tpu.memory_space<semaphore_mem>>)
      %dma_start3A_871 = arith.constant 0 : i32
      %dma_start3A_872 = arith.constant 0 : i32
      %dma_start3A_873 = arith.constant 0 : i32
      %dma_start3A_874 = arith.constant 0 : i32
      %dma_start3A_875 = tpu.memref_slice %arg13[%dma_start3A_872, %dma_start3A_873, %dma_start3A_874] : memref<2x640x16xf32, #tpu.memory_space<vmem>> -> memref<1x640x16xf32, #tpu.memory_space<vmem>>
      %dma_start3A_876 = tpu.memref_squeeze %dma_start3A_875 : memref<1x640x16xf32, #tpu.memory_space<vmem>> -> memref<640x16xf32, #tpu.memory_space<vmem>>
      %dma_start3A_877 = arith.constant 512 : i32
      %dma_start3A_878 = arith.constant 0 : i32
      %dma_start3A_879 = tpu.memref_slice %dma_start3A_876[%dma_start3A_877, %dma_start3A_878] : memref<640x16xf32, #tpu.memory_space<vmem>> -> memref<128x16xf32, #tpu.memory_space<vmem>>
      %dma_start3A_880 = arith.constant 0 : i32
      %dma_start3A_881 = tpu.memref_slice %arg11[%dma_start3A_871, %dma_start3A_880] : memref<2x640xi32, #tpu.memory_space<vmem>> -> memref<1x640xi32, #tpu.memory_space<vmem>>
      %dma_start3A_882 = tpu.memref_squeeze %dma_start3A_881 : memref<1x640xi32, #tpu.memory_space<vmem>> -> memref<640xi32, #tpu.memory_space<vmem>>
      %dma_start3A_883 = arith.constant 512 : i32
      %dma_start3A_884 = tpu.memref_slice %dma_start3A_882[%dma_start3A_883] : memref<640xi32, #tpu.memory_space<vmem>> -> memref<128xi32, #tpu.memory_space<vmem>>
      %dma_start3A_885 = arith.constant 0 : i32
      %dma_start3A_886 = arith.constant 0 : i32
      %dma_start3A_887 = tpu.memref_slice %arg3[%dma_start3A_885, %dma_start3A_886] : memref<10000x16xf32, #tpu.memory_space<hbm>> -> memref<10000x16xf32, #tpu.memory_space<hbm>>
      tpu.enqueue_indirect_dma source(%dma_start3A_887 : memref<10000x16xf32, #tpu.memory_space<hbm>>) target(%dma_start3A_879 : memref<128x16xf32, #tpu.memory_space<vmem>>) offsets(%dma_start3A_884 : memref<128xi32, #tpu.memory_space<vmem>>) semaphore(%arg20 : memref<!tpu.dma_semaphore, #tpu.memory_space<semaphore_mem>>)
      %mul3A_888 = arith.constant 32 : i32
      %mul3A_889 = arith.muli %add3A_717, %mul3A_888 : i32
      %add3A_890 = arith.addi %mul3A_889, %add3A : i32
      %min3A_891 = arith.constant 249 : i32
      %min3A_892 = arith.minsi %add3A_890, %min3A_891 : i32
      %mul3A_893 = arith.constant 80 : i32
      %mul3A_894 = arith.muli %min3A_892, %mul3A_893 : i32
      %dma_start3A_895 = arith.constant 0 : i32
      %dma_start3A_896 = arith.constant 0 : i32
      %dma_start3A_897 = arith.constant 0 : i32
      %dma_start3A_898 = tpu.memref_slice %arg14[%dma_start3A_895, %dma_start3A_896, %dma_start3A_897] : memref<2x80x128xf32, #tpu.memory_space<vmem>> -> memref<1x80x128xf32, #tpu.memory_space<vmem>>
      %dma_start3A_899 = tpu.memref_squeeze %dma_start3A_898 : memref<1x80x128xf32, #tpu.memory_space<vmem>> -> memref<80x128xf32, #tpu.memory_space<vmem>>
      %dma_start3A_900 = arith.constant 0 : i32
      %dma_start3A_901 = tpu.memref_slice %arg4[%mul3A_894, %dma_start3A_900] : memref<20000x128xf32, #tpu.memory_space<hbm>> -> memref<80x128xf32, #tpu.memory_space<hbm>>
      %dma_start3A_902 = arith.constant 0 : i32
      %dma_start3A_903 = arith.constant 0 : i32
      %dma_start3A_904 = tpu.memref_slice %arg14[%dma_start3A_895, %dma_start3A_902, %dma_start3A_903] : memref<2x80x128xf32, #tpu.memory_space<vmem>> -> memref<1x80x128xf32, #tpu.memory_space<vmem>>
      %dma_start3A_905 = tpu.memref_squeeze %dma_start3A_904 : memref<1x80x128xf32, #tpu.memory_space<vmem>> -> memref<80x128xf32, #tpu.memory_space<vmem>>
      %dma_start3A_906 = arith.constant 0 : i32
      %dma_start3A_907 = tpu.memref_slice %arg4[%mul3A_894, %dma_start3A_906] : memref<20000x128xf32, #tpu.memory_space<hbm>> -> memref<80x128xf32, #tpu.memory_space<hbm>>
      tpu.enqueue_dma source(%dma_start3A_907 : memref<80x128xf32, #tpu.memory_space<hbm>>) target(%dma_start3A_905 : memref<80x128xf32, #tpu.memory_space<vmem>>) target_semaphore(%arg20 : memref<!tpu.dma_semaphore, #tpu.memory_space<semaphore_mem>>)
      %dma_wait3A_908 = arith.constant 1 : i32
      %dma_wait3A_909 = arith.constant 0 : i32
      %dma_wait3A_910 = arith.constant 0 : i32
      %dma_wait3A_911 = tpu.memref_slice %arg12[%dma_wait3A_908, %dma_wait3A_909, %dma_wait3A_910] : memref<2x640x16xf32, #tpu.memory_space<vmem>> -> memref<1x640x16xf32, #tpu.memory_space<vmem>>
      %dma_wait3A_912 = tpu.memref_squeeze %dma_wait3A_911 : memref<1x640x16xf32, #tpu.memory_space<vmem>> -> memref<640x16xf32, #tpu.memory_space<vmem>>
      %dma_wait3A_913 = arith.constant 0 : i32
      %dma_wait3A_914 = arith.constant 0 : i32
      %dma_wait3A_915 = tpu.memref_slice %arg2[%dma_wait3A_913, %dma_wait3A_914] : memref<10000x16xf32, #tpu.memory_space<hbm>> -> memref<640x16xf32, #tpu.memory_space<hbm>>
      %dma_wait3A_916 = arith.constant 0 : i32
      %dma_wait3A_917 = arith.constant 0 : i32
      %dma_wait3A_918 = tpu.memref_slice %arg12[%dma_wait3A_908, %dma_wait3A_916, %dma_wait3A_917] : memref<2x640x16xf32, #tpu.memory_space<vmem>> -> memref<1x640x16xf32, #tpu.memory_space<vmem>>
      %dma_wait3A_919 = tpu.memref_squeeze %dma_wait3A_918 : memref<1x640x16xf32, #tpu.memory_space<vmem>> -> memref<640x16xf32, #tpu.memory_space<vmem>>
      %dma_wait3A_920 = arith.constant 0 : i32
      %dma_wait3A_921 = arith.constant 0 : i32
      %dma_wait3A_922 = tpu.memref_slice %arg2[%dma_wait3A_920, %dma_wait3A_921] : memref<10000x16xf32, #tpu.memory_space<hbm>> -> memref<640x16xf32, #tpu.memory_space<hbm>>
      tpu.wait_dma2 semaphore(%arg21 : memref<!tpu.dma_semaphore, #tpu.memory_space<semaphore_mem>>) src(%dma_wait3A_922 : memref<640x16xf32, #tpu.memory_space<hbm>>) dst(%dma_wait3A_919 : memref<640x16xf32, #tpu.memory_space<vmem>>)
      %dma_wait3A_923 = arith.constant 1 : i32
      %dma_wait3A_924 = arith.constant 0 : i32
      %dma_wait3A_925 = arith.constant 0 : i32
      %dma_wait3A_926 = tpu.memref_slice %arg13[%dma_wait3A_923, %dma_wait3A_924, %dma_wait3A_925] : memref<2x640x16xf32, #tpu.memory_space<vmem>> -> memref<1x640x16xf32, #tpu.memory_space<vmem>>
      %dma_wait3A_927 = tpu.memref_squeeze %dma_wait3A_926 : memref<1x640x16xf32, #tpu.memory_space<vmem>> -> memref<640x16xf32, #tpu.memory_space<vmem>>
      %dma_wait3A_928 = arith.constant 0 : i32
      %dma_wait3A_929 = arith.constant 0 : i32
      %dma_wait3A_930 = tpu.memref_slice %arg2[%dma_wait3A_928, %dma_wait3A_929] : memref<10000x16xf32, #tpu.memory_space<hbm>> -> memref<640x16xf32, #tpu.memory_space<hbm>>
      %dma_wait3A_931 = arith.constant 0 : i32
      %dma_wait3A_932 = arith.constant 0 : i32
      %dma_wait3A_933 = tpu.memref_slice %arg13[%dma_wait3A_923, %dma_wait3A_931, %dma_wait3A_932] : memref<2x640x16xf32, #tpu.memory_space<vmem>> -> memref<1x640x16xf32, #tpu.memory_space<vmem>>
      %dma_wait3A_934 = tpu.memref_squeeze %dma_wait3A_933 : memref<1x640x16xf32, #tpu.memory_space<vmem>> -> memref<640x16xf32, #tpu.memory_space<vmem>>
      %dma_wait3A_935 = arith.constant 0 : i32
      %dma_wait3A_936 = arith.constant 0 : i32
      %dma_wait3A_937 = tpu.memref_slice %arg2[%dma_wait3A_935, %dma_wait3A_936] : memref<10000x16xf32, #tpu.memory_space<hbm>> -> memref<640x16xf32, #tpu.memory_space<hbm>>
      tpu.wait_dma2 semaphore(%arg21 : memref<!tpu.dma_semaphore, #tpu.memory_space<semaphore_mem>>) src(%dma_wait3A_937 : memref<640x16xf32, #tpu.memory_space<hbm>>) dst(%dma_wait3A_934 : memref<640x16xf32, #tpu.memory_space<vmem>>)
      %dma_wait3A_938 = arith.constant 1 : i32
      %dma_wait3A_939 = arith.constant 0 : i32
      %dma_wait3A_940 = arith.constant 0 : i32
      %dma_wait3A_941 = tpu.memref_slice %arg14[%dma_wait3A_938, %dma_wait3A_939, %dma_wait3A_940] : memref<2x80x128xf32, #tpu.memory_space<vmem>> -> memref<1x80x128xf32, #tpu.memory_space<vmem>>
      %dma_wait3A_942 = tpu.memref_squeeze %dma_wait3A_941 : memref<1x80x128xf32, #tpu.memory_space<vmem>> -> memref<80x128xf32, #tpu.memory_space<vmem>>
      %dma_wait3A_943 = arith.constant 0 : i32
      %dma_wait3A_944 = arith.constant 0 : i32
      %dma_wait3A_945 = tpu.memref_slice %arg4[%dma_wait3A_943, %dma_wait3A_944] : memref<20000x128xf32, #tpu.memory_space<hbm>> -> memref<80x128xf32, #tpu.memory_space<hbm>>
      %dma_wait3A_946 = arith.constant 0 : i32
      %dma_wait3A_947 = arith.constant 0 : i32
      %dma_wait3A_948 = tpu.memref_slice %arg14[%dma_wait3A_938, %dma_wait3A_946, %dma_wait3A_947] : memref<2x80x128xf32, #tpu.memory_space<vmem>> -> memref<1x80x128xf32, #tpu.memory_space<vmem>>
      %dma_wait3A_949 = tpu.memref_squeeze %dma_wait3A_948 : memref<1x80x128xf32, #tpu.memory_space<vmem>> -> memref<80x128xf32, #tpu.memory_space<vmem>>
      %dma_wait3A_950 = arith.constant 0 : i32
      %dma_wait3A_951 = arith.constant 0 : i32
      %dma_wait3A_952 = tpu.memref_slice %arg4[%dma_wait3A_950, %dma_wait3A_951] : memref<20000x128xf32, #tpu.memory_space<hbm>> -> memref<80x128xf32, #tpu.memory_space<hbm>>
      tpu.wait_dma2 semaphore(%arg21 : memref<!tpu.dma_semaphore, #tpu.memory_space<semaphore_mem>>) src(%dma_wait3A_952 : memref<80x128xf32, #tpu.memory_space<hbm>>) dst(%dma_wait3A_949 : memref<80x128xf32, #tpu.memory_space<vmem>>)
      %ge3A_953 = arith.constant 2 : i32
      %ge3A_954 = arith.cmpi sge, %add3A_693, %ge3A_953 : i32
      %convert_element_type3A_955 = arith.extui %ge3A_954 : i1 to i32
      %cond3A_956 = arith.constant 0 : i32
      %cond3A_957 = arith.cmpi ne, %convert_element_type3A_955, %cond3A_956 : i32
      scf.if %cond3A_957 {
        %dma_wait3A_1023 = arith.constant 1 : i32
        %dma_wait3A_1024 = arith.constant 0 : i32
        %dma_wait3A_1025 = tpu.memref_slice %arg15[%dma_wait3A_1023, %dma_wait3A_1024] : memref<2x10240xf32, #tpu.memory_space<vmem>> -> memref<1x10240xf32, #tpu.memory_space<vmem>>
        %dma_wait3A_1026 = tpu.memref_squeeze %dma_wait3A_1025 : memref<1x10240xf32, #tpu.memory_space<vmem>> -> memref<10240xf32, #tpu.memory_space<vmem>>
        %dma_wait3A_1027 = arith.constant 0 : i32
        %dma_wait3A_1028 = tpu.memref_slice %arg7[%dma_wait3A_1027] : memref<2560000xf32, #tpu.memory_space<hbm>> -> memref<10240xf32, #tpu.memory_space<hbm>>
        %dma_wait3A_1029 = arith.constant 0 : i32
        %dma_wait3A_1030 = tpu.memref_slice %arg15[%dma_wait3A_1023, %dma_wait3A_1029] : memref<2x10240xf32, #tpu.memory_space<vmem>> -> memref<1x10240xf32, #tpu.memory_space<vmem>>
        %dma_wait3A_1031 = tpu.memref_squeeze %dma_wait3A_1030 : memref<1x10240xf32, #tpu.memory_space<vmem>> -> memref<10240xf32, #tpu.memory_space<vmem>>
        %dma_wait3A_1032 = arith.constant 0 : i32
        %dma_wait3A_1033 = tpu.memref_slice %arg7[%dma_wait3A_1032] : memref<2560000xf32, #tpu.memory_space<hbm>> -> memref<10240xf32, #tpu.memory_space<hbm>>
        tpu.wait_dma2 semaphore(%arg23 : memref<!tpu.dma_semaphore, #tpu.memory_space<semaphore_mem>>) src(%dma_wait3A_1033 : memref<10240xf32, #tpu.memory_space<hbm>>) dst(%dma_wait3A_1031 : memref<10240xf32, #tpu.memory_space<vmem>>)
      } else {
      }
      %scan3A_958 = arith.constant 0 : i32
      %scan3A_959 = arith.constant 0 : i32
      %scan3A_960 = arith.constant 80 : i32
      %scan3A_961 = arith.addi %scan3A_959, %scan3A_960 : i32
      %scan3A_962 = arith.constant 2 : i32
      scf.for %scan3A_1023 = %scan3A_959 to %scan3A_961 step %scan3A_962  : i32 {
        %mul3A_1024 = arith.constant 8 : i32
        %mul3A_1025 = arith.muli %scan3A_1023, %mul3A_1024 : i32
        %get3A = arith.constant 1 : i32
        %get3A_1026 = arith.constant 0 : i32
        %get3A_1027 = arith.constant 0 : i32
        %get3A_1028 = tpu.memref_slice %arg14[%get3A, %get3A_1026, %get3A_1027] : memref<2x80x128xf32, #tpu.memory_space<vmem>> -> memref<1x80x128xf32, #tpu.memory_space<vmem>>
        %get3A_1029 = tpu.memref_squeeze %get3A_1028 : memref<1x80x128xf32, #tpu.memory_space<vmem>> -> memref<80x128xf32, #tpu.memory_space<vmem>>
        %get3A_1030 = arith.index_cast %scan3A_1023 : i32 to index
        %get3A_1031 = arith.constant 0 : index
        %get3A_1032 = tpu.vector_load %get3A_1029[%get3A_1030, %get3A_1031] {strides = array<i32>} : memref<80x128xf32, #tpu.memory_space<vmem>>, vector<16xf32>,
        %add3A_1033 = arith.constant 0 : i32
        %add3A_1034 = arith.addi %mul3A_1025, %add3A_1033 : i32
        %get3A_1035 = arith.constant 1 : i32
        %get3A_1036 = arith.constant 0 : i32
        %get3A_1037 = arith.constant 0 : i32
        %get3A_1038 = tpu.memref_slice %arg12[%get3A_1035, %get3A_1036, %get3A_1037] : memref<2x640x16xf32, #tpu.memory_space<vmem>> -> memref<1x640x16xf32, #tpu.memory_space<vmem>>
        %get3A_1039 = tpu.memref_squeeze %get3A_1038 : memref<1x640x16xf32, #tpu.memory_space<vmem>> -> memref<640x16xf32, #tpu.memory_space<vmem>>
        %get3A_1040 = arith.index_cast %add3A_1034 : i32 to index
        %get3A_1041 = arith.constant 0 : index
        %get3A_1042 = tpu.vector_load %get3A_1039[%get3A_1040, %get3A_1041] {strides = array<i32>} : memref<640x16xf32, #tpu.memory_space<vmem>>, vector<16xf32>,
        %add3A_1043 = arith.addf %get3A_1032, %get3A_1042 : vector<16xf32>
        %add3A_1044 = arith.constant 0 : i32
        %add3A_1045 = arith.addi %mul3A_1025, %add3A_1044 : i32
        %get3A_1046 = arith.constant 1 : i32
        %get3A_1047 = arith.constant 0 : i32
        %get3A_1048 = arith.constant 0 : i32
        %get3A_1049 = tpu.memref_slice %arg13[%get3A_1046, %get3A_1047, %get3A_1048] : memref<2x640x16xf32, #tpu.memory_space<vmem>> -> memref<1x640x16xf32, #tpu.memory_space<vmem>>
        %get3A_1050 = tpu.memref_squeeze %get3A_1049 : memref<1x640x16xf32, #tpu.memory_space<vmem>> -> memref<640x16xf32, #tpu.memory_space<vmem>>
        %get3A_1051 = arith.index_cast %add3A_1045 : i32 to index
        %get3A_1052 = arith.constant 0 : index
        %get3A_1053 = tpu.vector_load %get3A_1050[%get3A_1051, %get3A_1052] {strides = array<i32>} : memref<640x16xf32, #tpu.memory_space<vmem>>, vector<16xf32>,
        %add3A_1054 = arith.addf %add3A_1043, %get3A_1053 : vector<16xf32>
        %max3A = arith.constant 0.000000e+00 : f32
        %max3A_1055 = vector.broadcast %max3A : f32 to vector<16xf32>
        %max3A_1056 = arith.maximumf %add3A_1054, %max3A_1055 : vector<16xf32>
        %add3A_1057 = arith.constant 0 : i32
        %add3A_1058 = arith.addi %mul3A_1025, %add3A_1057 : i32
        %mul3A_1059 = arith.constant 16 : i32
        %mul3A_1060 = arith.muli %add3A_1058, %mul3A_1059 : i32
        %swap3A = arith.constant 1 : i32
        %swap3A_1061 = arith.constant 0 : i32
        %swap3A_1062 = tpu.memref_slice %arg15[%swap3A, %swap3A_1061] : memref<2x10240xf32, #tpu.memory_space<vmem>> -> memref<1x10240xf32, #tpu.memory_space<vmem>>
        %swap3A_1063 = tpu.memref_squeeze %swap3A_1062 : memref<1x10240xf32, #tpu.memory_space<vmem>> -> memref<10240xf32, #tpu.memory_space<vmem>>
        %swap3A_1064 = arith.index_cast %mul3A_1060 : i32 to index
        %swap3A_1065 = tpu.vector_load %swap3A_1063[%swap3A_1064] {strides = array<i32>} : memref<10240xf32, #tpu.memory_space<vmem>>, vector<16xf32>,
        tpu.vector_store %swap3A_1063[%swap3A_1064], %max3A_1056 {strides = array<i32>} : memref<10240xf32, #tpu.memory_space<vmem>>, vector<16xf32>,
        %get3A_1066 = arith.constant 1 : i32
        %get3A_1067 = arith.constant 0 : i32
        %get3A_1068 = arith.constant 0 : i32
        %get3A_1069 = tpu.memref_slice %arg14[%get3A_1066, %get3A_1067, %get3A_1068] : memref<2x80x128xf32, #tpu.memory_space<vmem>> -> memref<1x80x128xf32, #tpu.memory_space<vmem>>
        %get3A_1070 = tpu.memref_squeeze %get3A_1069 : memref<1x80x128xf32, #tpu.memory_space<vmem>> -> memref<80x128xf32, #tpu.memory_space<vmem>>
        %get3A_1071 = arith.index_cast %scan3A_1023 : i32 to index
        %get3A_1072 = arith.constant 16 : index
        %get3A_1073 = tpu.vector_load %get3A_1070[%get3A_1071, %get3A_1072] {strides = array<i32>} : memref<80x128xf32, #tpu.memory_space<vmem>>, vector<16xf32>,
        %add3A_1074 = arith.constant 1 : i32
        %add3A_1075 = arith.addi %mul3A_1025, %add3A_1074 : i32
        %get3A_1076 = arith.constant 1 : i32
        %get3A_1077 = arith.constant 0 : i32
        %get3A_1078 = arith.constant 0 : i32
        %get3A_1079 = tpu.memref_slice %arg12[%get3A_1076, %get3A_1077, %get3A_1078] : memref<2x640x16xf32, #tpu.memory_space<vmem>> -> memref<1x640x16xf32, #tpu.memory_space<vmem>>
        %get3A_1080 = tpu.memref_squeeze %get3A_1079 : memref<1x640x16xf32, #tpu.memory_space<vmem>> -> memref<640x16xf32, #tpu.memory_space<vmem>>
        %get3A_1081 = arith.index_cast %add3A_1075 : i32 to index
        %get3A_1082 = arith.constant 0 : index
        %get3A_1083 = tpu.vector_load %get3A_1080[%get3A_1081, %get3A_1082] {strides = array<i32>} : memref<640x16xf32, #tpu.memory_space<vmem>>, vector<16xf32>,
        %add3A_1084 = arith.addf %get3A_1073, %get3A_1083 : vector<16xf32>
        %add3A_1085 = arith.constant 1 : i32
        %add3A_1086 = arith.addi %mul3A_1025, %add3A_1085 : i32
        %get3A_1087 = arith.constant 1 : i32
        %get3A_1088 = arith.constant 0 : i32
        %get3A_1089 = arith.constant 0 : i32
        %get3A_1090 = tpu.memref_slice %arg13[%get3A_1087, %get3A_1088, %get3A_1089] : memref<2x640x16xf32, #tpu.memory_space<vmem>> -> memref<1x640x16xf32, #tpu.memory_space<vmem>>
        %get3A_1091 = tpu.memref_squeeze %get3A_1090 : memref<1x640x16xf32, #tpu.memory_space<vmem>> -> memref<640x16xf32, #tpu.memory_space<vmem>>
        %get3A_1092 = arith.index_cast %add3A_1086 : i32 to index
        %get3A_1093 = arith.constant 0 : index
        %get3A_1094 = tpu.vector_load %get3A_1091[%get3A_1092, %get3A_1093] {strides = array<i32>} : memref<640x16xf32, #tpu.memory_space<vmem>>, vector<16xf32>,
        %add3A_1095 = arith.addf %add3A_1084, %get3A_1094 : vector<16xf32>
        %max3A_1096 = arith.constant 0.000000e+00 : f32
        %max3A_1097 = vector.broadcast %max3A_1096 : f32 to vector<16xf32>
        %max3A_1098 = arith.maximumf %add3A_1095, %max3A_1097 : vector<16xf32>
        %add3A_1099 = arith.constant 1 : i32
        %add3A_1100 = arith.addi %mul3A_1025, %add3A_1099 : i32
        %mul3A_1101 = arith.constant 16 : i32
        %mul3A_1102 = arith.muli %add3A_1100, %mul3A_1101 : i32
        %swap3A_1103 = arith.constant 1 : i32
        %swap3A_1104 = arith.constant 0 : i32
        %swap3A_1105 = tpu.memref_slice %arg15[%swap3A_1103, %swap3A_1104] : memref<2x10240xf32, #tpu.memory_space<vmem>> -> memref<1x10240xf32, #tpu.memory_space<vmem>>
        %swap3A_1106 = tpu.memref_squeeze %swap3A_1105 : memref<1x10240xf32, #tpu.memory_space<vmem>> -> memref<10240xf32, #tpu.memory_space<vmem>>
        %swap3A_1107 = arith.index_cast %mul3A_1102 : i32 to index
        %swap3A_1108 = tpu.vector_load %swap3A_1106[%swap3A_1107] {strides = array<i32>} : memref<10240xf32, #tpu.memory_space<vmem>>, vector<16xf32>,
        tpu.vector_store %swap3A_1106[%swap3A_1107], %max3A_1098 {strides = array<i32>} : memref<10240xf32, #tpu.memory_space<vmem>>, vector<16xf32>,
        %get3A_1109 = arith.constant 1 : i32
        %get3A_1110 = arith.constant 0 : i32
        %get3A_1111 = arith.constant 0 : i32
        %get3A_1112 = tpu.memref_slice %arg14[%get3A_1109, %get3A_1110, %get3A_1111] : memref<2x80x128xf32, #tpu.memory_space<vmem>> -> memref<1x80x128xf32, #tpu.memory_space<vmem>>
        %get3A_1113 = tpu.memref_squeeze %get3A_1112 : memref<1x80x128xf32, #tpu.memory_space<vmem>> -> memref<80x128xf32, #tpu.memory_space<vmem>>
        %get3A_1114 = arith.index_cast %scan3A_1023 : i32 to index
        %get3A_1115 = arith.constant 32 : index
        %get3A_1116 = tpu.vector_load %get3A_1113[%get3A_1114, %get3A_1115] {strides = array<i32>} : memref<80x128xf32, #tpu.memory_space<vmem>>, vector<16xf32>,
        %add3A_1117 = arith.constant 2 : i32
        %add3A_1118 = arith.addi %mul3A_1025, %add3A_1117 : i32
        %get3A_1119 = arith.constant 1 : i32
        %get3A_1120 = arith.constant 0 : i32
        %get3A_1121 = arith.constant 0 : i32
        %get3A_1122 = tpu.memref_slice %arg12[%get3A_1119, %get3A_1120, %get3A_1121] : memref<2x640x16xf32, #tpu.memory_space<vmem>> -> memref<1x640x16xf32, #tpu.memory_space<vmem>>
        %get3A_1123 = tpu.memref_squeeze %get3A_1122 : memref<1x640x16xf32, #tpu.memory_space<vmem>> -> memref<640x16xf32, #tpu.memory_space<vmem>>
        %get3A_1124 = arith.index_cast %add3A_1118 : i32 to index
        %get3A_1125 = arith.constant 0 : index
        %get3A_1126 = tpu.vector_load %get3A_1123[%get3A_1124, %get3A_1125] {strides = array<i32>} : memref<640x16xf32, #tpu.memory_space<vmem>>, vector<16xf32>,
        %add3A_1127 = arith.addf %get3A_1116, %get3A_1126 : vector<16xf32>
        %add3A_1128 = arith.constant 2 : i32
        %add3A_1129 = arith.addi %mul3A_1025, %add3A_1128 : i32
        %get3A_1130 = arith.constant 1 : i32
        %get3A_1131 = arith.constant 0 : i32
        %get3A_1132 = arith.constant 0 : i32
        %get3A_1133 = tpu.memref_slice %arg13[%get3A_1130, %get3A_1131, %get3A_1132] : memref<2x640x16xf32, #tpu.memory_space<vmem>> -> memref<1x640x16xf32, #tpu.memory_space<vmem>>
        %get3A_1134 = tpu.memref_squeeze %get3A_1133 : memref<1x640x16xf32, #tpu.memory_space<vmem>> -> memref<640x16xf32, #tpu.memory_space<vmem>>
        %get3A_1135 = arith.index_cast %add3A_1129 : i32 to index
        %get3A_1136 = arith.constant 0 : index
        %get3A_1137 = tpu.vector_load %get3A_1134[%get3A_1135, %get3A_1136] {strides = array<i32>} : memref<640x16xf32, #tpu.memory_space<vmem>>, vector<16xf32>,
        %add3A_1138 = arith.addf %add3A_1127, %get3A_1137 : vector<16xf32>
        %max3A_1139 = arith.constant 0.000000e+00 : f32
        %max3A_1140 = vector.broadcast %max3A_1139 : f32 to vector<16xf32>
        %max3A_1141 = arith.maximumf %add3A_1138, %max3A_1140 : vector<16xf32>
        %add3A_1142 = arith.constant 2 : i32
        %add3A_1143 = arith.addi %mul3A_1025, %add3A_1142 : i32
        %mul3A_1144 = arith.constant 16 : i32
        %mul3A_1145 = arith.muli %add3A_1143, %mul3A_1144 : i32
        %swap3A_1146 = arith.constant 1 : i32
        %swap3A_1147 = arith.constant 0 : i32
        %swap3A_1148 = tpu.memref_slice %arg15[%swap3A_1146, %swap3A_1147] : memref<2x10240xf32, #tpu.memory_space<vmem>> -> memref<1x10240xf32, #tpu.memory_space<vmem>>
        %swap3A_1149 = tpu.memref_squeeze %swap3A_1148 : memref<1x10240xf32, #tpu.memory_space<vmem>> -> memref<10240xf32, #tpu.memory_space<vmem>>
        %swap3A_1150 = arith.index_cast %mul3A_1145 : i32 to index
        %swap3A_1151 = tpu.vector_load %swap3A_1149[%swap3A_1150] {strides = array<i32>} : memref<10240xf32, #tpu.memory_space<vmem>>, vector<16xf32>,
        tpu.vector_store %swap3A_1149[%swap3A_1150], %max3A_1141 {strides = array<i32>} : memref<10240xf32, #tpu.memory_space<vmem>>, vector<16xf32>,
        %get3A_1152 = arith.constant 1 : i32
        %get3A_1153 = arith.constant 0 : i32
        %get3A_1154 = arith.constant 0 : i32
        %get3A_1155 = tpu.memref_slice %arg14[%get3A_1152, %get3A_1153, %get3A_1154] : memref<2x80x128xf32, #tpu.memory_space<vmem>> -> memref<1x80x128xf32, #tpu.memory_space<vmem>>
        %get3A_1156 = tpu.memref_squeeze %get3A_1155 : memref<1x80x128xf32, #tpu.memory_space<vmem>> -> memref<80x128xf32, #tpu.memory_space<vmem>>
        %get3A_1157 = arith.index_cast %scan3A_1023 : i32 to index
        %get3A_1158 = arith.constant 48 : index
        %get3A_1159 = tpu.vector_load %get3A_1156[%get3A_1157, %get3A_1158] {strides = array<i32>} : memref<80x128xf32, #tpu.memory_space<vmem>>, vector<16xf32>,
        %add3A_1160 = arith.constant 3 : i32
        %add3A_1161 = arith.addi %mul3A_1025, %add3A_1160 : i32
        %get3A_1162 = arith.constant 1 : i32
        %get3A_1163 = arith.constant 0 : i32
        %get3A_1164 = arith.constant 0 : i32
        %get3A_1165 = tpu.memref_slice %arg12[%get3A_1162, %get3A_1163, %get3A_1164] : memref<2x640x16xf32, #tpu.memory_space<vmem>> -> memref<1x640x16xf32, #tpu.memory_space<vmem>>
        %get3A_1166 = tpu.memref_squeeze %get3A_1165 : memref<1x640x16xf32, #tpu.memory_space<vmem>> -> memref<640x16xf32, #tpu.memory_space<vmem>>
        %get3A_1167 = arith.index_cast %add3A_1161 : i32 to index
        %get3A_1168 = arith.constant 0 : index
        %get3A_1169 = tpu.vector_load %get3A_1166[%get3A_1167, %get3A_1168] {strides = array<i32>} : memref<640x16xf32, #tpu.memory_space<vmem>>, vector<16xf32>,
        %add3A_1170 = arith.addf %get3A_1159, %get3A_1169 : vector<16xf32>
        %add3A_1171 = arith.constant 3 : i32
        %add3A_1172 = arith.addi %mul3A_1025, %add3A_1171 : i32
        %get3A_1173 = arith.constant 1 : i32
        %get3A_1174 = arith.constant 0 : i32
        %get3A_1175 = arith.constant 0 : i32
        %get3A_1176 = tpu.memref_slice %arg13[%get3A_1173, %get3A_1174, %get3A_1175] : memref<2x640x16xf32, #tpu.memory_space<vmem>> -> memref<1x640x16xf32, #tpu.memory_space<vmem>>
        %get3A_1177 = tpu.memref_squeeze %get3A_1176 : memref<1x640x16xf32, #tpu.memory_space<vmem>> -> memref<640x16xf32, #tpu.memory_space<vmem>>
        %get3A_1178 = arith.index_cast %add3A_1172 : i32 to index
        %get3A_1179 = arith.constant 0 : index
        %get3A_1180 = tpu.vector_load %get3A_1177[%get3A_1178, %get3A_1179] {strides = array<i32>} : memref<640x16xf32, #tpu.memory_space<vmem>>, vector<16xf32>,
        %add3A_1181 = arith.addf %add3A_1170, %get3A_1180 : vector<16xf32>
        %max3A_1182 = arith.constant 0.000000e+00 : f32
        %max3A_1183 = vector.broadcast %max3A_1182 : f32 to vector<16xf32>
        %max3A_1184 = arith.maximumf %add3A_1181, %max3A_1183 : vector<16xf32>
        %add3A_1185 = arith.constant 3 : i32
        %add3A_1186 = arith.addi %mul3A_1025, %add3A_1185 : i32
        %mul3A_1187 = arith.constant 16 : i32
        %mul3A_1188 = arith.muli %add3A_1186, %mul3A_1187 : i32
        %swap3A_1189 = arith.constant 1 : i32
        %swap3A_1190 = arith.constant 0 : i32
        %swap3A_1191 = tpu.memref_slice %arg15[%swap3A_1189, %swap3A_1190] : memref<2x10240xf32, #tpu.memory_space<vmem>> -> memref<1x10240xf32, #tpu.memory_space<vmem>>
        %swap3A_1192 = tpu.memref_squeeze %swap3A_1191 : memref<1x10240xf32, #tpu.memory_space<vmem>> -> memref<10240xf32, #tpu.memory_space<vmem>>
        %swap3A_1193 = arith.index_cast %mul3A_1188 : i32 to index
        %swap3A_1194 = tpu.vector_load %swap3A_1192[%swap3A_1193] {strides = array<i32>} : memref<10240xf32, #tpu.memory_space<vmem>>, vector<16xf32>,
        tpu.vector_store %swap3A_1192[%swap3A_1193], %max3A_1184 {strides = array<i32>} : memref<10240xf32, #tpu.memory_space<vmem>>, vector<16xf32>,
        %get3A_1195 = arith.constant 1 : i32
        %get3A_1196 = arith.constant 0 : i32
        %get3A_1197 = arith.constant 0 : i32
        %get3A_1198 = tpu.memref_slice %arg14[%get3A_1195, %get3A_1196, %get3A_1197] : memref<2x80x128xf32, #tpu.memory_space<vmem>> -> memref<1x80x128xf32, #tpu.memory_space<vmem>>
        %get3A_1199 = tpu.memref_squeeze %get3A_1198 : memref<1x80x128xf32, #tpu.memory_space<vmem>> -> memref<80x128xf32, #tpu.memory_space<vmem>>
        %get3A_1200 = arith.index_cast %scan3A_1023 : i32 to index
        %get3A_1201 = arith.constant 64 : index
        %get3A_1202 = tpu.vector_load %get3A_1199[%get3A_1200, %get3A_1201] {strides = array<i32>} : memref<80x128xf32, #tpu.memory_space<vmem>>, vector<16xf32>,
        %add3A_1203 = arith.constant 4 : i32
        %add3A_1204 = arith.addi %mul3A_1025, %add3A_1203 : i32
        %get3A_1205 = arith.constant 1 : i32
        %get3A_1206 = arith.constant 0 : i32
        %get3A_1207 = arith.constant 0 : i32
        %get3A_1208 = tpu.memref_slice %arg12[%get3A_1205, %get3A_1206, %get3A_1207] : memref<2x640x16xf32, #tpu.memory_space<vmem>> -> memref<1x640x16xf32, #tpu.memory_space<vmem>>
        %get3A_1209 = tpu.memref_squeeze %get3A_1208 : memref<1x640x16xf32, #tpu.memory_space<vmem>> -> memref<640x16xf32, #tpu.memory_space<vmem>>
        %get3A_1210 = arith.index_cast %add3A_1204 : i32 to index
        %get3A_1211 = arith.constant 0 : index
        %get3A_1212 = tpu.vector_load %get3A_1209[%get3A_1210, %get3A_1211] {strides = array<i32>} : memref<640x16xf32, #tpu.memory_space<vmem>>, vector<16xf32>,
        %add3A_1213 = arith.addf %get3A_1202, %get3A_1212 : vector<16xf32>
        %add3A_1214 = arith.constant 4 : i32
        %add3A_1215 = arith.addi %mul3A_1025, %add3A_1214 : i32
        %get3A_1216 = arith.constant 1 : i32
        %get3A_1217 = arith.constant 0 : i32
        %get3A_1218 = arith.constant 0 : i32
        %get3A_1219 = tpu.memref_slice %arg13[%get3A_1216, %get3A_1217, %get3A_1218] : memref<2x640x16xf32, #tpu.memory_space<vmem>> -> memref<1x640x16xf32, #tpu.memory_space<vmem>>
        %get3A_1220 = tpu.memref_squeeze %get3A_1219 : memref<1x640x16xf32, #tpu.memory_space<vmem>> -> memref<640x16xf32, #tpu.memory_space<vmem>>
        %get3A_1221 = arith.index_cast %add3A_1215 : i32 to index
        %get3A_1222 = arith.constant 0 : index
        %get3A_1223 = tpu.vector_load %get3A_1220[%get3A_1221, %get3A_1222] {strides = array<i32>} : memref<640x16xf32, #tpu.memory_space<vmem>>, vector<16xf32>,
        %add3A_1224 = arith.addf %add3A_1213, %get3A_1223 : vector<16xf32>
        %max3A_1225 = arith.constant 0.000000e+00 : f32
        %max3A_1226 = vector.broadcast %max3A_1225 : f32 to vector<16xf32>
        %max3A_1227 = arith.maximumf %add3A_1224, %max3A_1226 : vector<16xf32>
        %add3A_1228 = arith.constant 4 : i32
        %add3A_1229 = arith.addi %mul3A_1025, %add3A_1228 : i32
        %mul3A_1230 = arith.constant 16 : i32
        %mul3A_1231 = arith.muli %add3A_1229, %mul3A_1230 : i32
        %swap3A_1232 = arith.constant 1 : i32
        %swap3A_1233 = arith.constant 0 : i32
        %swap3A_1234 = tpu.memref_slice %arg15[%swap3A_1232, %swap3A_1233] : memref<2x10240xf32, #tpu.memory_space<vmem>> -> memref<1x10240xf32, #tpu.memory_space<vmem>>
        %swap3A_1235 = tpu.memref_squeeze %swap3A_1234 : memref<1x10240xf32, #tpu.memory_space<vmem>> -> memref<10240xf32, #tpu.memory_space<vmem>>
        %swap3A_1236 = arith.index_cast %mul3A_1231 : i32 to index
        %swap3A_1237 = tpu.vector_load %swap3A_1235[%swap3A_1236] {strides = array<i32>} : memref<10240xf32, #tpu.memory_space<vmem>>, vector<16xf32>,
        tpu.vector_store %swap3A_1235[%swap3A_1236], %max3A_1227 {strides = array<i32>} : memref<10240xf32, #tpu.memory_space<vmem>>, vector<16xf32>,
        %get3A_1238 = arith.constant 1 : i32
        %get3A_1239 = arith.constant 0 : i32
        %get3A_1240 = arith.constant 0 : i32
        %get3A_1241 = tpu.memref_slice %arg14[%get3A_1238, %get3A_1239, %get3A_1240] : memref<2x80x128xf32, #tpu.memory_space<vmem>> -> memref<1x80x128xf32, #tpu.memory_space<vmem>>
        %get3A_1242 = tpu.memref_squeeze %get3A_1241 : memref<1x80x128xf32, #tpu.memory_space<vmem>> -> memref<80x128xf32, #tpu.memory_space<vmem>>
        %get3A_1243 = arith.index_cast %scan3A_1023 : i32 to index
        %get3A_1244 = arith.constant 80 : index
        %get3A_1245 = tpu.vector_load %get3A_1242[%get3A_1243, %get3A_1244] {strides = array<i32>} : memref<80x128xf32, #tpu.memory_space<vmem>>, vector<16xf32>,
        %add3A_1246 = arith.constant 5 : i32
        %add3A_1247 = arith.addi %mul3A_1025, %add3A_1246 : i32
        %get3A_1248 = arith.constant 1 : i32
        %get3A_1249 = arith.constant 0 : i32
        %get3A_1250 = arith.constant 0 : i32
        %get3A_1251 = tpu.memref_slice %arg12[%get3A_1248, %get3A_1249, %get3A_1250] : memref<2x640x16xf32, #tpu.memory_space<vmem>> -> memref<1x640x16xf32, #tpu.memory_space<vmem>>
        %get3A_1252 = tpu.memref_squeeze %get3A_1251 : memref<1x640x16xf32, #tpu.memory_space<vmem>> -> memref<640x16xf32, #tpu.memory_space<vmem>>
        %get3A_1253 = arith.index_cast %add3A_1247 : i32 to index
        %get3A_1254 = arith.constant 0 : index
        %get3A_1255 = tpu.vector_load %get3A_1252[%get3A_1253, %get3A_1254] {strides = array<i32>} : memref<640x16xf32, #tpu.memory_space<vmem>>, vector<16xf32>,
        %add3A_1256 = arith.addf %get3A_1245, %get3A_1255 : vector<16xf32>
        %add3A_1257 = arith.constant 5 : i32
        %add3A_1258 = arith.addi %mul3A_1025, %add3A_1257 : i32
        %get3A_1259 = arith.constant 1 : i32
        %get3A_1260 = arith.constant 0 : i32
        %get3A_1261 = arith.constant 0 : i32
        %get3A_1262 = tpu.memref_slice %arg13[%get3A_1259, %get3A_1260, %get3A_1261] : memref<2x640x16xf32, #tpu.memory_space<vmem>> -> memref<1x640x16xf32, #tpu.memory_space<vmem>>
        %get3A_1263 = tpu.memref_squeeze %get3A_1262 : memref<1x640x16xf32, #tpu.memory_space<vmem>> -> memref<640x16xf32, #tpu.memory_space<vmem>>
        %get3A_1264 = arith.index_cast %add3A_1258 : i32 to index
        %get3A_1265 = arith.constant 0 : index
        %get3A_1266 = tpu.vector_load %get3A_1263[%get3A_1264, %get3A_1265] {strides = array<i32>} : memref<640x16xf32, #tpu.memory_space<vmem>>, vector<16xf32>,
        %add3A_1267 = arith.addf %add3A_1256, %get3A_1266 : vector<16xf32>
        %max3A_1268 = arith.constant 0.000000e+00 : f32
        %max3A_1269 = vector.broadcast %max3A_1268 : f32 to vector<16xf32>
        %max3A_1270 = arith.maximumf %add3A_1267, %max3A_1269 : vector<16xf32>
        %add3A_1271 = arith.constant 5 : i32
        %add3A_1272 = arith.addi %mul3A_1025, %add3A_1271 : i32
        %mul3A_1273 = arith.constant 16 : i32
        %mul3A_1274 = arith.muli %add3A_1272, %mul3A_1273 : i32
        %swap3A_1275 = arith.constant 1 : i32
        %swap3A_1276 = arith.constant 0 : i32
        %swap3A_1277 = tpu.memref_slice %arg15[%swap3A_1275, %swap3A_1276] : memref<2x10240xf32, #tpu.memory_space<vmem>> -> memref<1x10240xf32, #tpu.memory_space<vmem>>
        %swap3A_1278 = tpu.memref_squeeze %swap3A_1277 : memref<1x10240xf32, #tpu.memory_space<vmem>> -> memref<10240xf32, #tpu.memory_space<vmem>>
        %swap3A_1279 = arith.index_cast %mul3A_1274 : i32 to index
        %swap3A_1280 = tpu.vector_load %swap3A_1278[%swap3A_1279] {strides = array<i32>} : memref<10240xf32, #tpu.memory_space<vmem>>, vector<16xf32>,
        tpu.vector_store %swap3A_1278[%swap3A_1279], %max3A_1270 {strides = array<i32>} : memref<10240xf32, #tpu.memory_space<vmem>>, vector<16xf32>,
        %get3A_1281 = arith.constant 1 : i32
        %get3A_1282 = arith.constant 0 : i32
        %get3A_1283 = arith.constant 0 : i32
        %get3A_1284 = tpu.memref_slice %arg14[%get3A_1281, %get3A_1282, %get3A_1283] : memref<2x80x128xf32, #tpu.memory_space<vmem>> -> memref<1x80x128xf32, #tpu.memory_space<vmem>>
        %get3A_1285 = tpu.memref_squeeze %get3A_1284 : memref<1x80x128xf32, #tpu.memory_space<vmem>> -> memref<80x128xf32, #tpu.memory_space<vmem>>
        %get3A_1286 = arith.index_cast %scan3A_1023 : i32 to index
        %get3A_1287 = arith.constant 96 : index
        %get3A_1288 = tpu.vector_load %get3A_1285[%get3A_1286, %get3A_1287] {strides = array<i32>} : memref<80x128xf32, #tpu.memory_space<vmem>>, vector<16xf32>,
        %add3A_1289 = arith.constant 6 : i32
        %add3A_1290 = arith.addi %mul3A_1025, %add3A_1289 : i32
        %get3A_1291 = arith.constant 1 : i32
        %get3A_1292 = arith.constant 0 : i32
        %get3A_1293 = arith.constant 0 : i32
        %get3A_1294 = tpu.memref_slice %arg12[%get3A_1291, %get3A_1292, %get3A_1293] : memref<2x640x16xf32, #tpu.memory_space<vmem>> -> memref<1x640x16xf32, #tpu.memory_space<vmem>>
        %get3A_1295 = tpu.memref_squeeze %get3A_1294 : memref<1x640x16xf32, #tpu.memory_space<vmem>> -> memref<640x16xf32, #tpu.memory_space<vmem>>
        %get3A_1296 = arith.index_cast %add3A_1290 : i32 to index
        %get3A_1297 = arith.constant 0 : index
        %get3A_1298 = tpu.vector_load %get3A_1295[%get3A_1296, %get3A_1297] {strides = array<i32>} : memref<640x16xf32, #tpu.memory_space<vmem>>, vector<16xf32>,
        %add3A_1299 = arith.addf %get3A_1288, %get3A_1298 : vector<16xf32>
        %add3A_1300 = arith.constant 6 : i32
        %add3A_1301 = arith.addi %mul3A_1025, %add3A_1300 : i32
        %get3A_1302 = arith.constant 1 : i32
        %get3A_1303 = arith.constant 0 : i32
        %get3A_1304 = arith.constant 0 : i32
        %get3A_1305 = tpu.memref_slice %arg13[%get3A_1302, %get3A_1303, %get3A_1304] : memref<2x640x16xf32, #tpu.memory_space<vmem>> -> memref<1x640x16xf32, #tpu.memory_space<vmem>>
        %get3A_1306 = tpu.memref_squeeze %get3A_1305 : memref<1x640x16xf32, #tpu.memory_space<vmem>> -> memref<640x16xf32, #tpu.memory_space<vmem>>
        %get3A_1307 = arith.index_cast %add3A_1301 : i32 to index
        %get3A_1308 = arith.constant 0 : index
        %get3A_1309 = tpu.vector_load %get3A_1306[%get3A_1307, %get3A_1308] {strides = array<i32>} : memref<640x16xf32, #tpu.memory_space<vmem>>, vector<16xf32>,
        %add3A_1310 = arith.addf %add3A_1299, %get3A_1309 : vector<16xf32>
        %max3A_1311 = arith.constant 0.000000e+00 : f32
        %max3A_1312 = vector.broadcast %max3A_1311 : f32 to vector<16xf32>
        %max3A_1313 = arith.maximumf %add3A_1310, %max3A_1312 : vector<16xf32>
        %add3A_1314 = arith.constant 6 : i32
        %add3A_1315 = arith.addi %mul3A_1025, %add3A_1314 : i32
        %mul3A_1316 = arith.constant 16 : i32
        %mul3A_1317 = arith.muli %add3A_1315, %mul3A_1316 : i32
        %swap3A_1318 = arith.constant 1 : i32
        %swap3A_1319 = arith.constant 0 : i32
        %swap3A_1320 = tpu.memref_slice %arg15[%swap3A_1318, %swap3A_1319] : memref<2x10240xf32, #tpu.memory_space<vmem>> -> memref<1x10240xf32, #tpu.memory_space<vmem>>
        %swap3A_1321 = tpu.memref_squeeze %swap3A_1320 : memref<1x10240xf32, #tpu.memory_space<vmem>> -> memref<10240xf32, #tpu.memory_space<vmem>>
        %swap3A_1322 = arith.index_cast %mul3A_1317 : i32 to index
        %swap3A_1323 = tpu.vector_load %swap3A_1321[%swap3A_1322] {strides = array<i32>} : memref<10240xf32, #tpu.memory_space<vmem>>, vector<16xf32>,
        tpu.vector_store %swap3A_1321[%swap3A_1322], %max3A_1313 {strides = array<i32>} : memref<10240xf32, #tpu.memory_space<vmem>>, vector<16xf32>,
        %get3A_1324 = arith.constant 1 : i32
        %get3A_1325 = arith.constant 0 : i32
        %get3A_1326 = arith.constant 0 : i32
        %get3A_1327 = tpu.memref_slice %arg14[%get3A_1324, %get3A_1325, %get3A_1326] : memref<2x80x128xf32, #tpu.memory_space<vmem>> -> memref<1x80x128xf32, #tpu.memory_space<vmem>>
        %get3A_1328 = tpu.memref_squeeze %get3A_1327 : memref<1x80x128xf32, #tpu.memory_space<vmem>> -> memref<80x128xf32, #tpu.memory_space<vmem>>
        %get3A_1329 = arith.index_cast %scan3A_1023 : i32 to index
        %get3A_1330 = arith.constant 112 : index
        %get3A_1331 = tpu.vector_load %get3A_1328[%get3A_1329, %get3A_1330] {strides = array<i32>} : memref<80x128xf32, #tpu.memory_space<vmem>>, vector<16xf32>,
        %add3A_1332 = arith.constant 7 : i32
        %add3A_1333 = arith.addi %mul3A_1025, %add3A_1332 : i32
        %get3A_1334 = arith.constant 1 : i32
        %get3A_1335 = arith.constant 0 : i32
        %get3A_1336 = arith.constant 0 : i32
        %get3A_1337 = tpu.memref_slice %arg12[%get3A_1334, %get3A_1335, %get3A_1336] : memref<2x640x16xf32, #tpu.memory_space<vmem>> -> memref<1x640x16xf32, #tpu.memory_space<vmem>>
        %get3A_1338 = tpu.memref_squeeze %get3A_1337 : memref<1x640x16xf32, #tpu.memory_space<vmem>> -> memref<640x16xf32, #tpu.memory_space<vmem>>
        %get3A_1339 = arith.index_cast %add3A_1333 : i32 to index
        %get3A_1340 = arith.constant 0 : index
        %get3A_1341 = tpu.vector_load %get3A_1338[%get3A_1339, %get3A_1340] {strides = array<i32>} : memref<640x16xf32, #tpu.memory_space<vmem>>, vector<16xf32>,
        %add3A_1342 = arith.addf %get3A_1331, %get3A_1341 : vector<16xf32>
        %add3A_1343 = arith.constant 7 : i32
        %add3A_1344 = arith.addi %mul3A_1025, %add3A_1343 : i32
        %get3A_1345 = arith.constant 1 : i32
        %get3A_1346 = arith.constant 0 : i32
        %get3A_1347 = arith.constant 0 : i32
        %get3A_1348 = tpu.memref_slice %arg13[%get3A_1345, %get3A_1346, %get3A_1347] : memref<2x640x16xf32, #tpu.memory_space<vmem>> -> memref<1x640x16xf32, #tpu.memory_space<vmem>>
        %get3A_1349 = tpu.memref_squeeze %get3A_1348 : memref<1x640x16xf32, #tpu.memory_space<vmem>> -> memref<640x16xf32, #tpu.memory_space<vmem>>
        %get3A_1350 = arith.index_cast %add3A_1344 : i32 to index
        %get3A_1351 = arith.constant 0 : index
        %get3A_1352 = tpu.vector_load %get3A_1349[%get3A_1350, %get3A_1351] {strides = array<i32>} : memref<640x16xf32, #tpu.memory_space<vmem>>, vector<16xf32>,
        %add3A_1353 = arith.addf %add3A_1342, %get3A_1352 : vector<16xf32>
        %max3A_1354 = arith.constant 0.000000e+00 : f32
        %max3A_1355 = vector.broadcast %max3A_1354 : f32 to vector<16xf32>
        %max3A_1356 = arith.maximumf %add3A_1353, %max3A_1355 : vector<16xf32>
        %add3A_1357 = arith.constant 7 : i32
        %add3A_1358 = arith.addi %mul3A_1025, %add3A_1357 : i32
        %mul3A_1359 = arith.constant 16 : i32
        %mul3A_1360 = arith.muli %add3A_1358, %mul3A_1359 : i32
        %swap3A_1361 = arith.constant 1 : i32
        %swap3A_1362 = arith.constant 0 : i32
        %swap3A_1363 = tpu.memref_slice %arg15[%swap3A_1361, %swap3A_1362] : memref<2x10240xf32, #tpu.memory_space<vmem>> -> memref<1x10240xf32, #tpu.memory_space<vmem>>
        %swap3A_1364 = tpu.memref_squeeze %swap3A_1363 : memref<1x10240xf32, #tpu.memory_space<vmem>> -> memref<10240xf32, #tpu.memory_space<vmem>>
        %swap3A_1365 = arith.index_cast %mul3A_1360 : i32 to index
        %swap3A_1366 = tpu.vector_load %swap3A_1364[%swap3A_1365] {strides = array<i32>} : memref<10240xf32, #tpu.memory_space<vmem>>, vector<16xf32>,
        tpu.vector_store %swap3A_1364[%swap3A_1365], %max3A_1356 {strides = array<i32>} : memref<10240xf32, #tpu.memory_space<vmem>>, vector<16xf32>,
        %scan3A_1367 = arith.constant 1 : i32
        %scan3A_1368 = arith.addi %scan3A_1023, %scan3A_1367 : i32
        %mul3A_1369 = arith.constant 8 : i32
        %mul3A_1370 = arith.muli %scan3A_1368, %mul3A_1369 : i32
        %get3A_1371 = arith.constant 1 : i32
        %get3A_1372 = arith.constant 0 : i32
        %get3A_1373 = arith.constant 0 : i32
        %get3A_1374 = tpu.memref_slice %arg14[%get3A_1371, %get3A_1372, %get3A_1373] : memref<2x80x128xf32, #tpu.memory_space<vmem>> -> memref<1x80x128xf32, #tpu.memory_space<vmem>>
        %get3A_1375 = tpu.memref_squeeze %get3A_1374 : memref<1x80x128xf32, #tpu.memory_space<vmem>> -> memref<80x128xf32, #tpu.memory_space<vmem>>
        %get3A_1376 = arith.index_cast %scan3A_1368 : i32 to index
        %get3A_1377 = arith.constant 0 : index
        %get3A_1378 = tpu.vector_load %get3A_1375[%get3A_1376, %get3A_1377] {strides = array<i32>} : memref<80x128xf32, #tpu.memory_space<vmem>>, vector<16xf32>,
        %add3A_1379 = arith.constant 0 : i32
        %add3A_1380 = arith.addi %mul3A_1370, %add3A_1379 : i32
        %get3A_1381 = arith.constant 1 : i32
        %get3A_1382 = arith.constant 0 : i32
        %get3A_1383 = arith.constant 0 : i32
        %get3A_1384 = tpu.memref_slice %arg12[%get3A_1381, %get3A_1382, %get3A_1383] : memref<2x640x16xf32, #tpu.memory_space<vmem>> -> memref<1x640x16xf32, #tpu.memory_space<vmem>>
        %get3A_1385 = tpu.memref_squeeze %get3A_1384 : memref<1x640x16xf32, #tpu.memory_space<vmem>> -> memref<640x16xf32, #tpu.memory_space<vmem>>
        %get3A_1386 = arith.index_cast %add3A_1380 : i32 to index
        %get3A_1387 = arith.constant 0 : index
        %get3A_1388 = tpu.vector_load %get3A_1385[%get3A_1386, %get3A_1387] {strides = array<i32>} : memref<640x16xf32, #tpu.memory_space<vmem>>, vector<16xf32>,
        %add3A_1389 = arith.addf %get3A_1378, %get3A_1388 : vector<16xf32>
        %add3A_1390 = arith.constant 0 : i32
        %add3A_1391 = arith.addi %mul3A_1370, %add3A_1390 : i32
        %get3A_1392 = arith.constant 1 : i32
        %get3A_1393 = arith.constant 0 : i32
        %get3A_1394 = arith.constant 0 : i32
        %get3A_1395 = tpu.memref_slice %arg13[%get3A_1392, %get3A_1393, %get3A_1394] : memref<2x640x16xf32, #tpu.memory_space<vmem>> -> memref<1x640x16xf32, #tpu.memory_space<vmem>>
        %get3A_1396 = tpu.memref_squeeze %get3A_1395 : memref<1x640x16xf32, #tpu.memory_space<vmem>> -> memref<640x16xf32, #tpu.memory_space<vmem>>
        %get3A_1397 = arith.index_cast %add3A_1391 : i32 to index
        %get3A_1398 = arith.constant 0 : index
        %get3A_1399 = tpu.vector_load %get3A_1396[%get3A_1397, %get3A_1398] {strides = array<i32>} : memref<640x16xf32, #tpu.memory_space<vmem>>, vector<16xf32>,
        %add3A_1400 = arith.addf %add3A_1389, %get3A_1399 : vector<16xf32>
        %max3A_1401 = arith.constant 0.000000e+00 : f32
        %max3A_1402 = vector.broadcast %max3A_1401 : f32 to vector<16xf32>
        %max3A_1403 = arith.maximumf %add3A_1400, %max3A_1402 : vector<16xf32>
        %add3A_1404 = arith.constant 0 : i32
        %add3A_1405 = arith.addi %mul3A_1370, %add3A_1404 : i32
        %mul3A_1406 = arith.constant 16 : i32
        %mul3A_1407 = arith.muli %add3A_1405, %mul3A_1406 : i32
        %swap3A_1408 = arith.constant 1 : i32
        %swap3A_1409 = arith.constant 0 : i32
        %swap3A_1410 = tpu.memref_slice %arg15[%swap3A_1408, %swap3A_1409] : memref<2x10240xf32, #tpu.memory_space<vmem>> -> memref<1x10240xf32, #tpu.memory_space<vmem>>
        %swap3A_1411 = tpu.memref_squeeze %swap3A_1410 : memref<1x10240xf32, #tpu.memory_space<vmem>> -> memref<10240xf32, #tpu.memory_space<vmem>>
        %swap3A_1412 = arith.index_cast %mul3A_1407 : i32 to index
        %swap3A_1413 = tpu.vector_load %swap3A_1411[%swap3A_1412] {strides = array<i32>} : memref<10240xf32, #tpu.memory_space<vmem>>, vector<16xf32>,
        tpu.vector_store %swap3A_1411[%swap3A_1412], %max3A_1403 {strides = array<i32>} : memref<10240xf32, #tpu.memory_space<vmem>>, vector<16xf32>,
        %get3A_1414 = arith.constant 1 : i32
        %get3A_1415 = arith.constant 0 : i32
        %get3A_1416 = arith.constant 0 : i32
        %get3A_1417 = tpu.memref_slice %arg14[%get3A_1414, %get3A_1415, %get3A_1416] : memref<2x80x128xf32, #tpu.memory_space<vmem>> -> memref<1x80x128xf32, #tpu.memory_space<vmem>>
        %get3A_1418 = tpu.memref_squeeze %get3A_1417 : memref<1x80x128xf32, #tpu.memory_space<vmem>> -> memref<80x128xf32, #tpu.memory_space<vmem>>
        %get3A_1419 = arith.index_cast %scan3A_1368 : i32 to index
        %get3A_1420 = arith.constant 16 : index
        %get3A_1421 = tpu.vector_load %get3A_1418[%get3A_1419, %get3A_1420] {strides = array<i32>} : memref<80x128xf32, #tpu.memory_space<vmem>>, vector<16xf32>,
        %add3A_1422 = arith.constant 1 : i32
        %add3A_1423 = arith.addi %mul3A_1370, %add3A_1422 : i32
        %get3A_1424 = arith.constant 1 : i32
        %get3A_1425 = arith.constant 0 : i32
        %get3A_1426 = arith.constant 0 : i32
        %get3A_1427 = tpu.memref_slice %arg12[%get3A_1424, %get3A_1425, %get3A_1426] : memref<2x640x16xf32, #tpu.memory_space<vmem>> -> memref<1x640x16xf32, #tpu.memory_space<vmem>>
        %get3A_1428 = tpu.memref_squeeze %get3A_1427 : memref<1x640x16xf32, #tpu.memory_space<vmem>> -> memref<640x16xf32, #tpu.memory_space<vmem>>
        %get3A_1429 = arith.index_cast %add3A_1423 : i32 to index
        %get3A_1430 = arith.constant 0 : index
        %get3A_1431 = tpu.vector_load %get3A_1428[%get3A_1429, %get3A_1430] {strides = array<i32>} : memref<640x16xf32, #tpu.memory_space<vmem>>, vector<16xf32>,
        %add3A_1432 = arith.addf %get3A_1421, %get3A_1431 : vector<16xf32>
        %add3A_1433 = arith.constant 1 : i32
        %add3A_1434 = arith.addi %mul3A_1370, %add3A_1433 : i32
        %get3A_1435 = arith.constant 1 : i32
        %get3A_1436 = arith.constant 0 : i32
        %get3A_1437 = arith.constant 0 : i32
        %get3A_1438 = tpu.memref_slice %arg13[%get3A_1435, %get3A_1436, %get3A_1437] : memref<2x640x16xf32, #tpu.memory_space<vmem>> -> memref<1x640x16xf32, #tpu.memory_space<vmem>>
        %get3A_1439 = tpu.memref_squeeze %get3A_1438 : memref<1x640x16xf32, #tpu.memory_space<vmem>> -> memref<640x16xf32, #tpu.memory_space<vmem>>
        %get3A_1440 = arith.index_cast %add3A_1434 : i32 to index
        %get3A_1441 = arith.constant 0 : index
        %get3A_1442 = tpu.vector_load %get3A_1439[%get3A_1440, %get3A_1441] {strides = array<i32>} : memref<640x16xf32, #tpu.memory_space<vmem>>, vector<16xf32>,
        %add3A_1443 = arith.addf %add3A_1432, %get3A_1442 : vector<16xf32>
        %max3A_1444 = arith.constant 0.000000e+00 : f32
        %max3A_1445 = vector.broadcast %max3A_1444 : f32 to vector<16xf32>
        %max3A_1446 = arith.maximumf %add3A_1443, %max3A_1445 : vector<16xf32>
        %add3A_1447 = arith.constant 1 : i32
        %add3A_1448 = arith.addi %mul3A_1370, %add3A_1447 : i32
        %mul3A_1449 = arith.constant 16 : i32
        %mul3A_1450 = arith.muli %add3A_1448, %mul3A_1449 : i32
        %swap3A_1451 = arith.constant 1 : i32
        %swap3A_1452 = arith.constant 0 : i32
        %swap3A_1453 = tpu.memref_slice %arg15[%swap3A_1451, %swap3A_1452] : memref<2x10240xf32, #tpu.memory_space<vmem>> -> memref<1x10240xf32, #tpu.memory_space<vmem>>
        %swap3A_1454 = tpu.memref_squeeze %swap3A_1453 : memref<1x10240xf32, #tpu.memory_space<vmem>> -> memref<10240xf32, #tpu.memory_space<vmem>>
        %swap3A_1455 = arith.index_cast %mul3A_1450 : i32 to index
        %swap3A_1456 = tpu.vector_load %swap3A_1454[%swap3A_1455] {strides = array<i32>} : memref<10240xf32, #tpu.memory_space<vmem>>, vector<16xf32>,
        tpu.vector_store %swap3A_1454[%swap3A_1455], %max3A_1446 {strides = array<i32>} : memref<10240xf32, #tpu.memory_space<vmem>>, vector<16xf32>,
        %get3A_1457 = arith.constant 1 : i32
        %get3A_1458 = arith.constant 0 : i32
        %get3A_1459 = arith.constant 0 : i32
        %get3A_1460 = tpu.memref_slice %arg14[%get3A_1457, %get3A_1458, %get3A_1459] : memref<2x80x128xf32, #tpu.memory_space<vmem>> -> memref<1x80x128xf32, #tpu.memory_space<vmem>>
        %get3A_1461 = tpu.memref_squeeze %get3A_1460 : memref<1x80x128xf32, #tpu.memory_space<vmem>> -> memref<80x128xf32, #tpu.memory_space<vmem>>
        %get3A_1462 = arith.index_cast %scan3A_1368 : i32 to index
        %get3A_1463 = arith.constant 32 : index
        %get3A_1464 = tpu.vector_load %get3A_1461[%get3A_1462, %get3A_1463] {strides = array<i32>} : memref<80x128xf32, #tpu.memory_space<vmem>>, vector<16xf32>,
        %add3A_1465 = arith.constant 2 : i32
        %add3A_1466 = arith.addi %mul3A_1370, %add3A_1465 : i32
        %get3A_1467 = arith.constant 1 : i32
        %get3A_1468 = arith.constant 0 : i32
        %get3A_1469 = arith.constant 0 : i32
        %get3A_1470 = tpu.memref_slice %arg12[%get3A_1467, %get3A_1468, %get3A_1469] : memref<2x640x16xf32, #tpu.memory_space<vmem>> -> memref<1x640x16xf32, #tpu.memory_space<vmem>>
        %get3A_1471 = tpu.memref_squeeze %get3A_1470 : memref<1x640x16xf32, #tpu.memory_space<vmem>> -> memref<640x16xf32, #tpu.memory_space<vmem>>
        %get3A_1472 = arith.index_cast %add3A_1466 : i32 to index
        %get3A_1473 = arith.constant 0 : index
        %get3A_1474 = tpu.vector_load %get3A_1471[%get3A_1472, %get3A_1473] {strides = array<i32>} : memref<640x16xf32, #tpu.memory_space<vmem>>, vector<16xf32>,
        %add3A_1475 = arith.addf %get3A_1464, %get3A_1474 : vector<16xf32>
        %add3A_1476 = arith.constant 2 : i32
        %add3A_1477 = arith.addi %mul3A_1370, %add3A_1476 : i32
        %get3A_1478 = arith.constant 1 : i32
        %get3A_1479 = arith.constant 0 : i32
        %get3A_1480 = arith.constant 0 : i32
        %get3A_1481 = tpu.memref_slice %arg13[%get3A_1478, %get3A_1479, %get3A_1480] : memref<2x640x16xf32, #tpu.memory_space<vmem>> -> memref<1x640x16xf32, #tpu.memory_space<vmem>>
        %get3A_1482 = tpu.memref_squeeze %get3A_1481 : memref<1x640x16xf32, #tpu.memory_space<vmem>> -> memref<640x16xf32, #tpu.memory_space<vmem>>
        %get3A_1483 = arith.index_cast %add3A_1477 : i32 to index
        %get3A_1484 = arith.constant 0 : index
        %get3A_1485 = tpu.vector_load %get3A_1482[%get3A_1483, %get3A_1484] {strides = array<i32>} : memref<640x16xf32, #tpu.memory_space<vmem>>, vector<16xf32>,
        %add3A_1486 = arith.addf %add3A_1475, %get3A_1485 : vector<16xf32>
        %max3A_1487 = arith.constant 0.000000e+00 : f32
        %max3A_1488 = vector.broadcast %max3A_1487 : f32 to vector<16xf32>
        %max3A_1489 = arith.maximumf %add3A_1486, %max3A_1488 : vector<16xf32>
        %add3A_1490 = arith.constant 2 : i32
        %add3A_1491 = arith.addi %mul3A_1370, %add3A_1490 : i32
        %mul3A_1492 = arith.constant 16 : i32
        %mul3A_1493 = arith.muli %add3A_1491, %mul3A_1492 : i32
        %swap3A_1494 = arith.constant 1 : i32
        %swap3A_1495 = arith.constant 0 : i32
        %swap3A_1496 = tpu.memref_slice %arg15[%swap3A_1494, %swap3A_1495] : memref<2x10240xf32, #tpu.memory_space<vmem>> -> memref<1x10240xf32, #tpu.memory_space<vmem>>
        %swap3A_1497 = tpu.memref_squeeze %swap3A_1496 : memref<1x10240xf32, #tpu.memory_space<vmem>> -> memref<10240xf32, #tpu.memory_space<vmem>>
        %swap3A_1498 = arith.index_cast %mul3A_1493 : i32 to index
        %swap3A_1499 = tpu.vector_load %swap3A_1497[%swap3A_1498] {strides = array<i32>} : memref<10240xf32, #tpu.memory_space<vmem>>, vector<16xf32>,
        tpu.vector_store %swap3A_1497[%swap3A_1498], %max3A_1489 {strides = array<i32>} : memref<10240xf32, #tpu.memory_space<vmem>>, vector<16xf32>,
        %get3A_1500 = arith.constant 1 : i32
        %get3A_1501 = arith.constant 0 : i32
        %get3A_1502 = arith.constant 0 : i32
        %get3A_1503 = tpu.memref_slice %arg14[%get3A_1500, %get3A_1501, %get3A_1502] : memref<2x80x128xf32, #tpu.memory_space<vmem>> -> memref<1x80x128xf32, #tpu.memory_space<vmem>>
        %get3A_1504 = tpu.memref_squeeze %get3A_1503 : memref<1x80x128xf32, #tpu.memory_space<vmem>> -> memref<80x128xf32, #tpu.memory_space<vmem>>
        %get3A_1505 = arith.index_cast %scan3A_1368 : i32 to index
        %get3A_1506 = arith.constant 48 : index
        %get3A_1507 = tpu.vector_load %get3A_1504[%get3A_1505, %get3A_1506] {strides = array<i32>} : memref<80x128xf32, #tpu.memory_space<vmem>>, vector<16xf32>,
        %add3A_1508 = arith.constant 3 : i32
        %add3A_1509 = arith.addi %mul3A_1370, %add3A_1508 : i32
        %get3A_1510 = arith.constant 1 : i32
        %get3A_1511 = arith.constant 0 : i32
        %get3A_1512 = arith.constant 0 : i32
        %get3A_1513 = tpu.memref_slice %arg12[%get3A_1510, %get3A_1511, %get3A_1512] : memref<2x640x16xf32, #tpu.memory_space<vmem>> -> memref<1x640x16xf32, #tpu.memory_space<vmem>>
        %get3A_1514 = tpu.memref_squeeze %get3A_1513 : memref<1x640x16xf32, #tpu.memory_space<vmem>> -> memref<640x16xf32, #tpu.memory_space<vmem>>
        %get3A_1515 = arith.index_cast %add3A_1509 : i32 to index
        %get3A_1516 = arith.constant 0 : index
        %get3A_1517 = tpu.vector_load %get3A_1514[%get3A_1515, %get3A_1516] {strides = array<i32>} : memref<640x16xf32, #tpu.memory_space<vmem>>, vector<16xf32>,
        %add3A_1518 = arith.addf %get3A_1507, %get3A_1517 : vector<16xf32>
        %add3A_1519 = arith.constant 3 : i32
        %add3A_1520 = arith.addi %mul3A_1370, %add3A_1519 : i32
        %get3A_1521 = arith.constant 1 : i32
        %get3A_1522 = arith.constant 0 : i32
        %get3A_1523 = arith.constant 0 : i32
        %get3A_1524 = tpu.memref_slice %arg13[%get3A_1521, %get3A_1522, %get3A_1523] : memref<2x640x16xf32, #tpu.memory_space<vmem>> -> memref<1x640x16xf32, #tpu.memory_space<vmem>>
        %get3A_1525 = tpu.memref_squeeze %get3A_1524 : memref<1x640x16xf32, #tpu.memory_space<vmem>> -> memref<640x16xf32, #tpu.memory_space<vmem>>
        %get3A_1526 = arith.index_cast %add3A_1520 : i32 to index
        %get3A_1527 = arith.constant 0 : index
        %get3A_1528 = tpu.vector_load %get3A_1525[%get3A_1526, %get3A_1527] {strides = array<i32>} : memref<640x16xf32, #tpu.memory_space<vmem>>, vector<16xf32>,
        %add3A_1529 = arith.addf %add3A_1518, %get3A_1528 : vector<16xf32>
        %max3A_1530 = arith.constant 0.000000e+00 : f32
        %max3A_1531 = vector.broadcast %max3A_1530 : f32 to vector<16xf32>
        %max3A_1532 = arith.maximumf %add3A_1529, %max3A_1531 : vector<16xf32>
        %add3A_1533 = arith.constant 3 : i32
        %add3A_1534 = arith.addi %mul3A_1370, %add3A_1533 : i32
        %mul3A_1535 = arith.constant 16 : i32
        %mul3A_1536 = arith.muli %add3A_1534, %mul3A_1535 : i32
        %swap3A_1537 = arith.constant 1 : i32
        %swap3A_1538 = arith.constant 0 : i32
        %swap3A_1539 = tpu.memref_slice %arg15[%swap3A_1537, %swap3A_1538] : memref<2x10240xf32, #tpu.memory_space<vmem>> -> memref<1x10240xf32, #tpu.memory_space<vmem>>
        %swap3A_1540 = tpu.memref_squeeze %swap3A_1539 : memref<1x10240xf32, #tpu.memory_space<vmem>> -> memref<10240xf32, #tpu.memory_space<vmem>>
        %swap3A_1541 = arith.index_cast %mul3A_1536 : i32 to index
        %swap3A_1542 = tpu.vector_load %swap3A_1540[%swap3A_1541] {strides = array<i32>} : memref<10240xf32, #tpu.memory_space<vmem>>, vector<16xf32>,
        tpu.vector_store %swap3A_1540[%swap3A_1541], %max3A_1532 {strides = array<i32>} : memref<10240xf32, #tpu.memory_space<vmem>>, vector<16xf32>,
        %get3A_1543 = arith.constant 1 : i32
        %get3A_1544 = arith.constant 0 : i32
        %get3A_1545 = arith.constant 0 : i32
        %get3A_1546 = tpu.memref_slice %arg14[%get3A_1543, %get3A_1544, %get3A_1545] : memref<2x80x128xf32, #tpu.memory_space<vmem>> -> memref<1x80x128xf32, #tpu.memory_space<vmem>>
        %get3A_1547 = tpu.memref_squeeze %get3A_1546 : memref<1x80x128xf32, #tpu.memory_space<vmem>> -> memref<80x128xf32, #tpu.memory_space<vmem>>
        %get3A_1548 = arith.index_cast %scan3A_1368 : i32 to index
        %get3A_1549 = arith.constant 64 : index
        %get3A_1550 = tpu.vector_load %get3A_1547[%get3A_1548, %get3A_1549] {strides = array<i32>} : memref<80x128xf32, #tpu.memory_space<vmem>>, vector<16xf32>,
        %add3A_1551 = arith.constant 4 : i32
        %add3A_1552 = arith.addi %mul3A_1370, %add3A_1551 : i32
        %get3A_1553 = arith.constant 1 : i32
        %get3A_1554 = arith.constant 0 : i32
        %get3A_1555 = arith.constant 0 : i32
        %get3A_1556 = tpu.memref_slice %arg12[%get3A_1553, %get3A_1554, %get3A_1555] : memref<2x640x16xf32, #tpu.memory_space<vmem>> -> memref<1x640x16xf32, #tpu.memory_space<vmem>>
        %get3A_1557 = tpu.memref_squeeze %get3A_1556 : memref<1x640x16xf32, #tpu.memory_space<vmem>> -> memref<640x16xf32, #tpu.memory_space<vmem>>
        %get3A_1558 = arith.index_cast %add3A_1552 : i32 to index
        %get3A_1559 = arith.constant 0 : index
        %get3A_1560 = tpu.vector_load %get3A_1557[%get3A_1558, %get3A_1559] {strides = array<i32>} : memref<640x16xf32, #tpu.memory_space<vmem>>, vector<16xf32>,
        %add3A_1561 = arith.addf %get3A_1550, %get3A_1560 : vector<16xf32>
        %add3A_1562 = arith.constant 4 : i32
        %add3A_1563 = arith.addi %mul3A_1370, %add3A_1562 : i32
        %get3A_1564 = arith.constant 1 : i32
        %get3A_1565 = arith.constant 0 : i32
        %get3A_1566 = arith.constant 0 : i32
        %get3A_1567 = tpu.memref_slice %arg13[%get3A_1564, %get3A_1565, %get3A_1566] : memref<2x640x16xf32, #tpu.memory_space<vmem>> -> memref<1x640x16xf32, #tpu.memory_space<vmem>>
        %get3A_1568 = tpu.memref_squeeze %get3A_1567 : memref<1x640x16xf32, #tpu.memory_space<vmem>> -> memref<640x16xf32, #tpu.memory_space<vmem>>
        %get3A_1569 = arith.index_cast %add3A_1563 : i32 to index
        %get3A_1570 = arith.constant 0 : index
        %get3A_1571 = tpu.vector_load %get3A_1568[%get3A_1569, %get3A_1570] {strides = array<i32>} : memref<640x16xf32, #tpu.memory_space<vmem>>, vector<16xf32>,
        %add3A_1572 = arith.addf %add3A_1561, %get3A_1571 : vector<16xf32>
        %max3A_1573 = arith.constant 0.000000e+00 : f32
        %max3A_1574 = vector.broadcast %max3A_1573 : f32 to vector<16xf32>
        %max3A_1575 = arith.maximumf %add3A_1572, %max3A_1574 : vector<16xf32>
        %add3A_1576 = arith.constant 4 : i32
        %add3A_1577 = arith.addi %mul3A_1370, %add3A_1576 : i32
        %mul3A_1578 = arith.constant 16 : i32
        %mul3A_1579 = arith.muli %add3A_1577, %mul3A_1578 : i32
        %swap3A_1580 = arith.constant 1 : i32
        %swap3A_1581 = arith.constant 0 : i32
        %swap3A_1582 = tpu.memref_slice %arg15[%swap3A_1580, %swap3A_1581] : memref<2x10240xf32, #tpu.memory_space<vmem>> -> memref<1x10240xf32, #tpu.memory_space<vmem>>
        %swap3A_1583 = tpu.memref_squeeze %swap3A_1582 : memref<1x10240xf32, #tpu.memory_space<vmem>> -> memref<10240xf32, #tpu.memory_space<vmem>>
        %swap3A_1584 = arith.index_cast %mul3A_1579 : i32 to index
        %swap3A_1585 = tpu.vector_load %swap3A_1583[%swap3A_1584] {strides = array<i32>} : memref<10240xf32, #tpu.memory_space<vmem>>, vector<16xf32>,
        tpu.vector_store %swap3A_1583[%swap3A_1584], %max3A_1575 {strides = array<i32>} : memref<10240xf32, #tpu.memory_space<vmem>>, vector<16xf32>,
        %get3A_1586 = arith.constant 1 : i32
        %get3A_1587 = arith.constant 0 : i32
        %get3A_1588 = arith.constant 0 : i32
        %get3A_1589 = tpu.memref_slice %arg14[%get3A_1586, %get3A_1587, %get3A_1588] : memref<2x80x128xf32, #tpu.memory_space<vmem>> -> memref<1x80x128xf32, #tpu.memory_space<vmem>>
        %get3A_1590 = tpu.memref_squeeze %get3A_1589 : memref<1x80x128xf32, #tpu.memory_space<vmem>> -> memref<80x128xf32, #tpu.memory_space<vmem>>
        %get3A_1591 = arith.index_cast %scan3A_1368 : i32 to index
        %get3A_1592 = arith.constant 80 : index
        %get3A_1593 = tpu.vector_load %get3A_1590[%get3A_1591, %get3A_1592] {strides = array<i32>} : memref<80x128xf32, #tpu.memory_space<vmem>>, vector<16xf32>,
        %add3A_1594 = arith.constant 5 : i32
        %add3A_1595 = arith.addi %mul3A_1370, %add3A_1594 : i32
        %get3A_1596 = arith.constant 1 : i32
        %get3A_1597 = arith.constant 0 : i32
        %get3A_1598 = arith.constant 0 : i32
        %get3A_1599 = tpu.memref_slice %arg12[%get3A_1596, %get3A_1597, %get3A_1598] : memref<2x640x16xf32, #tpu.memory_space<vmem>> -> memref<1x640x16xf32, #tpu.memory_space<vmem>>
        %get3A_1600 = tpu.memref_squeeze %get3A_1599 : memref<1x640x16xf32, #tpu.memory_space<vmem>> -> memref<640x16xf32, #tpu.memory_space<vmem>>
        %get3A_1601 = arith.index_cast %add3A_1595 : i32 to index
        %get3A_1602 = arith.constant 0 : index
        %get3A_1603 = tpu.vector_load %get3A_1600[%get3A_1601, %get3A_1602] {strides = array<i32>} : memref<640x16xf32, #tpu.memory_space<vmem>>, vector<16xf32>,
        %add3A_1604 = arith.addf %get3A_1593, %get3A_1603 : vector<16xf32>
        %add3A_1605 = arith.constant 5 : i32
        %add3A_1606 = arith.addi %mul3A_1370, %add3A_1605 : i32
        %get3A_1607 = arith.constant 1 : i32
        %get3A_1608 = arith.constant 0 : i32
        %get3A_1609 = arith.constant 0 : i32
        %get3A_1610 = tpu.memref_slice %arg13[%get3A_1607, %get3A_1608, %get3A_1609] : memref<2x640x16xf32, #tpu.memory_space<vmem>> -> memref<1x640x16xf32, #tpu.memory_space<vmem>>
        %get3A_1611 = tpu.memref_squeeze %get3A_1610 : memref<1x640x16xf32, #tpu.memory_space<vmem>> -> memref<640x16xf32, #tpu.memory_space<vmem>>
        %get3A_1612 = arith.index_cast %add3A_1606 : i32 to index
        %get3A_1613 = arith.constant 0 : index
        %get3A_1614 = tpu.vector_load %get3A_1611[%get3A_1612, %get3A_1613] {strides = array<i32>} : memref<640x16xf32, #tpu.memory_space<vmem>>, vector<16xf32>,
        %add3A_1615 = arith.addf %add3A_1604, %get3A_1614 : vector<16xf32>
        %max3A_1616 = arith.constant 0.000000e+00 : f32
        %max3A_1617 = vector.broadcast %max3A_1616 : f32 to vector<16xf32>
        %max3A_1618 = arith.maximumf %add3A_1615, %max3A_1617 : vector<16xf32>
        %add3A_1619 = arith.constant 5 : i32
        %add3A_1620 = arith.addi %mul3A_1370, %add3A_1619 : i32
        %mul3A_1621 = arith.constant 16 : i32
        %mul3A_1622 = arith.muli %add3A_1620, %mul3A_1621 : i32
        %swap3A_1623 = arith.constant 1 : i32
        %swap3A_1624 = arith.constant 0 : i32
        %swap3A_1625 = tpu.memref_slice %arg15[%swap3A_1623, %swap3A_1624] : memref<2x10240xf32, #tpu.memory_space<vmem>> -> memref<1x10240xf32, #tpu.memory_space<vmem>>
        %swap3A_1626 = tpu.memref_squeeze %swap3A_1625 : memref<1x10240xf32, #tpu.memory_space<vmem>> -> memref<10240xf32, #tpu.memory_space<vmem>>
        %swap3A_1627 = arith.index_cast %mul3A_1622 : i32 to index
        %swap3A_1628 = tpu.vector_load %swap3A_1626[%swap3A_1627] {strides = array<i32>} : memref<10240xf32, #tpu.memory_space<vmem>>, vector<16xf32>,
        tpu.vector_store %swap3A_1626[%swap3A_1627], %max3A_1618 {strides = array<i32>} : memref<10240xf32, #tpu.memory_space<vmem>>, vector<16xf32>,
        %get3A_1629 = arith.constant 1 : i32
        %get3A_1630 = arith.constant 0 : i32
        %get3A_1631 = arith.constant 0 : i32
        %get3A_1632 = tpu.memref_slice %arg14[%get3A_1629, %get3A_1630, %get3A_1631] : memref<2x80x128xf32, #tpu.memory_space<vmem>> -> memref<1x80x128xf32, #tpu.memory_space<vmem>>
        %get3A_1633 = tpu.memref_squeeze %get3A_1632 : memref<1x80x128xf32, #tpu.memory_space<vmem>> -> memref<80x128xf32, #tpu.memory_space<vmem>>
        %get3A_1634 = arith.index_cast %scan3A_1368 : i32 to index
        %get3A_1635 = arith.constant 96 : index
        %get3A_1636 = tpu.vector_load %get3A_1633[%get3A_1634, %get3A_1635] {strides = array<i32>} : memref<80x128xf32, #tpu.memory_space<vmem>>, vector<16xf32>,
        %add3A_1637 = arith.constant 6 : i32
        %add3A_1638 = arith.addi %mul3A_1370, %add3A_1637 : i32
        %get3A_1639 = arith.constant 1 : i32
        %get3A_1640 = arith.constant 0 : i32
        %get3A_1641 = arith.constant 0 : i32
        %get3A_1642 = tpu.memref_slice %arg12[%get3A_1639, %get3A_1640, %get3A_1641] : memref<2x640x16xf32, #tpu.memory_space<vmem>> -> memref<1x640x16xf32, #tpu.memory_space<vmem>>
        %get3A_1643 = tpu.memref_squeeze %get3A_1642 : memref<1x640x16xf32, #tpu.memory_space<vmem>> -> memref<640x16xf32, #tpu.memory_space<vmem>>
        %get3A_1644 = arith.index_cast %add3A_1638 : i32 to index
        %get3A_1645 = arith.constant 0 : index
        %get3A_1646 = tpu.vector_load %get3A_1643[%get3A_1644, %get3A_1645] {strides = array<i32>} : memref<640x16xf32, #tpu.memory_space<vmem>>, vector<16xf32>,
        %add3A_1647 = arith.addf %get3A_1636, %get3A_1646 : vector<16xf32>
        %add3A_1648 = arith.constant 6 : i32
        %add3A_1649 = arith.addi %mul3A_1370, %add3A_1648 : i32
        %get3A_1650 = arith.constant 1 : i32
        %get3A_1651 = arith.constant 0 : i32
        %get3A_1652 = arith.constant 0 : i32
        %get3A_1653 = tpu.memref_slice %arg13[%get3A_1650, %get3A_1651, %get3A_1652] : memref<2x640x16xf32, #tpu.memory_space<vmem>> -> memref<1x640x16xf32, #tpu.memory_space<vmem>>
        %get3A_1654 = tpu.memref_squeeze %get3A_1653 : memref<1x640x16xf32, #tpu.memory_space<vmem>> -> memref<640x16xf32, #tpu.memory_space<vmem>>
        %get3A_1655 = arith.index_cast %add3A_1649 : i32 to index
        %get3A_1656 = arith.constant 0 : index
        %get3A_1657 = tpu.vector_load %get3A_1654[%get3A_1655, %get3A_1656] {strides = array<i32>} : memref<640x16xf32, #tpu.memory_space<vmem>>, vector<16xf32>,
        %add3A_1658 = arith.addf %add3A_1647, %get3A_1657 : vector<16xf32>
        %max3A_1659 = arith.constant 0.000000e+00 : f32
        %max3A_1660 = vector.broadcast %max3A_1659 : f32 to vector<16xf32>
        %max3A_1661 = arith.maximumf %add3A_1658, %max3A_1660 : vector<16xf32>
        %add3A_1662 = arith.constant 6 : i32
        %add3A_1663 = arith.addi %mul3A_1370, %add3A_1662 : i32
        %mul3A_1664 = arith.constant 16 : i32
        %mul3A_1665 = arith.muli %add3A_1663, %mul3A_1664 : i32
        %swap3A_1666 = arith.constant 1 : i32
        %swap3A_1667 = arith.constant 0 : i32
        %swap3A_1668 = tpu.memref_slice %arg15[%swap3A_1666, %swap3A_1667] : memref<2x10240xf32, #tpu.memory_space<vmem>> -> memref<1x10240xf32, #tpu.memory_space<vmem>>
        %swap3A_1669 = tpu.memref_squeeze %swap3A_1668 : memref<1x10240xf32, #tpu.memory_space<vmem>> -> memref<10240xf32, #tpu.memory_space<vmem>>
        %swap3A_1670 = arith.index_cast %mul3A_1665 : i32 to index
        %swap3A_1671 = tpu.vector_load %swap3A_1669[%swap3A_1670] {strides = array<i32>} : memref<10240xf32, #tpu.memory_space<vmem>>, vector<16xf32>,
        tpu.vector_store %swap3A_1669[%swap3A_1670], %max3A_1661 {strides = array<i32>} : memref<10240xf32, #tpu.memory_space<vmem>>, vector<16xf32>,
        %get3A_1672 = arith.constant 1 : i32
        %get3A_1673 = arith.constant 0 : i32
        %get3A_1674 = arith.constant 0 : i32
        %get3A_1675 = tpu.memref_slice %arg14[%get3A_1672, %get3A_1673, %get3A_1674] : memref<2x80x128xf32, #tpu.memory_space<vmem>> -> memref<1x80x128xf32, #tpu.memory_space<vmem>>
        %get3A_1676 = tpu.memref_squeeze %get3A_1675 : memref<1x80x128xf32, #tpu.memory_space<vmem>> -> memref<80x128xf32, #tpu.memory_space<vmem>>
        %get3A_1677 = arith.index_cast %scan3A_1368 : i32 to index
        %get3A_1678 = arith.constant 112 : index
        %get3A_1679 = tpu.vector_load %get3A_1676[%get3A_1677, %get3A_1678] {strides = array<i32>} : memref<80x128xf32, #tpu.memory_space<vmem>>, vector<16xf32>,
        %add3A_1680 = arith.constant 7 : i32
        %add3A_1681 = arith.addi %mul3A_1370, %add3A_1680 : i32
        %get3A_1682 = arith.constant 1 : i32
        %get3A_1683 = arith.constant 0 : i32
        %get3A_1684 = arith.constant 0 : i32
        %get3A_1685 = tpu.memref_slice %arg12[%get3A_1682, %get3A_1683, %get3A_1684] : memref<2x640x16xf32, #tpu.memory_space<vmem>> -> memref<1x640x16xf32, #tpu.memory_space<vmem>>
        %get3A_1686 = tpu.memref_squeeze %get3A_1685 : memref<1x640x16xf32, #tpu.memory_space<vmem>> -> memref<640x16xf32, #tpu.memory_space<vmem>>
        %get3A_1687 = arith.index_cast %add3A_1681 : i32 to index
        %get3A_1688 = arith.constant 0 : index
        %get3A_1689 = tpu.vector_load %get3A_1686[%get3A_1687, %get3A_1688] {strides = array<i32>} : memref<640x16xf32, #tpu.memory_space<vmem>>, vector<16xf32>,
        %add3A_1690 = arith.addf %get3A_1679, %get3A_1689 : vector<16xf32>
        %add3A_1691 = arith.constant 7 : i32
        %add3A_1692 = arith.addi %mul3A_1370, %add3A_1691 : i32
        %get3A_1693 = arith.constant 1 : i32
        %get3A_1694 = arith.constant 0 : i32
        %get3A_1695 = arith.constant 0 : i32
        %get3A_1696 = tpu.memref_slice %arg13[%get3A_1693, %get3A_1694, %get3A_1695] : memref<2x640x16xf32, #tpu.memory_space<vmem>> -> memref<1x640x16xf32, #tpu.memory_space<vmem>>
        %get3A_1697 = tpu.memref_squeeze %get3A_1696 : memref<1x640x16xf32, #tpu.memory_space<vmem>> -> memref<640x16xf32, #tpu.memory_space<vmem>>
        %get3A_1698 = arith.index_cast %add3A_1692 : i32 to index
        %get3A_1699 = arith.constant 0 : index
        %get3A_1700 = tpu.vector_load %get3A_1697[%get3A_1698, %get3A_1699] {strides = array<i32>} : memref<640x16xf32, #tpu.memory_space<vmem>>, vector<16xf32>,
        %add3A_1701 = arith.addf %add3A_1690, %get3A_1700 : vector<16xf32>
        %max3A_1702 = arith.constant 0.000000e+00 : f32
        %max3A_1703 = vector.broadcast %max3A_1702 : f32 to vector<16xf32>
        %max3A_1704 = arith.maximumf %add3A_1701, %max3A_1703 : vector<16xf32>
        %add3A_1705 = arith.constant 7 : i32
        %add3A_1706 = arith.addi %mul3A_1370, %add3A_1705 : i32
        %mul3A_1707 = arith.constant 16 : i32
        %mul3A_1708 = arith.muli %add3A_1706, %mul3A_1707 : i32
        %swap3A_1709 = arith.constant 1 : i32
        %swap3A_1710 = arith.constant 0 : i32
        %swap3A_1711 = tpu.memref_slice %arg15[%swap3A_1709, %swap3A_1710] : memref<2x10240xf32, #tpu.memory_space<vmem>> -> memref<1x10240xf32, #tpu.memory_space<vmem>>
        %swap3A_1712 = tpu.memref_squeeze %swap3A_1711 : memref<1x10240xf32, #tpu.memory_space<vmem>> -> memref<10240xf32, #tpu.memory_space<vmem>>
        %swap3A_1713 = arith.index_cast %mul3A_1708 : i32 to index
        %swap3A_1714 = tpu.vector_load %swap3A_1712[%swap3A_1713] {strides = array<i32>} : memref<10240xf32, #tpu.memory_space<vmem>>, vector<16xf32>,
        tpu.vector_store %swap3A_1712[%swap3A_1713], %max3A_1704 {strides = array<i32>} : memref<10240xf32, #tpu.memory_space<vmem>>, vector<16xf32>,
      }
      %scan3A_963 = arith.constant 80 : i32
      %mul3A_964 = arith.constant 32 : i32
      %mul3A_965 = arith.muli %add3A_693, %mul3A_964 : i32
      %add3A_966 = arith.addi %mul3A_965, %add3A : i32
      %lt3A_967 = arith.constant 250 : i32
      %lt3A_968 = arith.cmpi slt, %add3A_966, %lt3A_967 : i32
      %convert_element_type3A_969 = arith.extui %lt3A_968 : i1 to i32
      %convert_element_type3A_970 = arith.sitofp %convert_element_type3A_969 : i32 to f32
      %broadcast_in_dim3A_971 = vector.broadcast %convert_element_type3A_970 : f32 to vector<16xf32>
      %scan3A_972 = arith.constant 0 : i32
      %scan3A_973 = arith.constant 0 : i32
      %scan3A_974 = arith.constant 40 : i32
      %scan3A_975 = arith.addi %scan3A_973, %scan3A_974 : i32
      %scan3A_976 = arith.constant 2 : i32
      scf.for %scan3A_1023 = %scan3A_973 to %scan3A_975 step %scan3A_976  : i32 {
        %mul3A_1024 = arith.constant 16 : i32
        %mul3A_1025 = arith.muli %scan3A_1023, %mul3A_1024 : i32
        %add3A_1026 = vector.broadcast %mul3A_1025 : i32 to vector<16xi32>
        %add3A_1027 = arith.addi %iota3A, %add3A_1026 : vector<16xi32>
        %mul3A_1028 = arith.constant 16 : i32
        %mul3A_1029 = vector.broadcast %mul3A_1028 : i32 to vector<16xi32>
        %mul3A_1030 = arith.muli %add3A_1027, %mul3A_1029 : vector<16xi32>
        %gather3A = arith.constant 1 : i32
        %gather3A_1031 = arith.constant 0 : i32
        %gather3A_1032 = tpu.memref_slice %arg15[%gather3A, %gather3A_1031] : memref<2x10240xf32, #tpu.memory_space<vmem>> -> memref<1x10240xf32, #tpu.memory_space<vmem>>
        %gather3A_1033 = tpu.memref_squeeze %gather3A_1032 : memref<1x10240xf32, #tpu.memory_space<vmem>> -> memref<10240xf32, #tpu.memory_space<vmem>>
        %gather3A_1034 = tpu.vector_load_idx %gather3A_1033[%mul3A_1030] : memref<10240xf32, #tpu.memory_space<vmem>>[vector<16xi32>], vector<16xf32>,
        %add3A_1035 = arith.constant 1 : i32
        %add3A_1036 = vector.broadcast %add3A_1035 : i32 to vector<16xi32>
        %add3A_1037 = arith.addi %mul3A_1030, %add3A_1036 : vector<16xi32>
        %gather3A_1038 = arith.constant 1 : i32
        %gather3A_1039 = arith.constant 0 : i32
        %gather3A_1040 = tpu.memref_slice %arg15[%gather3A_1038, %gather3A_1039] : memref<2x10240xf32, #tpu.memory_space<vmem>> -> memref<1x10240xf32, #tpu.memory_space<vmem>>
        %gather3A_1041 = tpu.memref_squeeze %gather3A_1040 : memref<1x10240xf32, #tpu.memory_space<vmem>> -> memref<10240xf32, #tpu.memory_space<vmem>>
        %gather3A_1042 = tpu.vector_load_idx %gather3A_1041[%add3A_1037] : memref<10240xf32, #tpu.memory_space<vmem>>[vector<16xi32>], vector<16xf32>,
        %add3A_1043 = arith.constant 2 : i32
        %add3A_1044 = vector.broadcast %add3A_1043 : i32 to vector<16xi32>
        %add3A_1045 = arith.addi %mul3A_1030, %add3A_1044 : vector<16xi32>
        %gather3A_1046 = arith.constant 1 : i32
        %gather3A_1047 = arith.constant 0 : i32
        %gather3A_1048 = tpu.memref_slice %arg15[%gather3A_1046, %gather3A_1047] : memref<2x10240xf32, #tpu.memory_space<vmem>> -> memref<1x10240xf32, #tpu.memory_space<vmem>>
        %gather3A_1049 = tpu.memref_squeeze %gather3A_1048 : memref<1x10240xf32, #tpu.memory_space<vmem>> -> memref<10240xf32, #tpu.memory_space<vmem>>
        %gather3A_1050 = tpu.vector_load_idx %gather3A_1049[%add3A_1045] : memref<10240xf32, #tpu.memory_space<vmem>>[vector<16xi32>], vector<16xf32>,
        %add3A_1051 = arith.constant 3 : i32
        %add3A_1052 = vector.broadcast %add3A_1051 : i32 to vector<16xi32>
        %add3A_1053 = arith.addi %mul3A_1030, %add3A_1052 : vector<16xi32>
        %gather3A_1054 = arith.constant 1 : i32
        %gather3A_1055 = arith.constant 0 : i32
        %gather3A_1056 = tpu.memref_slice %arg15[%gather3A_1054, %gather3A_1055] : memref<2x10240xf32, #tpu.memory_space<vmem>> -> memref<1x10240xf32, #tpu.memory_space<vmem>>
        %gather3A_1057 = tpu.memref_squeeze %gather3A_1056 : memref<1x10240xf32, #tpu.memory_space<vmem>> -> memref<10240xf32, #tpu.memory_space<vmem>>
        %gather3A_1058 = tpu.vector_load_idx %gather3A_1057[%add3A_1053] : memref<10240xf32, #tpu.memory_space<vmem>>[vector<16xi32>], vector<16xf32>,
        %add3A_1059 = arith.constant 4 : i32
        %add3A_1060 = vector.broadcast %add3A_1059 : i32 to vector<16xi32>
        %add3A_1061 = arith.addi %mul3A_1030, %add3A_1060 : vector<16xi32>
        %gather3A_1062 = arith.constant 1 : i32
        %gather3A_1063 = arith.constant 0 : i32
        %gather3A_1064 = tpu.memref_slice %arg15[%gather3A_1062, %gather3A_1063] : memref<2x10240xf32, #tpu.memory_space<vmem>> -> memref<1x10240xf32, #tpu.memory_space<vmem>>
        %gather3A_1065 = tpu.memref_squeeze %gather3A_1064 : memref<1x10240xf32, #tpu.memory_space<vmem>> -> memref<10240xf32, #tpu.memory_space<vmem>>
        %gather3A_1066 = tpu.vector_load_idx %gather3A_1065[%add3A_1061] : memref<10240xf32, #tpu.memory_space<vmem>>[vector<16xi32>], vector<16xf32>,
        %add3A_1067 = arith.constant 5 : i32
        %add3A_1068 = vector.broadcast %add3A_1067 : i32 to vector<16xi32>
        %add3A_1069 = arith.addi %mul3A_1030, %add3A_1068 : vector<16xi32>
        %gather3A_1070 = arith.constant 1 : i32
        %gather3A_1071 = arith.constant 0 : i32
        %gather3A_1072 = tpu.memref_slice %arg15[%gather3A_1070, %gather3A_1071] : memref<2x10240xf32, #tpu.memory_space<vmem>> -> memref<1x10240xf32, #tpu.memory_space<vmem>>
        %gather3A_1073 = tpu.memref_squeeze %gather3A_1072 : memref<1x10240xf32, #tpu.memory_space<vmem>> -> memref<10240xf32, #tpu.memory_space<vmem>>
        %gather3A_1074 = tpu.vector_load_idx %gather3A_1073[%add3A_1069] : memref<10240xf32, #tpu.memory_space<vmem>>[vector<16xi32>], vector<16xf32>,
        %add3A_1075 = arith.constant 6 : i32
        %add3A_1076 = vector.broadcast %add3A_1075 : i32 to vector<16xi32>
        %add3A_1077 = arith.addi %mul3A_1030, %add3A_1076 : vector<16xi32>
        %gather3A_1078 = arith.constant 1 : i32
        %gather3A_1079 = arith.constant 0 : i32
        %gather3A_1080 = tpu.memref_slice %arg15[%gather3A_1078, %gather3A_1079] : memref<2x10240xf32, #tpu.memory_space<vmem>> -> memref<1x10240xf32, #tpu.memory_space<vmem>>
        %gather3A_1081 = tpu.memref_squeeze %gather3A_1080 : memref<1x10240xf32, #tpu.memory_space<vmem>> -> memref<10240xf32, #tpu.memory_space<vmem>>
        %gather3A_1082 = tpu.vector_load_idx %gather3A_1081[%add3A_1077] : memref<10240xf32, #tpu.memory_space<vmem>>[vector<16xi32>], vector<16xf32>,
        %add3A_1083 = arith.constant 7 : i32
        %add3A_1084 = vector.broadcast %add3A_1083 : i32 to vector<16xi32>
        %add3A_1085 = arith.addi %mul3A_1030, %add3A_1084 : vector<16xi32>
        %gather3A_1086 = arith.constant 1 : i32
        %gather3A_1087 = arith.constant 0 : i32
        %gather3A_1088 = tpu.memref_slice %arg15[%gather3A_1086, %gather3A_1087] : memref<2x10240xf32, #tpu.memory_space<vmem>> -> memref<1x10240xf32, #tpu.memory_space<vmem>>
        %gather3A_1089 = tpu.memref_squeeze %gather3A_1088 : memref<1x10240xf32, #tpu.memory_space<vmem>> -> memref<10240xf32, #tpu.memory_space<vmem>>
        %gather3A_1090 = tpu.vector_load_idx %gather3A_1089[%add3A_1085] : memref<10240xf32, #tpu.memory_space<vmem>>[vector<16xi32>], vector<16xf32>,
        %add3A_1091 = arith.constant 8 : i32
        %add3A_1092 = vector.broadcast %add3A_1091 : i32 to vector<16xi32>
        %add3A_1093 = arith.addi %mul3A_1030, %add3A_1092 : vector<16xi32>
        %gather3A_1094 = arith.constant 1 : i32
        %gather3A_1095 = arith.constant 0 : i32
        %gather3A_1096 = tpu.memref_slice %arg15[%gather3A_1094, %gather3A_1095] : memref<2x10240xf32, #tpu.memory_space<vmem>> -> memref<1x10240xf32, #tpu.memory_space<vmem>>
        %gather3A_1097 = tpu.memref_squeeze %gather3A_1096 : memref<1x10240xf32, #tpu.memory_space<vmem>> -> memref<10240xf32, #tpu.memory_space<vmem>>
        %gather3A_1098 = tpu.vector_load_idx %gather3A_1097[%add3A_1093] : memref<10240xf32, #tpu.memory_space<vmem>>[vector<16xi32>], vector<16xf32>,
        %add3A_1099 = arith.constant 9 : i32
        %add3A_1100 = vector.broadcast %add3A_1099 : i32 to vector<16xi32>
        %add3A_1101 = arith.addi %mul3A_1030, %add3A_1100 : vector<16xi32>
        %gather3A_1102 = arith.constant 1 : i32
        %gather3A_1103 = arith.constant 0 : i32
        %gather3A_1104 = tpu.memref_slice %arg15[%gather3A_1102, %gather3A_1103] : memref<2x10240xf32, #tpu.memory_space<vmem>> -> memref<1x10240xf32, #tpu.memory_space<vmem>>
        %gather3A_1105 = tpu.memref_squeeze %gather3A_1104 : memref<1x10240xf32, #tpu.memory_space<vmem>> -> memref<10240xf32, #tpu.memory_space<vmem>>
        %gather3A_1106 = tpu.vector_load_idx %gather3A_1105[%add3A_1101] : memref<10240xf32, #tpu.memory_space<vmem>>[vector<16xi32>], vector<16xf32>,
        %add3A_1107 = arith.constant 10 : i32
        %add3A_1108 = vector.broadcast %add3A_1107 : i32 to vector<16xi32>
        %add3A_1109 = arith.addi %mul3A_1030, %add3A_1108 : vector<16xi32>
        %gather3A_1110 = arith.constant 1 : i32
        %gather3A_1111 = arith.constant 0 : i32
        %gather3A_1112 = tpu.memref_slice %arg15[%gather3A_1110, %gather3A_1111] : memref<2x10240xf32, #tpu.memory_space<vmem>> -> memref<1x10240xf32, #tpu.memory_space<vmem>>
        %gather3A_1113 = tpu.memref_squeeze %gather3A_1112 : memref<1x10240xf32, #tpu.memory_space<vmem>> -> memref<10240xf32, #tpu.memory_space<vmem>>
        %gather3A_1114 = tpu.vector_load_idx %gather3A_1113[%add3A_1109] : memref<10240xf32, #tpu.memory_space<vmem>>[vector<16xi32>], vector<16xf32>,
        %add3A_1115 = arith.constant 11 : i32
        %add3A_1116 = vector.broadcast %add3A_1115 : i32 to vector<16xi32>
        %add3A_1117 = arith.addi %mul3A_1030, %add3A_1116 : vector<16xi32>
        %gather3A_1118 = arith.constant 1 : i32
        %gather3A_1119 = arith.constant 0 : i32
        %gather3A_1120 = tpu.memref_slice %arg15[%gather3A_1118, %gather3A_1119] : memref<2x10240xf32, #tpu.memory_space<vmem>> -> memref<1x10240xf32, #tpu.memory_space<vmem>>
        %gather3A_1121 = tpu.memref_squeeze %gather3A_1120 : memref<1x10240xf32, #tpu.memory_space<vmem>> -> memref<10240xf32, #tpu.memory_space<vmem>>
        %gather3A_1122 = tpu.vector_load_idx %gather3A_1121[%add3A_1117] : memref<10240xf32, #tpu.memory_space<vmem>>[vector<16xi32>], vector<16xf32>,
        %add3A_1123 = arith.constant 12 : i32
        %add3A_1124 = vector.broadcast %add3A_1123 : i32 to vector<16xi32>
        %add3A_1125 = arith.addi %mul3A_1030, %add3A_1124 : vector<16xi32>
        %gather3A_1126 = arith.constant 1 : i32
        %gather3A_1127 = arith.constant 0 : i32
        %gather3A_1128 = tpu.memref_slice %arg15[%gather3A_1126, %gather3A_1127] : memref<2x10240xf32, #tpu.memory_space<vmem>> -> memref<1x10240xf32, #tpu.memory_space<vmem>>
        %gather3A_1129 = tpu.memref_squeeze %gather3A_1128 : memref<1x10240xf32, #tpu.memory_space<vmem>> -> memref<10240xf32, #tpu.memory_space<vmem>>
        %gather3A_1130 = tpu.vector_load_idx %gather3A_1129[%add3A_1125] : memref<10240xf32, #tpu.memory_space<vmem>>[vector<16xi32>], vector<16xf32>,
        %add3A_1131 = arith.constant 13 : i32
        %add3A_1132 = vector.broadcast %add3A_1131 : i32 to vector<16xi32>
        %add3A_1133 = arith.addi %mul3A_1030, %add3A_1132 : vector<16xi32>
        %gather3A_1134 = arith.constant 1 : i32
        %gather3A_1135 = arith.constant 0 : i32
        %gather3A_1136 = tpu.memref_slice %arg15[%gather3A_1134, %gather3A_1135] : memref<2x10240xf32, #tpu.memory_space<vmem>> -> memref<1x10240xf32, #tpu.memory_space<vmem>>
        %gather3A_1137 = tpu.memref_squeeze %gather3A_1136 : memref<1x10240xf32, #tpu.memory_space<vmem>> -> memref<10240xf32, #tpu.memory_space<vmem>>
        %gather3A_1138 = tpu.vector_load_idx %gather3A_1137[%add3A_1133] : memref<10240xf32, #tpu.memory_space<vmem>>[vector<16xi32>], vector<16xf32>,
        %add3A_1139 = arith.constant 14 : i32
        %add3A_1140 = vector.broadcast %add3A_1139 : i32 to vector<16xi32>
        %add3A_1141 = arith.addi %mul3A_1030, %add3A_1140 : vector<16xi32>
        %gather3A_1142 = arith.constant 1 : i32
        %gather3A_1143 = arith.constant 0 : i32
        %gather3A_1144 = tpu.memref_slice %arg15[%gather3A_1142, %gather3A_1143] : memref<2x10240xf32, #tpu.memory_space<vmem>> -> memref<1x10240xf32, #tpu.memory_space<vmem>>
        %gather3A_1145 = tpu.memref_squeeze %gather3A_1144 : memref<1x10240xf32, #tpu.memory_space<vmem>> -> memref<10240xf32, #tpu.memory_space<vmem>>
        %gather3A_1146 = tpu.vector_load_idx %gather3A_1145[%add3A_1141] : memref<10240xf32, #tpu.memory_space<vmem>>[vector<16xi32>], vector<16xf32>,
        %add3A_1147 = arith.constant 15 : i32
        %add3A_1148 = vector.broadcast %add3A_1147 : i32 to vector<16xi32>
        %add3A_1149 = arith.addi %mul3A_1030, %add3A_1148 : vector<16xi32>
        %gather3A_1150 = arith.constant 1 : i32
        %gather3A_1151 = arith.constant 0 : i32
        %gather3A_1152 = tpu.memref_slice %arg15[%gather3A_1150, %gather3A_1151] : memref<2x10240xf32, #tpu.memory_space<vmem>> -> memref<1x10240xf32, #tpu.memory_space<vmem>>
        %gather3A_1153 = tpu.memref_squeeze %gather3A_1152 : memref<1x10240xf32, #tpu.memory_space<vmem>> -> memref<10240xf32, #tpu.memory_space<vmem>>
        %gather3A_1154 = tpu.vector_load_idx %gather3A_1153[%add3A_1149] : memref<10240xf32, #tpu.memory_space<vmem>>[vector<16xi32>], vector<16xf32>,
        %add3A_1155 = arith.addf %gather3A_1034, %gather3A_1042 : vector<16xf32>
        %add3A_1156 = arith.addf %gather3A_1050, %gather3A_1058 : vector<16xf32>
        %add3A_1157 = arith.addf %gather3A_1066, %gather3A_1074 : vector<16xf32>
        %add3A_1158 = arith.addf %gather3A_1082, %gather3A_1090 : vector<16xf32>
        %add3A_1159 = arith.addf %gather3A_1098, %gather3A_1106 : vector<16xf32>
        %add3A_1160 = arith.addf %gather3A_1114, %gather3A_1122 : vector<16xf32>
        %add3A_1161 = arith.addf %gather3A_1130, %gather3A_1138 : vector<16xf32>
        %add3A_1162 = arith.addf %gather3A_1146, %gather3A_1154 : vector<16xf32>
        %add3A_1163 = arith.addf %add3A_1155, %add3A_1156 : vector<16xf32>
        %add3A_1164 = arith.addf %add3A_1157, %add3A_1158 : vector<16xf32>
        %add3A_1165 = arith.addf %add3A_1159, %add3A_1160 : vector<16xf32>
        %add3A_1166 = arith.addf %add3A_1161, %add3A_1162 : vector<16xf32>
        %add3A_1167 = arith.addf %add3A_1163, %add3A_1164 : vector<16xf32>
        %add3A_1168 = arith.addf %add3A_1165, %add3A_1166 : vector<16xf32>
        %add3A_1169 = arith.addf %add3A_1167, %add3A_1168 : vector<16xf32>
        %mul3A_1170 = arith.constant 16 : i32
        %mul3A_1171 = arith.muli %scan3A_1023, %mul3A_1170 : i32
        %get3A = arith.constant 1 : i32
        %get3A_1172 = arith.constant 0 : i32
        %get3A_1173 = tpu.memref_slice %arg11[%get3A, %get3A_1172] : memref<2x640xi32, #tpu.memory_space<vmem>> -> memref<1x640xi32, #tpu.memory_space<vmem>>
        %get3A_1174 = tpu.memref_squeeze %get3A_1173 : memref<1x640xi32, #tpu.memory_space<vmem>> -> memref<640xi32, #tpu.memory_space<vmem>>
        %get3A_1175 = arith.index_cast %mul3A_1171 : i32 to index
        %get3A_1176 = tpu.vector_load %get3A_1174[%get3A_1175] {strides = array<i32>} : memref<640xi32, #tpu.memory_space<vmem>>, vector<16xi32>,
        %mul3A_1177 = arith.mulf %add3A_1169, %broadcast_in_dim3A_971 : vector<16xf32>
        tpu.vector_store_idx %arg16[%get3A_1176], %mul3A_1177 {add = true} : memref<10240xf32, #tpu.memory_space<vmem>>[vector<16xi32>], vector<16xf32>,
        tpu.vector_store_idx %arg17[%get3A_1176], %broadcast_in_dim3A_971 {add = true} : memref<10240xf32, #tpu.memory_space<vmem>>[vector<16xi32>], vector<16xf32>,
        %scan3A_1178 = arith.constant 1 : i32
        %scan3A_1179 = arith.addi %scan3A_1023, %scan3A_1178 : i32
        %mul3A_1180 = arith.constant 16 : i32
        %mul3A_1181 = arith.muli %scan3A_1179, %mul3A_1180 : i32
        %add3A_1182 = vector.broadcast %mul3A_1181 : i32 to vector<16xi32>
        %add3A_1183 = arith.addi %iota3A, %add3A_1182 : vector<16xi32>
        %mul3A_1184 = arith.constant 16 : i32
        %mul3A_1185 = vector.broadcast %mul3A_1184 : i32 to vector<16xi32>
        %mul3A_1186 = arith.muli %add3A_1183, %mul3A_1185 : vector<16xi32>
        %gather3A_1187 = arith.constant 1 : i32
        %gather3A_1188 = arith.constant 0 : i32
        %gather3A_1189 = tpu.memref_slice %arg15[%gather3A_1187, %gather3A_1188] : memref<2x10240xf32, #tpu.memory_space<vmem>> -> memref<1x10240xf32, #tpu.memory_space<vmem>>
        %gather3A_1190 = tpu.memref_squeeze %gather3A_1189 : memref<1x10240xf32, #tpu.memory_space<vmem>> -> memref<10240xf32, #tpu.memory_space<vmem>>
        %gather3A_1191 = tpu.vector_load_idx %gather3A_1190[%mul3A_1186] : memref<10240xf32, #tpu.memory_space<vmem>>[vector<16xi32>], vector<16xf32>,
        %add3A_1192 = arith.constant 1 : i32
        %add3A_1193 = vector.broadcast %add3A_1192 : i32 to vector<16xi32>
        %add3A_1194 = arith.addi %mul3A_1186, %add3A_1193 : vector<16xi32>
        %gather3A_1195 = arith.constant 1 : i32
        %gather3A_1196 = arith.constant 0 : i32
        %gather3A_1197 = tpu.memref_slice %arg15[%gather3A_1195, %gather3A_1196] : memref<2x10240xf32, #tpu.memory_space<vmem>> -> memref<1x10240xf32, #tpu.memory_space<vmem>>
        %gather3A_1198 = tpu.memref_squeeze %gather3A_1197 : memref<1x10240xf32, #tpu.memory_space<vmem>> -> memref<10240xf32, #tpu.memory_space<vmem>>
        %gather3A_1199 = tpu.vector_load_idx %gather3A_1198[%add3A_1194] : memref<10240xf32, #tpu.memory_space<vmem>>[vector<16xi32>], vector<16xf32>,
        %add3A_1200 = arith.constant 2 : i32
        %add3A_1201 = vector.broadcast %add3A_1200 : i32 to vector<16xi32>
        %add3A_1202 = arith.addi %mul3A_1186, %add3A_1201 : vector<16xi32>
        %gather3A_1203 = arith.constant 1 : i32
        %gather3A_1204 = arith.constant 0 : i32
        %gather3A_1205 = tpu.memref_slice %arg15[%gather3A_1203, %gather3A_1204] : memref<2x10240xf32, #tpu.memory_space<vmem>> -> memref<1x10240xf32, #tpu.memory_space<vmem>>
        %gather3A_1206 = tpu.memref_squeeze %gather3A_1205 : memref<1x10240xf32, #tpu.memory_space<vmem>> -> memref<10240xf32, #tpu.memory_space<vmem>>
        %gather3A_1207 = tpu.vector_load_idx %gather3A_1206[%add3A_1202] : memref<10240xf32, #tpu.memory_space<vmem>>[vector<16xi32>], vector<16xf32>,
        %add3A_1208 = arith.constant 3 : i32
        %add3A_1209 = vector.broadcast %add3A_1208 : i32 to vector<16xi32>
        %add3A_1210 = arith.addi %mul3A_1186, %add3A_1209 : vector<16xi32>
        %gather3A_1211 = arith.constant 1 : i32
        %gather3A_1212 = arith.constant 0 : i32
        %gather3A_1213 = tpu.memref_slice %arg15[%gather3A_1211, %gather3A_1212] : memref<2x10240xf32, #tpu.memory_space<vmem>> -> memref<1x10240xf32, #tpu.memory_space<vmem>>
        %gather3A_1214 = tpu.memref_squeeze %gather3A_1213 : memref<1x10240xf32, #tpu.memory_space<vmem>> -> memref<10240xf32, #tpu.memory_space<vmem>>
        %gather3A_1215 = tpu.vector_load_idx %gather3A_1214[%add3A_1210] : memref<10240xf32, #tpu.memory_space<vmem>>[vector<16xi32>], vector<16xf32>,
        %add3A_1216 = arith.constant 4 : i32
        %add3A_1217 = vector.broadcast %add3A_1216 : i32 to vector<16xi32>
        %add3A_1218 = arith.addi %mul3A_1186, %add3A_1217 : vector<16xi32>
        %gather3A_1219 = arith.constant 1 : i32
        %gather3A_1220 = arith.constant 0 : i32
        %gather3A_1221 = tpu.memref_slice %arg15[%gather3A_1219, %gather3A_1220] : memref<2x10240xf32, #tpu.memory_space<vmem>> -> memref<1x10240xf32, #tpu.memory_space<vmem>>
        %gather3A_1222 = tpu.memref_squeeze %gather3A_1221 : memref<1x10240xf32, #tpu.memory_space<vmem>> -> memref<10240xf32, #tpu.memory_space<vmem>>
        %gather3A_1223 = tpu.vector_load_idx %gather3A_1222[%add3A_1218] : memref<10240xf32, #tpu.memory_space<vmem>>[vector<16xi32>], vector<16xf32>,
        %add3A_1224 = arith.constant 5 : i32
        %add3A_1225 = vector.broadcast %add3A_1224 : i32 to vector<16xi32>
        %add3A_1226 = arith.addi %mul3A_1186, %add3A_1225 : vector<16xi32>
        %gather3A_1227 = arith.constant 1 : i32
        %gather3A_1228 = arith.constant 0 : i32
        %gather3A_1229 = tpu.memref_slice %arg15[%gather3A_1227, %gather3A_1228] : memref<2x10240xf32, #tpu.memory_space<vmem>> -> memref<1x10240xf32, #tpu.memory_space<vmem>>
        %gather3A_1230 = tpu.memref_squeeze %gather3A_1229 : memref<1x10240xf32, #tpu.memory_space<vmem>> -> memref<10240xf32, #tpu.memory_space<vmem>>
        %gather3A_1231 = tpu.vector_load_idx %gather3A_1230[%add3A_1226] : memref<10240xf32, #tpu.memory_space<vmem>>[vector<16xi32>], vector<16xf32>,
        %add3A_1232 = arith.constant 6 : i32
        %add3A_1233 = vector.broadcast %add3A_1232 : i32 to vector<16xi32>
        %add3A_1234 = arith.addi %mul3A_1186, %add3A_1233 : vector<16xi32>
        %gather3A_1235 = arith.constant 1 : i32
        %gather3A_1236 = arith.constant 0 : i32
        %gather3A_1237 = tpu.memref_slice %arg15[%gather3A_1235, %gather3A_1236] : memref<2x10240xf32, #tpu.memory_space<vmem>> -> memref<1x10240xf32, #tpu.memory_space<vmem>>
        %gather3A_1238 = tpu.memref_squeeze %gather3A_1237 : memref<1x10240xf32, #tpu.memory_space<vmem>> -> memref<10240xf32, #tpu.memory_space<vmem>>
        %gather3A_1239 = tpu.vector_load_idx %gather3A_1238[%add3A_1234] : memref<10240xf32, #tpu.memory_space<vmem>>[vector<16xi32>], vector<16xf32>,
        %add3A_1240 = arith.constant 7 : i32
        %add3A_1241 = vector.broadcast %add3A_1240 : i32 to vector<16xi32>
        %add3A_1242 = arith.addi %mul3A_1186, %add3A_1241 : vector<16xi32>
        %gather3A_1243 = arith.constant 1 : i32
        %gather3A_1244 = arith.constant 0 : i32
        %gather3A_1245 = tpu.memref_slice %arg15[%gather3A_1243, %gather3A_1244] : memref<2x10240xf32, #tpu.memory_space<vmem>> -> memref<1x10240xf32, #tpu.memory_space<vmem>>
        %gather3A_1246 = tpu.memref_squeeze %gather3A_1245 : memref<1x10240xf32, #tpu.memory_space<vmem>> -> memref<10240xf32, #tpu.memory_space<vmem>>
        %gather3A_1247 = tpu.vector_load_idx %gather3A_1246[%add3A_1242] : memref<10240xf32, #tpu.memory_space<vmem>>[vector<16xi32>], vector<16xf32>,
        %add3A_1248 = arith.constant 8 : i32
        %add3A_1249 = vector.broadcast %add3A_1248 : i32 to vector<16xi32>
        %add3A_1250 = arith.addi %mul3A_1186, %add3A_1249 : vector<16xi32>
        %gather3A_1251 = arith.constant 1 : i32
        %gather3A_1252 = arith.constant 0 : i32
        %gather3A_1253 = tpu.memref_slice %arg15[%gather3A_1251, %gather3A_1252] : memref<2x10240xf32, #tpu.memory_space<vmem>> -> memref<1x10240xf32, #tpu.memory_space<vmem>>
        %gather3A_1254 = tpu.memref_squeeze %gather3A_1253 : memref<1x10240xf32, #tpu.memory_space<vmem>> -> memref<10240xf32, #tpu.memory_space<vmem>>
        %gather3A_1255 = tpu.vector_load_idx %gather3A_1254[%add3A_1250] : memref<10240xf32, #tpu.memory_space<vmem>>[vector<16xi32>], vector<16xf32>,
        %add3A_1256 = arith.constant 9 : i32
        %add3A_1257 = vector.broadcast %add3A_1256 : i32 to vector<16xi32>
        %add3A_1258 = arith.addi %mul3A_1186, %add3A_1257 : vector<16xi32>
        %gather3A_1259 = arith.constant 1 : i32
        %gather3A_1260 = arith.constant 0 : i32
        %gather3A_1261 = tpu.memref_slice %arg15[%gather3A_1259, %gather3A_1260] : memref<2x10240xf32, #tpu.memory_space<vmem>> -> memref<1x10240xf32, #tpu.memory_space<vmem>>
        %gather3A_1262 = tpu.memref_squeeze %gather3A_1261 : memref<1x10240xf32, #tpu.memory_space<vmem>> -> memref<10240xf32, #tpu.memory_space<vmem>>
        %gather3A_1263 = tpu.vector_load_idx %gather3A_1262[%add3A_1258] : memref<10240xf32, #tpu.memory_space<vmem>>[vector<16xi32>], vector<16xf32>,
        %add3A_1264 = arith.constant 10 : i32
        %add3A_1265 = vector.broadcast %add3A_1264 : i32 to vector<16xi32>
        %add3A_1266 = arith.addi %mul3A_1186, %add3A_1265 : vector<16xi32>
        %gather3A_1267 = arith.constant 1 : i32
        %gather3A_1268 = arith.constant 0 : i32
        %gather3A_1269 = tpu.memref_slice %arg15[%gather3A_1267, %gather3A_1268] : memref<2x10240xf32, #tpu.memory_space<vmem>> -> memref<1x10240xf32, #tpu.memory_space<vmem>>
        %gather3A_1270 = tpu.memref_squeeze %gather3A_1269 : memref<1x10240xf32, #tpu.memory_space<vmem>> -> memref<10240xf32, #tpu.memory_space<vmem>>
        %gather3A_1271 = tpu.vector_load_idx %gather3A_1270[%add3A_1266] : memref<10240xf32, #tpu.memory_space<vmem>>[vector<16xi32>], vector<16xf32>,
        %add3A_1272 = arith.constant 11 : i32
        %add3A_1273 = vector.broadcast %add3A_1272 : i32 to vector<16xi32>
        %add3A_1274 = arith.addi %mul3A_1186, %add3A_1273 : vector<16xi32>
        %gather3A_1275 = arith.constant 1 : i32
        %gather3A_1276 = arith.constant 0 : i32
        %gather3A_1277 = tpu.memref_slice %arg15[%gather3A_1275, %gather3A_1276] : memref<2x10240xf32, #tpu.memory_space<vmem>> -> memref<1x10240xf32, #tpu.memory_space<vmem>>
        %gather3A_1278 = tpu.memref_squeeze %gather3A_1277 : memref<1x10240xf32, #tpu.memory_space<vmem>> -> memref<10240xf32, #tpu.memory_space<vmem>>
        %gather3A_1279 = tpu.vector_load_idx %gather3A_1278[%add3A_1274] : memref<10240xf32, #tpu.memory_space<vmem>>[vector<16xi32>], vector<16xf32>,
        %add3A_1280 = arith.constant 12 : i32
        %add3A_1281 = vector.broadcast %add3A_1280 : i32 to vector<16xi32>
        %add3A_1282 = arith.addi %mul3A_1186, %add3A_1281 : vector<16xi32>
        %gather3A_1283 = arith.constant 1 : i32
        %gather3A_1284 = arith.constant 0 : i32
        %gather3A_1285 = tpu.memref_slice %arg15[%gather3A_1283, %gather3A_1284] : memref<2x10240xf32, #tpu.memory_space<vmem>> -> memref<1x10240xf32, #tpu.memory_space<vmem>>
        %gather3A_1286 = tpu.memref_squeeze %gather3A_1285 : memref<1x10240xf32, #tpu.memory_space<vmem>> -> memref<10240xf32, #tpu.memory_space<vmem>>
        %gather3A_1287 = tpu.vector_load_idx %gather3A_1286[%add3A_1282] : memref<10240xf32, #tpu.memory_space<vmem>>[vector<16xi32>], vector<16xf32>,
        %add3A_1288 = arith.constant 13 : i32
        %add3A_1289 = vector.broadcast %add3A_1288 : i32 to vector<16xi32>
        %add3A_1290 = arith.addi %mul3A_1186, %add3A_1289 : vector<16xi32>
        %gather3A_1291 = arith.constant 1 : i32
        %gather3A_1292 = arith.constant 0 : i32
        %gather3A_1293 = tpu.memref_slice %arg15[%gather3A_1291, %gather3A_1292] : memref<2x10240xf32, #tpu.memory_space<vmem>> -> memref<1x10240xf32, #tpu.memory_space<vmem>>
        %gather3A_1294 = tpu.memref_squeeze %gather3A_1293 : memref<1x10240xf32, #tpu.memory_space<vmem>> -> memref<10240xf32, #tpu.memory_space<vmem>>
        %gather3A_1295 = tpu.vector_load_idx %gather3A_1294[%add3A_1290] : memref<10240xf32, #tpu.memory_space<vmem>>[vector<16xi32>], vector<16xf32>,
        %add3A_1296 = arith.constant 14 : i32
        %add3A_1297 = vector.broadcast %add3A_1296 : i32 to vector<16xi32>
        %add3A_1298 = arith.addi %mul3A_1186, %add3A_1297 : vector<16xi32>
        %gather3A_1299 = arith.constant 1 : i32
        %gather3A_1300 = arith.constant 0 : i32
        %gather3A_1301 = tpu.memref_slice %arg15[%gather3A_1299, %gather3A_1300] : memref<2x10240xf32, #tpu.memory_space<vmem>> -> memref<1x10240xf32, #tpu.memory_space<vmem>>
        %gather3A_1302 = tpu.memref_squeeze %gather3A_1301 : memref<1x10240xf32, #tpu.memory_space<vmem>> -> memref<10240xf32, #tpu.memory_space<vmem>>
        %gather3A_1303 = tpu.vector_load_idx %gather3A_1302[%add3A_1298] : memref<10240xf32, #tpu.memory_space<vmem>>[vector<16xi32>], vector<16xf32>,
        %add3A_1304 = arith.constant 15 : i32
        %add3A_1305 = vector.broadcast %add3A_1304 : i32 to vector<16xi32>
        %add3A_1306 = arith.addi %mul3A_1186, %add3A_1305 : vector<16xi32>
        %gather3A_1307 = arith.constant 1 : i32
        %gather3A_1308 = arith.constant 0 : i32
        %gather3A_1309 = tpu.memref_slice %arg15[%gather3A_1307, %gather3A_1308] : memref<2x10240xf32, #tpu.memory_space<vmem>> -> memref<1x10240xf32, #tpu.memory_space<vmem>>
        %gather3A_1310 = tpu.memref_squeeze %gather3A_1309 : memref<1x10240xf32, #tpu.memory_space<vmem>> -> memref<10240xf32, #tpu.memory_space<vmem>>
        %gather3A_1311 = tpu.vector_load_idx %gather3A_1310[%add3A_1306] : memref<10240xf32, #tpu.memory_space<vmem>>[vector<16xi32>], vector<16xf32>,
        %add3A_1312 = arith.addf %gather3A_1191, %gather3A_1199 : vector<16xf32>
        %add3A_1313 = arith.addf %gather3A_1207, %gather3A_1215 : vector<16xf32>
        %add3A_1314 = arith.addf %gather3A_1223, %gather3A_1231 : vector<16xf32>
        %add3A_1315 = arith.addf %gather3A_1239, %gather3A_1247 : vector<16xf32>
        %add3A_1316 = arith.addf %gather3A_1255, %gather3A_1263 : vector<16xf32>
        %add3A_1317 = arith.addf %gather3A_1271, %gather3A_1279 : vector<16xf32>
        %add3A_1318 = arith.addf %gather3A_1287, %gather3A_1295 : vector<16xf32>
        %add3A_1319 = arith.addf %gather3A_1303, %gather3A_1311 : vector<16xf32>
        %add3A_1320 = arith.addf %add3A_1312, %add3A_1313 : vector<16xf32>
        %add3A_1321 = arith.addf %add3A_1314, %add3A_1315 : vector<16xf32>
        %add3A_1322 = arith.addf %add3A_1316, %add3A_1317 : vector<16xf32>
        %add3A_1323 = arith.addf %add3A_1318, %add3A_1319 : vector<16xf32>
        %add3A_1324 = arith.addf %add3A_1320, %add3A_1321 : vector<16xf32>
        %add3A_1325 = arith.addf %add3A_1322, %add3A_1323 : vector<16xf32>
        %add3A_1326 = arith.addf %add3A_1324, %add3A_1325 : vector<16xf32>
        %mul3A_1327 = arith.constant 16 : i32
        %mul3A_1328 = arith.muli %scan3A_1179, %mul3A_1327 : i32
        %get3A_1329 = arith.constant 1 : i32
        %get3A_1330 = arith.constant 0 : i32
        %get3A_1331 = tpu.memref_slice %arg11[%get3A_1329, %get3A_1330] : memref<2x640xi32, #tpu.memory_space<vmem>> -> memref<1x640xi32, #tpu.memory_space<vmem>>
        %get3A_1332 = tpu.memref_squeeze %get3A_1331 : memref<1x640xi32, #tpu.memory_space<vmem>> -> memref<640xi32, #tpu.memory_space<vmem>>
        %get3A_1333 = arith.index_cast %mul3A_1328 : i32 to index
        %get3A_1334 = tpu.vector_load %get3A_1332[%get3A_1333] {strides = array<i32>} : memref<640xi32, #tpu.memory_space<vmem>>, vector<16xi32>,
        %mul3A_1335 = arith.mulf %add3A_1326, %broadcast_in_dim3A_971 : vector<16xf32>
        tpu.vector_store_idx %arg16[%get3A_1334], %mul3A_1335 {add = true} : memref<10240xf32, #tpu.memory_space<vmem>>[vector<16xi32>], vector<16xf32>,
        tpu.vector_store_idx %arg17[%get3A_1334], %broadcast_in_dim3A_971 {add = true} : memref<10240xf32, #tpu.memory_space<vmem>>[vector<16xi32>], vector<16xf32>,
      }
      %scan3A_977 = arith.constant 40 : i32
      %mul3A_978 = arith.constant 32 : i32
      %mul3A_979 = arith.muli %add3A_693, %mul3A_978 : i32
      %add3A_980 = arith.addi %mul3A_979, %add3A : i32
      %min3A_981 = arith.constant 249 : i32
      %min3A_982 = arith.minsi %add3A_980, %min3A_981 : i32
      %mul3A_983 = arith.constant 640 : i32
      %mul3A_984 = arith.muli %min3A_982, %mul3A_983 : i32
      %mul3A_985 = arith.constant 16 : i32
      %mul3A_986 = arith.muli %mul3A_984, %mul3A_985 : i32
      %dma_start3A_987 = arith.constant 1 : i32
      %dma_start3A_988 = arith.constant 0 : i32
      %dma_start3A_989 = tpu.memref_slice %arg15[%dma_start3A_987, %dma_start3A_988] : memref<2x10240xf32, #tpu.memory_space<vmem>> -> memref<1x10240xf32, #tpu.memory_space<vmem>>
      %dma_start3A_990 = tpu.memref_squeeze %dma_start3A_989 : memref<1x10240xf32, #tpu.memory_space<vmem>> -> memref<10240xf32, #tpu.memory_space<vmem>>
      %dma_start3A_991 = tpu.memref_slice %arg7[%mul3A_986] : memref<2560000xf32, #tpu.memory_space<hbm>> -> memref<10240xf32, #tpu.memory_space<hbm>>
      %dma_start3A_992 = tpu.memref_slice %arg7[%mul3A_986] : memref<2560000xf32, #tpu.memory_space<hbm>> -> memref<10240xf32, #tpu.memory_space<hbm>>
      %dma_start3A_993 = arith.constant 0 : i32
      %dma_start3A_994 = tpu.memref_slice %arg15[%dma_start3A_987, %dma_start3A_993] : memref<2x10240xf32, #tpu.memory_space<vmem>> -> memref<1x10240xf32, #tpu.memory_space<vmem>>
      %dma_start3A_995 = tpu.memref_squeeze %dma_start3A_994 : memref<1x10240xf32, #tpu.memory_space<vmem>> -> memref<10240xf32, #tpu.memory_space<vmem>>
      tpu.enqueue_dma source(%dma_start3A_995 : memref<10240xf32, #tpu.memory_space<vmem>>) target(%dma_start3A_992 : memref<10240xf32, #tpu.memory_space<hbm>>) target_semaphore(%arg23 : memref<!tpu.dma_semaphore, #tpu.memory_space<semaphore_mem>>)
      %add3A_996 = arith.constant 2 : i32
      %add3A_997 = arith.addi %add3A_693, %add3A_996 : i32
      %mul3A_998 = arith.constant 32 : i32
      %mul3A_999 = arith.muli %add3A_997, %mul3A_998 : i32
      %add3A_1000 = arith.addi %mul3A_999, %add3A : i32
      %min3A_1001 = arith.constant 249 : i32
      %min3A_1002 = arith.minsi %add3A_1000, %min3A_1001 : i32
      %mul3A_1003 = arith.constant 640 : i32
      %mul3A_1004 = arith.muli %min3A_1002, %mul3A_1003 : i32
      %dma_start3A_1005 = arith.constant 1 : i32
      %dma_start3A_1006 = arith.constant 0 : i32
      %dma_start3A_1007 = tpu.memref_slice %arg10[%dma_start3A_1005, %dma_start3A_1006] : memref<2x640xi32, #tpu.memory_space<vmem>> -> memref<1x640xi32, #tpu.memory_space<vmem>>
      %dma_start3A_1008 = tpu.memref_squeeze %dma_start3A_1007 : memref<1x640xi32, #tpu.memory_space<vmem>> -> memref<640xi32, #tpu.memory_space<vmem>>
      %dma_start3A_1009 = tpu.memref_slice %arg5[%mul3A_1004] : memref<160000xi32, #tpu.memory_space<hbm>> -> memref<640xi32, #tpu.memory_space<hbm>>
      %dma_start3A_1010 = arith.constant 0 : i32
      %dma_start3A_1011 = tpu.memref_slice %arg10[%dma_start3A_1005, %dma_start3A_1010] : memref<2x640xi32, #tpu.memory_space<vmem>> -> memref<1x640xi32, #tpu.memory_space<vmem>>
      %dma_start3A_1012 = tpu.memref_squeeze %dma_start3A_1011 : memref<1x640xi32, #tpu.memory_space<vmem>> -> memref<640xi32, #tpu.memory_space<vmem>>
      %dma_start3A_1013 = tpu.memref_slice %arg5[%mul3A_1004] : memref<160000xi32, #tpu.memory_space<hbm>> -> memref<640xi32, #tpu.memory_space<hbm>>
      tpu.enqueue_dma source(%dma_start3A_1013 : memref<640xi32, #tpu.memory_space<hbm>>) target(%dma_start3A_1012 : memref<640xi32, #tpu.memory_space<vmem>>) target_semaphore(%arg19 : memref<!tpu.dma_semaphore, #tpu.memory_space<semaphore_mem>>)
      %dma_start3A_1014 = arith.constant 1 : i32
      %dma_start3A_1015 = arith.constant 0 : i32
      %dma_start3A_1016 = tpu.memref_slice %arg11[%dma_start3A_1014, %dma_start3A_1015] : memref<2x640xi32, #tpu.memory_space<vmem>> -> memref<1x640xi32, #tpu.memory_space<vmem>>
      %dma_start3A_1017 = tpu.memref_squeeze %dma_start3A_1016 : memref<1x640xi32, #tpu.memory_space<vmem>> -> memref<640xi32, #tpu.memory_space<vmem>>
      %dma_start3A_1018 = tpu.memref_slice %arg6[%mul3A_1004] : memref<160000xi32, #tpu.memory_space<hbm>> -> memref<640xi32, #tpu.memory_space<hbm>>
      %dma_start3A_1019 = arith.constant 0 : i32
      %dma_start3A_1020 = tpu.memref_slice %arg11[%dma_start3A_1014, %dma_start3A_1019] : memref<2x640xi32, #tpu.memory_space<vmem>> -> memref<1x640xi32, #tpu.memory_space<vmem>>
      %dma_start3A_1021 = tpu.memref_squeeze %dma_start3A_1020 : memref<1x640xi32, #tpu.memory_space<vmem>> -> memref<640xi32, #tpu.memory_space<vmem>>
      %dma_start3A_1022 = tpu.memref_slice %arg6[%mul3A_1004] : memref<160000xi32, #tpu.memory_space<hbm>> -> memref<640xi32, #tpu.memory_space<hbm>>
      tpu.enqueue_dma source(%dma_start3A_1022 : memref<640xi32, #tpu.memory_space<hbm>>) target(%dma_start3A_1021 : memref<640xi32, #tpu.memory_space<vmem>>) target_semaphore(%arg19 : memref<!tpu.dma_semaphore, #tpu.memory_space<semaphore_mem>>)
    }
    %scan3A_270 = arith.constant 4 : i32
    %dma_wait3A_271 = arith.constant 0 : i32
    %dma_wait3A_272 = arith.constant 0 : i32
    %dma_wait3A_273 = arith.constant 0 : i32
    %dma_wait3A_274 = tpu.memref_slice %arg12[%dma_wait3A_271, %dma_wait3A_272, %dma_wait3A_273] : memref<2x640x16xf32, #tpu.memory_space<vmem>> -> memref<1x640x16xf32, #tpu.memory_space<vmem>>
    %dma_wait3A_275 = tpu.memref_squeeze %dma_wait3A_274 : memref<1x640x16xf32, #tpu.memory_space<vmem>> -> memref<640x16xf32, #tpu.memory_space<vmem>>
    %dma_wait3A_276 = arith.constant 0 : i32
    %dma_wait3A_277 = arith.constant 0 : i32
    %dma_wait3A_278 = tpu.memref_slice %arg2[%dma_wait3A_276, %dma_wait3A_277] : memref<10000x16xf32, #tpu.memory_space<hbm>> -> memref<640x16xf32, #tpu.memory_space<hbm>>
    %dma_wait3A_279 = arith.constant 0 : i32
    %dma_wait3A_280 = arith.constant 0 : i32
    %dma_wait3A_281 = tpu.memref_slice %arg12[%dma_wait3A_271, %dma_wait3A_279, %dma_wait3A_280] : memref<2x640x16xf32, #tpu.memory_space<vmem>> -> memref<1x640x16xf32, #tpu.memory_space<vmem>>
    %dma_wait3A_282 = tpu.memref_squeeze %dma_wait3A_281 : memref<1x640x16xf32, #tpu.memory_space<vmem>> -> memref<640x16xf32, #tpu.memory_space<vmem>>
    %dma_wait3A_283 = arith.constant 0 : i32
    %dma_wait3A_284 = arith.constant 0 : i32
    %dma_wait3A_285 = tpu.memref_slice %arg2[%dma_wait3A_283, %dma_wait3A_284] : memref<10000x16xf32, #tpu.memory_space<hbm>> -> memref<640x16xf32, #tpu.memory_space<hbm>>
    tpu.wait_dma2 semaphore(%arg20 : memref<!tpu.dma_semaphore, #tpu.memory_space<semaphore_mem>>) src(%dma_wait3A_285 : memref<640x16xf32, #tpu.memory_space<hbm>>) dst(%dma_wait3A_282 : memref<640x16xf32, #tpu.memory_space<vmem>>)
    %dma_wait3A_286 = arith.constant 0 : i32
    %dma_wait3A_287 = arith.constant 0 : i32
    %dma_wait3A_288 = arith.constant 0 : i32
    %dma_wait3A_289 = tpu.memref_slice %arg13[%dma_wait3A_286, %dma_wait3A_287, %dma_wait3A_288] : memref<2x640x16xf32, #tpu.memory_space<vmem>> -> memref<1x640x16xf32, #tpu.memory_space<vmem>>
    %dma_wait3A_290 = tpu.memref_squeeze %dma_wait3A_289 : memref<1x640x16xf32, #tpu.memory_space<vmem>> -> memref<640x16xf32, #tpu.memory_space<vmem>>
    %dma_wait3A_291 = arith.constant 0 : i32
    %dma_wait3A_292 = arith.constant 0 : i32
    %dma_wait3A_293 = tpu.memref_slice %arg2[%dma_wait3A_291, %dma_wait3A_292] : memref<10000x16xf32, #tpu.memory_space<hbm>> -> memref<640x16xf32, #tpu.memory_space<hbm>>
    %dma_wait3A_294 = arith.constant 0 : i32
    %dma_wait3A_295 = arith.constant 0 : i32
    %dma_wait3A_296 = tpu.memref_slice %arg13[%dma_wait3A_286, %dma_wait3A_294, %dma_wait3A_295] : memref<2x640x16xf32, #tpu.memory_space<vmem>> -> memref<1x640x16xf32, #tpu.memory_space<vmem>>
    %dma_wait3A_297 = tpu.memref_squeeze %dma_wait3A_296 : memref<1x640x16xf32, #tpu.memory_space<vmem>> -> memref<640x16xf32, #tpu.memory_space<vmem>>
    %dma_wait3A_298 = arith.constant 0 : i32
    %dma_wait3A_299 = arith.constant 0 : i32
    %dma_wait3A_300 = tpu.memref_slice %arg2[%dma_wait3A_298, %dma_wait3A_299] : memref<10000x16xf32, #tpu.memory_space<hbm>> -> memref<640x16xf32, #tpu.memory_space<hbm>>
    tpu.wait_dma2 semaphore(%arg20 : memref<!tpu.dma_semaphore, #tpu.memory_space<semaphore_mem>>) src(%dma_wait3A_300 : memref<640x16xf32, #tpu.memory_space<hbm>>) dst(%dma_wait3A_297 : memref<640x16xf32, #tpu.memory_space<vmem>>)
    %dma_wait3A_301 = arith.constant 0 : i32
    %dma_wait3A_302 = arith.constant 0 : i32
    %dma_wait3A_303 = arith.constant 0 : i32
    %dma_wait3A_304 = tpu.memref_slice %arg14[%dma_wait3A_301, %dma_wait3A_302, %dma_wait3A_303] : memref<2x80x128xf32, #tpu.memory_space<vmem>> -> memref<1x80x128xf32, #tpu.memory_space<vmem>>
    %dma_wait3A_305 = tpu.memref_squeeze %dma_wait3A_304 : memref<1x80x128xf32, #tpu.memory_space<vmem>> -> memref<80x128xf32, #tpu.memory_space<vmem>>
    %dma_wait3A_306 = arith.constant 0 : i32
    %dma_wait3A_307 = arith.constant 0 : i32
    %dma_wait3A_308 = tpu.memref_slice %arg4[%dma_wait3A_306, %dma_wait3A_307] : memref<20000x128xf32, #tpu.memory_space<hbm>> -> memref<80x128xf32, #tpu.memory_space<hbm>>
    %dma_wait3A_309 = arith.constant 0 : i32
    %dma_wait3A_310 = arith.constant 0 : i32
    %dma_wait3A_311 = tpu.memref_slice %arg14[%dma_wait3A_301, %dma_wait3A_309, %dma_wait3A_310] : memref<2x80x128xf32, #tpu.memory_space<vmem>> -> memref<1x80x128xf32, #tpu.memory_space<vmem>>
    %dma_wait3A_312 = tpu.memref_squeeze %dma_wait3A_311 : memref<1x80x128xf32, #tpu.memory_space<vmem>> -> memref<80x128xf32, #tpu.memory_space<vmem>>
    %dma_wait3A_313 = arith.constant 0 : i32
    %dma_wait3A_314 = arith.constant 0 : i32
    %dma_wait3A_315 = tpu.memref_slice %arg4[%dma_wait3A_313, %dma_wait3A_314] : memref<20000x128xf32, #tpu.memory_space<hbm>> -> memref<80x128xf32, #tpu.memory_space<hbm>>
    tpu.wait_dma2 semaphore(%arg20 : memref<!tpu.dma_semaphore, #tpu.memory_space<semaphore_mem>>) src(%dma_wait3A_315 : memref<80x128xf32, #tpu.memory_space<hbm>>) dst(%dma_wait3A_312 : memref<80x128xf32, #tpu.memory_space<vmem>>)
    %dma_wait3A_316 = arith.constant 1 : i32
    %dma_wait3A_317 = arith.constant 0 : i32
    %dma_wait3A_318 = tpu.memref_slice %arg10[%dma_wait3A_316, %dma_wait3A_317] : memref<2x640xi32, #tpu.memory_space<vmem>> -> memref<1x640xi32, #tpu.memory_space<vmem>>
    %dma_wait3A_319 = tpu.memref_squeeze %dma_wait3A_318 : memref<1x640xi32, #tpu.memory_space<vmem>> -> memref<640xi32, #tpu.memory_space<vmem>>
    %dma_wait3A_320 = arith.constant 0 : i32
    %dma_wait3A_321 = tpu.memref_slice %arg5[%dma_wait3A_320] : memref<160000xi32, #tpu.memory_space<hbm>> -> memref<640xi32, #tpu.memory_space<hbm>>
    %dma_wait3A_322 = arith.constant 0 : i32
    %dma_wait3A_323 = tpu.memref_slice %arg10[%dma_wait3A_316, %dma_wait3A_322] : memref<2x640xi32, #tpu.memory_space<vmem>> -> memref<1x640xi32, #tpu.memory_space<vmem>>
    %dma_wait3A_324 = tpu.memref_squeeze %dma_wait3A_323 : memref<1x640xi32, #tpu.memory_space<vmem>> -> memref<640xi32, #tpu.memory_space<vmem>>
    %dma_wait3A_325 = arith.constant 0 : i32
    %dma_wait3A_326 = tpu.memref_slice %arg5[%dma_wait3A_325] : memref<160000xi32, #tpu.memory_space<hbm>> -> memref<640xi32, #tpu.memory_space<hbm>>
    tpu.wait_dma2 semaphore(%arg19 : memref<!tpu.dma_semaphore, #tpu.memory_space<semaphore_mem>>) src(%dma_wait3A_326 : memref<640xi32, #tpu.memory_space<hbm>>) dst(%dma_wait3A_324 : memref<640xi32, #tpu.memory_space<vmem>>)
    %dma_wait3A_327 = arith.constant 1 : i32
    %dma_wait3A_328 = arith.constant 0 : i32
    %dma_wait3A_329 = tpu.memref_slice %arg11[%dma_wait3A_327, %dma_wait3A_328] : memref<2x640xi32, #tpu.memory_space<vmem>> -> memref<1x640xi32, #tpu.memory_space<vmem>>
    %dma_wait3A_330 = tpu.memref_squeeze %dma_wait3A_329 : memref<1x640xi32, #tpu.memory_space<vmem>> -> memref<640xi32, #tpu.memory_space<vmem>>
    %dma_wait3A_331 = arith.constant 0 : i32
    %dma_wait3A_332 = tpu.memref_slice %arg6[%dma_wait3A_331] : memref<160000xi32, #tpu.memory_space<hbm>> -> memref<640xi32, #tpu.memory_space<hbm>>
    %dma_wait3A_333 = arith.constant 0 : i32
    %dma_wait3A_334 = tpu.memref_slice %arg11[%dma_wait3A_327, %dma_wait3A_333] : memref<2x640xi32, #tpu.memory_space<vmem>> -> memref<1x640xi32, #tpu.memory_space<vmem>>
    %dma_wait3A_335 = tpu.memref_squeeze %dma_wait3A_334 : memref<1x640xi32, #tpu.memory_space<vmem>> -> memref<640xi32, #tpu.memory_space<vmem>>
    %dma_wait3A_336 = arith.constant 0 : i32
    %dma_wait3A_337 = tpu.memref_slice %arg6[%dma_wait3A_336] : memref<160000xi32, #tpu.memory_space<hbm>> -> memref<640xi32, #tpu.memory_space<hbm>>
    tpu.wait_dma2 semaphore(%arg19 : memref<!tpu.dma_semaphore, #tpu.memory_space<semaphore_mem>>) src(%dma_wait3A_337 : memref<640xi32, #tpu.memory_space<hbm>>) dst(%dma_wait3A_335 : memref<640xi32, #tpu.memory_space<vmem>>)
    %dma_wait3A_338 = arith.constant 0 : i32
    %dma_wait3A_339 = arith.constant 0 : i32
    %dma_wait3A_340 = tpu.memref_slice %arg15[%dma_wait3A_338, %dma_wait3A_339] : memref<2x10240xf32, #tpu.memory_space<vmem>> -> memref<1x10240xf32, #tpu.memory_space<vmem>>
    %dma_wait3A_341 = tpu.memref_squeeze %dma_wait3A_340 : memref<1x10240xf32, #tpu.memory_space<vmem>> -> memref<10240xf32, #tpu.memory_space<vmem>>
    %dma_wait3A_342 = arith.constant 0 : i32
    %dma_wait3A_343 = tpu.memref_slice %arg7[%dma_wait3A_342] : memref<2560000xf32, #tpu.memory_space<hbm>> -> memref<10240xf32, #tpu.memory_space<hbm>>
    %dma_wait3A_344 = arith.constant 0 : i32
    %dma_wait3A_345 = tpu.memref_slice %arg15[%dma_wait3A_338, %dma_wait3A_344] : memref<2x10240xf32, #tpu.memory_space<vmem>> -> memref<1x10240xf32, #tpu.memory_space<vmem>>
    %dma_wait3A_346 = tpu.memref_squeeze %dma_wait3A_345 : memref<1x10240xf32, #tpu.memory_space<vmem>> -> memref<10240xf32, #tpu.memory_space<vmem>>
    %dma_wait3A_347 = arith.constant 0 : i32
    %dma_wait3A_348 = tpu.memref_slice %arg7[%dma_wait3A_347] : memref<2560000xf32, #tpu.memory_space<hbm>> -> memref<10240xf32, #tpu.memory_space<hbm>>
    tpu.wait_dma2 semaphore(%arg22 : memref<!tpu.dma_semaphore, #tpu.memory_space<semaphore_mem>>) src(%dma_wait3A_348 : memref<10240xf32, #tpu.memory_space<hbm>>) dst(%dma_wait3A_346 : memref<10240xf32, #tpu.memory_space<vmem>>)
    %dma_wait3A_349 = arith.constant 1 : i32
    %dma_wait3A_350 = arith.constant 0 : i32
    %dma_wait3A_351 = tpu.memref_slice %arg15[%dma_wait3A_349, %dma_wait3A_350] : memref<2x10240xf32, #tpu.memory_space<vmem>> -> memref<1x10240xf32, #tpu.memory_space<vmem>>
    %dma_wait3A_352 = tpu.memref_squeeze %dma_wait3A_351 : memref<1x10240xf32, #tpu.memory_space<vmem>> -> memref<10240xf32, #tpu.memory_space<vmem>>
    %dma_wait3A_353 = arith.constant 0 : i32
    %dma_wait3A_354 = tpu.memref_slice %arg7[%dma_wait3A_353] : memref<2560000xf32, #tpu.memory_space<hbm>> -> memref<10240xf32, #tpu.memory_space<hbm>>
    %dma_wait3A_355 = arith.constant 0 : i32
    %dma_wait3A_356 = tpu.memref_slice %arg15[%dma_wait3A_349, %dma_wait3A_355] : memref<2x10240xf32, #tpu.memory_space<vmem>> -> memref<1x10240xf32, #tpu.memory_space<vmem>>
    %dma_wait3A_357 = tpu.memref_squeeze %dma_wait3A_356 : memref<1x10240xf32, #tpu.memory_space<vmem>> -> memref<10240xf32, #tpu.memory_space<vmem>>
    %dma_wait3A_358 = arith.constant 0 : i32
    %dma_wait3A_359 = tpu.memref_slice %arg7[%dma_wait3A_358] : memref<2560000xf32, #tpu.memory_space<hbm>> -> memref<10240xf32, #tpu.memory_space<hbm>>
    tpu.wait_dma2 semaphore(%arg23 : memref<!tpu.dma_semaphore, #tpu.memory_space<semaphore_mem>>) src(%dma_wait3A_359 : memref<10240xf32, #tpu.memory_space<hbm>>) dst(%dma_wait3A_357 : memref<10240xf32, #tpu.memory_space<vmem>>)
    "tpu.region"() ({
      %run_scoped3A = tpu.sem_alloc : memref<!tpu.dma_semaphore, #tpu.memory_space<semaphore_mem>>
      %dma_start3A_360 = arith.constant 0 : i32
      %dma_start3A_361 = tpu.memref_slice %arg8[%add3A, %dma_start3A_360] : memref<32x10240xf32, #tpu.memory_space<hbm>> -> memref<1x10240xf32, #tpu.memory_space<hbm>>
      %dma_start3A_362 = tpu.memref_squeeze %dma_start3A_361 : memref<1x10240xf32, #tpu.memory_space<hbm>> -> memref<10240xf32, #tpu.memory_space<hbm>>
      %dma_start3A_363 = arith.constant 0 : i32
      %dma_start3A_364 = tpu.memref_slice %arg8[%add3A, %dma_start3A_363] : memref<32x10240xf32, #tpu.memory_space<hbm>> -> memref<1x10240xf32, #tpu.memory_space<hbm>>
      %dma_start3A_365 = tpu.memref_squeeze %dma_start3A_364 : memref<1x10240xf32, #tpu.memory_space<hbm>> -> memref<10240xf32, #tpu.memory_space<hbm>>
      tpu.enqueue_dma source(%arg16 : memref<10240xf32, #tpu.memory_space<vmem>>) target(%dma_start3A_365 : memref<10240xf32, #tpu.memory_space<hbm>>) target_semaphore(%run_scoped3A : memref<!tpu.dma_semaphore, #tpu.memory_space<semaphore_mem>>)
      %dma_wait3A_366 = arith.constant 0 : i32
      %dma_wait3A_367 = tpu.memref_slice %arg8[%add3A, %dma_wait3A_366] : memref<32x10240xf32, #tpu.memory_space<hbm>> -> memref<1x10240xf32, #tpu.memory_space<hbm>>
      %dma_wait3A_368 = tpu.memref_squeeze %dma_wait3A_367 : memref<1x10240xf32, #tpu.memory_space<hbm>> -> memref<10240xf32, #tpu.memory_space<hbm>>
      %dma_wait3A_369 = arith.constant 0 : i32
      %dma_wait3A_370 = tpu.memref_slice %arg8[%add3A, %dma_wait3A_369] : memref<32x10240xf32, #tpu.memory_space<hbm>> -> memref<1x10240xf32, #tpu.memory_space<hbm>>
      %dma_wait3A_371 = tpu.memref_squeeze %dma_wait3A_370 : memref<1x10240xf32, #tpu.memory_space<hbm>> -> memref<10240xf32, #tpu.memory_space<hbm>>
      tpu.wait_dma2 semaphore(%run_scoped3A : memref<!tpu.dma_semaphore, #tpu.memory_space<semaphore_mem>>) src(%arg16 : memref<10240xf32, #tpu.memory_space<vmem>>) dst(%dma_wait3A_371 : memref<10240xf32, #tpu.memory_space<hbm>>)
      tpu.yield
    }) : () -> ()
    "tpu.region"() ({
      %run_scoped3A = tpu.sem_alloc : memref<!tpu.dma_semaphore, #tpu.memory_space<semaphore_mem>>
      %dma_start3A_360 = arith.constant 0 : i32
      %dma_start3A_361 = tpu.memref_slice %arg9[%add3A, %dma_start3A_360] : memref<32x10240xf32, #tpu.memory_space<hbm>> -> memref<1x10240xf32, #tpu.memory_space<hbm>>
      %dma_start3A_362 = tpu.memref_squeeze %dma_start3A_361 : memref<1x10240xf32, #tpu.memory_space<hbm>> -> memref<10240xf32, #tpu.memory_space<hbm>>
      %dma_start3A_363 = arith.constant 0 : i32
      %dma_start3A_364 = tpu.memref_slice %arg9[%add3A, %dma_start3A_363] : memref<32x10240xf32, #tpu.memory_space<hbm>> -> memref<1x10240xf32, #tpu.memory_space<hbm>>
      %dma_start3A_365 = tpu.memref_squeeze %dma_start3A_364 : memref<1x10240xf32, #tpu.memory_space<hbm>> -> memref<10240xf32, #tpu.memory_space<hbm>>
      tpu.enqueue_dma source(%arg17 : memref<10240xf32, #tpu.memory_space<vmem>>) target(%dma_start3A_365 : memref<10240xf32, #tpu.memory_space<hbm>>) target_semaphore(%run_scoped3A : memref<!tpu.dma_semaphore, #tpu.memory_space<semaphore_mem>>)
      %dma_wait3A_366 = arith.constant 0 : i32
      %dma_wait3A_367 = tpu.memref_slice %arg9[%add3A, %dma_wait3A_366] : memref<32x10240xf32, #tpu.memory_space<hbm>> -> memref<1x10240xf32, #tpu.memory_space<hbm>>
      %dma_wait3A_368 = tpu.memref_squeeze %dma_wait3A_367 : memref<1x10240xf32, #tpu.memory_space<hbm>> -> memref<10240xf32, #tpu.memory_space<hbm>>
      %dma_wait3A_369 = arith.constant 0 : i32
      %dma_wait3A_370 = tpu.memref_slice %arg9[%add3A, %dma_wait3A_369] : memref<32x10240xf32, #tpu.memory_space<hbm>> -> memref<1x10240xf32, #tpu.memory_space<hbm>>
      %dma_wait3A_371 = tpu.memref_squeeze %dma_wait3A_370 : memref<1x10240xf32, #tpu.memory_space<hbm>> -> memref<10240xf32, #tpu.memory_space<hbm>>
      tpu.wait_dma2 semaphore(%run_scoped3A : memref<!tpu.dma_semaphore, #tpu.memory_space<semaphore_mem>>) src(%arg17 : memref<10240xf32, #tpu.memory_space<vmem>>) dst(%dma_wait3A_371 : memref<10240xf32, #tpu.memory_space<hbm>>)
      tpu.yield
    }) : () -> ()
    return
  }
}

module attributes {stable_mosaic.version = 14 : i64} {
  func.func @_tables_body(%arg0: i32, %arg1: memref<1000x128xf32, #tpu.memory_space<vmem>>, %arg2: memref<128x16xf32, #tpu.memory_space<vmem>>, %arg3: memref<128x16xf32, #tpu.memory_space<vmem>>, %arg4: memref<1000x16xf32, #tpu.memory_space<vmem>>, %arg5: memref<1000x16xf32, #tpu.memory_space<vmem>>) attributes {dimension_semantics = [#tpu.dimension_semantics<arbitrary>], iteration_bounds = array<i64: 10>, scalar_prefetch = 0 : i64, scratch_operands = 0 : i64, tpu.core_type = #tpu.core_type<tc>, window_params = [{transform_indices = @transform_0, window_bounds = array<i64: 1000, 128>}, {pipeline_mode = #tpu.pipeline_mode<synchronous>, transform_indices = @transform_1, window_bounds = array<i64: 128, 16>}, {pipeline_mode = #tpu.pipeline_mode<synchronous>, transform_indices = @transform_2, window_bounds = array<i64: 128, 16>}, {transform_indices = @transform_3, window_bounds = array<i64: 1000, 16>}, {transform_indices = @transform_4, window_bounds = array<i64: 1000, 16>}]} {
    %get3A = arith.constant 0 : index
    %get3A_0 = arith.constant 0 : index
    %get3A_1 = vector.load %arg1[%get3A, %get3A_0] : memref<1000x128xf32, #tpu.memory_space<vmem>>, vector<1000x128xf32>
    %get3A_2 = arith.constant 0 : index
    %get3A_3 = arith.constant 0 : index
    %get3A_4 = vector.load %arg2[%get3A_2, %get3A_3] : memref<128x16xf32, #tpu.memory_space<vmem>>, vector<128x16xf32>
    %dot_general3A = arith.constant dense<0.000000e+00> : vector<1000x16xf32>
    %dot_general3A_5 = tpu.matmul %get3A_1, %get3A_4, %dot_general3A {dimension_numbers = #tpu.dot_dimension_numbers<[1], [0], [0], [1], [0, 0, 1, 1], [], []>, transpose_lhs_hint = false} : vector<1000x128xf32>, vector<128x16xf32>, vector<1000x16xf32> -> vector<1000x16xf32>
    %swap3A = arith.constant 0 : index
    %swap3A_6 = arith.constant 0 : index
    %swap3A_7 = vector.load %arg4[%swap3A, %swap3A_6] : memref<1000x16xf32, #tpu.memory_space<vmem>>, vector<1000x16xf32>
    tpu.vector_store %arg4[%swap3A, %swap3A_6], %dot_general3A_5 {strides = array<i32>} : memref<1000x16xf32, #tpu.memory_space<vmem>>, vector<1000x16xf32>,
    %get3A_8 = arith.constant 0 : index
    %get3A_9 = arith.constant 0 : index
    %get3A_10 = vector.load %arg3[%get3A_8, %get3A_9] : memref<128x16xf32, #tpu.memory_space<vmem>>, vector<128x16xf32>
    %dot_general3A_11 = arith.constant dense<0.000000e+00> : vector<1000x16xf32>
    %dot_general3A_12 = tpu.matmul %get3A_1, %get3A_10, %dot_general3A_11 {dimension_numbers = #tpu.dot_dimension_numbers<[1], [0], [0], [1], [0, 0, 1, 1], [], []>, transpose_lhs_hint = false} : vector<1000x128xf32>, vector<128x16xf32>, vector<1000x16xf32> -> vector<1000x16xf32>
    %swap3A_13 = arith.constant 0 : index
    %swap3A_14 = arith.constant 0 : index
    %swap3A_15 = vector.load %arg5[%swap3A_13, %swap3A_14] : memref<1000x16xf32, #tpu.memory_space<vmem>>, vector<1000x16xf32>
    tpu.vector_store %arg5[%swap3A_13, %swap3A_14], %dot_general3A_12 {strides = array<i32>} : memref<1000x16xf32, #tpu.memory_space<vmem>>, vector<1000x16xf32>,
    return
  }
  func.func @transform_0(%arg0: i32) -> (i32, i32) {
    %c0_i32 = arith.constant 0 : i32
    %c0_i32_0 = arith.constant 0 : i32
    return %arg0, %c0_i32 : i32, i32
  }
  func.func @transform_1(%arg0: i32) -> (i32, i32) {
    %c0_i32 = arith.constant 0 : i32
    %c0_i32_0 = arith.constant 0 : i32
    %c0_i32_1 = arith.constant 0 : i32
    return %c0_i32, %c0_i32_0 : i32, i32
  }
  func.func @transform_2(%arg0: i32) -> (i32, i32) {
    %c0_i32 = arith.constant 0 : i32
    %c0_i32_0 = arith.constant 0 : i32
    %c0_i32_1 = arith.constant 0 : i32
    return %c0_i32, %c0_i32_0 : i32, i32
  }
  func.func @transform_3(%arg0: i32) -> (i32, i32) {
    %c0_i32 = arith.constant 0 : i32
    %c0_i32_0 = arith.constant 0 : i32
    return %arg0, %c0_i32 : i32, i32
  }
  func.func @transform_4(%arg0: i32) -> (i32, i32) {
    %c0_i32 = arith.constant 0 : i32
    %c0_i32_0 = arith.constant 0 : i32
    return %arg0, %c0_i32 : i32, i32
  }
}

module attributes {stable_mosaic.version = 14 : i64} {
  func.func @_pe_body(%arg0: i32, %arg1: memref<2000x128xf32, #tpu.memory_space<vmem>>, %arg2: memref<16x16xf32, #tpu.memory_space<vmem>>, %arg3: memref<1x16xf32, #tpu.memory_space<vmem>>, %arg4: memref<2000x128xf32, #tpu.memory_space<vmem>>) attributes {dimension_semantics = [#tpu.dimension_semantics<arbitrary>], iteration_bounds = array<i64: 10>, scalar_prefetch = 0 : i64, scratch_operands = 0 : i64, tpu.core_type = #tpu.core_type<tc>, window_params = [{transform_indices = @transform_0, window_bounds = array<i64: 2000, 128>}, {pipeline_mode = #tpu.pipeline_mode<synchronous>, transform_indices = @transform_1, window_bounds = array<i64: 16, 16>}, {pipeline_mode = #tpu.pipeline_mode<synchronous>, transform_indices = @transform_2, window_bounds = array<i64: 1, 16>}, {transform_indices = @transform_3, window_bounds = array<i64: 2000, 128>}]} {
    %get3A = arith.constant 0 : index
    %get3A_0 = arith.constant 0 : index
    %get3A_1 = vector.load %arg2[%get3A, %get3A_0] : memref<16x16xf32, #tpu.memory_space<vmem>>, vector<16x16xf32>
    %concatenate3A = tpu.concatenate %get3A_1, %get3A_1, %get3A_1, %get3A_1, %get3A_1, %get3A_1, %get3A_1, %get3A_1 in 1 : vector<16x16xf32>, vector<16x16xf32>, vector<16x16xf32>, vector<16x16xf32>, vector<16x16xf32>, vector<16x16xf32>, vector<16x16xf32>, vector<16x16xf32> -> vector<16x128xf32>
    %concatenate3A_2 = tpu.concatenate %concatenate3A, %concatenate3A, %concatenate3A, %concatenate3A, %concatenate3A, %concatenate3A, %concatenate3A, %concatenate3A in 0 : vector<16x128xf32>, vector<16x128xf32>, vector<16x128xf32>, vector<16x128xf32>, vector<16x128xf32>, vector<16x128xf32>, vector<16x128xf32>, vector<16x128xf32> -> vector<128x128xf32>
    %iota3A = tpu.iota {dimensions = array<i32: 0>} : vector<128x128xi32>
    %iota3A_3 = tpu.iota {dimensions = array<i32: 1>} : vector<128x128xi32>
    %jit3A = arith.constant 16 : i32
    %div3A = vector.broadcast %jit3A : i32 to vector<128x128xi32>
    %div3A_4 = arith.divsi %iota3A, %div3A : vector<128x128xi32>
    %sign3A = arith.constant 0 : i32
    %sign3A_5 = vector.broadcast %sign3A : i32 to vector<128x128xi32>
    %sign3A_6 = arith.cmpi sgt, %iota3A, %sign3A_5 : vector<128x128xi32>
    %sign3A_7 = arith.extui %sign3A_6 : vector<128x128xi1> to vector<128x128xi32>
    %sign3A_8 = arith.constant 0 : i32
    %sign3A_9 = vector.broadcast %sign3A_8 : i32 to vector<128x128xi32>
    %sign3A_10 = arith.cmpi slt, %iota3A, %sign3A_9 : vector<128x128xi32>
    %sign3A_11 = arith.extui %sign3A_10 : vector<128x128xi1> to vector<128x128xi32>
    %sign3A_12 = arith.subi %sign3A_7, %sign3A_11 : vector<128x128xi32>
    %sign3A_13 = arith.constant 0 : i32
    %sign3A_14 = arith.cmpi sgt, %jit3A, %sign3A_13 : i32
    %sign3A_15 = arith.extui %sign3A_14 : i1 to i32
    %sign3A_16 = arith.constant 0 : i32
    %sign3A_17 = arith.cmpi slt, %jit3A, %sign3A_16 : i32
    %sign3A_18 = arith.extui %sign3A_17 : i1 to i32
    %sign3A_19 = arith.subi %sign3A_15, %sign3A_18 : i32
    %ne3A = vector.broadcast %sign3A_19 : i32 to vector<128x128xi32>
    %ne3A_20 = arith.cmpi ne, %sign3A_12, %ne3A : vector<128x128xi32>
    %rem3A = vector.broadcast %jit3A : i32 to vector<128x128xi32>
    %rem3A_21 = arith.remsi %iota3A, %rem3A : vector<128x128xi32>
    %ne3A_22 = arith.constant 0 : i32
    %ne3A_23 = vector.broadcast %ne3A_22 : i32 to vector<128x128xi32>
    %ne3A_24 = arith.cmpi ne, %rem3A_21, %ne3A_23 : vector<128x128xi32>
    %and3A = arith.andi %ne3A_20, %ne3A_24 : vector<128x128xi1>
    %sub3A = arith.constant 1 : i32
    %sub3A_25 = vector.broadcast %sub3A : i32 to vector<128x128xi32>
    %sub3A_26 = arith.subi %div3A_4, %sub3A_25 : vector<128x128xi32>
    %select_n3A = arith.select %and3A, %sub3A_26, %div3A_4 : vector<128x128xi1>, vector<128x128xi32>
    %jit3A_27 = arith.constant 16 : i32
    %div3A_28 = vector.broadcast %jit3A_27 : i32 to vector<128x128xi32>
    %div3A_29 = arith.divsi %iota3A_3, %div3A_28 : vector<128x128xi32>
    %sign3A_30 = arith.constant 0 : i32
    %sign3A_31 = vector.broadcast %sign3A_30 : i32 to vector<128x128xi32>
    %sign3A_32 = arith.cmpi sgt, %iota3A_3, %sign3A_31 : vector<128x128xi32>
    %sign3A_33 = arith.extui %sign3A_32 : vector<128x128xi1> to vector<128x128xi32>
    %sign3A_34 = arith.constant 0 : i32
    %sign3A_35 = vector.broadcast %sign3A_34 : i32 to vector<128x128xi32>
    %sign3A_36 = arith.cmpi slt, %iota3A_3, %sign3A_35 : vector<128x128xi32>
    %sign3A_37 = arith.extui %sign3A_36 : vector<128x128xi1> to vector<128x128xi32>
    %sign3A_38 = arith.subi %sign3A_33, %sign3A_37 : vector<128x128xi32>
    %sign3A_39 = arith.constant 0 : i32
    %sign3A_40 = arith.cmpi sgt, %jit3A_27, %sign3A_39 : i32
    %sign3A_41 = arith.extui %sign3A_40 : i1 to i32
    %sign3A_42 = arith.constant 0 : i32
    %sign3A_43 = arith.cmpi slt, %jit3A_27, %sign3A_42 : i32
    %sign3A_44 = arith.extui %sign3A_43 : i1 to i32
    %sign3A_45 = arith.subi %sign3A_41, %sign3A_44 : i32
    %ne3A_46 = vector.broadcast %sign3A_45 : i32 to vector<128x128xi32>
    %ne3A_47 = arith.cmpi ne, %sign3A_38, %ne3A_46 : vector<128x128xi32>
    %rem3A_48 = vector.broadcast %jit3A_27 : i32 to vector<128x128xi32>
    %rem3A_49 = arith.remsi %iota3A_3, %rem3A_48 : vector<128x128xi32>
    %ne3A_50 = arith.constant 0 : i32
    %ne3A_51 = vector.broadcast %ne3A_50 : i32 to vector<128x128xi32>
    %ne3A_52 = arith.cmpi ne, %rem3A_49, %ne3A_51 : vector<128x128xi32>
    %and3A_53 = arith.andi %ne3A_47, %ne3A_52 : vector<128x128xi1>
    %sub3A_54 = arith.constant 1 : i32
    %sub3A_55 = vector.broadcast %sub3A_54 : i32 to vector<128x128xi32>
    %sub3A_56 = arith.subi %div3A_29, %sub3A_55 : vector<128x128xi32>
    %select_n3A_57 = arith.select %and3A_53, %sub3A_56, %div3A_29 : vector<128x128xi1>, vector<128x128xi32>
    %eq3A = arith.cmpi eq, %select_n3A, %select_n3A_57 : vector<128x128xi32>
    %jit3A_58 = arith.constant 0.000000e+00 : f32
    %broadcast_in_dim3A = vector.broadcast %jit3A_58 : f32 to vector<128x128xf32>
    %select_n3A_59 = arith.select %eq3A, %concatenate3A_2, %broadcast_in_dim3A : vector<128x128xi1>, vector<128x128xf32>
    %get3A_60 = arith.constant 0 : index
    %get3A_61 = arith.constant 0 : index
    %get3A_62 = vector.load %arg3[%get3A_60, %get3A_61] : memref<1x16xf32, #tpu.memory_space<vmem>>, vector<1x16xf32>
    %concatenate3A_63 = tpu.concatenate %get3A_62, %get3A_62, %get3A_62, %get3A_62, %get3A_62, %get3A_62, %get3A_62, %get3A_62 in 1 : vector<1x16xf32>, vector<1x16xf32>, vector<1x16xf32>, vector<1x16xf32>, vector<1x16xf32>, vector<1x16xf32>, vector<1x16xf32>, vector<1x16xf32> -> vector<1x128xf32>
    %get3A_64 = arith.constant 0 : index
    %get3A_65 = arith.constant 0 : index
    %get3A_66 = vector.load %arg1[%get3A_64, %get3A_65] : memref<2000x128xf32, #tpu.memory_space<vmem>>, vector<2000x128xf32>
    %dot_general3A = arith.constant dense<0.000000e+00> : vector<2000x128xf32>
    %dot_general3A_67 = tpu.matmul %get3A_66, %select_n3A_59, %dot_general3A {dimension_numbers = #tpu.dot_dimension_numbers<[1], [0], [0], [1], [0, 0, 1, 1], [], []>, transpose_lhs_hint = false} : vector<2000x128xf32>, vector<128x128xf32>, vector<2000x128xf32> -> vector<2000x128xf32>
    %add3A = vector.broadcast %concatenate3A_63 : vector<1x128xf32> to vector<2000x128xf32>
    %add3A_68 = arith.addf %dot_general3A_67, %add3A : vector<2000x128xf32>
    %swap3A = arith.constant 0 : index
    %swap3A_69 = arith.constant 0 : index
    %swap3A_70 = vector.load %arg4[%swap3A, %swap3A_69] : memref<2000x128xf32, #tpu.memory_space<vmem>>, vector<2000x128xf32>
    tpu.vector_store %arg4[%swap3A, %swap3A_69], %add3A_68 {strides = array<i32>} : memref<2000x128xf32, #tpu.memory_space<vmem>>, vector<2000x128xf32>,
    return
  }
  func.func @transform_0(%arg0: i32) -> (i32, i32) {
    %c0_i32 = arith.constant 0 : i32
    %c0_i32_0 = arith.constant 0 : i32
    return %arg0, %c0_i32 : i32, i32
  }
  func.func @transform_1(%arg0: i32) -> (i32, i32) {
    %c0_i32 = arith.constant 0 : i32
    %c0_i32_0 = arith.constant 0 : i32
    %c0_i32_1 = arith.constant 0 : i32
    return %c0_i32, %c0_i32_0 : i32, i32
  }
  func.func @transform_2(%arg0: i32) -> (i32, i32) {
    %c0_i32 = arith.constant 0 : i32
    %c0_i32_0 = arith.constant 0 : i32
    %c0_i32_1 = arith.constant 0 : i32
    return %c0_i32, %c0_i32_0 : i32, i32
  }
  func.func @transform_3(%arg0: i32) -> (i32, i32) {
    %c0_i32 = arith.constant 0 : i32
    %c0_i32_0 = arith.constant 0 : i32
    return %arg0, %c0_i32 : i32, i32
  }
}

module attributes {stable_mosaic.version = 14 : i64} {
  func.func @_newx_body(%arg0: i32, %arg1: memref<1024x128xf32, #tpu.memory_space<vmem>>, %arg2: memref<32x1024xf32, #tpu.memory_space<vmem>>, %arg3: memref<32x1024xf32, #tpu.memory_space<vmem>>, %arg4: memref<128x128xf32, #tpu.memory_space<vmem>>, %arg5: memref<1x128xf32, #tpu.memory_space<vmem>>, %arg6: memref<1x128xf32, #tpu.memory_space<vmem>>, %arg7: memref<1024x128xf32, #tpu.memory_space<vmem>>) attributes {dimension_semantics = [#tpu.dimension_semantics<arbitrary>], iteration_bounds = array<i64: 10>, scalar_prefetch = 0 : i64, scratch_operands = 0 : i64, tpu.core_type = #tpu.core_type<tc>, window_params = [{transform_indices = @transform_0, window_bounds = array<i64: 1024, 128>}, {transform_indices = @transform_1, window_bounds = array<i64: 32, 1024>}, {transform_indices = @transform_2, window_bounds = array<i64: 32, 1024>}, {pipeline_mode = #tpu.pipeline_mode<synchronous>, transform_indices = @transform_3, window_bounds = array<i64: 128, 128>}, {pipeline_mode = #tpu.pipeline_mode<synchronous>, transform_indices = @transform_4, window_bounds = array<i64: 1, 128>}, {pipeline_mode = #tpu.pipeline_mode<synchronous>, transform_indices = @transform_5, window_bounds = array<i64: 1, 128>}, {transform_indices = @transform_6, window_bounds = array<i64: 1024, 128>}]} {
    %get3A = arith.constant 0 : index
    %get3A_0 = arith.constant 0 : index
    %get3A_1 = vector.load %arg2[%get3A, %get3A_0] : memref<32x1024xf32, #tpu.memory_space<vmem>>, vector<32x1024xf32>
    %reduce_sum3A = arith.constant dense<0.000000e+00> : vector<1024xf32>
    %reduce_sum3A_2 = vector.multi_reduction <add>, %get3A_1, %reduce_sum3A [0] : vector<32x1024xf32> to vector<1024xf32>
    %mul3A = arith.constant 6.250000e-02 : f32
    %mul3A_3 = vector.broadcast %mul3A : f32 to vector<1024xf32>
    %mul3A_4 = arith.mulf %reduce_sum3A_2, %mul3A_3 : vector<1024xf32>
    %get3A_5 = arith.constant 0 : index
    %get3A_6 = arith.constant 0 : index
    %get3A_7 = vector.load %arg3[%get3A_5, %get3A_6] : memref<32x1024xf32, #tpu.memory_space<vmem>>, vector<32x1024xf32>
    %reduce_sum3A_8 = arith.constant dense<0.000000e+00> : vector<1024xf32>
    %reduce_sum3A_9 = vector.multi_reduction <add>, %get3A_7, %reduce_sum3A_8 [0] : vector<32x1024xf32> to vector<1024xf32>
    %max3A = arith.constant 1.000000e+00 : f32
    %max3A_10 = vector.broadcast %max3A : f32 to vector<1024xf32>
    %max3A_11 = arith.maximumf %reduce_sum3A_9, %max3A_10 : vector<1024xf32>
    %div3A = arith.divf %mul3A_4, %max3A_11 : vector<1024xf32>
    %get3A_12 = arith.constant 0 : index
    %get3A_13 = arith.constant 0 : index
    %get3A_14 = vector.load %arg1[%get3A_12, %get3A_13] : memref<1024x128xf32, #tpu.memory_space<vmem>>, vector<1024x128xf32>
    %get3A_15 = arith.constant 0 : index
    %get3A_16 = arith.constant 0 : index
    %get3A_17 = vector.load %arg4[%get3A_15, %get3A_16] : memref<128x128xf32, #tpu.memory_space<vmem>>, vector<128x128xf32>
    %dot_general3A = arith.constant dense<0.000000e+00> : vector<1024x128xf32>
    %dot_general3A_18 = tpu.matmul %get3A_14, %get3A_17, %dot_general3A {dimension_numbers = #tpu.dot_dimension_numbers<[1], [0], [0], [1], [0, 0, 1, 1], [], []>, transpose_lhs_hint = false} : vector<1024x128xf32>, vector<128x128xf32>, vector<1024x128xf32> -> vector<1024x128xf32>
    %broadcast_in_dim3A = vector.shape_cast %div3A : vector<1024xf32> to vector<1024x1xf32>
    %get3A_19 = arith.constant 0 : index
    %get3A_20 = arith.constant 0 : index
    %get3A_21 = vector.load %arg5[%get3A_19, %get3A_20] : memref<1x128xf32, #tpu.memory_space<vmem>>, vector<1x128xf32>
    %mul3A_22 = vector.broadcast %broadcast_in_dim3A : vector<1024x1xf32> to vector<1024x128xf32>
    %mul3A_23 = vector.broadcast %get3A_21 : vector<1x128xf32> to vector<1024x128xf32>
    %mul3A_24 = arith.mulf %mul3A_22, %mul3A_23 : vector<1024x128xf32>
    %add3A = arith.addf %dot_general3A_18, %mul3A_24 : vector<1024x128xf32>
    %get3A_25 = arith.constant 0 : index
    %get3A_26 = arith.constant 0 : index
    %get3A_27 = vector.load %arg6[%get3A_25, %get3A_26] : memref<1x128xf32, #tpu.memory_space<vmem>>, vector<1x128xf32>
    %add3A_28 = vector.broadcast %get3A_27 : vector<1x128xf32> to vector<1024x128xf32>
    %add3A_29 = arith.addf %add3A, %add3A_28 : vector<1024x128xf32>
    %max3A_30 = arith.constant 0.000000e+00 : f32
    %max3A_31 = vector.broadcast %max3A_30 : f32 to vector<1024x128xf32>
    %max3A_32 = arith.maximumf %add3A_29, %max3A_31 : vector<1024x128xf32>
    %swap3A = arith.constant 0 : index
    %swap3A_33 = arith.constant 0 : index
    %swap3A_34 = vector.load %arg7[%swap3A, %swap3A_33] : memref<1024x128xf32, #tpu.memory_space<vmem>>, vector<1024x128xf32>
    tpu.vector_store %arg7[%swap3A, %swap3A_33], %max3A_32 {strides = array<i32>} : memref<1024x128xf32, #tpu.memory_space<vmem>>, vector<1024x128xf32>,
    return
  }
  func.func @transform_0(%arg0: i32) -> (i32, i32) {
    %c0_i32 = arith.constant 0 : i32
    %c0_i32_0 = arith.constant 0 : i32
    return %arg0, %c0_i32 : i32, i32
  }
  func.func @transform_1(%arg0: i32) -> (i32, i32) {
    %c0_i32 = arith.constant 0 : i32
    %c0_i32_0 = arith.constant 0 : i32
    return %c0_i32, %arg0 : i32, i32
  }
  func.func @transform_2(%arg0: i32) -> (i32, i32) {
    %c0_i32 = arith.constant 0 : i32
    %c0_i32_0 = arith.constant 0 : i32
    return %c0_i32, %arg0 : i32, i32
  }
  func.func @transform_3(%arg0: i32) -> (i32, i32) {
    %c0_i32 = arith.constant 0 : i32
    %c0_i32_0 = arith.constant 0 : i32
    %c0_i32_1 = arith.constant 0 : i32
    return %c0_i32, %c0_i32_0 : i32, i32
  }
  func.func @transform_4(%arg0: i32) -> (i32, i32) {
    %c0_i32 = arith.constant 0 : i32
    %c0_i32_0 = arith.constant 0 : i32
    %c0_i32_1 = arith.constant 0 : i32
    return %c0_i32, %c0_i32_0 : i32, i32
  }
  func.func @transform_5(%arg0: i32) -> (i32, i32) {
    %c0_i32 = arith.constant 0 : i32
    %c0_i32_0 = arith.constant 0 : i32
    %c0_i32_1 = arith.constant 0 : i32
    return %c0_i32, %c0_i32_0 : i32, i32
  }
  func.func @transform_6(%arg0: i32) -> (i32, i32) {
    %c0_i32 = arith.constant 0 : i32
    %c0_i32_0 = arith.constant 0 : i32
    return %arg0, %c0_i32 : i32, i32
  }
}

</mosaic_0001>

<sc_bundles>
// kernel: kernel.6.cloned.1.call-start
scs
__scs_entry_jumppad:
0x0: {  	(pc) =	sbr.rel $0x88, $3  }
0x1: {  	(tag) =	ssettag $0x0;
	lr =	simm.s32 $0x1  }
0x2: {  	[smem:$0x3F9A] =	sst lr;
	_ =	strace $0xD0000000  }
0x3: {  	_ = 	snop  }
0x4: {  	_ = 	snop  }
0x5: {  	_ = 	snop  }
0x6: {  	_ = 	snop  }
0x7: {  	_ = 	snop  }
__scs_overlays_trampoline_lowered:
0x8: {  	[smem:$0x3FA9] =	sst s0  }
0x9: {  	[smem:$0x3FAA] =	sst s1  }
0xa: {  	[smem:$0x3FAB] =	sst s2  }
0xb: {  	[smem:$0x3FAC] =	sst s3  }
0xc: {  	[smem:$0x3FAD] =	sst s4  }
0xd: {  	[smem:$0x3FAE] =	sst s5  }
0xe: {  	[smem:$0x3FAF] =	sst s6  }
0xf: {  	[smem:$0x3FB0] =	sst s7  }
0x10: {  	[smem:$0x3FB1] =	sst s8  }
0x11: {  	[smem:$0x3FB2] =	sst s9;
	s0 =	simm.s32 @!p0 $0x0  }
0x12: {  	s1 =	sld [smem:$0x3F98];
	s0 =	simm.s32 @p0 $0x1  }
0x13: {  	[smem:$0x3FB3] =	sst s0;
	s0 =	simm.s32 @!p1 $0x0  }
0x14: {  	s2 =	sld [smem:$0x3F97];
	s0 =	simm.s32 @p1 $0x1  }
0x15: {  	[smem:$0x3FB4] =	sst s0;
	s0 =	simm.s32 @!p2 $0x0  }
0x16: {  	s3 =	sld [smem:$0x3FDB];
	s0 =	simm.s32 @p2 $0x1  }
0x17: {  	s4 =	simm.s32 $0x1BF5;
	[smem:$0x3FB6] =	sst s0  }
0x18: {  	s0 =	sld [smem:$0x3F99];
	_ =	swait.ge [sflag:s4], $0x0  }
0x19: {  	s7 =	sld [smem:$0x3F9A]  }
0x1a: {  	s8 =	sadd.s32 $0xFFFFE003, lr  }
0x1b: {  	s9 =	sadd.s32 $0xFFFFFEF7, lr;
	s5 =	simm.s32 $0xFFFFFFFF;
	p2 =	slt.u32 s8, $0xFFFFF086  }
0x1c: {  	p1 =	slt.u32 s9, $0xF7A;
	s5 =	simm.s32 @!p2 $0x0  }
0x1d: {  	s5 =	simm.s32 @p1 $0x1;
	p0 =	seq.s32 s7, s2  }
0x1e: {  	s7 =	smul.u32 @!p0 $0xF7A, s2;
	p2 =	seq.s32 @!p0 s5, $0x0  }
0x1f: {  	s9 =	smul.u32 $0xF7A, s1;
	s8 =	simm.s32 @!p0 $0x1BF5;
	p2 =	por !p2, p0  }
0x20: {  	[sflag:s8] =	ssyncset.s32 @!p0 $0xFFFFF086;
	s6 =	sadd.s32 @!p0 s3, s7;
	s7 =	simm.s32 @!p0 $0x108  }
0x21: {  	s3 =	sadd.s32 s3, s9;
	s6 =	sadd.s32 @!p0 $0x88, s6;
	s7 =	simm.s32 @p2 $0x1082  }
0x22: {  	[simem:s7], [sflag:s8] =	dma.local @!p0 [hbm:s6], $0xF7A  }
0x23: {  	s9 =	sor.u32 $0xD0000000, s2;
	s6 =	simm.s32 $0x108;
	_ =	swait.ge @!p0 [sflag:s8], $0x0  }
0x24: {  	s3 =	sadd.s32 $0x88, s3;
	s6 =	simm.s32 @!p1 $0x1082;
	[sflag:s4] =	ssyncset.s32 $0xFFFFF086  }
0x25: {  	[simem:s6], [sflag:s4] =	dma.local [hbm:s3], $0xF7A  }
0x26: {  	[smem:$0x3F9A] =	sst s1;
	(tag) =	ssettag s2;
	_ =	strace s9  }
0x27: {  	s1 =	sld [smem:$0x3FAA]  }
0x28: {  	s2 =	sld [smem:$0x3FAB]  }
0x29: {  	s4 =	sld [smem:$0x3FAD]  }
0x2a: {  	p0 =	seq.s32 s5, $0x0;
	s5 =	sld [smem:$0x3FAE]  }
0x2b: {  	s6 =	sld [smem:$0x3FAF]  }
0x2c: {  	s7 =	sld [smem:$0x3FB0]  }
0x2d: {  	s3 =	simm.s32 $0x108;
	s8 =	sld [smem:$0x3FB1]  }
0x2e: {  	s3 =	simm.s32 @!p0 $0x1082;
	s9 =	sld [smem:$0x3FB2]  }
0x2f: {  	lr =	sadd.s32 s0, s3;
	s0 =	sld [smem:$0x3FA9]  }
0x30: {  	s3 =	sld [smem:$0x3FAC]  }
0x31: {  	[smem:$0x3FB5] =	sst s10  }
0x32: {  	s10 =	sld [smem:$0x3FB3];
	_ =	sdelay $0x3  }
0x33: {  	p0 =	seq.s32 s10, $0x1;
	s10 =	sld [smem:$0x3FB5];
	_ =	sdelay $0x3  }
0x34: {  	[smem:$0x3FB5] =	sst s10  }
0x35: {  	s10 =	sld [smem:$0x3FB4];
	_ =	sdelay $0x3  }
0x36: {  	p1 =	seq.s32 s10, $0x1;
	s10 =	sld [smem:$0x3FB5];
	_ =	sdelay $0x3  }
0x37: {  	[smem:$0x3FB5] =	sst s10  }
0x38: {  	s10 =	sld [smem:$0x3FB6]  }
0x39: {  	_ = 	snop;
	(pc) =	sbr.ind lr, $3  }
0x3a: {  	_ = 	snop  }
0x3b: {  	_ = 	snop  }
0x3c: {  	p2 =	seq.s32 s10, $0x1;
	s10 =	sld [smem:$0x3FB5]  }
0x3d: {  	_ =	shalt  }
0x3e: {  	_ =	shalt  }
0x3f: {  	_ =	shalt  }
0x40: {  	_ =	shalt  }
0x41: {  	_ =	shalt  }
0x42: {  	_ =	shalt  }
0x43: {  	_ =	shalt  }
0x44: {  	_ =	shalt  }
0x45: {  	_ =	shalt  }
0x46: {  	_ =	shalt  }
0x47: {  	_ =	shalt  }
0x48: {  	_ =	shalt  }
0x49: {  	_ =	shalt  }
0x4a: {  	_ =	shalt  }
0x4b: {  	_ =	shalt  }
0x4c: {  	_ =	shalt  }
0x4d: {  	_ =	shalt  }
0x4e: {  	_ =	shalt  }
0x4f: {  	_ =	shalt  }
0x50: {  	_ =	shalt  }
0x51: {  	_ =	shalt  }
0x52: {  	_ =	shalt  }
0x53: {  	_ =	shalt  }
0x54: {  	_ =	shalt  }
0x55: {  	_ =	shalt  }
0x56: {  	_ =	shalt  }
0x57: {  	_ =	shalt  }
0x58: {  	_ =	shalt  }
0x59: {  	_ =	shalt  }
0x5a: {  	_ =	shalt  }
0x5b: {  	_ =	shalt  }
0x5c: {  	_ =	shalt  }
0x5d: {  	_ =	shalt  }
0x5e: {  	_ =	shalt  }
0x5f: {  	_ =	shalt  }
0x60: {  	_ =	shalt  }
0x61: {  	_ =	shalt  }
0x62: {  	_ =	shalt  }
0x63: {  	_ =	shalt  }
0x64: {  	_ =	shalt  }
0x65: {  	_ =	shalt  }
0x66: {  	_ =	shalt  }
0x67: {  	_ =	shalt  }
0x68: {  	_ =	shalt  }
0x69: {  	_ =	shalt  }
0x6a: {  	_ =	shalt  }
0x6b: {  	_ =	shalt  }
0x6c: {  	_ =	shalt  }
0x6d: {  	_ =	shalt  }
0x6e: {  	_ =	shalt  }
0x6f: {  	_ =	shalt  }
0x70: {  	_ =	shalt  }
0x71: {  	_ =	shalt  }
0x72: {  	_ =	shalt  }
0x73: {  	_ =	shalt  }
0x74: {  	_ =	shalt  }
0x75: {  	_ =	shalt  }
0x76: {  	_ =	shalt  }
0x77: {  	_ =	shalt  }
0x78: {  	_ =	shalt  }
0x79: {  	_ =	shalt  }
0x7a: {  	_ =	shalt  }
0x7b: {  	_ =	shalt  }
0x7c: {  	_ =	shalt  }
0x7d: {  	_ =	shalt  }
0x7e: {  	_ =	shalt  }
0x7f: {  	_ =	shalt  }
0x80: {  	_ =	shalt  }
0x81: {  	_ =	shalt  }
0x82: {  	_ =	shalt  }
0x83: {  	_ =	shalt  }
0x84: {  	_ =	shalt  }
0x85: {  	_ =	shalt  }
0x86: {  	_ =	shalt  }
0x87: {  	_ =	shalt  }
.Lfunc_end0:
.L_simem_size_0:
called_computation_lowered:
.L_overlay_start_0:
0x88: {  	s2 =	sld [smem:$0x3FD9]  }
0x89: {  	s3 =	sld [smem:$0x3FFE];
	_ =	sdelay $0x1  }
0x8a: {  	s1 =	srdreg.scid  }
0x8b: {  	s0 =	sand.u32 $0x1, s1  }
0x8c: {  	s14 =	sshll.u32 s0, $0xA;
	s2 =	sadd.s32 s3, s2  }
0x8d: {  	s2 =	sadd.s32 s2, s14  }
0x8e: {  	[smem:$0x3FC1] =	sst s2  }
0x8f: {  	_ = 	snop  }
0x90: {  	s2 =	sld [smem:$0x3FD0];
	_ =	sdelay $0x2  }
0x91: {  	s15 =	simm.s32 $0xA;
	s4 =	simm.s32 $0x10  }
0x92: {  	[smem:s4], [sflag:s15] =	dma.local [hbm:s2], $0x1  }
0x93: {  	_ =	swait.eq [sflag:s15], $0x1  }
0x94: {  	[sflag:s15] =	ssyncset.done $0x0  }
0x95: {  	s16 =	sld [smem:$0x10];
	[sflag:s15] =	ssyncadd.s32 $0xFFFFFFFF  }
0x96: {  	s17 =	sld [smem:$0x11];
	(tm) =	ssettm $0x1  }
0x97: {  	s18 =	sld [smem:$0x3FFB];
	_ =	sdelay $0x3  }
0x98: {  	_ =	strace s18  }
0x99: {  	s4 =	sld [smem:$0x3FFC];
	_ =	sdelay $0x3  }
0x9a: {  	_ =	strace s4  }
0x9b: {  	s4 =	sld [smem:$0x3FFD];
	_ =	sdelay $0x3  }
0x9c: {  	_ =	strace s4  }
0x9d: {  	_ =	strace $0x8FFFFFFF  }
0x9e: {  	s19 =	sld [smem:$0x3FDB];
	_ =	sdelay $0x1  }
0x9f: {  	s5 =	simm.s32 $_scs_section_size  }
0xa0: {  	s6 =	simm.s32 $_size__tile_overlayer_lowered;
	s7 =	simm.s32 $_tile_overlayer_lowered  }
0xa1: {  	s22 =	simm.s32 $0x1BFF;
	s21 =	sshll.u32 s7, $0x1;
	s4 =	sadd.s32 s5, s19  }
0xa2: {  	s8 =	simm.s32 $0x0;
	s20 =	sshll.u32 s6, $0x1;
	s6 =	sadd.s32 s21, s4  }
0xa3: {  	[timem:s8], [sflag:s22] =	dma.local [hbm:s6], s20  }
0xa4: {  	_ =	swait.ge [sflag:s22], s20  }
0xa5: {  	s5 =	ssub.s32 $0x0, s20;
	[sflag:s22] =	ssyncset.done $0x0  }
0xa6: {  	[sflag:s22] =	ssyncadd.s32 s5;
	_ =	sdelay $0x1  }
0xa7: {  	s23 =	simm.s32 $0x1B8B  }
0xa8: {  	_ =	swait.ge [sflag:s23], $0x1  }
0xa9: {  	[sflag:s23] =	ssyncset.done $0x0  }
0xaa: {  	s25 =	simm.s32 $0x1B8E;
	s24 =	sld [smem:$0x3FFE];
	[sflag:s23] =	ssyncadd.s32 $0xFFFFFFFF  }
0xab: {  	s26 =	simm.s32 $execute0_lowered;
	[smem:$0x3FD2] =	sst s25  }
0xac: {  	s6 =	sshll.u32 s26, $0x1;
	_ =	strace $0x80000046;
	[dreg:$0x1] =	wrdreg $0xFFFFFFFF  }
0xad: {  	s28 =	simm.s32 $_size_execute0_lowered;
	s4 =	sadd.s32 s4, s6;
	[dreg:$0x0] =	wrdreg $0x0  }
0xae: {  	s6 =	sshll.u32 s28, $0x1;
	[dreg:$0x2] =	wrdreg s4  }
0xaf: {  	[dreg:$0x3] =	wrdreg s6  }
0xb0: {  	[dreg:$0x4] =	wrdreg $0xC0  }
0xb1: {  	_ =	task [dreg:s8], $0x5FFFF  }
0xb2: {  	[dreg:$0x1] =	wrdreg $0xFFFFFFFF  }
0xb3: {  	[dreg:$0x0] =	wrdreg $0x60  }
0xb4: {  	[dreg:$0x2] =	wrdreg s24  }
0xb5: {  	[dreg:$0x3] =	wrdreg s17  }
0xb6: {  	[dreg:$0x4] =	wrdreg s16  }
0xb7: {  	[dreg:$0x5] =	wrdreg $0x9  }
0xb8: {  	_ =	task.clear_ibuf [dreg:s8], $0x6FFFF;
	_ =	strace $0x90000046  }
0xb9: {  	s29 =	simm.s32 $0x9;
	_ =	strace $0x80000048  }
0xba: {  	_ =	swait.ge [sflag:s29], $0x1  }
0xbb: {  	[sflag:s29] =	ssyncadd.s32 $0xFFFFFFFF  }
0xbc: {  	_ =	strace $0x90000048  }
0xbd: {  	_ =	sfence  }
0xbe: {  	s30 =	sld [smem:$0x0];
	_ =	sdelay $0x2  }
0xbf: {  	s31 =	sshll.u32 s1, $0xD;
	s1 =	sshrl.u32 s1, $0x2  }
0xc0: {  	s3 =	sand.u32 $0x4000, s31;
	s1 =	sadd.s32 s1, s30  }
0xc1: {  	s0 =	sor.u32 s3, s0;
	s1 =	sshll.u32 s1, $0x11  }
0xc2: {  	s0 =	sor.u32 s1, s0  }
0xc3: {  	s0 =	sadd.s32 $0x8F2B, s0  }
0xc4: {  	[sflag:s0] =	ssyncadd.remote.s32 $0x1  }
0xc5: {  	_ =	sfence.sel $0xFFFF  }
0xc6: {  	[dreg:$0x0] =	wrdreg $0xFFFFFFFF;
	(pc) =	sbr.abs _section_cstart, $3  }
0xc7: {  	[dreg:$0x1] =	wrdreg $0xFFFFFFFF  }
0xc8: {  	_ =	task.clear_ibuf [dreg:s8], $0x2FFFF;
	_ =	strace $0x9FFFFFFF  }
0xc9: {  	(tm) =	ssettm $0x7FFFFFFF  }
tec
execute0_lowered:
.L_overlay_start_1:
0x0: {  	(tag) =	ssettag $0x1  }
0x1: {  	s0 =	rddreg [dreg:$0x0]  }
0x2: {  	s23 =	rddreg [dreg:$0x1]  }
0x3: {  	s1 =	rddreg [dreg:$0x2]  }
0x4: {  	s3 =	simm.s32 $0x0;
	s2 =	srdreg.scid;
	s4 =	stileid.u32  }
0x5: {  	s28 =	simm.s32 $0x2;
	s29 =	simm.s32 $0x3;
	s30 =	simm.s32 $0xFA00  }
0x6: {  	s31 =	simm.s32 $0x14A00;
	[smem:$0x7FF] =	sst s3;
	s2 =	sand.u32 $0x1, s2  }
0x7: {  	s6 =	sshll.u32 s4, $0x1;
	s4 =	sadd.s32 $0xB800, s0;
	s5 =	sadd.s32 $0x10800, s0  }
0x8: {  	s25 =	sadd.s32 $0x6800, s0;
	s8 =	sadd.s32 $0x1800, s0;
	s7 =	sor.u32 s2, s6  }
0x9: {  	s21 =	sadd.s32 $0x1F800, s0;
	s2 =	ssub.s32 $0x2, s2;
	s6 =	smul.u32 $0x280, s7  }
0xa: {  	_ =	strace $0x80000047;
	s10 =	smul.u32 $0x500, s7;
	s11 =	sshrl.u32 s2, $0x1  }
0xb: {  	s12 =	smul.u32 $0x50, s7;
	s22 =	sor.u32 $0x40, s7;
	[dreg:$0x4] =	wrdreg s7  }
0xc: {  	s24 =	sor.u32 $0x60, s7;
	s7 =	simm.s32 $0x280;
	[dreg:$0xa] =	wrdreg s22  }
0xd: {  	s2 =	ssub.s32 s2, s11;
	[dreg:$0xb] =	wrdreg s24;
	s9 =	sadd.s32 s25, s12  }
0xe: {  	s24 =	simm.s32 $0x80;
	s18 =	sadd.s32 s8, s12;
	[dreg:$0x5] =	wrdreg s9  }
0xf: {  	s6 =	sshrl.u32 s6, $0x3;
	s20 =	sadd.s32 s23, s10;
	[dreg:$0x6] =	wrdreg s18  }
0x10: {  	s0 =	sadd.s32 s10, s0;
	s1 =	sadd.s32 s1, s10;
	[dreg:$0x9] =	wrdreg s20  }
0x11: {  	s26 =	smax.u32 s2, $0x1;
	s12 =	simm.s32 $0x780;
	[dreg:$0xc] =	wrdreg s1  }
0x12: {  	s6 =	sadd.s32 $0xA00, s6;
	s0 =	sadd.s32 $0x15800, s0;
	[dreg:$0xe] =	wrdreg s26  }
0x13: {  	s2 =	simm.s32 $0x4;
	s19 =	sadd.s32 s25, s6;
	[dreg:$0xd] =	wrdreg s0  }
0x14: {  	v1 =	vlaneseq.u32;
	s10 =	simm.s32 $0x12200;
	s6 =	sadd.s32 s8, s6;
	[dreg:$0x7] =	wrdreg s19  }
0x15: {  	v0 =	vimm.f32 $0.0e+00;
	v2 =	vimm.f32 $1.000000000e+00;
	v1 =	vmul.u32 $0x10, v1;
	s9 =	simm.s32 $0x0;
	s0 =	simm.s32 $0x17200;
	[dreg:$0x8] =	wrdreg s6  }
.LBB2_1:
0x16: {  	[dreg:$0xf] =	wrdreg s9;
	s1 =	simm.s32 $0x40;
	s6 =	simm.s32 $0x0  }
.LBB2_2:
0x17: {  	p0 =	sne.s32 s1, $0x9FC0;
	[tilespmem:s6+$0x14A00] =	vst v0;
	s11 =	smov.u32 s1;
	s1 =	sadd.s32 $0x40, s1  }
.Ltmp0:
0x18: {  	[tilespmem:s6+$0x17200] =	vst v0;
	(pc) =	sbr.rel @p0 .LBB2_2-.Ltmp0, $2  }
0x19: {  	_ =	sdelay $0x2  }
0x1a: {  	s6 =	sshra.s32 s11, $0x2  }
0x1b: {  	[tilespmem:s6+$0x14A00] =	vst v0  }
0x1c: {  	[tilespmem:s6+$0x17200] =	vst v0;
	s11 =	simm.s32 $0x0;
	s1 =	rddreg [dreg:$0x5]  }
0x1d: {  	[tilespmem:s11], [sflag:$0x1] =	stream.linear.gather [hbm4b:s1+s11], $0x280, $0x38;
	[tilespmem:$0x19A00] =	vst v63  }
0x1e: {  	s6 =	rddreg [dreg:$0x6];
	s9 =	simm.s32 $0x500;
	s13 =	simm.s32 $0x1  }
0x1f: {  	[tilespmem:s9], [sflag:$0x1] =	stream.linear.gather [hbm4b:s6+s11], $0x280, $0x38;
	[tilespmem:$0x19A00] =	vst v63  }
0x20: {  	_ =	swait.ge [sflag:s13], $0x280  }
0x21: {  	[sflag:s13] =	ssyncset.done $0x0  }
0x22: {  	[sflag:s13] =	ssyncadd.s32 $0xFFFFFD80  }
0x23: {  	_ =	swait.ge [sflag:s13], $0x280  }
0x24: {  	[sflag:s13] =	ssyncset.done $0x0  }
0x25: {  	s14 =	rddreg [dreg:$0x7];
	[sflag:s13] =	ssyncadd.s32 $0xFFFFFD80  }
0x26: {  	[tilespmem:s7], [sflag:$0x2] =	stream.linear.gather [hbm4b:s14+s11], $0x280, $0x38;
	[tilespmem:$0x19A00] =	vst v63  }
0x27: {  	s15 =	rddreg [dreg:$0x8]  }
0x28: {  	[tilespmem:s12], [sflag:$0x2] =	stream.linear.gather [hbm4b:s15+s11], $0x280, $0x38;
	[tilespmem:$0x19A00] =	vst v63  }
0x29: {  	s16 =	simm.s32 $0xA00  }
0x2a: {  	[tilespmem:s16], [sflag:$0x3] =	stream.indirect.gather [hbm4b:s4+s24], $0x10, s11, s24, $0xb8;
	[tilespmem:$0x19A00] =	vst v63  }
0x2b: {  	s17 =	simm.s32 $0x5A00  }
0x2c: {  	[tilespmem:s17], [sflag:$0x3] =	stream.indirect.gather [hbm4b:s5+s24], $0x10, s9, s24, $0xb8;
	[tilespmem:$0x19A00] =	vst v63  }
0x2d: {  	s18 =	simm.s32 $0x1200  }
0x2e: {  	[tilespmem:s18], [sflag:$0x3] =	stream.indirect.gather [hbm4b:s4+s24], $0x10, s24, s24, $0xb8;
	[tilespmem:$0x19A00] =	vst v63  }
0x2f: {  	s19 =	simm.s32 $0x580;
	s20 =	simm.s32 $0x6200  }
0x30: {  	[tilespmem:s20], [sflag:$0x3] =	stream.indirect.gather [hbm4b:s5+s24], $0x10, s19, s24, $0xb8;
	[tilespmem:$0x19A00] =	vst v63  }
0x31: {  	s22 =	simm.s32 $0x100;
	s26 =	simm.s32 $0x1A00  }
0x32: {  	[tilespmem:s26], [sflag:$0x3] =	stream.indirect.gather [hbm4b:s4+s24], $0x10, s22, s24, $0xb8;
	[tilespmem:$0x19A00] =	vst v63  }
0x33: {  	s6 =	simm.s32 $0x600;
	s9 =	simm.s32 $0x6A00  }
0x34: {  	[tilespmem:s9], [sflag:$0x3] =	stream.indirect.gather [hbm4b:s5+s24], $0x10, s6, s24, $0xb8;
	[tilespmem:$0x19A00] =	vst v63  }
0x35: {  	s13 =	simm.s32 $0x180;
	s14 =	simm.s32 $0x2200  }
0x36: {  	[tilespmem:s14], [sflag:$0x3] =	stream.indirect.gather [hbm4b:s4+s24], $0x10, s13, s24, $0xb8;
	[tilespmem:$0x19A00] =	vst v63  }
0x37: {  	s15 =	simm.s32 $0x680;
	s16 =	simm.s32 $0x7200  }
0x38: {  	[tilespmem:s16], [sflag:$0x3] =	stream.indirect.gather [hbm4b:s5+s24], $0x10, s15, s24, $0xb8;
	[tilespmem:$0x19A00] =	vst v63  }
0x39: {  	s17 =	simm.s32 $0x200;
	s18 =	simm.s32 $0x2A00  }
0x3a: {  	[tilespmem:s18], [sflag:$0x3] =	stream.indirect.gather [hbm4b:s4+s24], $0x10, s17, s24, $0xb8;
	[tilespmem:$0x19A00] =	vst v63  }
0x3b: {  	s19 =	simm.s32 $0x700;
	s20 =	simm.s32 $0x7A00  }
0x3c: {  	[tilespmem:s20], [sflag:$0x3] =	stream.indirect.gather [hbm4b:s5+s24], $0x10, s19, s24, $0xb8;
	[tilespmem:$0x19A00] =	vst v63  }
0x3d: {  	s22 =	rddreg [dreg:$0x9];
	s26 =	simm.s32 $0xAA00  }
0x3e: {  	[tilespmem:s26], [sflag:$0x3] =	stream.linear.gather [hbm4b:s22+s11], $0x2800, $0x38;
	[tilespmem:$0x19A00] =	vst v63  }
.LBB2_4:
0x3f: {  	_ =	swait.ge [sflag:s28], $0x280  }
0x40: {  	[sflag:s28] =	ssyncset.done $0x0  }
0x41: {  	[sflag:s28] =	ssyncadd.s32 $0xFFFFFD80  }
0x42: {  	_ =	swait.ge [sflag:s28], $0x280  }
0x43: {  	[sflag:s28] =	ssyncset.done $0x0  }
0x44: {  	s1 =	simm.s32 $0x3200;
	[sflag:s28] =	ssyncadd.s32 $0xFFFFFD80  }
0x45: {  	[tilespmem:s1], [sflag:$0x4] =	stream.indirect.gather [hbm4b:s4+s24], $0x10, s7, s24, $0xb8;
	[tilespmem:$0x19A00] =	vst v63  }
0x46: {  	s18 =	simm.s32 $0x8200  }
0x47: {  	[tilespmem:s18], [sflag:$0x4] =	stream.indirect.gather [hbm4b:s5+s24], $0x10, s12, s24, $0xb8;
	[tilespmem:$0x19A00] =	vst v63  }
0x48: {  	s19 =	simm.s32 $0x300;
	s6 =	simm.s32 $0x3A00  }
0x49: {  	[tilespmem:s6], [sflag:$0x4] =	stream.indirect.gather [hbm4b:s4+s24], $0x10, s19, s24, $0xb8;
	[tilespmem:$0x19A00] =	vst v63  }
0x4a: {  	s9 =	smov.u32 s8;
	s20 =	simm.s32 $0x800;
	s22 =	simm.s32 $0x8A00  }
0x4b: {  	[tilespmem:s22], [sflag:$0x4] =	stream.indirect.gather [hbm4b:s5+s24], $0x10, s20, s24, $0xb8;
	[tilespmem:$0x19A00] =	vst v63  }
0x4c: {  	s8 =	smov.u32 s25;
	s25 =	simm.s32 $0x380;
	s26 =	simm.s32 $0x4200  }
0x4d: {  	[tilespmem:s26], [sflag:$0x4] =	stream.indirect.gather [hbm4b:s4+s24], $0x10, s25, s24, $0xb8;
	[tilespmem:$0x19A00] =	vst v63  }
0x4e: {  	s7 =	simm.s32 $0x9200;
	s6 =	simm.s32 $0x880  }
0x4f: {  	[tilespmem:s7], [sflag:$0x4] =	stream.indirect.gather [hbm4b:s5+s24], $0x10, s6, s24, $0xb8;
	[tilespmem:$0x19A00] =	vst v63  }
0x50: {  	s13 =	simm.s32 $0x4A00;
	s12 =	simm.s32 $0x400  }
0x51: {  	[tilespmem:s13], [sflag:$0x4] =	stream.indirect.gather [hbm4b:s4+s24], $0x10, s12, s24, $0xb8;
	[tilespmem:$0x19A00] =	vst v63  }
0x52: {  	s14 =	simm.s32 $0x900;
	s15 =	simm.s32 $0x9A00;
	s16 =	simm.s32 $0x480  }
0x53: {  	[tilespmem:s15], [sflag:$0x4] =	stream.indirect.gather [hbm4b:s5+s24], $0x10, s14, s24, $0xb8;
	[tilespmem:$0x19A00] =	vst v63  }
0x54: {  	s17 =	simm.s32 $0x5200;
	s18 =	rddreg [dreg:$0x4];
	s12 =	sshll.u32 s11, $0x6  }
0x55: {  	[tilespmem:s17], [sflag:$0x4] =	stream.indirect.gather [hbm4b:s4+s24], $0x10, s16, s24, $0xb8;
	[tilespmem:$0x19A00] =	vst v63  }
0x56: {  	s17 =	sor.u32 s18, s12  }
0x57: {  	s14 =	sor.u32 $0x20, s17  }
0x58: {  	s19 =	smin.u32 s14, $0xF9  }
0x59: {  	s20 =	simm.s32 $0x980;
	s22 =	simm.s32 $0xA200;
	s13 =	smul.u32 $0x500, s19  }
0x5a: {  	[tilespmem:s22], [sflag:$0x4] =	stream.indirect.gather [hbm4b:s5+s24], $0x10, s20, s24, $0xb8;
	[tilespmem:$0x19A00] =	vst v63  }
0x5b: {  	s26 =	simm.s32 $0xD200;
	s25 =	sadd.s32 s23, s13  }
0x5c: {  	[tilespmem:s26], [sflag:$0x4] =	stream.linear.gather [hbm4b:s25+s3], $0x2800, $0x38;
	[tilespmem:$0x19A00] =	vst v63  }
0x5d: {  	_ =	swait.ge [sflag:s29], $0x2800  }
0x5e: {  	[sflag:s29] =	ssyncset.done $0x0  }
0x5f: {  	[sflag:s29] =	ssyncadd.s32 $0xFFFFD800  }
0x60: {  	_ =	swait.ge [sflag:s29], $0x2800  }
0x61: {  	[sflag:s29] =	ssyncset.done $0x0  }
0x62: {  	[sflag:s29] =	ssyncadd.s32 $0xFFFFD800  }
0x63: {  	_ =	swait.ge [sflag:s29], $0x2800  }
0x64: {  	p0 =	seq.s32 s11, $0x0;
	[sflag:s29] =	ssyncset.done $0x0  }
0x65: {  	s1 =	simm.s32 @!p0 $0x5;
	[sflag:s29] =	ssyncadd.s32 $0xFFFFD800  }
0x66: {  	_ =	swait.ge @!p0 [sflag:s1], $0x2800  }
0x67: {  	[sflag:s1] =	ssyncset.done @!p0 $0x0  }
0x68: {  	[sflag:s1] =	ssyncadd.s32 @!p0 $0xFFFFD800;
	s1 =	simm.s32 $0xA80  }
0x69: {  	s25 =	simm.s32 $0xAA80;
	v3 =	vld [tilespmem:s1+$0xFFFFFF80]  }
0x6a: {  	v4 =	vld [tilespmem:s25+$0xFFFFFF80]  }
0x6b: {  	s26 =	simm.s32 $0x5A80  }
0x6c: {  	v5 =	vld [tilespmem:s26+$0xFFFFFF80];
	_ =	sdelay $0x2  }
0x6d: {  	v3 =	vadd.f32 v3, v4;
	_ =	sdelay $0x1  }
0x6e: {  	v3 =	vadd.f32 v5, v3;
	_ =	sdelay $0x1  }
0x6f: {  	s6 =	simm.s32 $0xFA80;
	v3 =	vmax.f32 v3, $0.0e+00  }
0x70: {  	[tilespmem:s6+$0xFFFFFF80] =	vst v3  }
0x71: {  	v3 =	vld [tilespmem:s25+$0xFFFFFF90]  }
0x72: {  	v4 =	vld [tilespmem:s1+$0xFFFFFF90];
	_ =	sdelay $0x1  }
0x73: {  	v5 =	vld [tilespmem:s26+$0xFFFFFF90];
	_ =	sdelay $0x2  }
0x74: {  	v3 =	vadd.f32 v4, v3;
	_ =	sdelay $0x1  }
0x75: {  	v3 =	vadd.f32 v5, v3;
	_ =	sdelay $0x1  }
0x76: {  	v3 =	vmax.f32 v3, $0.0e+00  }
0x77: {  	[tilespmem:s6+$0xFFFFFF90] =	vst v3  }
0x78: {  	v3 =	vld [tilespmem:s25+$0xFFFFFFA0]  }
0x79: {  	v4 =	vld [tilespmem:s1+$0xFFFFFFA0];
	_ =	sdelay $0x1  }
0x7a: {  	v5 =	vld [tilespmem:s26+$0xFFFFFFA0];
	_ =	sdelay $0x2  }
0x7b: {  	v3 =	vadd.f32 v4, v3;
	_ =	sdelay $0x1  }
0x7c: {  	v3 =	vadd.f32 v5, v3;
	_ =	sdelay $0x1  }
0x7d: {  	v3 =	vmax.f32 v3, $0.0e+00  }
0x7e: {  	[tilespmem:s6+$0xFFFFFFA0] =	vst v3  }
0x7f: {  	v3 =	vld [tilespmem:s25+$0xFFFFFFB0]  }
0x80: {  	v4 =	vld [tilespmem:s1+$0xFFFFFFB0];
	_ =	sdelay $0x1  }
0x81: {  	v5 =	vld [tilespmem:s26+$0xFFFFFFB0];
	_ =	sdelay $0x2  }
0x82: {  	v3 =	vadd.f32 v4, v3;
	_ =	sdelay $0x1  }
0x83: {  	v3 =	vadd.f32 v5, v3;
	_ =	sdelay $0x1  }
0x84: {  	v3 =	vmax.f32 v3, $0.0e+00  }
0x85: {  	[tilespmem:s6+$0xFFFFFFB0] =	vst v3  }
0x86: {  	v3 =	vld [tilespmem:s25+$0xFFFFFFC0]  }
0x87: {  	v4 =	vld [tilespmem:s1+$0xFFFFFFC0];
	_ =	sdelay $0x1  }
0x88: {  	v5 =	vld [tilespmem:s26+$0xFFFFFFC0];
	_ =	sdelay $0x2  }
0x89: {  	v3 =	vadd.f32 v4, v3;
	_ =	sdelay $0x1  }
0x8a: {  	v3 =	vadd.f32 v5, v3;
	_ =	sdelay $0x1  }
0x8b: {  	v3 =	vmax.f32 v3, $0.0e+00  }
0x8c: {  	[tilespmem:s6+$0xFFFFFFC0] =	vst v3  }
0x8d: {  	v3 =	vld [tilespmem:s25+$0xFFFFFFD0]  }
0x8e: {  	v4 =	vld [tilespmem:s1+$0xFFFFFFD0];
	_ =	sdelay $0x1  }
0x8f: {  	v5 =	vld [tilespmem:s26+$0xFFFFFFD0];
	_ =	sdelay $0x2  }
0x90: {  	v3 =	vadd.f32 v4, v3;
	_ =	sdelay $0x1  }
0x91: {  	v3 =	vadd.f32 v5, v3;
	_ =	sdelay $0x1  }
0x92: {  	v3 =	vmax.f32 v3, $0.0e+00  }
0x93: {  	[tilespmem:s6+$0xFFFFFFD0] =	vst v3  }
0x94: {  	v3 =	vld [tilespmem:s25+$0xFFFFFFE0]  }
0x95: {  	v4 =	vld [tilespmem:s1+$0xFFFFFFE0];
	_ =	sdelay $0x1  }
0x96: {  	v5 =	vld [tilespmem:s26+$0xFFFFFFE0];
	_ =	sdelay $0x2  }
0x97: {  	v3 =	vadd.f32 v4, v3;
	_ =	sdelay $0x1  }
0x98: {  	v3 =	vadd.f32 v5, v3;
	_ =	sdelay $0x1  }
0x99: {  	v3 =	vmax.f32 v3, $0.0e+00  }
0x9a: {  	[tilespmem:s6+$0xFFFFFFE0] =	vst v3  }
0x9b: {  	v3 =	vld [tilespmem:s25+$0xFFFFFFF0]  }
0x9c: {  	v4 =	vld [tilespmem:s1+$0xFFFFFFF0];
	_ =	sdelay $0x1  }
0x9d: {  	v5 =	vld [tilespmem:s26+$0xFFFFFFF0];
	_ =	sdelay $0x2  }
0x9e: {  	v3 =	vadd.f32 v4, v3;
	_ =	sdelay $0x1  }
0x9f: {  	v3 =	vadd.f32 v5, v3;
	_ =	sdelay $0x1  }
0xa0: {  	v3 =	vmax.f32 v3, $0.0e+00  }
0xa1: {  	[tilespmem:s6+$0xFFFFFFF0] =	vst v3  }
0xa2: {  	v3 =	vld [tilespmem:s25+$0x0]  }
0xa3: {  	v4 =	vld [tilespmem:s1+$0x0];
	_ =	sdelay $0x1  }
0xa4: {  	v5 =	vld [tilespmem:s26+$0x0];
	_ =	sdelay $0x2  }
0xa5: {  	v3 =	vadd.f32 v4, v3;
	_ =	sdelay $0x1  }
0xa6: {  	v3 =	vadd.f32 v5, v3;
	_ =	sdelay $0x1  }
0xa7: {  	v3 =	vmax.f32 v3, $0.0e+00  }
0xa8: {  	[tilespmem:s6+$0x0] =	vst v3  }
0xa9: {  	v3 =	vld [tilespmem:s25+$0x10]  }
0xaa: {  	v4 =	vld [tilespmem:s1+$0x10];
	_ =	sdelay $0x1  }
0xab: {  	v5 =	vld [tilespmem:s26+$0x10];
	_ =	sdelay $0x2  }
0xac: {  	v3 =	vadd.f32 v4, v3;
	_ =	sdelay $0x1  }
0xad: {  	v3 =	vadd.f32 v5, v3;
	_ =	sdelay $0x1  }
0xae: {  	v3 =	vmax.f32 v3, $0.0e+00  }
0xaf: {  	[tilespmem:s6+$0x10] =	vst v3  }
0xb0: {  	v3 =	vld [tilespmem:s25+$0x20]  }
0xb1: {  	v4 =	vld [tilespmem:s1+$0x20];
	_ =	sdelay $0x1  }
0xb2: {  	v5 =	vld [tilespmem:s26+$0x20];
	_ =	sdelay $0x2  }
0xb3: {  	v3 =	vadd.f32 v4, v3;
	_ =	sdelay $0x1  }
0xb4: {  	v3 =	vadd.f32 v5, v3;
	_ =	sdelay $0x1  }
0xb5: {  	v3 =	vmax.f32 v3, $0.0e+00  }
0xb6: {  	[tilespmem:s6+$0x20] =	vst v3  }
0xb7: {  	v3 =	vld [tilespmem:s25+$0x30]  }
0xb8: {  	v4 =	vld [tilespmem:s1+$0x30];
	_ =	sdelay $0x1  }
0xb9: {  	v5 =	vld [tilespmem:s26+$0x30];
	_ =	sdelay $0x2  }
0xba: {  	v3 =	vadd.f32 v4, v3;
	_ =	sdelay $0x1  }
0xbb: {  	v3 =	vadd.f32 v5, v3;
	_ =	sdelay $0x1  }
0xbc: {  	v3 =	vmax.f32 v3, $0.0e+00  }
0xbd: {  	[tilespmem:s6+$0x30] =	vst v3  }
0xbe: {  	v3 =	vld [tilespmem:s25+$0x40]  }
0xbf: {  	v4 =	vld [tilespmem:s1+$0x40];
	_ =	sdelay $0x1  }
0xc0: {  	v5 =	vld [tilespmem:s26+$0x40];
	_ =	sdelay $0x2  }
0xc1: {  	v3 =	vadd.f32 v4, v3;
	_ =	sdelay $0x1  }
0xc2: {  	v3 =	vadd.f32 v5, v3;
	_ =	sdelay $0x1  }
0xc3: {  	v3 =	vmax.f32 v3, $0.0e+00  }
0xc4: {  	[tilespmem:s6+$0x40] =	vst v3  }
0xc5: {  	v3 =	vld [tilespmem:s25+$0x50]  }
0xc6: {  	v4 =	vld [tilespmem:s1+$0x50];
	_ =	sdelay $0x1  }
0xc7: {  	v5 =	vld [tilespmem:s26+$0x50];
	_ =	sdelay $0x2  }
0xc8: {  	v3 =	vadd.f32 v4, v3;
	_ =	sdelay $0x1  }
0xc9: {  	v3 =	vadd.f32 v5, v3;
	_ =	sdelay $0x1  }
0xca: {  	v3 =	vmax.f32 v3, $0.0e+00  }
0xcb: {  	[tilespmem:s6+$0x50] =	vst v3  }
0xcc: {  	v4 =	vld [tilespmem:s25+$0x60]  }
0xcd: {  	v5 =	vld [tilespmem:s1+$0x60];
	_ =	sdelay $0x1  }
0xce: {  	v3 =	vld [tilespmem:s26+$0x60]  }
0xcf: {  	s7 =	smov.u32 s23;
	s15 =	simm.s32 $0xFA80  }
0xd0: {  	s16 =	simm.s32 $0x0;
	s18 =	simm.s32 $0x10;
	s22 =	simm.s32 $0x5B80  }
0xd1: {  	s20 =	simm.s32 $0xA80;
	s19 =	simm.s32 $0x510;
	s23 =	simm.s32 $0xAB80;
	v4 =	vadd.f32 v5, v4  }
.LBB2_5:
0xd2: {  	s16 =	sadd.s32 $0x2, s16;
	s6 =	sadd.s32 $0x100, s6;
	s1 =	sadd.s32 $0x100, s1  }
0xd3: {  	p1 =	slt.u32 s16, $0x4E;
	v3 =	vadd.f32 v3, v4;
	_ =	sdelay $0x1  }
0xd4: {  	v3 =	vmax.f32 v3, $0.0e+00  }
0xd5: {  	[tilespmem:s15+$0x60] =	vst v3  }
0xd6: {  	v3 =	vld [tilespmem:s25+$0x70];
	s25 =	smov.u32 s23  }
0xd7: {  	v4 =	vld [tilespmem:s20+$0x70];
	s20 =	smov.u32 s1  }
0xd8: {  	v5 =	vld [tilespmem:s26+$0x70];
	s26 =	smov.u32 s22;
	_ =	sdelay $0x3  }
0xd9: {  	v3 =	vadd.f32 v4, v3;
	_ =	sdelay $0x1  }
0xda: {  	v3 =	vadd.f32 v5, v3;
	_ =	sdelay $0x1  }
0xdb: {  	v3 =	vmax.f32 v3, $0.0e+00  }
0xdc: {  	[tilespmem:s15+$0x70] =	vst v3;
	s15 =	smov.u32 s6  }
0xdd: {  	v3 =	vld [tilespmem:s1+$0xFFFFFF80]  }
0xde: {  	v4 =	vld [tilespmem:s23+$0xFFFFFF80]  }
0xdf: {  	v5 =	vld [tilespmem:s22+$0xFFFFFF80];
	_ =	sdelay $0x3  }
0xe0: {  	v3 =	vadd.f32 v3, v4;
	_ =	sdelay $0x1  }
0xe1: {  	v3 =	vadd.f32 v5, v3;
	_ =	sdelay $0x1  }
0xe2: {  	v3 =	vmax.f32 v3, $0.0e+00  }
0xe3: {  	[tilespmem:s6+$0xFFFFFF80] =	vst v3  }
0xe4: {  	v3 =	vld [tilespmem:s23+$0xFFFFFF90]  }
0xe5: {  	v4 =	vld [tilespmem:s1+$0xFFFFFF90];
	_ =	sdelay $0x1  }
0xe6: {  	v5 =	vld [tilespmem:s22+$0xFFFFFF90];
	_ =	sdelay $0x2  }
0xe7: {  	v3 =	vadd.f32 v4, v3;
	_ =	sdelay $0x1  }
0xe8: {  	v3 =	vadd.f32 v5, v3;
	_ =	sdelay $0x1  }
0xe9: {  	v3 =	vmax.f32 v3, $0.0e+00  }
0xea: {  	[tilespmem:s6+$0xFFFFFF90] =	vst v3  }
0xeb: {  	v3 =	vld [tilespmem:s23+$0xFFFFFFA0]  }
0xec: {  	v4 =	vld [tilespmem:s1+$0xFFFFFFA0];
	_ =	sdelay $0x1  }
0xed: {  	v5 =	vld [tilespmem:s22+$0xFFFFFFA0];
	_ =	sdelay $0x2  }
0xee: {  	v3 =	vadd.f32 v4, v3;
	_ =	sdelay $0x1  }
0xef: {  	v3 =	vadd.f32 v5, v3;
	_ =	sdelay $0x1  }
0xf0: {  	v3 =	vmax.f32 v3, $0.0e+00  }
0xf1: {  	[tilespmem:s6+$0xFFFFFFA0] =	vst v3  }
0xf2: {  	v3 =	vld [tilespmem:s23+$0xFFFFFFB0]  }
0xf3: {  	v4 =	vld [tilespmem:s1+$0xFFFFFFB0];
	_ =	sdelay $0x1  }
0xf4: {  	v5 =	vld [tilespmem:s22+$0xFFFFFFB0];
	_ =	sdelay $0x2  }
0xf5: {  	v3 =	vadd.f32 v4, v3;
	_ =	sdelay $0x1  }
0xf6: {  	v3 =	vadd.f32 v5, v3;
	_ =	sdelay $0x1  }
0xf7: {  	v3 =	vmax.f32 v3, $0.0e+00  }
0xf8: {  	[tilespmem:s6+$0xFFFFFFB0] =	vst v3  }
0xf9: {  	v3 =	vld [tilespmem:s23+$0xFFFFFFC0]  }
0xfa: {  	v4 =	vld [tilespmem:s1+$0xFFFFFFC0];
	_ =	sdelay $0x1  }
0xfb: {  	v5 =	vld [tilespmem:s22+$0xFFFFFFC0];
	_ =	sdelay $0x2  }
0xfc: {  	v3 =	vadd.f32 v4, v3;
	_ =	sdelay $0x1  }
0xfd: {  	v3 =	vadd.f32 v5, v3;
	_ =	sdelay $0x1  }
0xfe: {  	v3 =	vmax.f32 v3, $0.0e+00  }
0xff: {  	[tilespmem:s6+$0xFFFFFFC0] =	vst v3  }
0x100: {  	v3 =	vld [tilespmem:s23+$0xFFFFFFD0]  }
0x101: {  	v4 =	vld [tilespmem:s1+$0xFFFFFFD0]  }
0x102: {  	v5 =	vld [tilespmem:s22+$0xFFFFFFD0];
	_ =	sdelay $0x3  }
0x103: {  	v3 =	vadd.f32 v4, v3;
	_ =	sdelay $0x1  }
0x104: {  	v3 =	vadd.f32 v5, v3;
	_ =	sdelay $0x1  }
0x105: {  	v3 =	vmax.f32 v3, $0.0e+00  }
0x106: {  	[tilespmem:s6+$0xFFFFFFD0] =	vst v3  }
0x107: {  	v3 =	vld [tilespmem:s23+$0xFFFFFFE0]  }
0x108: {  	v4 =	vld [tilespmem:s1+$0xFFFFFFE0]  }
0x109: {  	v5 =	vld [tilespmem:s22+$0xFFFFFFE0];
	_ =	sdelay $0x3  }
0x10a: {  	v3 =	vadd.f32 v4, v3;
	_ =	sdelay $0x1  }
0x10b: {  	v3 =	vadd.f32 v5, v3;
	_ =	sdelay $0x1  }
0x10c: {  	v3 =	vmax.f32 v3, $0.0e+00  }
0x10d: {  	[tilespmem:s6+$0xFFFFFFE0] =	vst v3  }
0x10e: {  	v3 =	vld [tilespmem:s23+$0xFFFFFFF0]  }
0x10f: {  	v4 =	vld [tilespmem:s1+$0xFFFFFFF0]  }
0x110: {  	v5 =	vld [tilespmem:s22+$0xFFFFFFF0];
	_ =	sdelay $0x3  }
0x111: {  	v3 =	vadd.f32 v4, v3;
	_ =	sdelay $0x1  }
0x112: {  	v3 =	vadd.f32 v5, v3;
	_ =	sdelay $0x1  }
0x113: {  	v3 =	vmax.f32 v3, $0.0e+00  }
0x114: {  	[tilespmem:s6+$0xFFFFFFF0] =	vst v3  }
0x115: {  	v3 =	vld [tilespmem:s23+$0x0]  }
0x116: {  	v4 =	vld [tilespmem:s1+$0x0];
	_ =	sdelay $0x1  }
0x117: {  	v5 =	vld [tilespmem:s22+$0x0];
	_ =	sdelay $0x2  }
0x118: {  	v3 =	vadd.f32 v4, v3;
	_ =	sdelay $0x1  }
0x119: {  	v3 =	vadd.f32 v5, v3;
	_ =	sdelay $0x1  }
0x11a: {  	v3 =	vmax.f32 v3, $0.0e+00  }
0x11b: {  	[tilespmem:s6+$0x0] =	vst v3  }
0x11c: {  	v3 =	vld [tilespmem:s23+$0x10]  }
0x11d: {  	v4 =	vld [tilespmem:s1+$0x10]  }
0x11e: {  	v5 =	vld [tilespmem:s22+$0x10];
	_ =	sdelay $0x3  }
0x11f: {  	v3 =	vadd.f32 v4, v3;
	_ =	sdelay $0x1  }
0x120: {  	v3 =	vadd.f32 v5, v3;
	_ =	sdelay $0x1  }
0x121: {  	v3 =	vmax.f32 v3, $0.0e+00  }
0x122: {  	[tilespmem:s6+$0x10] =	vst v3  }
0x123: {  	v3 =	vld [tilespmem:s23+$0x20]  }
0x124: {  	v4 =	vld [tilespmem:s1+$0x20]  }
0x125: {  	v5 =	vld [tilespmem:s22+$0x20];
	_ =	sdelay $0x3  }
0x126: {  	v3 =	vadd.f32 v4, v3;
	_ =	sdelay $0x1  }
0x127: {  	v3 =	vadd.f32 v5, v3;
	_ =	sdelay $0x1  }
0x128: {  	v3 =	vmax.f32 v3, $0.0e+00  }
0x129: {  	[tilespmem:s6+$0x20] =	vst v3  }
0x12a: {  	v3 =	vld [tilespmem:s23+$0x30]  }
0x12b: {  	v4 =	vld [tilespmem:s1+$0x30]  }
0x12c: {  	v5 =	vld [tilespmem:s22+$0x30];
	_ =	sdelay $0x3  }
0x12d: {  	v3 =	vadd.f32 v4, v3;
	_ =	sdelay $0x1  }
0x12e: {  	v3 =	vadd.f32 v5, v3;
	_ =	sdelay $0x1  }
0x12f: {  	v3 =	vmax.f32 v3, $0.0e+00  }
0x130: {  	[tilespmem:s6+$0x30] =	vst v3  }
0x131: {  	v3 =	vld [tilespmem:s23+$0x40]  }
0x132: {  	v4 =	vld [tilespmem:s1+$0x40]  }
0x133: {  	v5 =	vld [tilespmem:s22+$0x40];
	_ =	sdelay $0x3  }
0x134: {  	v3 =	vadd.f32 v4, v3;
	_ =	sdelay $0x1  }
0x135: {  	v3 =	vadd.f32 v5, v3;
	_ =	sdelay $0x1  }
0x136: {  	v3 =	vmax.f32 v3, $0.0e+00  }
0x137: {  	[tilespmem:s6+$0x40] =	vst v3  }
0x138: {  	v3 =	vld [tilespmem:s23+$0x50]  }
0x139: {  	v4 =	vld [tilespmem:s1+$0x50]  }
0x13a: {  	v5 =	vld [tilespmem:s22+$0x50];
	_ =	sdelay $0x3  }
0x13b: {  	v3 =	vadd.f32 v4, v3;
	_ =	sdelay $0x1  }
0x13c: {  	v3 =	vadd.f32 v5, v3;
	_ =	sdelay $0x1  }
0x13d: {  	v3 =	vmax.f32 v3, $0.0e+00  }
0x13e: {  	[tilespmem:s6+$0x50] =	vst v3  }
0x13f: {  	v4 =	vld [tilespmem:s23+$0x60]  }
0x140: {  	v5 =	vld [tilespmem:s1+$0x60]  }
.Ltmp1:
0x141: {  	v3 =	vld [tilespmem:s22+$0x60];
	(pc) =	sbr.rel @p1 .LBB2_5-.Ltmp1, $2  }
0x142: {  	_ =	sdelay $0x2  }
0x143: {  	s23 =	sadd.s32 $0x100, s23;
	s22 =	sadd.s32 $0x100, s22;
	v4 =	vadd.f32 v5, v4  }
0x144: {  	_ = 	snop  }
0x145: {  	v3 =	vadd.f32 v3, v4;
	_ =	sdelay $0x1  }
0x146: {  	v3 =	vmax.f32 v3, $0.0e+00  }
0x147: {  	[tilespmem:s15+$0x60] =	vst v3  }
0x148: {  	v3 =	vld [tilespmem:s25+$0x70]  }
0x149: {  	v4 =	vld [tilespmem:s20+$0x70];
	_ =	sdelay $0x1  }
0x14a: {  	s1 =	simm.s32 $0x0;
	v5 =	vld [tilespmem:s26+$0x70]  }
0x14b: {  	v6 =	vmov s1  }
0x14c: {  	v6 =	vshll.u32 v6, $0x4  }
0x14d: {  	v3 =	vadd.f32 v4, v3;
	v4 =	vor.u32 v1, v6  }
0x14e: {  	v6 =	vor.u32 $0x2, v4  }
0x14f: {  	v3 =	vadd.f32 v5, v3  }
0x150: {  	v7 =	vor.u32 $0x1, v4  }
0x151: {  	v8 =	vor.u32 $0xB, v4;
	v3 =	vmax.f32 v3, $0.0e+00  }
0x152: {  	v9 =	vor.u32 $0xA, v4;
	[tilespmem:s15+$0x70] =	vst v3  }
0x153: {  	v11 =	vor.u32 $0x7, v4;
	v6 =	vld.idx.msk [tilespmem:v6+s30+$0x0], $0xffff  }
0x154: {  	v12 =	vor.u32 $0x3, v4;
	v10 =	vld.idx.msk [tilespmem:v4+s30+$0x0], $0xffff  }
0x155: {  	v13 =	vor.u32 $0x9, v4;
	v7 =	vld.idx.msk [tilespmem:v7+s30+$0x0], $0xffff  }
0x156: {  	v14 =	vor.u32 $0x6, v4;
	v8 =	vld.idx.msk [tilespmem:v8+s30+$0x0], $0xffff  }
0x157: {  	v15 =	vor.u32 $0xE, v4;
	v9 =	vld.idx.msk [tilespmem:v9+s30+$0x0], $0xffff  }
0x158: {  	v16 =	vor.u32 $0xD, v4;
	v11 =	vld.idx.msk [tilespmem:v11+s30+$0x0], $0xffff  }
0x159: {  	v17 =	vor.u32 $0xC, v4;
	v12 =	vld.idx.msk [tilespmem:v12+s30+$0x0], $0xffff  }
0x15a: {  	v18 =	vor.u32 $0x4, v4;
	v13 =	vld.idx.msk [tilespmem:v13+s30+$0x0], $0xffff  }
0x15b: {  	v5 =	vor.u32 $0xF, v4;
	v14 =	vld.idx.msk [tilespmem:v14+s30+$0x0], $0xffff  }
0x15c: {  	v3 =	vor.u32 $0x5, v4;
	v15 =	vld.idx.msk [tilespmem:v15+s30+$0x0], $0xffff  }
0x15d: {  	v4 =	vor.u32 $0x8, v4;
	v16 =	vld.idx.msk [tilespmem:v16+s30+$0x0], $0xffff  }
0x15e: {  	v17 =	vld.idx.msk [tilespmem:v17+s30+$0x0], $0xffff  }
0x15f: {  	v18 =	vld.idx.msk [tilespmem:v18+s30+$0x0], $0xffff  }
0x160: {  	v5 =	vld.idx.msk [tilespmem:v5+s30+$0x0], $0xffff  }
0x161: {  	v3 =	vld.idx.msk [tilespmem:v3+s30+$0x0], $0xffff  }
0x162: {  	v4 =	vld.idx.msk [tilespmem:v4+s30+$0x0], $0xffff;
	_ =	sdelay $0x1  }
0x163: {  	v7 =	vadd.f32 v7, v10;
	v8 =	vadd.f32 v8, v9  }
0x164: {  	v6 =	vadd.f32 v12, v6;
	v9 =	vadd.f32 v11, v14  }
0x165: {  	v10 =	vadd.f32 v16, v17;
	v5 =	vadd.f32 v5, v15  }
0x166: {  	v3 =	vadd.f32 v3, v18;
	v4 =	vadd.f32 v13, v4  }
0x167: {  	v6 =	vadd.f32 v6, v7;
	v5 =	vadd.f32 v5, v10  }
0x168: {  	v11 =	vld [tilespmem:s19+$0xFFFFFFF0];
	v3 =	vadd.f32 v9, v3;
	v4 =	vadd.f32 v8, v4;
	_ =	sdelay $0x1  }
0x169: {  	v3 =	vadd.f32 v3, v6;
	v4 =	vadd.f32 v5, v4;
	v5 =	vmov s18  }
0x16a: {  	v5 =	vshll.u32 v5, $0x4  }
0x16b: {  	v6 =	vadd.f32 v4, v3;
	v3 =	vor.u32 v1, v5  }
0x16c: {  	v9 =	vor.u32 $0xF, v3  }
0x16d: {  	v7 =	vor.u32 $0xE, v3  }
0x16e: {  	v8 =	vor.u32 $0xD, v3  }
0x16f: {  	v5 =	vor.u32 $0xC, v3;
	[tilespmem:v11+s31+$0x0] =	vst.idx.add.f32.msk $0xffff, v6  }
0x170: {  	s6 =	simm.s32 $0x0;
	s1 =	simm.s32 $0x510;
	v4 =	vor.u32 $0xA, v3;
	v6 =	vor.u32 $0xB, v3;
	[tilespmem:v11+s0+$0x0] =	vst.idx.add.f32.msk $0xffff, v2  }
.LBB2_7:
0x171: {  	s6 =	sadd.s32 $0x2, s6;
	v9 =	vld.idx.msk [tilespmem:v9+s30+$0x0], $0xffff;
	s19 =	sadd.s32 $0x20, s19;
	s18 =	sadd.s32 $0x20, s18  }
0x172: {  	v10 =	vor.u32 $0x9, v3;
	p1 =	slt.u32 s6, $0x26;
	v7 =	vld.idx.msk [tilespmem:v7+s30+$0x0], $0xffff  }
0x173: {  	v11 =	vor.u32 $0x8, v3;
	v8 =	vld.idx.msk [tilespmem:v8+s30+$0x0], $0xffff  }
0x174: {  	v12 =	vor.u32 $0x7, v3;
	v5 =	vld.idx.msk [tilespmem:v5+s30+$0x0], $0xffff  }
0x175: {  	v13 =	vor.u32 $0x6, v3;
	v6 =	vld.idx.msk [tilespmem:v6+s30+$0x0], $0xffff  }
0x176: {  	v14 =	vor.u32 $0x5, v3;
	v4 =	vld.idx.msk [tilespmem:v4+s30+$0x0], $0xffff  }
0x177: {  	v15 =	vor.u32 $0x4, v3;
	v10 =	vld.idx.msk [tilespmem:v10+s30+$0x0], $0xffff  }
0x178: {  	v16 =	vor.u32 $0x3, v3;
	v11 =	vld.idx.msk [tilespmem:v11+s30+$0x0], $0xffff  }
0x179: {  	v17 =	vor.u32 $0x2, v3;
	v12 =	vld.idx.msk [tilespmem:v12+s30+$0x0], $0xffff  }
0x17a: {  	v18 =	vor.u32 $0x1, v3;
	v5 =	vadd.f32 v8, v5;
	v13 =	vld.idx.msk [tilespmem:v13+s30+$0x0], $0xffff  }
0x17b: {  	v8 =	vld.idx.msk [tilespmem:v14+s30+$0x0], $0xffff  }
0x17c: {  	v4 =	vadd.f32 v6, v4;
	v14 =	vld.idx.msk [tilespmem:v15+s30+$0x0], $0xffff  }
0x17d: {  	v6 =	vld.idx.msk [tilespmem:v16+s30+$0x0], $0xffff  }
0x17e: {  	v7 =	vadd.f32 v9, v7;
	v10 =	vadd.f32 v10, v11;
	v15 =	vld.idx.msk [tilespmem:v17+s30+$0x0], $0xffff  }
0x17f: {  	v9 =	vld.idx.msk [tilespmem:v18+s30+$0x0], $0xffff  }
0x180: {  	v5 =	vadd.f32 v7, v5;
	v4 =	vadd.f32 v4, v10;
	v3 =	vld.idx.msk [tilespmem:v3+s30+$0x0], $0xffff  }
0x181: {  	v7 =	vadd.f32 v12, v13  }
0x182: {  	v8 =	vadd.f32 v8, v14;
	v4 =	vadd.f32 v5, v4;
	_ =	sdelay $0x1  }
0x183: {  	v5 =	vadd.f32 v6, v15;
	_ =	sdelay $0x1  }
0x184: {  	v3 =	vadd.f32 v9, v3;
	v6 =	vld [tilespmem:s1+$0x0];
	s1 =	smov.u32 s19  }
0x185: {  	s15 =	sadd.s32 $0xFFFFFFF0, s18  }
0x186: {  	v9 =	vmov s15;
	v3 =	vadd.f32 v5, v3;
	v5 =	vadd.f32 v7, v8  }
0x187: {  	v7 =	vshll.u32 v9, $0x4  }
0x188: {  	v7 =	vor.u32 v1, v7;
	v3 =	vadd.f32 v5, v3  }
0x189: {  	v5 =	vor.u32 $0x1, v7;
	v8 =	vor.u32 $0x2, v7;
	v9 =	vor.u32 $0x5, v7  }
0x18a: {  	v10 =	vor.u32 $0x3, v7;
	v11 =	vor.u32 $0x4, v7;
	v3 =	vadd.f32 v4, v3  }
0x18b: {  	v12 =	vor.u32 $0xC, v7;
	v13 =	vor.u32 $0xF, v7;
	v4 =	vor.u32 $0x8, v7  }
0x18c: {  	v14 =	vor.u32 $0x6, v7;
	v15 =	vor.u32 $0x7, v7;
	v16 =	vor.u32 $0xD, v7;
	[tilespmem:v6+s31+$0x0] =	vst.idx.add.f32.msk $0xffff, v3  }
0x18d: {  	v17 =	vor.u32 $0xA, v7;
	v18 =	vor.u32 $0xB, v7;
	v3 =	vor.u32 $0x9, v7;
	[tilespmem:v6+s0+$0x0] =	vst.idx.add.f32.msk $0xffff, v2  }
0x18e: {  	v6 =	vld.idx.msk [tilespmem:v8+s30+$0x0], $0xffff  }
0x18f: {  	v8 =	vld.idx.msk [tilespmem:v7+s30+$0x0], $0xffff  }
0x190: {  	v13 =	vld.idx.msk [tilespmem:v13+s30+$0x0], $0xffff  }
0x191: {  	v5 =	vld.idx.msk [tilespmem:v5+s30+$0x0], $0xffff  }
0x192: {  	v9 =	vld.idx.msk [tilespmem:v9+s30+$0x0], $0xffff  }
0x193: {  	v7 =	vor.u32 $0xE, v7;
	v18 =	vld.idx.msk [tilespmem:v18+s30+$0x0], $0xffff  }
0x194: {  	v17 =	vld.idx.msk [tilespmem:v17+s30+$0x0], $0xffff  }
0x195: {  	v15 =	vld.idx.msk [tilespmem:v15+s30+$0x0], $0xffff  }
0x196: {  	v10 =	vld.idx.msk [tilespmem:v10+s30+$0x0], $0xffff  }
0x197: {  	v5 =	vadd.f32 v5, v8;
	v3 =	vld.idx.msk [tilespmem:v3+s30+$0x0], $0xffff  }
0x198: {  	v8 =	vld.idx.msk [tilespmem:v14+s30+$0x0], $0xffff  }
0x199: {  	v7 =	vld.idx.msk [tilespmem:v7+s30+$0x0], $0xffff  }
0x19a: {  	v14 =	vld.idx.msk [tilespmem:v16+s30+$0x0], $0xffff;
	v16 =	vadd.f32 v18, v17  }
0x19b: {  	v12 =	vld.idx.msk [tilespmem:v12+s30+$0x0], $0xffff  }
0x19c: {  	v6 =	vadd.f32 v10, v6;
	v11 =	vld.idx.msk [tilespmem:v11+s30+$0x0], $0xffff  }
0x19d: {  	v4 =	vld.idx.msk [tilespmem:v4+s30+$0x0], $0xffff;
	_ =	sdelay $0x1  }
0x19e: {  	v8 =	vadd.f32 v15, v8;
	_ =	sdelay $0x1  }
0x19f: {  	v7 =	vadd.f32 v13, v7;
	v10 =	vadd.f32 v14, v12  }
0x1a0: {  	v9 =	vadd.f32 v9, v11  }
0x1a1: {  	v3 =	vadd.f32 v3, v4;
	v11 =	vld [tilespmem:s19+$0xFFFFFFF0]  }
0x1a2: {  	v4 =	vadd.f32 v6, v5;
	v5 =	vadd.f32 v8, v9  }
0x1a3: {  	v6 =	vadd.f32 v7, v10;
	v7 =	vmov s18;
	v3 =	vadd.f32 v16, v3  }
0x1a4: {  	v7 =	vshll.u32 v7, $0x4  }
0x1a5: {  	v5 =	vadd.f32 v5, v4;
	v6 =	vadd.f32 v6, v3;
	v3 =	vor.u32 v1, v7  }
.Ltmp2:
0x1a6: {  	v4 =	vor.u32 $0xA, v3;
	v9 =	vor.u32 $0xF, v3;
	(pc) =	sbr.rel @p1 .LBB2_7-.Ltmp2, $4  }
0x1a7: {  	v7 =	vor.u32 $0xE, v3;
	v5 =	vadd.f32 v6, v5  }
0x1a8: {  	v8 =	vor.u32 $0xD, v3  }
0x1a9: {  	[tilespmem:v11+s31+$0x0] =	vst.idx.add.f32.msk $0xffff, v5;
	v5 =	vor.u32 $0xC, v3  }
0x1aa: {  	v6 =	vor.u32 $0xB, v3;
	[tilespmem:v11+s0+$0x0] =	vst.idx.add.f32.msk $0xffff, v2  }
0x1ab: {  	_ =	sdelay $0x3  }
0x1ac: {  	v9 =	vld.idx.msk [tilespmem:v9+s30+$0x0], $0xffff  }
0x1ad: {  	v7 =	vld.idx.msk [tilespmem:v7+s30+$0x0], $0xffff  }
0x1ae: {  	v10 =	vor.u32 $0x9, v3;
	v8 =	vld.idx.msk [tilespmem:v8+s30+$0x0], $0xffff  }
0x1af: {  	v11 =	vor.u32 $0x8, v3;
	v5 =	vld.idx.msk [tilespmem:v5+s30+$0x0], $0xffff  }
0x1b0: {  	v12 =	vor.u32 $0x7, v3;
	v6 =	vld.idx.msk [tilespmem:v6+s30+$0x0], $0xffff  }
0x1b1: {  	v13 =	vor.u32 $0x6, v3;
	v14 =	vor.u32 $0x5, v3;
	v4 =	vld.idx.msk [tilespmem:v4+s30+$0x0], $0xffff;
	v15 =	vor.u32 $0x4, v3  }
0x1b2: {  	v16 =	vor.u32 $0x3, v3;
	v17 =	vor.u32 $0x2, v3;
	v18 =	vor.u32 $0x1, v3;
	v3 =	vld.idx.msk [tilespmem:v3+s30+$0x0], $0xffff  }
0x1b3: {  	v10 =	vld.idx.msk [tilespmem:v10+s30+$0x0], $0xffff  }
0x1b4: {  	v11 =	vld.idx.msk [tilespmem:v11+s30+$0x0], $0xffff  }
0x1b5: {  	v12 =	vld.idx.msk [tilespmem:v12+s30+$0x0], $0xffff  }
0x1b6: {  	v13 =	vld.idx.msk [tilespmem:v13+s30+$0x0], $0xffff  }
0x1b7: {  	v14 =	vld.idx.msk [tilespmem:v14+s30+$0x0], $0xffff  }
0x1b8: {  	v15 =	vld.idx.msk [tilespmem:v15+s30+$0x0], $0xffff  }
0x1b9: {  	v16 =	vld.idx.msk [tilespmem:v16+s30+$0x0], $0xffff  }
0x1ba: {  	v17 =	vld.idx.msk [tilespmem:v17+s30+$0x0], $0xffff  }
0x1bb: {  	v18 =	vld.idx.msk [tilespmem:v18+s30+$0x0], $0xffff;
	_ =	sdelay $0x1  }
0x1bc: {  	v5 =	vadd.f32 v8, v5;
	v4 =	vadd.f32 v6, v4  }
0x1bd: {  	v7 =	vadd.f32 v9, v7;
	v6 =	vadd.f32 v10, v11  }
0x1be: {  	v60 =	vadd.f32 v12, v13;
	v61 =	vadd.f32 v14, v15  }
0x1bf: {  	v63 =	vld [tilespmem:s1+$0x0];
	v62 =	vadd.f32 v16, v17;
	v3 =	vadd.f32 v18, v3  }
0x1c0: {  	v5 =	vadd.f32 v7, v5;
	v4 =	vadd.f32 v4, v6  }
0x1c1: {  	v3 =	vadd.f32 v62, v3;
	v6 =	vadd.f32 v60, v61;
	_ =	sdelay $0x1  }
0x1c2: {  	v4 =	vadd.f32 v5, v4;
	v3 =	vadd.f32 v6, v3;
	_ =	sdelay $0x1  }
0x1c3: {  	s6 =	rddreg [dreg:$0xa];
	v3 =	vadd.f32 v4, v3  }
0x1c4: {  	s19 =	smul.u32 $0x500, s17;
	s6 =	sadd.s32 s6, s12  }
0x1c5: {  	s6 =	smin.u32 s6, $0xF9;
	[tilespmem:v63+s31+$0x0] =	vst.idx.add.f32.msk $0xffff, v3  }
0x1c6: {  	s1 =	sadd.s32 s21, s19;
	s15 =	smul.u32 $0x50, s6;
	[tilespmem:v63+s0+$0x0] =	vst.idx.add.f32.msk $0xffff, v2  }
0x1c7: {  	[hbm4b:s1+s3] =	stream.linear.scatter [tilespmem:s30], [sflag:$0x5], $0x2800, $0x38;
	[tilespmem:$0x19A00] =	vst v63  }
0x1c8: {  	s20 =	sadd.s32 s8, s15  }
0x1c9: {  	[tilespmem:s3], [sflag:$0x1] =	stream.linear.gather [hbm4b:s20+s3], $0x280, $0x38;
	[tilespmem:$0x19A00] =	vst v63  }
0x1ca: {  	s23 =	simm.s32 $0x500;
	s26 =	simm.s32 $0x1;
	s22 =	sadd.s32 s9, s15  }
0x1cb: {  	[tilespmem:s23], [sflag:$0x1] =	stream.linear.gather [hbm4b:s22+s3], $0x280, $0x38;
	[tilespmem:$0x19A00] =	vst v63  }
0x1cc: {  	_ =	swait.ge [sflag:s26], $0x280  }
0x1cd: {  	[sflag:s26] =	ssyncset.done $0x0  }
0x1ce: {  	[sflag:s26] =	ssyncadd.s32 $0xFFFFFD80  }
0x1cf: {  	_ =	swait.ge [sflag:s26], $0x280  }
0x1d0: {  	[sflag:s26] =	ssyncset.done $0x0  }
0x1d1: {  	s15 =	simm.s32 $0xA00;
	[sflag:s26] =	ssyncadd.s32 $0xFFFFFD80  }
0x1d2: {  	[tilespmem:s15], [sflag:$0x3] =	stream.indirect.gather [hbm4b:s4+s24], $0x10, s3, s24, $0xb8;
	[tilespmem:$0x19A00] =	vst v63  }
0x1d3: {  	s16 =	simm.s32 $0x5A00  }
0x1d4: {  	[tilespmem:s16], [sflag:$0x3] =	stream.indirect.gather [hbm4b:s5+s24], $0x10, s23, s24, $0xb8;
	[tilespmem:$0x19A00] =	vst v63  }
0x1d5: {  	s17 =	simm.s32 $0x1200  }
0x1d6: {  	[tilespmem:s17], [sflag:$0x3] =	stream.indirect.gather [hbm4b:s4+s24], $0x10, s24, s24, $0xb8;
	[tilespmem:$0x19A00] =	vst v63  }
0x1d7: {  	s18 =	simm.s32 $0x580;
	s19 =	simm.s32 $0x6200  }
0x1d8: {  	[tilespmem:s19], [sflag:$0x3] =	stream.indirect.gather [hbm4b:s5+s24], $0x10, s18, s24, $0xb8;
	[tilespmem:$0x19A00] =	vst v63  }
0x1d9: {  	s20 =	simm.s32 $0x100;
	s22 =	simm.s32 $0x1A00  }
0x1da: {  	[tilespmem:s22], [sflag:$0x3] =	stream.indirect.gather [hbm4b:s4+s24], $0x10, s20, s24, $0xb8;
	[tilespmem:$0x19A00] =	vst v63  }
0x1db: {  	s25 =	smov.u32 s8;
	s26 =	simm.s32 $0x6A00;
	s23 =	simm.s32 $0x600  }
0x1dc: {  	[tilespmem:s26], [sflag:$0x3] =	stream.indirect.gather [hbm4b:s5+s24], $0x10, s23, s24, $0xb8;
	[tilespmem:$0x19A00] =	vst v63  }
0x1dd: {  	s8 =	smov.u32 s9;
	s9 =	simm.s32 $0x180;
	s15 =	simm.s32 $0x2200  }
0x1de: {  	[tilespmem:s15], [sflag:$0x3] =	stream.indirect.gather [hbm4b:s4+s24], $0x10, s9, s24, $0xb8;
	[tilespmem:$0x19A00] =	vst v63  }
0x1df: {  	s16 =	simm.s32 $0x680;
	s17 =	simm.s32 $0x7200  }
0x1e0: {  	[tilespmem:s17], [sflag:$0x3] =	stream.indirect.gather [hbm4b:s5+s24], $0x10, s16, s24, $0xb8;
	[tilespmem:$0x19A00] =	vst v63  }
0x1e1: {  	s18 =	simm.s32 $0x200;
	s19 =	simm.s32 $0x2A00  }
0x1e2: {  	[tilespmem:s19], [sflag:$0x3] =	stream.indirect.gather [hbm4b:s4+s24], $0x10, s18, s24, $0xb8;
	[tilespmem:$0x19A00] =	vst v63  }
0x1e3: {  	s20 =	smul.u32 $0x500, s6;
	s22 =	simm.s32 $0x700;
	s23 =	simm.s32 $0x7A00  }
0x1e4: {  	[tilespmem:s23], [sflag:$0x3] =	stream.indirect.gather [hbm4b:s5+s24], $0x10, s22, s24, $0xb8;
	[tilespmem:$0x19A00] =	vst v63  }
0x1e5: {  	s1 =	sadd.s32 s7, s20;
	s26 =	simm.s32 $0xAA00  }
0x1e6: {  	[tilespmem:s26], [sflag:$0x3] =	stream.linear.gather [hbm4b:s1+s3], $0x2800, $0x38;
	[tilespmem:$0x19A00] =	vst v63  }
0x1e7: {  	_ =	swait.ge [sflag:s2], $0x2800  }
0x1e8: {  	[sflag:s2] =	ssyncset.done $0x0  }
0x1e9: {  	[sflag:s2] =	ssyncadd.s32 $0xFFFFD800  }
0x1ea: {  	_ =	swait.ge [sflag:s2], $0x2800  }
0x1eb: {  	[sflag:s2] =	ssyncset.done $0x0  }
0x1ec: {  	[sflag:s2] =	ssyncadd.s32 $0xFFFFD800  }
0x1ed: {  	_ =	swait.ge [sflag:s2], $0x2800  }
0x1ee: {  	[sflag:s2] =	ssyncset.done $0x0  }
0x1ef: {  	s1 =	simm.s32 @!p0 $0x6;
	[sflag:s2] =	ssyncadd.s32 $0xFFFFD800  }
0x1f0: {  	_ =	swait.ge @!p0 [sflag:s1], $0x2800  }
0x1f1: {  	[sflag:s1] =	ssyncset.done @!p0 $0x0  }
0x1f2: {  	s18 =	simm.s32 $0x32F0;
	[sflag:s1] =	ssyncadd.s32 @!p0 $0xFFFFD800  }
0x1f3: {  	s19 =	simm.s32 $0xD2F0;
	v3 =	vld [tilespmem:s18+$0xFFFFFF10]  }
0x1f4: {  	v4 =	vld [tilespmem:s19+$0xFFFFFF10]  }
0x1f5: {  	s1 =	simm.s32 $0x82F0  }
0x1f6: {  	v5 =	vld [tilespmem:s1+$0xFFFFFF10];
	_ =	sdelay $0x2  }
0x1f7: {  	v3 =	vadd.f32 v3, v4;
	_ =	sdelay $0x1  }
0x1f8: {  	v3 =	vadd.f32 v5, v3;
	_ =	sdelay $0x1  }
0x1f9: {  	s17 =	simm.s32 $0x122F0;
	v3 =	vmax.f32 v3, $0.0e+00  }
0x1fa: {  	[tilespmem:s17+$0xFFFFFF10] =	vst v3  }
0x1fb: {  	v3 =	vld [tilespmem:s19+$0xFFFFFF20]  }
0x1fc: {  	v4 =	vld [tilespmem:s18+$0xFFFFFF20];
	_ =	sdelay $0x1  }
0x1fd: {  	v5 =	vld [tilespmem:s1+$0xFFFFFF20];
	_ =	sdelay $0x2  }
0x1fe: {  	v3 =	vadd.f32 v4, v3;
	_ =	sdelay $0x1  }
0x1ff: {  	v3 =	vadd.f32 v5, v3;
	_ =	sdelay $0x1  }
0x200: {  	v3 =	vmax.f32 v3, $0.0e+00  }
0x201: {  	[tilespmem:s17+$0xFFFFFF20] =	vst v3  }
0x202: {  	v3 =	vld [tilespmem:s19+$0xFFFFFF30]  }
0x203: {  	v4 =	vld [tilespmem:s18+$0xFFFFFF30];
	_ =	sdelay $0x1  }
0x204: {  	v5 =	vld [tilespmem:s1+$0xFFFFFF30];
	_ =	sdelay $0x2  }
0x205: {  	v3 =	vadd.f32 v4, v3;
	_ =	sdelay $0x1  }
0x206: {  	v3 =	vadd.f32 v5, v3;
	_ =	sdelay $0x1  }
0x207: {  	v3 =	vmax.f32 v3, $0.0e+00  }
0x208: {  	[tilespmem:s17+$0xFFFFFF30] =	vst v3  }
0x209: {  	v3 =	vld [tilespmem:s19+$0xFFFFFF40]  }
0x20a: {  	v4 =	vld [tilespmem:s18+$0xFFFFFF40];
	_ =	sdelay $0x1  }
0x20b: {  	v5 =	vld [tilespmem:s1+$0xFFFFFF40];
	_ =	sdelay $0x2  }
0x20c: {  	v3 =	vadd.f32 v4, v3;
	_ =	sdelay $0x1  }
0x20d: {  	v3 =	vadd.f32 v5, v3;
	_ =	sdelay $0x1  }
0x20e: {  	v3 =	vmax.f32 v3, $0.0e+00  }
0x20f: {  	[tilespmem:s17+$0xFFFFFF40] =	vst v3  }
0x210: {  	v3 =	vld [tilespmem:s19+$0xFFFFFF50]  }
0x211: {  	v4 =	vld [tilespmem:s18+$0xFFFFFF50];
	_ =	sdelay $0x1  }
0x212: {  	v5 =	vld [tilespmem:s1+$0xFFFFFF50];
	_ =	sdelay $0x2  }
0x213: {  	v3 =	vadd.f32 v4, v3;
	_ =	sdelay $0x1  }
0x214: {  	v3 =	vadd.f32 v5, v3;
	_ =	sdelay $0x1  }
0x215: {  	v3 =	vmax.f32 v3, $0.0e+00  }
0x216: {  	[tilespmem:s17+$0xFFFFFF50] =	vst v3  }
0x217: {  	v3 =	vld [tilespmem:s19+$0xFFFFFF60]  }
0x218: {  	v4 =	vld [tilespmem:s18+$0xFFFFFF60];
	_ =	sdelay $0x1  }
0x219: {  	v5 =	vld [tilespmem:s1+$0xFFFFFF60];
	_ =	sdelay $0x2  }
0x21a: {  	v3 =	vadd.f32 v4, v3;
	_ =	sdelay $0x1  }
0x21b: {  	v3 =	vadd.f32 v5, v3;
	_ =	sdelay $0x1  }
0x21c: {  	v3 =	vmax.f32 v3, $0.0e+00  }
0x21d: {  	[tilespmem:s17+$0xFFFFFF60] =	vst v3  }
0x21e: {  	v3 =	vld [tilespmem:s19+$0xFFFFFF70]  }
0x21f: {  	v4 =	vld [tilespmem:s18+$0xFFFFFF70];
	_ =	sdelay $0x1  }
0x220: {  	v5 =	vld [tilespmem:s1+$0xFFFFFF70];
	_ =	sdelay $0x2  }
0x221: {  	v3 =	vadd.f32 v4, v3;
	_ =	sdelay $0x1  }
0x222: {  	v3 =	vadd.f32 v5, v3;
	_ =	sdelay $0x1  }
0x223: {  	v3 =	vmax.f32 v3, $0.0e+00  }
0x224: {  	[tilespmem:s17+$0xFFFFFF70] =	vst v3  }
0x225: {  	v3 =	vld [tilespmem:s19+$0xFFFFFF80]  }
0x226: {  	v4 =	vld [tilespmem:s18+$0xFFFFFF80];
	_ =	sdelay $0x1  }
0x227: {  	v5 =	vld [tilespmem:s1+$0xFFFFFF80];
	_ =	sdelay $0x2  }
0x228: {  	v3 =	vadd.f32 v4, v3;
	_ =	sdelay $0x1  }
0x229: {  	v3 =	vadd.f32 v5, v3;
	_ =	sdelay $0x1  }
0x22a: {  	v3 =	vmax.f32 v3, $0.0e+00  }
0x22b: {  	[tilespmem:s17+$0xFFFFFF80] =	vst v3  }
0x22c: {  	v3 =	vld [tilespmem:s19+$0xFFFFFF90]  }
0x22d: {  	v4 =	vld [tilespmem:s18+$0xFFFFFF90];
	_ =	sdelay $0x1  }
0x22e: {  	v5 =	vld [tilespmem:s1+$0xFFFFFF90];
	_ =	sdelay $0x2  }
0x22f: {  	v3 =	vadd.f32 v4, v3;
	_ =	sdelay $0x1  }
0x230: {  	v3 =	vadd.f32 v5, v3;
	_ =	sdelay $0x1  }
0x231: {  	v3 =	vmax.f32 v3, $0.0e+00  }
0x232: {  	[tilespmem:s17+$0xFFFFFF90] =	vst v3  }
0x233: {  	v3 =	vld [tilespmem:s19+$0xFFFFFFA0]  }
0x234: {  	v4 =	vld [tilespmem:s18+$0xFFFFFFA0];
	_ =	sdelay $0x1  }
0x235: {  	v5 =	vld [tilespmem:s1+$0xFFFFFFA0];
	_ =	sdelay $0x2  }
0x236: {  	v3 =	vadd.f32 v4, v3;
	_ =	sdelay $0x1  }
0x237: {  	v3 =	vadd.f32 v5, v3;
	_ =	sdelay $0x1  }
0x238: {  	v3 =	vmax.f32 v3, $0.0e+00  }
0x239: {  	[tilespmem:s17+$0xFFFFFFA0] =	vst v3  }
0x23a: {  	v3 =	vld [tilespmem:s19+$0xFFFFFFB0]  }
0x23b: {  	v4 =	vld [tilespmem:s18+$0xFFFFFFB0];
	_ =	sdelay $0x1  }
0x23c: {  	v5 =	vld [tilespmem:s1+$0xFFFFFFB0];
	_ =	sdelay $0x2  }
0x23d: {  	v3 =	vadd.f32 v4, v3;
	_ =	sdelay $0x1  }
0x23e: {  	v3 =	vadd.f32 v5, v3;
	_ =	sdelay $0x1  }
0x23f: {  	v3 =	vmax.f32 v3, $0.0e+00  }
0x240: {  	[tilespmem:s17+$0xFFFFFFB0] =	vst v3  }
0x241: {  	v3 =	vld [tilespmem:s19+$0xFFFFFFC0]  }
0x242: {  	v4 =	vld [tilespmem:s18+$0xFFFFFFC0];
	_ =	sdelay $0x1  }
0x243: {  	v5 =	vld [tilespmem:s1+$0xFFFFFFC0];
	_ =	sdelay $0x2  }
0x244: {  	v3 =	vadd.f32 v4, v3;
	_ =	sdelay $0x1  }
0x245: {  	v3 =	vadd.f32 v5, v3;
	_ =	sdelay $0x1  }
0x246: {  	v3 =	vmax.f32 v3, $0.0e+00  }
0x247: {  	[tilespmem:s17+$0xFFFFFFC0] =	vst v3  }
0x248: {  	v3 =	vld [tilespmem:s19+$0xFFFFFFD0]  }
0x249: {  	v4 =	vld [tilespmem:s18+$0xFFFFFFD0];
	_ =	sdelay $0x1  }
0x24a: {  	v5 =	vld [tilespmem:s1+$0xFFFFFFD0];
	_ =	sdelay $0x2  }
0x24b: {  	v3 =	vadd.f32 v4, v3;
	_ =	sdelay $0x1  }
0x24c: {  	v3 =	vadd.f32 v5, v3;
	_ =	sdelay $0x1  }
0x24d: {  	v3 =	vmax.f32 v3, $0.0e+00  }
0x24e: {  	[tilespmem:s17+$0xFFFFFFD0] =	vst v3  }
0x24f: {  	v3 =	vld [tilespmem:s19+$0xFFFFFFE0]  }
0x250: {  	v4 =	vld [tilespmem:s18+$0xFFFFFFE0];
	_ =	sdelay $0x1  }
0x251: {  	v5 =	vld [tilespmem:s1+$0xFFFFFFE0];
	_ =	sdelay $0x2  }
0x252: {  	v3 =	vadd.f32 v4, v3;
	_ =	sdelay $0x1  }
0x253: {  	v3 =	vadd.f32 v5, v3;
	_ =	sdelay $0x1  }
0x254: {  	v3 =	vmax.f32 v3, $0.0e+00  }
0x255: {  	[tilespmem:s17+$0xFFFFFFE0] =	vst v3  }
0x256: {  	v4 =	vld [tilespmem:s19+$0xFFFFFFF0]  }
0x257: {  	v5 =	vld [tilespmem:s18+$0xFFFFFFF0];
	_ =	sdelay $0x1  }
0x258: {  	v3 =	vld [tilespmem:s1+$0xFFFFFFF0];
	_ =	sdelay $0x1  }
0x259: {  	s6 =	simm.s32 $0x0;
	s20 =	simm.s32 $0x32F0;
	s15 =	simm.s32 $0x83F0  }
0x25a: {  	s16 =	simm.s32 $0xD2F0;
	s23 =	smov.u32 s7;
	s22 =	simm.s32 $0x123F0;
	v4 =	vadd.f32 v5, v4  }
.LBB2_9:
0x25b: {  	s6 =	sadd.s32 $0x2, s6;
	s18 =	sadd.s32 $0x100, s18;
	s19 =	sadd.s32 $0x100, s19  }
0x25c: {  	p0 =	slt.u32 s6, $0x4E;
	v3 =	vadd.f32 v3, v4;
	_ =	sdelay $0x1  }
0x25d: {  	v3 =	vmax.f32 v3, $0.0e+00  }
0x25e: {  	[tilespmem:s17+$0xFFFFFFF0] =	vst v3  }
0x25f: {  	v3 =	vld [tilespmem:s16+$0x0];
	s16 =	smov.u32 s19  }
0x260: {  	v4 =	vld [tilespmem:s20+$0x0];
	s20 =	smov.u32 s18  }
0x261: {  	v5 =	vld [tilespmem:s1+$0x0];
	s1 =	smov.u32 s15;
	_ =	sdelay $0x3  }
0x262: {  	v3 =	vadd.f32 v4, v3;
	_ =	sdelay $0x1  }
0x263: {  	v3 =	vadd.f32 v5, v3;
	_ =	sdelay $0x1  }
0x264: {  	v3 =	vmax.f32 v3, $0.0e+00  }
0x265: {  	[tilespmem:s17+$0x0] =	vst v3;
	s17 =	smov.u32 s22  }
0x266: {  	v3 =	vld [tilespmem:s18+$0xFFFFFF10]  }
0x267: {  	v4 =	vld [tilespmem:s19+$0xFFFFFF10]  }
0x268: {  	v5 =	vld [tilespmem:s15+$0xFFFFFF10];
	_ =	sdelay $0x3  }
0x269: {  	v3 =	vadd.f32 v3, v4;
	_ =	sdelay $0x1  }
0x26a: {  	v3 =	vadd.f32 v5, v3;
	_ =	sdelay $0x1  }
0x26b: {  	v3 =	vmax.f32 v3, $0.0e+00  }
0x26c: {  	[tilespmem:s22+$0xFFFFFF10] =	vst v3  }
0x26d: {  	v3 =	vld [tilespmem:s19+$0xFFFFFF20]  }
0x26e: {  	v4 =	vld [tilespmem:s18+$0xFFFFFF20];
	_ =	sdelay $0x1  }
0x26f: {  	v5 =	vld [tilespmem:s15+$0xFFFFFF20];
	_ =	sdelay $0x2  }
0x270: {  	v3 =	vadd.f32 v4, v3;
	_ =	sdelay $0x1  }
0x271: {  	v3 =	vadd.f32 v5, v3;
	_ =	sdelay $0x1  }
0x272: {  	v3 =	vmax.f32 v3, $0.0e+00  }
0x273: {  	[tilespmem:s22+$0xFFFFFF20] =	vst v3  }
0x274: {  	v3 =	vld [tilespmem:s19+$0xFFFFFF30]  }
0x275: {  	v4 =	vld [tilespmem:s18+$0xFFFFFF30];
	_ =	sdelay $0x1  }
0x276: {  	v5 =	vld [tilespmem:s15+$0xFFFFFF30];
	_ =	sdelay $0x2  }
0x277: {  	v3 =	vadd.f32 v4, v3;
	_ =	sdelay $0x1  }
0x278: {  	v3 =	vadd.f32 v5, v3;
	_ =	sdelay $0x1  }
0x279: {  	v3 =	vmax.f32 v3, $0.0e+00  }
0x27a: {  	[tilespmem:s22+$0xFFFFFF30] =	vst v3  }
0x27b: {  	v3 =	vld [tilespmem:s19+$0xFFFFFF40]  }
0x27c: {  	v4 =	vld [tilespmem:s18+$0xFFFFFF40];
	_ =	sdelay $0x1  }
0x27d: {  	v5 =	vld [tilespmem:s15+$0xFFFFFF40];
	_ =	sdelay $0x2  }
0x27e: {  	v3 =	vadd.f32 v4, v3;
	_ =	sdelay $0x1  }
0x27f: {  	v3 =	vadd.f32 v5, v3;
	_ =	sdelay $0x1  }
0x280: {  	v3 =	vmax.f32 v3, $0.0e+00  }
0x281: {  	[tilespmem:s22+$0xFFFFFF40] =	vst v3  }
0x282: {  	v3 =	vld [tilespmem:s19+$0xFFFFFF50]  }
0x283: {  	v4 =	vld [tilespmem:s18+$0xFFFFFF50];
	_ =	sdelay $0x1  }
0x284: {  	v5 =	vld [tilespmem:s15+$0xFFFFFF50];
	_ =	sdelay $0x2  }
0x285: {  	v3 =	vadd.f32 v4, v3;
	_ =	sdelay $0x1  }
0x286: {  	v3 =	vadd.f32 v5, v3;
	_ =	sdelay $0x1  }
0x287: {  	v3 =	vmax.f32 v3, $0.0e+00  }
0x288: {  	[tilespmem:s22+$0xFFFFFF50] =	vst v3  }
0x289: {  	v3 =	vld [tilespmem:s19+$0xFFFFFF60]  }
0x28a: {  	v4 =	vld [tilespmem:s18+$0xFFFFFF60]  }
0x28b: {  	v5 =	vld [tilespmem:s15+$0xFFFFFF60];
	_ =	sdelay $0x3  }
0x28c: {  	v3 =	vadd.f32 v4, v3;
	_ =	sdelay $0x1  }
0x28d: {  	v3 =	vadd.f32 v5, v3;
	_ =	sdelay $0x1  }
0x28e: {  	v3 =	vmax.f32 v3, $0.0e+00  }
0x28f: {  	[tilespmem:s22+$0xFFFFFF60] =	vst v3  }
0x290: {  	v3 =	vld [tilespmem:s19+$0xFFFFFF70]  }
0x291: {  	v4 =	vld [tilespmem:s18+$0xFFFFFF70]  }
0x292: {  	v5 =	vld [tilespmem:s15+$0xFFFFFF70];
	_ =	sdelay $0x3  }
0x293: {  	v3 =	vadd.f32 v4, v3;
	_ =	sdelay $0x1  }
0x294: {  	v3 =	vadd.f32 v5, v3;
	_ =	sdelay $0x1  }
0x295: {  	v3 =	vmax.f32 v3, $0.0e+00  }
0x296: {  	[tilespmem:s22+$0xFFFFFF70] =	vst v3  }
0x297: {  	v3 =	vld [tilespmem:s19+$0xFFFFFF80]  }
0x298: {  	v4 =	vld [tilespmem:s18+$0xFFFFFF80]  }
0x299: {  	v5 =	vld [tilespmem:s15+$0xFFFFFF80];
	_ =	sdelay $0x3  }
0x29a: {  	v3 =	vadd.f32 v4, v3;
	_ =	sdelay $0x1  }
0x29b: {  	v3 =	vadd.f32 v5, v3;
	_ =	sdelay $0x1  }
0x29c: {  	v3 =	vmax.f32 v3, $0.0e+00  }
0x29d: {  	[tilespmem:s22+$0xFFFFFF80] =	vst v3  }
0x29e: {  	v3 =	vld [tilespmem:s19+$0xFFFFFF90]  }
0x29f: {  	v4 =	vld [tilespmem:s18+$0xFFFFFF90];
	_ =	sdelay $0x1  }
0x2a0: {  	v5 =	vld [tilespmem:s15+$0xFFFFFF90];
	_ =	sdelay $0x2  }
0x2a1: {  	v3 =	vadd.f32 v4, v3;
	_ =	sdelay $0x1  }
0x2a2: {  	v3 =	vadd.f32 v5, v3;
	_ =	sdelay $0x1  }
0x2a3: {  	v3 =	vmax.f32 v3, $0.0e+00  }
0x2a4: {  	[tilespmem:s22+$0xFFFFFF90] =	vst v3  }
0x2a5: {  	v3 =	vld [tilespmem:s19+$0xFFFFFFA0]  }
0x2a6: {  	v4 =	vld [tilespmem:s18+$0xFFFFFFA0]  }
0x2a7: {  	v5 =	vld [tilespmem:s15+$0xFFFFFFA0];
	_ =	sdelay $0x3  }
0x2a8: {  	v3 =	vadd.f32 v4, v3;
	_ =	sdelay $0x1  }
0x2a9: {  	v3 =	vadd.f32 v5, v3;
	_ =	sdelay $0x1  }
0x2aa: {  	v3 =	vmax.f32 v3, $0.0e+00  }
0x2ab: {  	[tilespmem:s22+$0xFFFFFFA0] =	vst v3  }
0x2ac: {  	v3 =	vld [tilespmem:s19+$0xFFFFFFB0]  }
0x2ad: {  	v4 =	vld [tilespmem:s18+$0xFFFFFFB0]  }
0x2ae: {  	v5 =	vld [tilespmem:s15+$0xFFFFFFB0];
	_ =	sdelay $0x3  }
0x2af: {  	v3 =	vadd.f32 v4, v3;
	_ =	sdelay $0x1  }
0x2b0: {  	v3 =	vadd.f32 v5, v3;
	_ =	sdelay $0x1  }
0x2b1: {  	v3 =	vmax.f32 v3, $0.0e+00  }
0x2b2: {  	[tilespmem:s22+$0xFFFFFFB0] =	vst v3  }
0x2b3: {  	v3 =	vld [tilespmem:s19+$0xFFFFFFC0]  }
0x2b4: {  	v4 =	vld [tilespmem:s18+$0xFFFFFFC0]  }
0x2b5: {  	v5 =	vld [tilespmem:s15+$0xFFFFFFC0];
	_ =	sdelay $0x3  }
0x2b6: {  	v3 =	vadd.f32 v4, v3;
	_ =	sdelay $0x1  }
0x2b7: {  	v3 =	vadd.f32 v5, v3;
	_ =	sdelay $0x1  }
0x2b8: {  	v3 =	vmax.f32 v3, $0.0e+00  }
0x2b9: {  	[tilespmem:s22+$0xFFFFFFC0] =	vst v3  }
0x2ba: {  	v3 =	vld [tilespmem:s19+$0xFFFFFFD0]  }
0x2bb: {  	v4 =	vld [tilespmem:s18+$0xFFFFFFD0]  }
0x2bc: {  	v5 =	vld [tilespmem:s15+$0xFFFFFFD0];
	_ =	sdelay $0x3  }
0x2bd: {  	v3 =	vadd.f32 v4, v3;
	_ =	sdelay $0x1  }
0x2be: {  	v3 =	vadd.f32 v5, v3;
	_ =	sdelay $0x1  }
0x2bf: {  	v3 =	vmax.f32 v3, $0.0e+00  }
0x2c0: {  	[tilespmem:s22+$0xFFFFFFD0] =	vst v3  }
0x2c1: {  	v3 =	vld [tilespmem:s19+$0xFFFFFFE0]  }
0x2c2: {  	v4 =	vld [tilespmem:s18+$0xFFFFFFE0]  }
0x2c3: {  	v5 =	vld [tilespmem:s15+$0xFFFFFFE0];
	_ =	sdelay $0x3  }
0x2c4: {  	v3 =	vadd.f32 v4, v3;
	_ =	sdelay $0x1  }
0x2c5: {  	v3 =	vadd.f32 v5, v3;
	_ =	sdelay $0x1  }
0x2c6: {  	v3 =	vmax.f32 v3, $0.0e+00  }
0x2c7: {  	[tilespmem:s22+$0xFFFFFFE0] =	vst v3  }
0x2c8: {  	v4 =	vld [tilespmem:s19+$0xFFFFFFF0]  }
0x2c9: {  	v5 =	vld [tilespmem:s18+$0xFFFFFFF0]  }
.Ltmp3:
0x2ca: {  	v3 =	vld [tilespmem:s15+$0xFFFFFFF0];
	(pc) =	sbr.rel @p0 .LBB2_9-.Ltmp3, $2  }
0x2cb: {  	_ =	sdelay $0x2  }
0x2cc: {  	s22 =	sadd.s32 $0x100, s22;
	s15 =	sadd.s32 $0x100, s15;
	v4 =	vadd.f32 v5, v4  }
0x2cd: {  	_ = 	snop  }
0x2ce: {  	v3 =	vadd.f32 v3, v4;
	_ =	sdelay $0x1  }
0x2cf: {  	v3 =	vmax.f32 v3, $0.0e+00  }
0x2d0: {  	[tilespmem:s17+$0xFFFFFFF0] =	vst v3  }
0x2d1: {  	v3 =	vld [tilespmem:s16+$0x0]  }
0x2d2: {  	v4 =	vld [tilespmem:s20+$0x0];
	_ =	sdelay $0x1  }
0x2d3: {  	s26 =	simm.s32 $0x0;
	v5 =	vld [tilespmem:s1+$0x0]  }
0x2d4: {  	v6 =	vmov s26  }
0x2d5: {  	v6 =	vshll.u32 v6, $0x4  }
0x2d6: {  	v3 =	vadd.f32 v4, v3;
	v4 =	vor.u32 v1, v6  }
0x2d7: {  	v6 =	vor.u32 $0x2, v4  }
0x2d8: {  	v3 =	vadd.f32 v5, v3  }
0x2d9: {  	v7 =	vor.u32 $0x5, v4  }
0x2da: {  	v8 =	vor.u32 $0xB, v4;
	v3 =	vmax.f32 v3, $0.0e+00  }
0x2db: {  	v9 =	vor.u32 $0x1, v4;
	[tilespmem:s17+$0x0] =	vst v3  }
0x2dc: {  	v11 =	vor.u32 $0xA, v4;
	v6 =	vld.idx.msk [tilespmem:v6+s10+$0x0], $0xffff  }
0x2dd: {  	v12 =	vor.u32 $0x9, v4;
	v10 =	vld.idx.msk [tilespmem:v4+s10+$0x0], $0xffff  }
0x2de: {  	v13 =	vor.u32 $0xE, v4;
	v7 =	vld.idx.msk [tilespmem:v7+s10+$0x0], $0xffff  }
0x2df: {  	v14 =	vor.u32 $0x6, v4;
	v8 =	vld.idx.msk [tilespmem:v8+s10+$0x0], $0xffff  }
0x2e0: {  	v15 =	vor.u32 $0xD, v4;
	v9 =	vld.idx.msk [tilespmem:v9+s10+$0x0], $0xffff  }
0x2e1: {  	v16 =	vor.u32 $0x4, v4;
	v11 =	vld.idx.msk [tilespmem:v11+s10+$0x0], $0xffff  }
0x2e2: {  	v17 =	vor.u32 $0xC, v4;
	v12 =	vld.idx.msk [tilespmem:v12+s10+$0x0], $0xffff  }
0x2e3: {  	v18 =	vor.u32 $0x3, v4;
	v13 =	vld.idx.msk [tilespmem:v13+s10+$0x0], $0xffff  }
0x2e4: {  	v5 =	vor.u32 $0xF, v4;
	v14 =	vld.idx.msk [tilespmem:v14+s10+$0x0], $0xffff  }
0x2e5: {  	v3 =	vor.u32 $0x7, v4;
	v15 =	vld.idx.msk [tilespmem:v15+s10+$0x0], $0xffff  }
0x2e6: {  	v4 =	vor.u32 $0x8, v4;
	v16 =	vld.idx.msk [tilespmem:v16+s10+$0x0], $0xffff  }
0x2e7: {  	v17 =	vld.idx.msk [tilespmem:v17+s10+$0x0], $0xffff  }
0x2e8: {  	v18 =	vld.idx.msk [tilespmem:v18+s10+$0x0], $0xffff  }
0x2e9: {  	v5 =	vld.idx.msk [tilespmem:v5+s10+$0x0], $0xffff  }
0x2ea: {  	v3 =	vld.idx.msk [tilespmem:v3+s10+$0x0], $0xffff  }
0x2eb: {  	v4 =	vld.idx.msk [tilespmem:v4+s10+$0x0], $0xffff;
	_ =	sdelay $0x1  }
0x2ec: {  	v9 =	vadd.f32 v9, v10;
	v8 =	vadd.f32 v8, v11  }
0x2ed: {  	v7 =	vadd.f32 v7, v16;
	v6 =	vadd.f32 v18, v6  }
0x2ee: {  	v10 =	vadd.f32 v15, v17;
	v5 =	vadd.f32 v5, v13  }
0x2ef: {  	v3 =	vadd.f32 v3, v14;
	v4 =	vadd.f32 v12, v4  }
0x2f0: {  	s6 =	simm.s32 $0x790;
	v6 =	vadd.f32 v6, v9;
	v5 =	vadd.f32 v5, v10  }
0x2f1: {  	v3 =	vadd.f32 v3, v7;
	v7 =	vld [tilespmem:s6+$0xFFFFFFF0];
	v4 =	vadd.f32 v8, v4  }
0x2f2: {  	s15 =	simm.s32 $0x10  }
0x2f3: {  	v3 =	vadd.f32 v3, v6;
	v4 =	vadd.f32 v5, v4;
	v5 =	vmov s15  }
0x2f4: {  	p0 =	slt.u32 s14, $0xFA;
	s1 =	simm.f32 $1.000000000e+00;
	v5 =	vshll.u32 v5, $0x4  }
0x2f5: {  	s1 =	simm.s32 @!p0 $0x0;
	v6 =	vadd.f32 v4, v3;
	v4 =	vor.u32 v1, v5  }
0x2f6: {  	v3 =	vmov s1;
	v5 =	vor.u32 $0xF, v4  }
0x2f7: {  	v13 =	vor.u32 $0xE, v4;
	v6 =	vmul.f32 v6, v3  }
0x2f8: {  	v12 =	vor.u32 $0x2, v4  }
0x2f9: {  	v8 =	vor.u32 $0xD, v4;
	[tilespmem:v7+s31+$0x0] =	vst.idx.add.f32.msk $0xffff, v6  }
0x2fa: {  	v10 =	vor.u32 $0xC, v4;
	[tilespmem:v7+s0+$0x0] =	vst.idx.add.f32.msk $0xffff, v3  }
0x2fb: {  	v11 =	vor.u32 $0x8, v4;
	v5 =	vld.idx.msk [tilespmem:v5+s10+$0x0], $0xffff  }
0x2fc: {  	s14 =	simm.s32 $0x0;
	s7 =	simm.s32 $0x280;
	s1 =	simm.s32 $0x790;
	v9 =	vor.u32 $0xB, v4;
	v7 =	vor.u32 $0x6, v4;
	v6 =	vld.idx.msk [tilespmem:v13+s10+$0x0], $0xffff  }
.LBB2_11:
0x2fd: {  	s14 =	sadd.s32 $0x2, s14;
	v12 =	vld.idx.msk [tilespmem:v12+s10+$0x0], $0xffff;
	s6 =	sadd.s32 $0x20, s6;
	s15 =	sadd.s32 $0x20, s15  }
0x2fe: {  	v13 =	vor.u32 $0x7, v4;
	p0 =	slt.u32 s14, $0x26;
	v8 =	vld.idx.msk [tilespmem:v8+s10+$0x0], $0xffff  }
0x2ff: {  	v14 =	vor.u32 $0x3, v4;
	v10 =	vld.idx.msk [tilespmem:v10+s10+$0x0], $0xffff  }
0x300: {  	v11 =	vld.idx.msk [tilespmem:v11+s10+$0x0], $0xffff  }
0x301: {  	v15 =	vor.u32 $0xA, v4;
	v9 =	vld.idx.msk [tilespmem:v9+s10+$0x0], $0xffff  }
0x302: {  	v16 =	vor.u32 $0x1, v4;
	v7 =	vld.idx.msk [tilespmem:v7+s10+$0x0], $0xffff  }
0x303: {  	v17 =	vor.u32 $0x9, v4;
	v13 =	vld.idx.msk [tilespmem:v13+s10+$0x0], $0xffff  }
0x304: {  	v18 =	vor.u32 $0x4, v4;
	v14 =	vld.idx.msk [tilespmem:v14+s10+$0x0], $0xffff  }
0x305: {  	v19 =	vld.idx.msk [tilespmem:v4+s10+$0x0], $0xffff;
	v4 =	vor.u32 $0x5, v4  }
0x306: {  	v15 =	vld.idx.msk [tilespmem:v15+s10+$0x0], $0xffff  }
0x307: {  	v16 =	vld.idx.msk [tilespmem:v16+s10+$0x0], $0xffff  }
0x308: {  	v17 =	vld.idx.msk [tilespmem:v17+s10+$0x0], $0xffff  }
0x309: {  	v7 =	vadd.f32 v13, v7;
	v18 =	vld.idx.msk [tilespmem:v18+s10+$0x0], $0xffff  }
0x30a: {  	v8 =	vadd.f32 v8, v10;
	v12 =	vadd.f32 v14, v12;
	v4 =	vld.idx.msk [tilespmem:v4+s10+$0x0], $0xffff;
	_ =	sdelay $0x1  }
0x30b: {  	v5 =	vadd.f32 v5, v6;
	v9 =	vadd.f32 v9, v15  }
0x30c: {  	v6 =	vadd.f32 v16, v19  }
0x30d: {  	v10 =	vadd.f32 v17, v11  }
0x30e: {  	v5 =	vadd.f32 v5, v8  }
0x30f: {  	v4 =	vadd.f32 v4, v18  }
0x310: {  	v8 =	vadd.f32 v9, v10  }
0x311: {  	v6 =	vadd.f32 v12, v6;
	v4 =	vadd.f32 v7, v4;
	v7 =	vld [tilespmem:s1+$0x0];
	s1 =	smov.u32 s6  }
0x312: {  	s16 =	sadd.s32 $0xFFFFFFF0, s15;
	v5 =	vadd.f32 v5, v8  }
0x313: {  	v8 =	vmov s16;
	v4 =	vadd.f32 v4, v6  }
0x314: {  	v6 =	vshll.u32 v8, $0x4  }
0x315: {  	v6 =	vor.u32 v1, v6;
	v4 =	vadd.f32 v5, v4  }
0x316: {  	v5 =	vor.u32 $0x1, v6;
	v8 =	vor.u32 $0x2, v6;
	v9 =	vor.u32 $0x5, v6  }
0x317: {  	v10 =	vor.u32 $0x3, v6;
	v11 =	vor.u32 $0x4, v6;
	v4 =	vmul.f32 v4, v3  }
0x318: {  	v12 =	vor.u32 $0x8, v6;
	v13 =	vor.u32 $0xC, v6;
	v14 =	vor.u32 $0xF, v6  }
0x319: {  	v15 =	vor.u32 $0x6, v6;
	v16 =	vor.u32 $0x7, v6;
	v17 =	vor.u32 $0xD, v6;
	[tilespmem:v7+s31+$0x0] =	vst.idx.add.f32.msk $0xffff, v4  }
0x31a: {  	v18 =	vor.u32 $0xA, v6;
	v19 =	vor.u32 $0xB, v6;
	v4 =	vor.u32 $0x9, v6;
	[tilespmem:v7+s0+$0x0] =	vst.idx.add.f32.msk $0xffff, v3  }
0x31b: {  	v7 =	vld.idx.msk [tilespmem:v8+s10+$0x0], $0xffff  }
0x31c: {  	v8 =	vld.idx.msk [tilespmem:v6+s10+$0x0], $0xffff  }
0x31d: {  	v14 =	vld.idx.msk [tilespmem:v14+s10+$0x0], $0xffff  }
0x31e: {  	v6 =	vor.u32 $0xE, v6;
	v9 =	vld.idx.msk [tilespmem:v9+s10+$0x0], $0xffff  }
0x31f: {  	v16 =	vld.idx.msk [tilespmem:v16+s10+$0x0], $0xffff  }
0x320: {  	v19 =	vld.idx.msk [tilespmem:v19+s10+$0x0], $0xffff  }
0x321: {  	v5 =	vld.idx.msk [tilespmem:v5+s10+$0x0], $0xffff  }
0x322: {  	v18 =	vld.idx.msk [tilespmem:v18+s10+$0x0], $0xffff  }
0x323: {  	v4 =	vld.idx.msk [tilespmem:v4+s10+$0x0], $0xffff  }
0x324: {  	v6 =	vld.idx.msk [tilespmem:v6+s10+$0x0], $0xffff  }
0x325: {  	v15 =	vld.idx.msk [tilespmem:v15+s10+$0x0], $0xffff  }
0x326: {  	v17 =	vld.idx.msk [tilespmem:v17+s10+$0x0], $0xffff  }
0x327: {  	v5 =	vadd.f32 v5, v8;
	v11 =	vld.idx.msk [tilespmem:v11+s10+$0x0], $0xffff  }
0x328: {  	v8 =	vld.idx.msk [tilespmem:v13+s10+$0x0], $0xffff;
	v13 =	vadd.f32 v19, v18  }
0x329: {  	v10 =	vld.idx.msk [tilespmem:v10+s10+$0x0], $0xffff  }
0x32a: {  	v6 =	vadd.f32 v14, v6;
	v12 =	vld.idx.msk [tilespmem:v12+s10+$0x0], $0xffff  }
0x32b: {  	v14 =	vadd.f32 v16, v15;
	_ =	sdelay $0x1  }
0x32c: {  	v9 =	vadd.f32 v9, v11  }
0x32d: {  	v8 =	vadd.f32 v17, v8  }
0x32e: {  	v7 =	vadd.f32 v10, v7  }
0x32f: {  	v4 =	vadd.f32 v4, v12  }
0x330: {  	v5 =	vadd.f32 v7, v5;
	v7 =	vadd.f32 v14, v9  }
0x331: {  	v6 =	vadd.f32 v6, v8;
	v4 =	vadd.f32 v13, v4;
	v9 =	vld [tilespmem:s6+$0xFFFFFFF0];
	_ =	sdelay $0x1  }
0x332: {  	v5 =	vadd.f32 v7, v5;
	v4 =	vadd.f32 v6, v4;
	v6 =	vmov s15  }
0x333: {  	v6 =	vshll.u32 v6, $0x4  }
0x334: {  	v5 =	vadd.f32 v4, v5;
	v4 =	vor.u32 v1, v6  }
0x335: {  	v7 =	vor.u32 $0x6, v4;
	v6 =	vor.u32 $0xF, v4  }
0x336: {  	v13 =	vor.u32 $0xE, v4;
	v5 =	vmul.f32 v5, v3  }
.Ltmp4:
0x337: {  	v12 =	vor.u32 $0x2, v4;
	(pc) =	sbr.rel @p0 .LBB2_11-.Ltmp4, $4  }
0x338: {  	v8 =	vor.u32 $0xD, v4;
	[tilespmem:v9+s31+$0x0] =	vst.idx.add.f32.msk $0xffff, v5  }
0x339: {  	v10 =	vor.u32 $0xC, v4;
	[tilespmem:v9+s0+$0x0] =	vst.idx.add.f32.msk $0xffff, v3  }
0x33a: {  	v11 =	vor.u32 $0x8, v4;
	v5 =	vld.idx.msk [tilespmem:v6+s10+$0x0], $0xffff  }
0x33b: {  	v9 =	vor.u32 $0xB, v4;
	v6 =	vld.idx.msk [tilespmem:v13+s10+$0x0], $0xffff  }
0x33c: {  	_ =	sdelay $0x3  }
0x33d: {  	v12 =	vld.idx.msk [tilespmem:v12+s10+$0x0], $0xffff  }
0x33e: {  	v8 =	vld.idx.msk [tilespmem:v8+s10+$0x0], $0xffff  }
0x33f: {  	v13 =	vor.u32 $0x7, v4;
	v10 =	vld.idx.msk [tilespmem:v10+s10+$0x0], $0xffff  }
0x340: {  	v14 =	vor.u32 $0x3, v4;
	v11 =	vld.idx.msk [tilespmem:v11+s10+$0x0], $0xffff  }
0x341: {  	v15 =	vor.u32 $0xA, v4;
	v9 =	vld.idx.msk [tilespmem:v9+s10+$0x0], $0xffff  }
0x342: {  	v16 =	vor.u32 $0x1, v4;
	v7 =	vld.idx.msk [tilespmem:v7+s10+$0x0], $0xffff  }
0x343: {  	v17 =	vor.u32 $0x9, v4;
	v19 =	vld.idx.msk [tilespmem:v4+s10+$0x0], $0xffff  }
0x344: {  	v18 =	vor.u32 $0x4, v4;
	v13 =	vld.idx.msk [tilespmem:v13+s10+$0x0], $0xffff  }
0x345: {  	v59 =	vor.u32 $0x5, v4;
	v14 =	vld.idx.msk [tilespmem:v14+s10+$0x0], $0xffff  }
0x346: {  	v15 =	vld.idx.msk [tilespmem:v15+s10+$0x0], $0xffff  }
0x347: {  	v16 =	vld.idx.msk [tilespmem:v16+s10+$0x0], $0xffff  }
0x348: {  	v17 =	vld.idx.msk [tilespmem:v17+s10+$0x0], $0xffff  }
0x349: {  	v18 =	vld.idx.msk [tilespmem:v18+s10+$0x0], $0xffff  }
0x34a: {  	v4 =	vld.idx.msk [tilespmem:v59+s10+$0x0], $0xffff;
	_ =	sdelay $0x1  }
0x34b: {  	v5 =	vadd.f32 v5, v6;
	v8 =	vadd.f32 v8, v10  }
0x34c: {  	v7 =	vadd.f32 v13, v7;
	v12 =	vadd.f32 v14, v12  }
0x34d: {  	v9 =	vadd.f32 v9, v15;
	v60 =	vadd.f32 v17, v11  }
0x34e: {  	v61 =	vadd.f32 v16, v19;
	v4 =	vadd.f32 v4, v18  }
0x34f: {  	v5 =	vadd.f32 v5, v8;
	v6 =	vadd.f32 v9, v60  }
0x350: {  	v63 =	vld [tilespmem:s1+$0x0];
	v62 =	vadd.f32 v12, v61;
	v4 =	vadd.f32 v7, v4;
	_ =	sdelay $0x1  }
0x351: {  	v5 =	vadd.f32 v5, v6;
	v4 =	vadd.f32 v4, v62;
	_ =	sdelay $0x1  }
0x352: {  	v4 =	vadd.f32 v5, v4;
	_ =	sdelay $0x1  }
0x353: {  	s22 =	rddreg [dreg:$0xb];
	v4 =	vmul.f32 v4, v3  }
0x354: {  	s1 =	sadd.s32 s22, s12  }
0x355: {  	s11 =	sadd.s32 $0x1, s11;
	s1 =	smin.u32 s1, $0xF9;
	[tilespmem:v63+s31+$0x0] =	vst.idx.add.f32.msk $0xffff, v4  }
0x356: {  	s6 =	sadd.s32 s21, s13;
	p0 =	sne.s32 s11, $0x4;
	s1 =	smul.u32 $0x50, s1;
	[tilespmem:v63+s0+$0x0] =	vst.idx.add.f32.msk $0xffff, v3  }
0x357: {  	[hbm4b:s6+s3] =	stream.linear.scatter [tilespmem:s10], [sflag:$0x6], $0x2800, $0x38;
	[tilespmem:$0x19A00] =	vst v63  }
.Ltmp5:
0x358: {  	_ = 	snop;
	(pc) =	sbr.rel @p0 .LBB2_4-.Ltmp5, $4  }
0x359: {  	s26 =	sadd.s32 s25, s1  }
0x35a: {  	[tilespmem:s7], [sflag:$0x2] =	stream.linear.gather [hbm4b:s26+s3], $0x280, $0x38;
	[tilespmem:$0x19A00] =	vst v63  }
0x35b: {  	s12 =	simm.s32 $0x780;
	s1 =	sadd.s32 s8, s1  }
0x35c: {  	[tilespmem:s12], [sflag:$0x2] =	stream.linear.gather [hbm4b:s1+s3], $0x280, $0x38;
	[tilespmem:$0x19A00] =	vst v63  }
0x35d: {  	_ =	swait.ge [sflag:s29], $0x2800  }
0x35e: {  	[sflag:s29] =	ssyncset.done $0x0  }
0x35f: {  	[sflag:s29] =	ssyncadd.s32 $0xFFFFD800  }
0x360: {  	_ =	swait.ge [sflag:s29], $0x2800  }
0x361: {  	[sflag:s29] =	ssyncset.done $0x0  }
0x362: {  	[sflag:s29] =	ssyncadd.s32 $0xFFFFD800  }
0x363: {  	_ =	swait.ge [sflag:s29], $0x2800  }
0x364: {  	[sflag:s29] =	ssyncset.done $0x0  }
0x365: {  	[sflag:s29] =	ssyncadd.s32 $0xFFFFD800  }
0x366: {  	_ =	swait.ge [sflag:s28], $0x280  }
0x367: {  	[sflag:s28] =	ssyncset.done $0x0  }
0x368: {  	[sflag:s28] =	ssyncadd.s32 $0xFFFFFD80  }
0x369: {  	_ =	swait.ge [sflag:s28], $0x280  }
0x36a: {  	[sflag:s28] =	ssyncset.done $0x0  }
0x36b: {  	s1 =	simm.s32 $0x5;
	[sflag:s28] =	ssyncadd.s32 $0xFFFFFD80  }
0x36c: {  	_ =	swait.ge [sflag:s1], $0x2800  }
0x36d: {  	[sflag:s1] =	ssyncset.done $0x0  }
0x36e: {  	s19 =	simm.s32 $0x6;
	[sflag:s1] =	ssyncadd.s32 $0xFFFFD800  }
0x36f: {  	_ =	swait.ge [sflag:s19], $0x2800  }
0x370: {  	[sflag:s19] =	ssyncset.done $0x0  }
0x371: {  	s6 =	simm.s32 $0x7;
	s20 =	rddreg [dreg:$0xc];
	[sflag:s19] =	ssyncadd.s32 $0xFFFFD800  }
0x372: {  	[hbm4b:s20+s3] =	stream.linear.scatter [tilespmem:s31], [sflag:$0x7], $0x2800, $0x38;
	[tilespmem:$0x19A00] =	vst v63  }
0x373: {  	_ =	swait.ge [sflag:s6], $0x2800  }
0x374: {  	[sflag:s6] =	ssyncset.done $0x0  }
0x375: {  	s22 =	rddreg [dreg:$0xd];
	[sflag:s6] =	ssyncadd.s32 $0xFFFFD800  }
0x376: {  	[hbm4b:s22+s3] =	stream.linear.scatter [tilespmem:s0], [sflag:$0x7], $0x2800, $0x38;
	[tilespmem:$0x19A00] =	vst v63  }
0x377: {  	_ =	swait.ge [sflag:s6], $0x2800  }
0x378: {  	s9 =	rddreg [dreg:$0xf]  }
0x379: {  	s26 =	rddreg [dreg:$0xe];
	s9 =	sadd.s32 $0x1, s9  }
0x37a: {  	p0 =	sne.s32 s9, s26  }
.Ltmp6:
0x37b: {  	_ = 	snop;
	(pc) =	sbr.rel @p0 .LBB2_1-.Ltmp6, $3  }
0x37c: {  	_ =	sdelay $0x1  }
0x37d: {  	[sflag:s6] =	ssyncset.done $0x0  }
0x37e: {  	[sflag:s6] =	ssyncadd.s32 $0xFFFFD800  }
0x37f: {  	_ =	sfence.sel $0x180000  }
0x380: {  	[bflag:$0x0] =	sbarrier.arrive $0xFFFF  }
0x381: {  	_ =	strace $0x90000047  }
0x382: {  	s0 =	stileid.u32;
	[bflag:$0x2] =	sbarrier.arrive $0xFFFF  }
0x383: {  	p0 =	sne.s32 s0, $0x0;
	s0 =	rddreg [dreg:$0x3]  }
0x384: {  	s0 =	sadd.s32 @!p0 $0x100000, s0  }
0x385: {  	[sflag:s0] =	ssyncadd.tile.s32 @!p0 $0x1;
	_ =	shalt  }
.Lfunc_end2:
_tile_overlayer_lowered:
.L_overlay_start_2:
0x386: {  	(tag) =	ssettag $0x2  }
0x387: {  	s0 =	rddreg [dreg:$0x0];
	s2 =	stileid.u32  }
0x388: {  	s1 =	rddreg [dreg:$0x1];
	p0 =	sne.s32 s2, $0x0  }
0x389: {  	s3 =	rddreg [dreg:$0x2];
	[bflag:$0x3] =	sbarrier.arrive $0xFFFF;
	s2 =	simm.s32 @!p0 $0x1C07  }
0x38a: {  	[timem:s3], [sflag:s2] =	dma.local @!p0 [hbm:s0], s1  }
0x38b: {  	s0 =	simm.s32 @!p0 $0x7  }
0x38c: {  	_ =	swait.ge @!p0 [sflag:s0], s1  }
0x38d: {  	s1 =	ssub.s32 @!p0 $0x0, s1;
	[sflag:s0] =	ssyncset.done @!p0 $0x0  }
0x38e: {  	[sflag:s0] =	ssyncadd.s32 @!p0 s1  }
0x38f: {  	[bflag:$0x3] =	sbarrier.arrive $0xFFFF  }
0x390: {  	_ =	shalt  }

</sc_bundles>
